<compile_context>
chip_gen: v7x
topology: tpu7x:2x2x1
jax: 0.10.2.dev20260603
libtpu: 0.0.44.dev20260713+nightly
codegen_flags: <defaults>
</compile_context>

<pallas_src>
import functools

import jax
import jax.numpy as jnp
from jax import lax
from jax.experimental import pallas as pl
from jax.experimental.pallas import tpu as pltpu, tpu_sc as plsc

N = 10000
NP = 10240
D = 128
E = 320000
G = 64
L = 64

NC = 2
NS = 16
NW = NC * NS
EPT = E // NW
KC = 112
NCHUNK = 90
EPTP = KC * NCHUNK
NBUF = 3
NSUP = NCHUNK // NBUF
RPT = NP // NS

_mesh = plsc.VectorSubcoreMesh(core_axis_name="c", subcore_axis_name="s")


@functools.partial(
    pl.kernel,
    out_type=jax.ShapeDtypeStruct((NC, NP, D), jnp.float32),
    mesh=_mesh,
    scratch_types=[
        pltpu.VMEM((2, NBUF, 2, KC), jnp.int32),
        pltpu.VMEM((NBUF, KC, D), jnp.float32),
        pltpu.VMEM_SHARED((NP, D), jnp.float32),
        [pltpu.SemaphoreType.DMA] * (3 + 2 * NBUF),
    ],
)
def _sc_aggregate(x_hbm, idx_hbm, out_hbm, idxb, rows, agg_sh, sems):
    c = lax.axis_index("c")
    s = lax.axis_index("s")
    wid = s * NC + c
    r0 = s * RPT

    def idx_issue(j, bank):
        pltpu.async_copy(idx_hbm.at[wid].at[pl.ds(j * NBUF, NBUF)],
                         idxb.at[bank], sems[bank])

    def idx_wait(bank):
        pltpu.make_async_copy(idx_hbm.at[0].at[pl.ds(0, NBUF)],
                              idxb.at[bank], sems[bank]).wait()

    def gather_issue(b, bank):
        pltpu.async_copy(x_hbm.at[idxb.at[bank, b, 0]], rows.at[b],
                         sems[2 + b])

    def gather_wait(b):
        pltpu.make_async_copy(x_hbm.at[pl.ds(0, KC)], rows.at[b],
                              sems[2 + b]).wait()

    def scatter_issue(b, bank):
        pltpu.async_copy(rows.at[b], agg_sh.at[idxb.at[bank, b, 1]],
                         sems[2 + NBUF + b], add=True)

    def scatter_wait(b):
        pltpu.make_async_copy(rows.at[b], agg_sh.at[pl.ds(0, KC)],
                              sems[2 + NBUF + b]).wait()

    pltpu.async_copy(x_hbm.at[pl.ds(r0, RPT)], agg_sh.at[pl.ds(r0, RPT)],
                     sems[2 + 2 * NBUF])
    idx_issue(0, 0)
    idx_wait(0)
    for b in range(NBUF):
        gather_issue(b, 0)
    idx_issue(1, 1)

    pltpu.make_async_copy(x_hbm.at[pl.ds(r0, RPT)],
                          agg_sh.at[pl.ds(r0, RPT)],
                          sems[2 + 2 * NBUF]).wait()
    plsc.subcore_barrier()

    def half(j, bank, issue_next_idx, issue_next_gather):
        for b in range(NBUF):
            gather_wait(b)
            scatter_issue(b, bank)
        for b in range(NBUF):
            scatter_wait(b)
        if issue_next_idx:
            idx_issue(j + 2, bank)
        if issue_next_gather:
            idx_wait(1 - bank)
            for b in range(NBUF):
                gather_issue(b, 1 - bank)

    def body(jp, carry):
        half(2 * jp, 0, True, True)
        half(2 * jp + 1, 1, True, True)
        return carry

    lax.fori_loop(0, NSUP // 2 - 1, body, 0)
    half(NSUP - 2, 0, False, True)
    half(NSUP - 1, 1, False, False)

    plsc.subcore_barrier()
    pltpu.sync_copy(agg_sh.at[pl.ds(r0, RPT)], out_hbm.at[c].at[pl.ds(r0, RPT)])


R = 640
NBLK = NP // R
_BN_S = 1.0 / (1.0 + 1e-5) ** 0.5


def _mlp_body(p_ref, x_ref, w1_ref, b1_ref, g_ref, be_ref, w2_ref, b2_ref, out_ref):
    h = p_ref[0] + p_ref[1] - x_ref[...]
    u = jnp.dot(h, w1_ref[...], preferred_element_type=jnp.float32) + b1_ref[...]
    u = jnp.where(u >= 0, u, 0.2 * u)
    u = u * (g_ref[...] * _BN_S) + be_ref[...]
    v = jnp.dot(u, w2_ref[...], preferred_element_type=jnp.float32) + b2_ref[...]
    out_ref[...] = jnp.where(v >= 0, v, 0.2 * v)


_row_spec = pl.BlockSpec((R, D), lambda i: (i, 0))
_pair_spec = pl.BlockSpec((NC, R, D), lambda i: (0, i, 0))
_w_spec = pl.BlockSpec((D, D), lambda i: (0, 0))
_v_spec = pl.BlockSpec((1, D), lambda i: (0, 0))


def _mlp(p, x, w1, b1, g, be, w2, b2):
    return pl.pallas_call(
        _mlp_body,
        grid=(NBLK,),
        in_specs=[_pair_spec, _row_spec, _w_spec, _v_spec, _v_spec, _v_spec,
                  _w_spec, _v_spec],
        out_specs=_row_spec,
        out_shape=jax.ShapeDtypeStruct((NP, D), jnp.float32),
    )(p, x, w1, b1.reshape(1, D), g.reshape(1, D),
      be.reshape(1, D), w2, b2.reshape(1, D))


def _mlp_pool_body(p_ref, x_ref, batch_ref, w1_ref, b1_ref, g_ref, be_ref,
                   w2_ref, b2_ref, bng_ref, bnb_ref, fcw_ref, fcb_ref,
                   out_ref, acc_ref):
    i = pl.program_id(0)
    h = p_ref[0] + p_ref[1] - x_ref[...]
    u = jnp.dot(h, w1_ref[...], preferred_element_type=jnp.float32) + b1_ref[...]
    u = jnp.where(u >= 0, u, 0.2 * u)
    u = u * (g_ref[...] * _BN_S) + be_ref[...]
    v = jnp.dot(u, w2_ref[...], preferred_element_type=jnp.float32) + b2_ref[...]
    v = jnp.where(v >= 0, v, 0.2 * v)

    b = batch_ref[0, 0, :]
    oh = (b[:, None] == lax.broadcasted_iota(jnp.int32, (R, G), 1)).astype(jnp.float32)
    part = lax.dot_general(oh, v, (((0,), (0,)), ((), ())),
                           preferred_element_type=jnp.float32)

    @pl.when(i == 0)
    def _():
        acc_ref[...] = jnp.zeros_like(acc_ref)

    acc_ref[...] += part

    @pl.when(i == NBLK - 1)
    def _():
        pooled = acc_ref[...] * (bng_ref[...] * _BN_S) + bnb_ref[...]
        out_ref[...] = (jnp.dot(pooled, fcw_ref[...],
                                preferred_element_type=jnp.float32)
                        + fcb_ref[...])


def _mlp_pool(p, x, batch3, w1, b1, g, be, w2, b2, bng, bnb, fcw, fcb):
    return pl.pallas_call(
        _mlp_pool_body,
        grid=(NBLK,),
        in_specs=[_pair_spec, _row_spec,
                  pl.BlockSpec((1, 1, R), lambda i: (i, 0, 0)),
                  _w_spec, _v_spec, _v_spec, _v_spec, _w_spec, _v_spec,
                  pl.BlockSpec((1, D), lambda i: (0, 0)),
                  pl.BlockSpec((1, D), lambda i: (0, 0)),
                  pl.BlockSpec((D, L), lambda i: (0, 0)),
                  pl.BlockSpec((1, L), lambda i: (0, 0))],
        out_specs=pl.BlockSpec((G, L), lambda i: (0, 0)),
        out_shape=jax.ShapeDtypeStruct((G, L), jnp.float32),
        scratch_shapes=[pltpu.VMEM((G, D), jnp.float32)],
    )(p, x, batch3, w1, b1.reshape(1, D), g.reshape(1, D),
      be.reshape(1, D), w2, b2.reshape(1, D),
      bng.reshape(1, D), bnb.reshape(1, D), fcw, fcb.reshape(1, L))


def kernel(x, edge_index, batch, c0_w1, c0_b1, c0_g, c0_be, c0_w2, c0_b2,
           c1_w1, c1_b1, c1_g, c1_be, c1_w2, c1_b2,
           c2_w1, c2_b1, c2_g, c2_be, c2_w2, c2_b2,
           bn_g, bn_b, fc_w, fc_b):
    pad_e = EPTP - EPT
    src = jnp.pad(edge_index[0].reshape(NW, EPT), ((0, 0), (0, pad_e))
                  ).reshape(NW, NCHUNK, 1, KC)
    dst = jnp.pad(edge_index[1].reshape(NW, EPT), ((0, 0), (0, pad_e)),
                  constant_values=NP - 1).reshape(NW, NCHUNK, 1, KC)
    idx = jnp.concatenate([src, dst], axis=2)
    xp = jnp.pad(x, ((0, NP - N), (0, 0)))
    batch3 = jnp.pad(batch, (0, NP - N), constant_values=G).reshape(NBLK, 1, R)

    p = _sc_aggregate(xp, idx)
    h = _mlp(p, xp, c0_w1, c0_b1, c0_g, c0_be, c0_w2, c0_b2)
    p = _sc_aggregate(h, idx)
    h = _mlp(p, h, c1_w1, c1_b1, c1_g, c1_be, c1_w2, c1_b2)
    p = _sc_aggregate(h, idx)
    out = _mlp_pool(p, h, batch3, c2_w1, c2_b1, c2_g, c2_be, c2_w2, c2_b2,
                    bn_g, bn_b, fc_w, fc_b)
    return out

# --- scband reference (transcript-rebuilt; emitter-appended) ---
"""Pipeline reference for scband-gin-80247168958681 (READ-ONLY COPY).

The authoritative reference and input builder live on the scoring server;
editing this copy changes nothing except your own understanding.
"""

import jax, jax.numpy as jnp
import numpy as np

N = 10000
E = 320000
D = 128
H = 128
L = 64
G = 64


def setup_inputs(seed: int = 0):
    key = jax.random.key(seed)
    ks = jax.random.split(key, 32)
    inp = {}
    inp['x'] = jax.random.normal(ks[0], (N, D), dtype=jnp.float32)
    inp['edge_index'] = jax.random.randint(ks[1], (2, E), 0, N, dtype=jnp.int32)
    inp['batch'] = jnp.sort(jax.random.randint(ks[2], (N,), 0, G, dtype=jnp.int32))
    k = 3
    for i, din in enumerate([D, H, H]):
        inp[f'c{i}_w1'] = jax.random.normal(ks[k], (din, H), dtype=jnp.float32) * 0.05; k += 1
        inp[f'c{i}_b1'] = jnp.zeros((H,), dtype=jnp.float32)
        inp[f'c{i}_g'] = jnp.ones((H,), dtype=jnp.float32)
        inp[f'c{i}_be'] = jnp.zeros((H,), dtype=jnp.float32)
        inp[f'c{i}_w2'] = jax.random.normal(ks[k], (H, H), dtype=jnp.float32) * 0.05; k += 1
        inp[f'c{i}_b2'] = jnp.zeros((H,), dtype=jnp.float32)
    inp['bn_g'] = jnp.ones((H,), dtype=jnp.float32)
    inp['bn_b'] = jnp.zeros((H,), dtype=jnp.float32)
    inp['fc_w'] = jax.random.normal(ks[k], (H, L), dtype=jnp.float32) * 0.05
    inp['fc_b'] = jnp.zeros((L,), dtype=jnp.float32)
    return inp


def _lrelu(h):
    return jnp.where(h >= 0, h, 0.2 * h)


def _bn_eval(h, g, b):
    # eval-mode BatchNorm1d with running_mean=0, running_var=1
    return h * (g / jnp.sqrt(1.0 + 1e-5)) + b


def _gin_conv(x, src, dst, w1, b1, g, be, w2, b2):
    # GINConv with eps=0: mlp(x + sum_{j in N(i)} x_j)
    agg = jax.ops.segment_sum(x[src], dst, num_segments=x.shape[0])
    h = x + agg
    h = _lrelu(h @ w1 + b1)
    h = _bn_eval(h, g, be)
    h = _lrelu(h @ w2 + b2)
    return h


def reference(x, edge_index, batch, c0_w1, c0_b1, c0_g, c0_be, c0_w2, c0_b2, c1_w1, c1_b1, c1_g, c1_be, c1_w2, c1_b2, c2_w1, c2_b1, c2_g, c2_be, c2_w2, c2_b2, bn_g, bn_b, fc_w, fc_b):
    src, dst = edge_index[0], edge_index[1]
    h = _gin_conv(x, src, dst, c0_w1, c0_b1, c0_g, c0_be, c0_w2, c0_b2)
    # dropout is identity in eval mode
    h = _gin_conv(h, src, dst, c1_w1, c1_b1, c1_g, c1_be, c1_w2, c1_b2)
    h = _gin_conv(h, src, dst, c2_w1, c2_b1, c2_g, c2_be, c2_w2, c2_b2)
    pooled = jax.ops.segment_sum(h, batch, num_segments=G)  # global_add_pool
    pooled = _bn_eval(pooled, bn_g, bn_b)
    out = pooled @ fc_w + fc_b
    return out

if __name__ == "__main__":
    import jax
    _d = setup_inputs()
    print(jax.jit(kernel)(*tuple(_d.values())))

</pallas_src>

<mosaic_0001>
#map = affine_map<(d0, d1) -> (0, 0)>
#map1 = affine_map<(d0, d1) -> (0, 0, 0, 0)>
#map2 = affine_map<(d0, d1) -> (0, 0, 0)>
module attributes {stable_mosaic.version = 14 : i64} {
  func.func @_sc_aggregate(%arg0: i32, %arg1: i32, %arg2: memref<10240x128xf32, #tpu.memory_space<hbm>>, %arg3: memref<32x90x2x112xi32, #tpu.memory_space<hbm>>, %arg4: memref<2x10240x128xf32, #tpu.memory_space<hbm>>, %arg5: memref<2x3x2x112xi32, #tpu.memory_space<vmem>>, %arg6: memref<3x112x128xf32, #tpu.memory_space<vmem>>, %arg7: memref<10240x128xf32, #tpu.memory_space<vmem_shared>>, %arg8: memref<!tpu.dma_semaphore, #tpu.memory_space<semaphore_mem>>, %arg9: memref<!tpu.dma_semaphore, #tpu.memory_space<semaphore_mem>>, %arg10: memref<!tpu.dma_semaphore, #tpu.memory_space<semaphore_mem>>, %arg11: memref<!tpu.dma_semaphore, #tpu.memory_space<semaphore_mem>>, %arg12: memref<!tpu.dma_semaphore, #tpu.memory_space<semaphore_mem>>, %arg13: memref<!tpu.dma_semaphore, #tpu.memory_space<semaphore_mem>>, %arg14: memref<!tpu.dma_semaphore, #tpu.memory_space<semaphore_mem>>, %arg15: memref<!tpu.dma_semaphore, #tpu.memory_space<semaphore_mem>>, %arg16: memref<!tpu.dma_semaphore, #tpu.memory_space<semaphore_mem>>) attributes {dimension_semantics = [#tpu.dimension_semantics<core_parallel>, #tpu.dimension_semantics<subcore_parallel>], iteration_bounds = array<i64: 2, 16>, scalar_prefetch = 0 : i64, scratch_operands = 12 : i64, tpu.core_type = #tpu.core_type<sc_vector_subcore>, window_params = [{transform_indices = #map}, {transform_indices = #map1}, {transform_indices = #map2}]} {
    %mul3A = arith.constant 2 : i32
    %mul3A_0 = arith.muli %arg1, %mul3A : i32
    %add3A = arith.addi %mul3A_0, %arg0 : i32
    %mul3A_1 = arith.constant 640 : i32
    %mul3A_2 = arith.muli %arg1, %mul3A_1 : i32
    %dma_start3A = arith.constant 0 : i32
    %dma_start3A_3 = tpu.memref_slice %arg7[%mul3A_2, %dma_start3A] : memref<10240x128xf32, #tpu.memory_space<vmem_shared>> -> memref<640x128xf32, #tpu.memory_space<vmem_shared>>
    %dma_start3A_4 = arith.constant 0 : i32
    %dma_start3A_5 = tpu.memref_slice %arg2[%mul3A_2, %dma_start3A_4] : memref<10240x128xf32, #tpu.memory_space<hbm>> -> memref<640x128xf32, #tpu.memory_space<hbm>>
    tpu.enqueue_dma source(%dma_start3A_5 : memref<640x128xf32, #tpu.memory_space<hbm>>) target(%dma_start3A_3 : memref<640x128xf32, #tpu.memory_space<vmem_shared>>) target_semaphore(%arg16 : memref<!tpu.dma_semaphore, #tpu.memory_space<semaphore_mem>>)
    %dma_start3A_6 = arith.constant 0 : i32
    %dma_start3A_7 = arith.constant 0 : i32
    %dma_start3A_8 = arith.constant 0 : i32
    %dma_start3A_9 = arith.constant 0 : i32
    %dma_start3A_10 = tpu.memref_slice %arg5[%dma_start3A_6, %dma_start3A_7, %dma_start3A_8, %dma_start3A_9] : memref<2x3x2x112xi32, #tpu.memory_space<vmem>> -> memref<1x3x2x112xi32, #tpu.memory_space<vmem>>
    %dma_start3A_11 = tpu.memref_squeeze %dma_start3A_10 : memref<1x3x2x112xi32, #tpu.memory_space<vmem>> -> memref<3x2x112xi32, #tpu.memory_space<vmem>>
    %dma_start3A_12 = arith.constant 0 : i32
    %dma_start3A_13 = arith.constant 0 : i32
    %dma_start3A_14 = arith.constant 0 : i32
    %dma_start3A_15 = tpu.memref_slice %arg3[%add3A, %dma_start3A_12, %dma_start3A_13, %dma_start3A_14] : memref<32x90x2x112xi32, #tpu.memory_space<hbm>> -> memref<1x90x2x112xi32, #tpu.memory_space<hbm>>
    %dma_start3A_16 = tpu.memref_squeeze %dma_start3A_15 : memref<1x90x2x112xi32, #tpu.memory_space<hbm>> -> memref<90x2x112xi32, #tpu.memory_space<hbm>>
    %dma_start3A_17 = arith.constant 0 : i32
    %dma_start3A_18 = arith.constant 0 : i32
    %dma_start3A_19 = arith.constant 0 : i32
    %dma_start3A_20 = tpu.memref_slice %dma_start3A_16[%dma_start3A_17, %dma_start3A_18, %dma_start3A_19] : memref<90x2x112xi32, #tpu.memory_space<hbm>> -> memref<3x2x112xi32, #tpu.memory_space<hbm>>
    %dma_start3A_21 = arith.constant 0 : i32
    %dma_start3A_22 = arith.constant 0 : i32
    %dma_start3A_23 = arith.constant 0 : i32
    %dma_start3A_24 = tpu.memref_slice %arg5[%dma_start3A_6, %dma_start3A_21, %dma_start3A_22, %dma_start3A_23] : memref<2x3x2x112xi32, #tpu.memory_space<vmem>> -> memref<1x3x2x112xi32, #tpu.memory_space<vmem>>
    %dma_start3A_25 = tpu.memref_squeeze %dma_start3A_24 : memref<1x3x2x112xi32, #tpu.memory_space<vmem>> -> memref<3x2x112xi32, #tpu.memory_space<vmem>>
    %dma_start3A_26 = arith.constant 0 : i32
    %dma_start3A_27 = arith.constant 0 : i32
    %dma_start3A_28 = arith.constant 0 : i32
    %dma_start3A_29 = tpu.memref_slice %arg3[%add3A, %dma_start3A_26, %dma_start3A_27, %dma_start3A_28] : memref<32x90x2x112xi32, #tpu.memory_space<hbm>> -> memref<1x90x2x112xi32, #tpu.memory_space<hbm>>
    %dma_start3A_30 = tpu.memref_squeeze %dma_start3A_29 : memref<1x90x2x112xi32, #tpu.memory_space<hbm>> -> memref<90x2x112xi32, #tpu.memory_space<hbm>>
    %dma_start3A_31 = arith.constant 0 : i32
    %dma_start3A_32 = arith.constant 0 : i32
    %dma_start3A_33 = arith.constant 0 : i32
    %dma_start3A_34 = tpu.memref_slice %dma_start3A_30[%dma_start3A_31, %dma_start3A_32, %dma_start3A_33] : memref<90x2x112xi32, #tpu.memory_space<hbm>> -> memref<3x2x112xi32, #tpu.memory_space<hbm>>
    tpu.enqueue_dma source(%dma_start3A_34 : memref<3x2x112xi32, #tpu.memory_space<hbm>>) target(%dma_start3A_25 : memref<3x2x112xi32, #tpu.memory_space<vmem>>) target_semaphore(%arg8 : memref<!tpu.dma_semaphore, #tpu.memory_space<semaphore_mem>>)
    %dma_wait3A = arith.constant 0 : i32
    %dma_wait3A_35 = arith.constant 0 : i32
    %dma_wait3A_36 = arith.constant 0 : i32
    %dma_wait3A_37 = arith.constant 0 : i32
    %dma_wait3A_38 = arith.constant 0 : i32
    %dma_wait3A_39 = tpu.memref_slice %arg5[%dma_wait3A_35, %dma_wait3A_36, %dma_wait3A_37, %dma_wait3A_38] : memref<2x3x2x112xi32, #tpu.memory_space<vmem>> -> memref<1x3x2x112xi32, #tpu.memory_space<vmem>>
    %dma_wait3A_40 = tpu.memref_squeeze %dma_wait3A_39 : memref<1x3x2x112xi32, #tpu.memory_space<vmem>> -> memref<3x2x112xi32, #tpu.memory_space<vmem>>
    %dma_wait3A_41 = arith.constant 0 : i32
    %dma_wait3A_42 = arith.constant 0 : i32
    %dma_wait3A_43 = arith.constant 0 : i32
    %dma_wait3A_44 = tpu.memref_slice %arg3[%dma_wait3A, %dma_wait3A_41, %dma_wait3A_42, %dma_wait3A_43] : memref<32x90x2x112xi32, #tpu.memory_space<hbm>> -> memref<1x90x2x112xi32, #tpu.memory_space<hbm>>
    %dma_wait3A_45 = tpu.memref_squeeze %dma_wait3A_44 : memref<1x90x2x112xi32, #tpu.memory_space<hbm>> -> memref<90x2x112xi32, #tpu.memory_space<hbm>>
    %dma_wait3A_46 = arith.constant 0 : i32
    %dma_wait3A_47 = arith.constant 0 : i32
    %dma_wait3A_48 = arith.constant 0 : i32
    %dma_wait3A_49 = tpu.memref_slice %dma_wait3A_45[%dma_wait3A_46, %dma_wait3A_47, %dma_wait3A_48] : memref<90x2x112xi32, #tpu.memory_space<hbm>> -> memref<3x2x112xi32, #tpu.memory_space<hbm>>
    %dma_wait3A_50 = arith.constant 0 : i32
    %dma_wait3A_51 = arith.constant 0 : i32
    %dma_wait3A_52 = arith.constant 0 : i32
    %dma_wait3A_53 = tpu.memref_slice %arg5[%dma_wait3A_35, %dma_wait3A_50, %dma_wait3A_51, %dma_wait3A_52] : memref<2x3x2x112xi32, #tpu.memory_space<vmem>> -> memref<1x3x2x112xi32, #tpu.memory_space<vmem>>
    %dma_wait3A_54 = tpu.memref_squeeze %dma_wait3A_53 : memref<1x3x2x112xi32, #tpu.memory_space<vmem>> -> memref<3x2x112xi32, #tpu.memory_space<vmem>>
    %dma_wait3A_55 = arith.constant 0 : i32
    %dma_wait3A_56 = arith.constant 0 : i32
    %dma_wait3A_57 = arith.constant 0 : i32
    %dma_wait3A_58 = tpu.memref_slice %arg3[%dma_wait3A, %dma_wait3A_55, %dma_wait3A_56, %dma_wait3A_57] : memref<32x90x2x112xi32, #tpu.memory_space<hbm>> -> memref<1x90x2x112xi32, #tpu.memory_space<hbm>>
    %dma_wait3A_59 = tpu.memref_squeeze %dma_wait3A_58 : memref<1x90x2x112xi32, #tpu.memory_space<hbm>> -> memref<90x2x112xi32, #tpu.memory_space<hbm>>
    %dma_wait3A_60 = arith.constant 0 : i32
    %dma_wait3A_61 = arith.constant 0 : i32
    %dma_wait3A_62 = arith.constant 0 : i32
    %dma_wait3A_63 = tpu.memref_slice %dma_wait3A_59[%dma_wait3A_60, %dma_wait3A_61, %dma_wait3A_62] : memref<90x2x112xi32, #tpu.memory_space<hbm>> -> memref<3x2x112xi32, #tpu.memory_space<hbm>>
    tpu.wait_dma2 semaphore(%arg8 : memref<!tpu.dma_semaphore, #tpu.memory_space<semaphore_mem>>) src(%dma_wait3A_63 : memref<3x2x112xi32, #tpu.memory_space<hbm>>) dst(%dma_wait3A_54 : memref<3x2x112xi32, #tpu.memory_space<vmem>>)
    %dma_start3A_64 = arith.constant 0 : i32
    %dma_start3A_65 = arith.constant 0 : i32
    %dma_start3A_66 = arith.constant 0 : i32
    %dma_start3A_67 = arith.constant 0 : i32
    %dma_start3A_68 = arith.constant 0 : i32
    %dma_start3A_69 = arith.constant 0 : i32
    %dma_start3A_70 = tpu.memref_slice %arg6[%dma_start3A_67, %dma_start3A_68, %dma_start3A_69] : memref<3x112x128xf32, #tpu.memory_space<vmem>> -> memref<1x112x128xf32, #tpu.memory_space<vmem>>
    %dma_start3A_71 = tpu.memref_squeeze %dma_start3A_70 : memref<1x112x128xf32, #tpu.memory_space<vmem>> -> memref<112x128xf32, #tpu.memory_space<vmem>>
    %dma_start3A_72 = arith.constant 0 : i32
    %dma_start3A_73 = tpu.memref_slice %arg5[%dma_start3A_64, %dma_start3A_65, %dma_start3A_66, %dma_start3A_72] : memref<2x3x2x112xi32, #tpu.memory_space<vmem>> -> memref<1x1x1x112xi32, #tpu.memory_space<vmem>>
    %dma_start3A_74 = tpu.memref_squeeze %dma_start3A_73 : memref<1x1x1x112xi32, #tpu.memory_space<vmem>> -> memref<112xi32, #tpu.memory_space<vmem>>
    %dma_start3A_75 = arith.constant 0 : i32
    %dma_start3A_76 = arith.constant 0 : i32
    %dma_start3A_77 = tpu.memref_slice %arg2[%dma_start3A_75, %dma_start3A_76] : memref<10240x128xf32, #tpu.memory_space<hbm>> -> memref<10240x128xf32, #tpu.memory_space<hbm>>
    tpu.enqueue_indirect_dma source(%dma_start3A_77 : memref<10240x128xf32, #tpu.memory_space<hbm>>) target(%dma_start3A_71 : memref<112x128xf32, #tpu.memory_space<vmem>>) offsets(%dma_start3A_74 : memref<112xi32, #tpu.memory_space<vmem>>) semaphore(%arg10 : memref<!tpu.dma_semaphore, #tpu.memory_space<semaphore_mem>>)
    %dma_start3A_78 = arith.constant 0 : i32
    %dma_start3A_79 = arith.constant 1 : i32
    %dma_start3A_80 = arith.constant 0 : i32
    %dma_start3A_81 = arith.constant 1 : i32
    %dma_start3A_82 = arith.constant 0 : i32
    %dma_start3A_83 = arith.constant 0 : i32
    %dma_start3A_84 = tpu.memref_slice %arg6[%dma_start3A_81, %dma_start3A_82, %dma_start3A_83] : memref<3x112x128xf32, #tpu.memory_space<vmem>> -> memref<1x112x128xf32, #tpu.memory_space<vmem>>
    %dma_start3A_85 = tpu.memref_squeeze %dma_start3A_84 : memref<1x112x128xf32, #tpu.memory_space<vmem>> -> memref<112x128xf32, #tpu.memory_space<vmem>>
    %dma_start3A_86 = arith.constant 0 : i32
    %dma_start3A_87 = tpu.memref_slice %arg5[%dma_start3A_78, %dma_start3A_79, %dma_start3A_80, %dma_start3A_86] : memref<2x3x2x112xi32, #tpu.memory_space<vmem>> -> memref<1x1x1x112xi32, #tpu.memory_space<vmem>>
    %dma_start3A_88 = tpu.memref_squeeze %dma_start3A_87 : memref<1x1x1x112xi32, #tpu.memory_space<vmem>> -> memref<112xi32, #tpu.memory_space<vmem>>
    %dma_start3A_89 = arith.constant 0 : i32
    %dma_start3A_90 = arith.constant 0 : i32
    %dma_start3A_91 = tpu.memref_slice %arg2[%dma_start3A_89, %dma_start3A_90] : memref<10240x128xf32, #tpu.memory_space<hbm>> -> memref<10240x128xf32, #tpu.memory_space<hbm>>
    tpu.enqueue_indirect_dma source(%dma_start3A_91 : memref<10240x128xf32, #tpu.memory_space<hbm>>) target(%dma_start3A_85 : memref<112x128xf32, #tpu.memory_space<vmem>>) offsets(%dma_start3A_88 : memref<112xi32, #tpu.memory_space<vmem>>) semaphore(%arg11 : memref<!tpu.dma_semaphore, #tpu.memory_space<semaphore_mem>>)
    %dma_start3A_92 = arith.constant 0 : i32
    %dma_start3A_93 = arith.constant 2 : i32
    %dma_start3A_94 = arith.constant 0 : i32
    %dma_start3A_95 = arith.constant 2 : i32
    %dma_start3A_96 = arith.constant 0 : i32
    %dma_start3A_97 = arith.constant 0 : i32
    %dma_start3A_98 = tpu.memref_slice %arg6[%dma_start3A_95, %dma_start3A_96, %dma_start3A_97] : memref<3x112x128xf32, #tpu.memory_space<vmem>> -> memref<1x112x128xf32, #tpu.memory_space<vmem>>
    %dma_start3A_99 = tpu.memref_squeeze %dma_start3A_98 : memref<1x112x128xf32, #tpu.memory_space<vmem>> -> memref<112x128xf32, #tpu.memory_space<vmem>>
    %dma_start3A_100 = arith.constant 0 : i32
    %dma_start3A_101 = tpu.memref_slice %arg5[%dma_start3A_92, %dma_start3A_93, %dma_start3A_94, %dma_start3A_100] : memref<2x3x2x112xi32, #tpu.memory_space<vmem>> -> memref<1x1x1x112xi32, #tpu.memory_space<vmem>>
    %dma_start3A_102 = tpu.memref_squeeze %dma_start3A_101 : memref<1x1x1x112xi32, #tpu.memory_space<vmem>> -> memref<112xi32, #tpu.memory_space<vmem>>
    %dma_start3A_103 = arith.constant 0 : i32
    %dma_start3A_104 = arith.constant 0 : i32
    %dma_start3A_105 = tpu.memref_slice %arg2[%dma_start3A_103, %dma_start3A_104] : memref<10240x128xf32, #tpu.memory_space<hbm>> -> memref<10240x128xf32, #tpu.memory_space<hbm>>
    tpu.enqueue_indirect_dma source(%dma_start3A_105 : memref<10240x128xf32, #tpu.memory_space<hbm>>) target(%dma_start3A_99 : memref<112x128xf32, #tpu.memory_space<vmem>>) offsets(%dma_start3A_102 : memref<112xi32, #tpu.memory_space<vmem>>) semaphore(%arg12 : memref<!tpu.dma_semaphore, #tpu.memory_space<semaphore_mem>>)
    %dma_start3A_106 = arith.constant 1 : i32
    %dma_start3A_107 = arith.constant 0 : i32
    %dma_start3A_108 = arith.constant 0 : i32
    %dma_start3A_109 = arith.constant 0 : i32
    %dma_start3A_110 = tpu.memref_slice %arg5[%dma_start3A_106, %dma_start3A_107, %dma_start3A_108, %dma_start3A_109] : memref<2x3x2x112xi32, #tpu.memory_space<vmem>> -> memref<1x3x2x112xi32, #tpu.memory_space<vmem>>
    %dma_start3A_111 = tpu.memref_squeeze %dma_start3A_110 : memref<1x3x2x112xi32, #tpu.memory_space<vmem>> -> memref<3x2x112xi32, #tpu.memory_space<vmem>>
    %dma_start3A_112 = arith.constant 0 : i32
    %dma_start3A_113 = arith.constant 0 : i32
    %dma_start3A_114 = arith.constant 0 : i32
    %dma_start3A_115 = tpu.memref_slice %arg3[%add3A, %dma_start3A_112, %dma_start3A_113, %dma_start3A_114] : memref<32x90x2x112xi32, #tpu.memory_space<hbm>> -> memref<1x90x2x112xi32, #tpu.memory_space<hbm>>
    %dma_start3A_116 = tpu.memref_squeeze %dma_start3A_115 : memref<1x90x2x112xi32, #tpu.memory_space<hbm>> -> memref<90x2x112xi32, #tpu.memory_space<hbm>>
    %dma_start3A_117 = arith.constant 3 : i32
    %dma_start3A_118 = arith.constant 0 : i32
    %dma_start3A_119 = arith.constant 0 : i32
    %dma_start3A_120 = tpu.memref_slice %dma_start3A_116[%dma_start3A_117, %dma_start3A_118, %dma_start3A_119] : memref<90x2x112xi32, #tpu.memory_space<hbm>> -> memref<3x2x112xi32, #tpu.memory_space<hbm>>
    %dma_start3A_121 = arith.constant 0 : i32
    %dma_start3A_122 = arith.constant 0 : i32
    %dma_start3A_123 = arith.constant 0 : i32
    %dma_start3A_124 = tpu.memref_slice %arg5[%dma_start3A_106, %dma_start3A_121, %dma_start3A_122, %dma_start3A_123] : memref<2x3x2x112xi32, #tpu.memory_space<vmem>> -> memref<1x3x2x112xi32, #tpu.memory_space<vmem>>
    %dma_start3A_125 = tpu.memref_squeeze %dma_start3A_124 : memref<1x3x2x112xi32, #tpu.memory_space<vmem>> -> memref<3x2x112xi32, #tpu.memory_space<vmem>>
    %dma_start3A_126 = arith.constant 0 : i32
    %dma_start3A_127 = arith.constant 0 : i32
    %dma_start3A_128 = arith.constant 0 : i32
    %dma_start3A_129 = tpu.memref_slice %arg3[%add3A, %dma_start3A_126, %dma_start3A_127, %dma_start3A_128] : memref<32x90x2x112xi32, #tpu.memory_space<hbm>> -> memref<1x90x2x112xi32, #tpu.memory_space<hbm>>
    %dma_start3A_130 = tpu.memref_squeeze %dma_start3A_129 : memref<1x90x2x112xi32, #tpu.memory_space<hbm>> -> memref<90x2x112xi32, #tpu.memory_space<hbm>>
    %dma_start3A_131 = arith.constant 3 : i32
    %dma_start3A_132 = arith.constant 0 : i32
    %dma_start3A_133 = arith.constant 0 : i32
    %dma_start3A_134 = tpu.memref_slice %dma_start3A_130[%dma_start3A_131, %dma_start3A_132, %dma_start3A_133] : memref<90x2x112xi32, #tpu.memory_space<hbm>> -> memref<3x2x112xi32, #tpu.memory_space<hbm>>
    tpu.enqueue_dma source(%dma_start3A_134 : memref<3x2x112xi32, #tpu.memory_space<hbm>>) target(%dma_start3A_125 : memref<3x2x112xi32, #tpu.memory_space<vmem>>) target_semaphore(%arg9 : memref<!tpu.dma_semaphore, #tpu.memory_space<semaphore_mem>>)
    %dma_wait3A_135 = arith.constant 0 : i32
    %dma_wait3A_136 = tpu.memref_slice %arg7[%mul3A_2, %dma_wait3A_135] : memref<10240x128xf32, #tpu.memory_space<vmem_shared>> -> memref<640x128xf32, #tpu.memory_space<vmem_shared>>
    %dma_wait3A_137 = arith.constant 0 : i32
    %dma_wait3A_138 = tpu.memref_slice %arg2[%mul3A_2, %dma_wait3A_137] : memref<10240x128xf32, #tpu.memory_space<hbm>> -> memref<640x128xf32, #tpu.memory_space<hbm>>
    tpu.wait_dma2 semaphore(%arg16 : memref<!tpu.dma_semaphore, #tpu.memory_space<semaphore_mem>>) src(%dma_wait3A_138 : memref<640x128xf32, #tpu.memory_space<hbm>>) dst(%dma_wait3A_136 : memref<640x128xf32, #tpu.memory_space<vmem_shared>>)
    %barrier3A = arith.constant 0 : index
    tpu.barrier barrier_id(%barrier3A)
    %scan3A = arith.constant 0 : i32
    %scan3A_139 = arith.constant 0 : i32
    %scan3A_140 = arith.constant 14 : i32
    %scan3A_141 = arith.addi %scan3A_139, %scan3A_140 : i32
    %scan3A_142 = arith.constant 1 : i32
    scf.for %scan3A_481 = %scan3A_139 to %scan3A_141 step %scan3A_142  : i32 {
      %mul3A_482 = arith.constant 2 : i32
      %mul3A_483 = arith.muli %mul3A_482, %scan3A_481 : i32
      %dma_wait3A_484 = arith.constant 0 : i32
      %dma_wait3A_485 = arith.constant 0 : i32
      %dma_wait3A_486 = arith.constant 0 : i32
      %dma_wait3A_487 = tpu.memref_slice %arg6[%dma_wait3A_484, %dma_wait3A_485, %dma_wait3A_486] : memref<3x112x128xf32, #tpu.memory_space<vmem>> -> memref<1x112x128xf32, #tpu.memory_space<vmem>>
      %dma_wait3A_488 = tpu.memref_squeeze %dma_wait3A_487 : memref<1x112x128xf32, #tpu.memory_space<vmem>> -> memref<112x128xf32, #tpu.memory_space<vmem>>
      %dma_wait3A_489 = arith.constant 0 : i32
      %dma_wait3A_490 = arith.constant 0 : i32
      %dma_wait3A_491 = tpu.memref_slice %arg2[%dma_wait3A_489, %dma_wait3A_490] : memref<10240x128xf32, #tpu.memory_space<hbm>> -> memref<112x128xf32, #tpu.memory_space<hbm>>
      %dma_wait3A_492 = arith.constant 0 : i32
      %dma_wait3A_493 = arith.constant 0 : i32
      %dma_wait3A_494 = tpu.memref_slice %arg6[%dma_wait3A_484, %dma_wait3A_492, %dma_wait3A_493] : memref<3x112x128xf32, #tpu.memory_space<vmem>> -> memref<1x112x128xf32, #tpu.memory_space<vmem>>
      %dma_wait3A_495 = tpu.memref_squeeze %dma_wait3A_494 : memref<1x112x128xf32, #tpu.memory_space<vmem>> -> memref<112x128xf32, #tpu.memory_space<vmem>>
      %dma_wait3A_496 = arith.constant 0 : i32
      %dma_wait3A_497 = arith.constant 0 : i32
      %dma_wait3A_498 = tpu.memref_slice %arg2[%dma_wait3A_496, %dma_wait3A_497] : memref<10240x128xf32, #tpu.memory_space<hbm>> -> memref<112x128xf32, #tpu.memory_space<hbm>>
      tpu.wait_dma2 semaphore(%arg10 : memref<!tpu.dma_semaphore, #tpu.memory_space<semaphore_mem>>) src(%dma_wait3A_498 : memref<112x128xf32, #tpu.memory_space<hbm>>) dst(%dma_wait3A_495 : memref<112x128xf32, #tpu.memory_space<vmem>>)
      %dma_start3A_499 = arith.constant 0 : i32
      %dma_start3A_500 = arith.constant 0 : i32
      %dma_start3A_501 = arith.constant 0 : i32
      %dma_start3A_502 = arith.constant 1 : i32
      %dma_start3A_503 = arith.constant 0 : i32
      %dma_start3A_504 = arith.constant 0 : i32
      %dma_start3A_505 = tpu.memref_slice %arg6[%dma_start3A_499, %dma_start3A_503, %dma_start3A_504] : memref<3x112x128xf32, #tpu.memory_space<vmem>> -> memref<1x112x128xf32, #tpu.memory_space<vmem>>
      %dma_start3A_506 = tpu.memref_squeeze %dma_start3A_505 : memref<1x112x128xf32, #tpu.memory_space<vmem>> -> memref<112x128xf32, #tpu.memory_space<vmem>>
      %dma_start3A_507 = arith.constant 0 : i32
      %dma_start3A_508 = tpu.memref_slice %arg5[%dma_start3A_500, %dma_start3A_501, %dma_start3A_502, %dma_start3A_507] : memref<2x3x2x112xi32, #tpu.memory_space<vmem>> -> memref<1x1x1x112xi32, #tpu.memory_space<vmem>>
      %dma_start3A_509 = tpu.memref_squeeze %dma_start3A_508 : memref<1x1x1x112xi32, #tpu.memory_space<vmem>> -> memref<112xi32, #tpu.memory_space<vmem>>
      %dma_start3A_510 = arith.constant 0 : i32
      %dma_start3A_511 = arith.constant 0 : i32
      %dma_start3A_512 = tpu.memref_slice %arg7[%dma_start3A_510, %dma_start3A_511] : memref<10240x128xf32, #tpu.memory_space<vmem_shared>> -> memref<10240x128xf32, #tpu.memory_space<vmem_shared>>
      tpu.enqueue_indirect_dma source(%dma_start3A_506 : memref<112x128xf32, #tpu.memory_space<vmem>>) target(%dma_start3A_512 : memref<10240x128xf32, #tpu.memory_space<vmem_shared>>) offsets(%dma_start3A_509 : memref<112xi32, #tpu.memory_space<vmem>>) semaphore(%arg13 : memref<!tpu.dma_semaphore, #tpu.memory_space<semaphore_mem>>) {add = true}
      %dma_wait3A_513 = arith.constant 1 : i32
      %dma_wait3A_514 = arith.constant 0 : i32
      %dma_wait3A_515 = arith.constant 0 : i32
      %dma_wait3A_516 = tpu.memref_slice %arg6[%dma_wait3A_513, %dma_wait3A_514, %dma_wait3A_515] : memref<3x112x128xf32, #tpu.memory_space<vmem>> -> memref<1x112x128xf32, #tpu.memory_space<vmem>>
      %dma_wait3A_517 = tpu.memref_squeeze %dma_wait3A_516 : memref<1x112x128xf32, #tpu.memory_space<vmem>> -> memref<112x128xf32, #tpu.memory_space<vmem>>
      %dma_wait3A_518 = arith.constant 0 : i32
      %dma_wait3A_519 = arith.constant 0 : i32
      %dma_wait3A_520 = tpu.memref_slice %arg2[%dma_wait3A_518, %dma_wait3A_519] : memref<10240x128xf32, #tpu.memory_space<hbm>> -> memref<112x128xf32, #tpu.memory_space<hbm>>
      %dma_wait3A_521 = arith.constant 0 : i32
      %dma_wait3A_522 = arith.constant 0 : i32
      %dma_wait3A_523 = tpu.memref_slice %arg6[%dma_wait3A_513, %dma_wait3A_521, %dma_wait3A_522] : memref<3x112x128xf32, #tpu.memory_space<vmem>> -> memref<1x112x128xf32, #tpu.memory_space<vmem>>
      %dma_wait3A_524 = tpu.memref_squeeze %dma_wait3A_523 : memref<1x112x128xf32, #tpu.memory_space<vmem>> -> memref<112x128xf32, #tpu.memory_space<vmem>>
      %dma_wait3A_525 = arith.constant 0 : i32
      %dma_wait3A_526 = arith.constant 0 : i32
      %dma_wait3A_527 = tpu.memref_slice %arg2[%dma_wait3A_525, %dma_wait3A_526] : memref<10240x128xf32, #tpu.memory_space<hbm>> -> memref<112x128xf32, #tpu.memory_space<hbm>>
      tpu.wait_dma2 semaphore(%arg11 : memref<!tpu.dma_semaphore, #tpu.memory_space<semaphore_mem>>) src(%dma_wait3A_527 : memref<112x128xf32, #tpu.memory_space<hbm>>) dst(%dma_wait3A_524 : memref<112x128xf32, #tpu.memory_space<vmem>>)
      %dma_start3A_528 = arith.constant 1 : i32
      %dma_start3A_529 = arith.constant 0 : i32
      %dma_start3A_530 = arith.constant 1 : i32
      %dma_start3A_531 = arith.constant 1 : i32
      %dma_start3A_532 = arith.constant 0 : i32
      %dma_start3A_533 = arith.constant 0 : i32
      %dma_start3A_534 = tpu.memref_slice %arg6[%dma_start3A_528, %dma_start3A_532, %dma_start3A_533] : memref<3x112x128xf32, #tpu.memory_space<vmem>> -> memref<1x112x128xf32, #tpu.memory_space<vmem>>
      %dma_start3A_535 = tpu.memref_squeeze %dma_start3A_534 : memref<1x112x128xf32, #tpu.memory_space<vmem>> -> memref<112x128xf32, #tpu.memory_space<vmem>>
      %dma_start3A_536 = arith.constant 0 : i32
      %dma_start3A_537 = tpu.memref_slice %arg5[%dma_start3A_529, %dma_start3A_530, %dma_start3A_531, %dma_start3A_536] : memref<2x3x2x112xi32, #tpu.memory_space<vmem>> -> memref<1x1x1x112xi32, #tpu.memory_space<vmem>>
      %dma_start3A_538 = tpu.memref_squeeze %dma_start3A_537 : memref<1x1x1x112xi32, #tpu.memory_space<vmem>> -> memref<112xi32, #tpu.memory_space<vmem>>
      %dma_start3A_539 = arith.constant 0 : i32
      %dma_start3A_540 = arith.constant 0 : i32
      %dma_start3A_541 = tpu.memref_slice %arg7[%dma_start3A_539, %dma_start3A_540] : memref<10240x128xf32, #tpu.memory_space<vmem_shared>> -> memref<10240x128xf32, #tpu.memory_space<vmem_shared>>
      tpu.enqueue_indirect_dma source(%dma_start3A_535 : memref<112x128xf32, #tpu.memory_space<vmem>>) target(%dma_start3A_541 : memref<10240x128xf32, #tpu.memory_space<vmem_shared>>) offsets(%dma_start3A_538 : memref<112xi32, #tpu.memory_space<vmem>>) semaphore(%arg14 : memref<!tpu.dma_semaphore, #tpu.memory_space<semaphore_mem>>) {add = true}
      %dma_wait3A_542 = arith.constant 2 : i32
      %dma_wait3A_543 = arith.constant 0 : i32
      %dma_wait3A_544 = arith.constant 0 : i32
      %dma_wait3A_545 = tpu.memref_slice %arg6[%dma_wait3A_542, %dma_wait3A_543, %dma_wait3A_544] : memref<3x112x128xf32, #tpu.memory_space<vmem>> -> memref<1x112x128xf32, #tpu.memory_space<vmem>>
      %dma_wait3A_546 = tpu.memref_squeeze %dma_wait3A_545 : memref<1x112x128xf32, #tpu.memory_space<vmem>> -> memref<112x128xf32, #tpu.memory_space<vmem>>
      %dma_wait3A_547 = arith.constant 0 : i32
      %dma_wait3A_548 = arith.constant 0 : i32
      %dma_wait3A_549 = tpu.memref_slice %arg2[%dma_wait3A_547, %dma_wait3A_548] : memref<10240x128xf32, #tpu.memory_space<hbm>> -> memref<112x128xf32, #tpu.memory_space<hbm>>
      %dma_wait3A_550 = arith.constant 0 : i32
      %dma_wait3A_551 = arith.constant 0 : i32
      %dma_wait3A_552 = tpu.memref_slice %arg6[%dma_wait3A_542, %dma_wait3A_550, %dma_wait3A_551] : memref<3x112x128xf32, #tpu.memory_space<vmem>> -> memref<1x112x128xf32, #tpu.memory_space<vmem>>
      %dma_wait3A_553 = tpu.memref_squeeze %dma_wait3A_552 : memref<1x112x128xf32, #tpu.memory_space<vmem>> -> memref<112x128xf32, #tpu.memory_space<vmem>>
      %dma_wait3A_554 = arith.constant 0 : i32
      %dma_wait3A_555 = arith.constant 0 : i32
      %dma_wait3A_556 = tpu.memref_slice %arg2[%dma_wait3A_554, %dma_wait3A_555] : memref<10240x128xf32, #tpu.memory_space<hbm>> -> memref<112x128xf32, #tpu.memory_space<hbm>>
      tpu.wait_dma2 semaphore(%arg12 : memref<!tpu.dma_semaphore, #tpu.memory_space<semaphore_mem>>) src(%dma_wait3A_556 : memref<112x128xf32, #tpu.memory_space<hbm>>) dst(%dma_wait3A_553 : memref<112x128xf32, #tpu.memory_space<vmem>>)
      %dma_start3A_557 = arith.constant 2 : i32
      %dma_start3A_558 = arith.constant 0 : i32
      %dma_start3A_559 = arith.constant 2 : i32
      %dma_start3A_560 = arith.constant 1 : i32
      %dma_start3A_561 = arith.constant 0 : i32
      %dma_start3A_562 = arith.constant 0 : i32
      %dma_start3A_563 = tpu.memref_slice %arg6[%dma_start3A_557, %dma_start3A_561, %dma_start3A_562] : memref<3x112x128xf32, #tpu.memory_space<vmem>> -> memref<1x112x128xf32, #tpu.memory_space<vmem>>
      %dma_start3A_564 = tpu.memref_squeeze %dma_start3A_563 : memref<1x112x128xf32, #tpu.memory_space<vmem>> -> memref<112x128xf32, #tpu.memory_space<vmem>>
      %dma_start3A_565 = arith.constant 0 : i32
      %dma_start3A_566 = tpu.memref_slice %arg5[%dma_start3A_558, %dma_start3A_559, %dma_start3A_560, %dma_start3A_565] : memref<2x3x2x112xi32, #tpu.memory_space<vmem>> -> memref<1x1x1x112xi32, #tpu.memory_space<vmem>>
      %dma_start3A_567 = tpu.memref_squeeze %dma_start3A_566 : memref<1x1x1x112xi32, #tpu.memory_space<vmem>> -> memref<112xi32, #tpu.memory_space<vmem>>
      %dma_start3A_568 = arith.constant 0 : i32
      %dma_start3A_569 = arith.constant 0 : i32
      %dma_start3A_570 = tpu.memref_slice %arg7[%dma_start3A_568, %dma_start3A_569] : memref<10240x128xf32, #tpu.memory_space<vmem_shared>> -> memref<10240x128xf32, #tpu.memory_space<vmem_shared>>
      tpu.enqueue_indirect_dma source(%dma_start3A_564 : memref<112x128xf32, #tpu.memory_space<vmem>>) target(%dma_start3A_570 : memref<10240x128xf32, #tpu.memory_space<vmem_shared>>) offsets(%dma_start3A_567 : memref<112xi32, #tpu.memory_space<vmem>>) semaphore(%arg15 : memref<!tpu.dma_semaphore, #tpu.memory_space<semaphore_mem>>) {add = true}
      %dma_wait3A_571 = arith.constant 0 : i32
      %dma_wait3A_572 = arith.constant 0 : i32
      %dma_wait3A_573 = arith.constant 0 : i32
      %dma_wait3A_574 = tpu.memref_slice %arg6[%dma_wait3A_571, %dma_wait3A_572, %dma_wait3A_573] : memref<3x112x128xf32, #tpu.memory_space<vmem>> -> memref<1x112x128xf32, #tpu.memory_space<vmem>>
      %dma_wait3A_575 = tpu.memref_squeeze %dma_wait3A_574 : memref<1x112x128xf32, #tpu.memory_space<vmem>> -> memref<112x128xf32, #tpu.memory_space<vmem>>
      %dma_wait3A_576 = arith.constant 0 : i32
      %dma_wait3A_577 = arith.constant 0 : i32
      %dma_wait3A_578 = tpu.memref_slice %arg7[%dma_wait3A_576, %dma_wait3A_577] : memref<10240x128xf32, #tpu.memory_space<vmem_shared>> -> memref<112x128xf32, #tpu.memory_space<vmem_shared>>
      %dma_wait3A_579 = arith.constant 0 : i32
      %dma_wait3A_580 = arith.constant 0 : i32
      %dma_wait3A_581 = tpu.memref_slice %arg7[%dma_wait3A_579, %dma_wait3A_580] : memref<10240x128xf32, #tpu.memory_space<vmem_shared>> -> memref<112x128xf32, #tpu.memory_space<vmem_shared>>
      %dma_wait3A_582 = arith.constant 0 : i32
      %dma_wait3A_583 = arith.constant 0 : i32
      %dma_wait3A_584 = tpu.memref_slice %arg6[%dma_wait3A_571, %dma_wait3A_582, %dma_wait3A_583] : memref<3x112x128xf32, #tpu.memory_space<vmem>> -> memref<1x112x128xf32, #tpu.memory_space<vmem>>
      %dma_wait3A_585 = tpu.memref_squeeze %dma_wait3A_584 : memref<1x112x128xf32, #tpu.memory_space<vmem>> -> memref<112x128xf32, #tpu.memory_space<vmem>>
      tpu.wait_dma2 semaphore(%arg13 : memref<!tpu.dma_semaphore, #tpu.memory_space<semaphore_mem>>) src(%dma_wait3A_585 : memref<112x128xf32, #tpu.memory_space<vmem>>) dst(%dma_wait3A_581 : memref<112x128xf32, #tpu.memory_space<vmem_shared>>)
      %dma_wait3A_586 = arith.constant 1 : i32
      %dma_wait3A_587 = arith.constant 0 : i32
      %dma_wait3A_588 = arith.constant 0 : i32
      %dma_wait3A_589 = tpu.memref_slice %arg6[%dma_wait3A_586, %dma_wait3A_587, %dma_wait3A_588] : memref<3x112x128xf32, #tpu.memory_space<vmem>> -> memref<1x112x128xf32, #tpu.memory_space<vmem>>
      %dma_wait3A_590 = tpu.memref_squeeze %dma_wait3A_589 : memref<1x112x128xf32, #tpu.memory_space<vmem>> -> memref<112x128xf32, #tpu.memory_space<vmem>>
      %dma_wait3A_591 = arith.constant 0 : i32
      %dma_wait3A_592 = arith.constant 0 : i32
      %dma_wait3A_593 = tpu.memref_slice %arg7[%dma_wait3A_591, %dma_wait3A_592] : memref<10240x128xf32, #tpu.memory_space<vmem_shared>> -> memref<112x128xf32, #tpu.memory_space<vmem_shared>>
      %dma_wait3A_594 = arith.constant 0 : i32
      %dma_wait3A_595 = arith.constant 0 : i32
      %dma_wait3A_596 = tpu.memref_slice %arg7[%dma_wait3A_594, %dma_wait3A_595] : memref<10240x128xf32, #tpu.memory_space<vmem_shared>> -> memref<112x128xf32, #tpu.memory_space<vmem_shared>>
      %dma_wait3A_597 = arith.constant 0 : i32
      %dma_wait3A_598 = arith.constant 0 : i32
      %dma_wait3A_599 = tpu.memref_slice %arg6[%dma_wait3A_586, %dma_wait3A_597, %dma_wait3A_598] : memref<3x112x128xf32, #tpu.memory_space<vmem>> -> memref<1x112x128xf32, #tpu.memory_space<vmem>>
      %dma_wait3A_600 = tpu.memref_squeeze %dma_wait3A_599 : memref<1x112x128xf32, #tpu.memory_space<vmem>> -> memref<112x128xf32, #tpu.memory_space<vmem>>
      tpu.wait_dma2 semaphore(%arg14 : memref<!tpu.dma_semaphore, #tpu.memory_space<semaphore_mem>>) src(%dma_wait3A_600 : memref<112x128xf32, #tpu.memory_space<vmem>>) dst(%dma_wait3A_596 : memref<112x128xf32, #tpu.memory_space<vmem_shared>>)
      %dma_wait3A_601 = arith.constant 2 : i32
      %dma_wait3A_602 = arith.constant 0 : i32
      %dma_wait3A_603 = arith.constant 0 : i32
      %dma_wait3A_604 = tpu.memref_slice %arg6[%dma_wait3A_601, %dma_wait3A_602, %dma_wait3A_603] : memref<3x112x128xf32, #tpu.memory_space<vmem>> -> memref<1x112x128xf32, #tpu.memory_space<vmem>>
      %dma_wait3A_605 = tpu.memref_squeeze %dma_wait3A_604 : memref<1x112x128xf32, #tpu.memory_space<vmem>> -> memref<112x128xf32, #tpu.memory_space<vmem>>
      %dma_wait3A_606 = arith.constant 0 : i32
      %dma_wait3A_607 = arith.constant 0 : i32
      %dma_wait3A_608 = tpu.memref_slice %arg7[%dma_wait3A_606, %dma_wait3A_607] : memref<10240x128xf32, #tpu.memory_space<vmem_shared>> -> memref<112x128xf32, #tpu.memory_space<vmem_shared>>
      %dma_wait3A_609 = arith.constant 0 : i32
      %dma_wait3A_610 = arith.constant 0 : i32
      %dma_wait3A_611 = tpu.memref_slice %arg7[%dma_wait3A_609, %dma_wait3A_610] : memref<10240x128xf32, #tpu.memory_space<vmem_shared>> -> memref<112x128xf32, #tpu.memory_space<vmem_shared>>
      %dma_wait3A_612 = arith.constant 0 : i32
      %dma_wait3A_613 = arith.constant 0 : i32
      %dma_wait3A_614 = tpu.memref_slice %arg6[%dma_wait3A_601, %dma_wait3A_612, %dma_wait3A_613] : memref<3x112x128xf32, #tpu.memory_space<vmem>> -> memref<1x112x128xf32, #tpu.memory_space<vmem>>
      %dma_wait3A_615 = tpu.memref_squeeze %dma_wait3A_614 : memref<1x112x128xf32, #tpu.memory_space<vmem>> -> memref<112x128xf32, #tpu.memory_space<vmem>>
      tpu.wait_dma2 semaphore(%arg15 : memref<!tpu.dma_semaphore, #tpu.memory_space<semaphore_mem>>) src(%dma_wait3A_615 : memref<112x128xf32, #tpu.memory_space<vmem>>) dst(%dma_wait3A_611 : memref<112x128xf32, #tpu.memory_space<vmem_shared>>)
      %add3A_616 = arith.constant 2 : i32
      %add3A_617 = arith.addi %mul3A_483, %add3A_616 : i32
      %mul3A_618 = arith.constant 3 : i32
      %mul3A_619 = arith.muli %add3A_617, %mul3A_618 : i32
      %dma_start3A_620 = arith.constant 0 : i32
      %dma_start3A_621 = arith.constant 0 : i32
      %dma_start3A_622 = arith.constant 0 : i32
      %dma_start3A_623 = arith.constant 0 : i32
      %dma_start3A_624 = tpu.memref_slice %arg5[%dma_start3A_620, %dma_start3A_621, %dma_start3A_622, %dma_start3A_623] : memref<2x3x2x112xi32, #tpu.memory_space<vmem>> -> memref<1x3x2x112xi32, #tpu.memory_space<vmem>>
      %dma_start3A_625 = tpu.memref_squeeze %dma_start3A_624 : memref<1x3x2x112xi32, #tpu.memory_space<vmem>> -> memref<3x2x112xi32, #tpu.memory_space<vmem>>
      %dma_start3A_626 = arith.constant 0 : i32
      %dma_start3A_627 = arith.constant 0 : i32
      %dma_start3A_628 = arith.constant 0 : i32
      %dma_start3A_629 = tpu.memref_slice %arg3[%add3A, %dma_start3A_626, %dma_start3A_627, %dma_start3A_628] : memref<32x90x2x112xi32, #tpu.memory_space<hbm>> -> memref<1x90x2x112xi32, #tpu.memory_space<hbm>>
      %dma_start3A_630 = tpu.memref_squeeze %dma_start3A_629 : memref<1x90x2x112xi32, #tpu.memory_space<hbm>> -> memref<90x2x112xi32, #tpu.memory_space<hbm>>
      %dma_start3A_631 = arith.constant 0 : i32
      %dma_start3A_632 = arith.constant 0 : i32
      %dma_start3A_633 = tpu.memref_slice %dma_start3A_630[%mul3A_619, %dma_start3A_631, %dma_start3A_632] : memref<90x2x112xi32, #tpu.memory_space<hbm>> -> memref<3x2x112xi32, #tpu.memory_space<hbm>>
      %dma_start3A_634 = arith.constant 0 : i32
      %dma_start3A_635 = arith.constant 0 : i32
      %dma_start3A_636 = arith.constant 0 : i32
      %dma_start3A_637 = tpu.memref_slice %arg5[%dma_start3A_620, %dma_start3A_634, %dma_start3A_635, %dma_start3A_636] : memref<2x3x2x112xi32, #tpu.memory_space<vmem>> -> memref<1x3x2x112xi32, #tpu.memory_space<vmem>>
      %dma_start3A_638 = tpu.memref_squeeze %dma_start3A_637 : memref<1x3x2x112xi32, #tpu.memory_space<vmem>> -> memref<3x2x112xi32, #tpu.memory_space<vmem>>
      %dma_start3A_639 = arith.constant 0 : i32
      %dma_start3A_640 = arith.constant 0 : i32
      %dma_start3A_641 = arith.constant 0 : i32
      %dma_start3A_642 = tpu.memref_slice %arg3[%add3A, %dma_start3A_639, %dma_start3A_640, %dma_start3A_641] : memref<32x90x2x112xi32, #tpu.memory_space<hbm>> -> memref<1x90x2x112xi32, #tpu.memory_space<hbm>>
      %dma_start3A_643 = tpu.memref_squeeze %dma_start3A_642 : memref<1x90x2x112xi32, #tpu.memory_space<hbm>> -> memref<90x2x112xi32, #tpu.memory_space<hbm>>
      %dma_start3A_644 = arith.constant 0 : i32
      %dma_start3A_645 = arith.constant 0 : i32
      %dma_start3A_646 = tpu.memref_slice %dma_start3A_643[%mul3A_619, %dma_start3A_644, %dma_start3A_645] : memref<90x2x112xi32, #tpu.memory_space<hbm>> -> memref<3x2x112xi32, #tpu.memory_space<hbm>>
      tpu.enqueue_dma source(%dma_start3A_646 : memref<3x2x112xi32, #tpu.memory_space<hbm>>) target(%dma_start3A_638 : memref<3x2x112xi32, #tpu.memory_space<vmem>>) target_semaphore(%arg8 : memref<!tpu.dma_semaphore, #tpu.memory_space<semaphore_mem>>)
      %dma_wait3A_647 = arith.constant 0 : i32
      %dma_wait3A_648 = arith.constant 1 : i32
      %dma_wait3A_649 = arith.constant 0 : i32
      %dma_wait3A_650 = arith.constant 0 : i32
      %dma_wait3A_651 = arith.constant 0 : i32
      %dma_wait3A_652 = tpu.memref_slice %arg5[%dma_wait3A_648, %dma_wait3A_649, %dma_wait3A_650, %dma_wait3A_651] : memref<2x3x2x112xi32, #tpu.memory_space<vmem>> -> memref<1x3x2x112xi32, #tpu.memory_space<vmem>>
      %dma_wait3A_653 = tpu.memref_squeeze %dma_wait3A_652 : memref<1x3x2x112xi32, #tpu.memory_space<vmem>> -> memref<3x2x112xi32, #tpu.memory_space<vmem>>
      %dma_wait3A_654 = arith.constant 0 : i32
      %dma_wait3A_655 = arith.constant 0 : i32
      %dma_wait3A_656 = arith.constant 0 : i32
      %dma_wait3A_657 = tpu.memref_slice %arg3[%dma_wait3A_647, %dma_wait3A_654, %dma_wait3A_655, %dma_wait3A_656] : memref<32x90x2x112xi32, #tpu.memory_space<hbm>> -> memref<1x90x2x112xi32, #tpu.memory_space<hbm>>
      %dma_wait3A_658 = tpu.memref_squeeze %dma_wait3A_657 : memref<1x90x2x112xi32, #tpu.memory_space<hbm>> -> memref<90x2x112xi32, #tpu.memory_space<hbm>>
      %dma_wait3A_659 = arith.constant 0 : i32
      %dma_wait3A_660 = arith.constant 0 : i32
      %dma_wait3A_661 = arith.constant 0 : i32
      %dma_wait3A_662 = tpu.memref_slice %dma_wait3A_658[%dma_wait3A_659, %dma_wait3A_660, %dma_wait3A_661] : memref<90x2x112xi32, #tpu.memory_space<hbm>> -> memref<3x2x112xi32, #tpu.memory_space<hbm>>
      %dma_wait3A_663 = arith.constant 0 : i32
      %dma_wait3A_664 = arith.constant 0 : i32
      %dma_wait3A_665 = arith.constant 0 : i32
      %dma_wait3A_666 = tpu.memref_slice %arg5[%dma_wait3A_648, %dma_wait3A_663, %dma_wait3A_664, %dma_wait3A_665] : memref<2x3x2x112xi32, #tpu.memory_space<vmem>> -> memref<1x3x2x112xi32, #tpu.memory_space<vmem>>
      %dma_wait3A_667 = tpu.memref_squeeze %dma_wait3A_666 : memref<1x3x2x112xi32, #tpu.memory_space<vmem>> -> memref<3x2x112xi32, #tpu.memory_space<vmem>>
      %dma_wait3A_668 = arith.constant 0 : i32
      %dma_wait3A_669 = arith.constant 0 : i32
      %dma_wait3A_670 = arith.constant 0 : i32
      %dma_wait3A_671 = tpu.memref_slice %arg3[%dma_wait3A_647, %dma_wait3A_668, %dma_wait3A_669, %dma_wait3A_670] : memref<32x90x2x112xi32, #tpu.memory_space<hbm>> -> memref<1x90x2x112xi32, #tpu.memory_space<hbm>>
      %dma_wait3A_672 = tpu.memref_squeeze %dma_wait3A_671 : memref<1x90x2x112xi32, #tpu.memory_space<hbm>> -> memref<90x2x112xi32, #tpu.memory_space<hbm>>
      %dma_wait3A_673 = arith.constant 0 : i32
      %dma_wait3A_674 = arith.constant 0 : i32
      %dma_wait3A_675 = arith.constant 0 : i32
      %dma_wait3A_676 = tpu.memref_slice %dma_wait3A_672[%dma_wait3A_673, %dma_wait3A_674, %dma_wait3A_675] : memref<90x2x112xi32, #tpu.memory_space<hbm>> -> memref<3x2x112xi32, #tpu.memory_space<hbm>>
      tpu.wait_dma2 semaphore(%arg9 : memref<!tpu.dma_semaphore, #tpu.memory_space<semaphore_mem>>) src(%dma_wait3A_676 : memref<3x2x112xi32, #tpu.memory_space<hbm>>) dst(%dma_wait3A_667 : memref<3x2x112xi32, #tpu.memory_space<vmem>>)
      %dma_start3A_677 = arith.constant 1 : i32
      %dma_start3A_678 = arith.constant 0 : i32
      %dma_start3A_679 = arith.constant 0 : i32
      %dma_start3A_680 = arith.constant 0 : i32
      %dma_start3A_681 = arith.constant 0 : i32
      %dma_start3A_682 = arith.constant 0 : i32
      %dma_start3A_683 = tpu.memref_slice %arg6[%dma_start3A_680, %dma_start3A_681, %dma_start3A_682] : memref<3x112x128xf32, #tpu.memory_space<vmem>> -> memref<1x112x128xf32, #tpu.memory_space<vmem>>
      %dma_start3A_684 = tpu.memref_squeeze %dma_start3A_683 : memref<1x112x128xf32, #tpu.memory_space<vmem>> -> memref<112x128xf32, #tpu.memory_space<vmem>>
      %dma_start3A_685 = arith.constant 0 : i32
      %dma_start3A_686 = tpu.memref_slice %arg5[%dma_start3A_677, %dma_start3A_678, %dma_start3A_679, %dma_start3A_685] : memref<2x3x2x112xi32, #tpu.memory_space<vmem>> -> memref<1x1x1x112xi32, #tpu.memory_space<vmem>>
      %dma_start3A_687 = tpu.memref_squeeze %dma_start3A_686 : memref<1x1x1x112xi32, #tpu.memory_space<vmem>> -> memref<112xi32, #tpu.memory_space<vmem>>
      %dma_start3A_688 = arith.constant 0 : i32
      %dma_start3A_689 = arith.constant 0 : i32
      %dma_start3A_690 = tpu.memref_slice %arg2[%dma_start3A_688, %dma_start3A_689] : memref<10240x128xf32, #tpu.memory_space<hbm>> -> memref<10240x128xf32, #tpu.memory_space<hbm>>
      tpu.enqueue_indirect_dma source(%dma_start3A_690 : memref<10240x128xf32, #tpu.memory_space<hbm>>) target(%dma_start3A_684 : memref<112x128xf32, #tpu.memory_space<vmem>>) offsets(%dma_start3A_687 : memref<112xi32, #tpu.memory_space<vmem>>) semaphore(%arg10 : memref<!tpu.dma_semaphore, #tpu.memory_space<semaphore_mem>>)
      %dma_start3A_691 = arith.constant 1 : i32
      %dma_start3A_692 = arith.constant 1 : i32
      %dma_start3A_693 = arith.constant 0 : i32
      %dma_start3A_694 = arith.constant 1 : i32
      %dma_start3A_695 = arith.constant 0 : i32
      %dma_start3A_696 = arith.constant 0 : i32
      %dma_start3A_697 = tpu.memref_slice %arg6[%dma_start3A_694, %dma_start3A_695, %dma_start3A_696] : memref<3x112x128xf32, #tpu.memory_space<vmem>> -> memref<1x112x128xf32, #tpu.memory_space<vmem>>
      %dma_start3A_698 = tpu.memref_squeeze %dma_start3A_697 : memref<1x112x128xf32, #tpu.memory_space<vmem>> -> memref<112x128xf32, #tpu.memory_space<vmem>>
      %dma_start3A_699 = arith.constant 0 : i32
      %dma_start3A_700 = tpu.memref_slice %arg5[%dma_start3A_691, %dma_start3A_692, %dma_start3A_693, %dma_start3A_699] : memref<2x3x2x112xi32, #tpu.memory_space<vmem>> -> memref<1x1x1x112xi32, #tpu.memory_space<vmem>>
      %dma_start3A_701 = tpu.memref_squeeze %dma_start3A_700 : memref<1x1x1x112xi32, #tpu.memory_space<vmem>> -> memref<112xi32, #tpu.memory_space<vmem>>
      %dma_start3A_702 = arith.constant 0 : i32
      %dma_start3A_703 = arith.constant 0 : i32
      %dma_start3A_704 = tpu.memref_slice %arg2[%dma_start3A_702, %dma_start3A_703] : memref<10240x128xf32, #tpu.memory_space<hbm>> -> memref<10240x128xf32, #tpu.memory_space<hbm>>
      tpu.enqueue_indirect_dma source(%dma_start3A_704 : memref<10240x128xf32, #tpu.memory_space<hbm>>) target(%dma_start3A_698 : memref<112x128xf32, #tpu.memory_space<vmem>>) offsets(%dma_start3A_701 : memref<112xi32, #tpu.memory_space<vmem>>) semaphore(%arg11 : memref<!tpu.dma_semaphore, #tpu.memory_space<semaphore_mem>>)
      %dma_start3A_705 = arith.constant 1 : i32
      %dma_start3A_706 = arith.constant 2 : i32
      %dma_start3A_707 = arith.constant 0 : i32
      %dma_start3A_708 = arith.constant 2 : i32
      %dma_start3A_709 = arith.constant 0 : i32
      %dma_start3A_710 = arith.constant 0 : i32
      %dma_start3A_711 = tpu.memref_slice %arg6[%dma_start3A_708, %dma_start3A_709, %dma_start3A_710] : memref<3x112x128xf32, #tpu.memory_space<vmem>> -> memref<1x112x128xf32, #tpu.memory_space<vmem>>
      %dma_start3A_712 = tpu.memref_squeeze %dma_start3A_711 : memref<1x112x128xf32, #tpu.memory_space<vmem>> -> memref<112x128xf32, #tpu.memory_space<vmem>>
      %dma_start3A_713 = arith.constant 0 : i32
      %dma_start3A_714 = tpu.memref_slice %arg5[%dma_start3A_705, %dma_start3A_706, %dma_start3A_707, %dma_start3A_713] : memref<2x3x2x112xi32, #tpu.memory_space<vmem>> -> memref<1x1x1x112xi32, #tpu.memory_space<vmem>>
      %dma_start3A_715 = tpu.memref_squeeze %dma_start3A_714 : memref<1x1x1x112xi32, #tpu.memory_space<vmem>> -> memref<112xi32, #tpu.memory_space<vmem>>
      %dma_start3A_716 = arith.constant 0 : i32
      %dma_start3A_717 = arith.constant 0 : i32
      %dma_start3A_718 = tpu.memref_slice %arg2[%dma_start3A_716, %dma_start3A_717] : memref<10240x128xf32, #tpu.memory_space<hbm>> -> memref<10240x128xf32, #tpu.memory_space<hbm>>
      tpu.enqueue_indirect_dma source(%dma_start3A_718 : memref<10240x128xf32, #tpu.memory_space<hbm>>) target(%dma_start3A_712 : memref<112x128xf32, #tpu.memory_space<vmem>>) offsets(%dma_start3A_715 : memref<112xi32, #tpu.memory_space<vmem>>) semaphore(%arg12 : memref<!tpu.dma_semaphore, #tpu.memory_space<semaphore_mem>>)
      %mul3A_719 = arith.constant 2 : i32
      %mul3A_720 = arith.muli %mul3A_719, %scan3A_481 : i32
      %add3A_721 = arith.constant 1 : i32
      %add3A_722 = arith.addi %mul3A_720, %add3A_721 : i32
      %dma_wait3A_723 = arith.constant 0 : i32
      %dma_wait3A_724 = arith.constant 0 : i32
      %dma_wait3A_725 = arith.constant 0 : i32
      %dma_wait3A_726 = tpu.memref_slice %arg6[%dma_wait3A_723, %dma_wait3A_724, %dma_wait3A_725] : memref<3x112x128xf32, #tpu.memory_space<vmem>> -> memref<1x112x128xf32, #tpu.memory_space<vmem>>
      %dma_wait3A_727 = tpu.memref_squeeze %dma_wait3A_726 : memref<1x112x128xf32, #tpu.memory_space<vmem>> -> memref<112x128xf32, #tpu.memory_space<vmem>>
      %dma_wait3A_728 = arith.constant 0 : i32
      %dma_wait3A_729 = arith.constant 0 : i32
      %dma_wait3A_730 = tpu.memref_slice %arg2[%dma_wait3A_728, %dma_wait3A_729] : memref<10240x128xf32, #tpu.memory_space<hbm>> -> memref<112x128xf32, #tpu.memory_space<hbm>>
      %dma_wait3A_731 = arith.constant 0 : i32
      %dma_wait3A_732 = arith.constant 0 : i32
      %dma_wait3A_733 = tpu.memref_slice %arg6[%dma_wait3A_723, %dma_wait3A_731, %dma_wait3A_732] : memref<3x112x128xf32, #tpu.memory_space<vmem>> -> memref<1x112x128xf32, #tpu.memory_space<vmem>>
      %dma_wait3A_734 = tpu.memref_squeeze %dma_wait3A_733 : memref<1x112x128xf32, #tpu.memory_space<vmem>> -> memref<112x128xf32, #tpu.memory_space<vmem>>
      %dma_wait3A_735 = arith.constant 0 : i32
      %dma_wait3A_736 = arith.constant 0 : i32
      %dma_wait3A_737 = tpu.memref_slice %arg2[%dma_wait3A_735, %dma_wait3A_736] : memref<10240x128xf32, #tpu.memory_space<hbm>> -> memref<112x128xf32, #tpu.memory_space<hbm>>
      tpu.wait_dma2 semaphore(%arg10 : memref<!tpu.dma_semaphore, #tpu.memory_space<semaphore_mem>>) src(%dma_wait3A_737 : memref<112x128xf32, #tpu.memory_space<hbm>>) dst(%dma_wait3A_734 : memref<112x128xf32, #tpu.memory_space<vmem>>)
      %dma_start3A_738 = arith.constant 0 : i32
      %dma_start3A_739 = arith.constant 1 : i32
      %dma_start3A_740 = arith.constant 0 : i32
      %dma_start3A_741 = arith.constant 1 : i32
      %dma_start3A_742 = arith.constant 0 : i32
      %dma_start3A_743 = arith.constant 0 : i32
      %dma_start3A_744 = tpu.memref_slice %arg6[%dma_start3A_738, %dma_start3A_742, %dma_start3A_743] : memref<3x112x128xf32, #tpu.memory_space<vmem>> -> memref<1x112x128xf32, #tpu.memory_space<vmem>>
      %dma_start3A_745 = tpu.memref_squeeze %dma_start3A_744 : memref<1x112x128xf32, #tpu.memory_space<vmem>> -> memref<112x128xf32, #tpu.memory_space<vmem>>
      %dma_start3A_746 = arith.constant 0 : i32
      %dma_start3A_747 = tpu.memref_slice %arg5[%dma_start3A_739, %dma_start3A_740, %dma_start3A_741, %dma_start3A_746] : memref<2x3x2x112xi32, #tpu.memory_space<vmem>> -> memref<1x1x1x112xi32, #tpu.memory_space<vmem>>
      %dma_start3A_748 = tpu.memref_squeeze %dma_start3A_747 : memref<1x1x1x112xi32, #tpu.memory_space<vmem>> -> memref<112xi32, #tpu.memory_space<vmem>>
      %dma_start3A_749 = arith.constant 0 : i32
      %dma_start3A_750 = arith.constant 0 : i32
      %dma_start3A_751 = tpu.memref_slice %arg7[%dma_start3A_749, %dma_start3A_750] : memref<10240x128xf32, #tpu.memory_space<vmem_shared>> -> memref<10240x128xf32, #tpu.memory_space<vmem_shared>>
      tpu.enqueue_indirect_dma source(%dma_start3A_745 : memref<112x128xf32, #tpu.memory_space<vmem>>) target(%dma_start3A_751 : memref<10240x128xf32, #tpu.memory_space<vmem_shared>>) offsets(%dma_start3A_748 : memref<112xi32, #tpu.memory_space<vmem>>) semaphore(%arg13 : memref<!tpu.dma_semaphore, #tpu.memory_space<semaphore_mem>>) {add = true}
      %dma_wait3A_752 = arith.constant 1 : i32
      %dma_wait3A_753 = arith.constant 0 : i32
      %dma_wait3A_754 = arith.constant 0 : i32
      %dma_wait3A_755 = tpu.memref_slice %arg6[%dma_wait3A_752, %dma_wait3A_753, %dma_wait3A_754] : memref<3x112x128xf32, #tpu.memory_space<vmem>> -> memref<1x112x128xf32, #tpu.memory_space<vmem>>
      %dma_wait3A_756 = tpu.memref_squeeze %dma_wait3A_755 : memref<1x112x128xf32, #tpu.memory_space<vmem>> -> memref<112x128xf32, #tpu.memory_space<vmem>>
      %dma_wait3A_757 = arith.constant 0 : i32
      %dma_wait3A_758 = arith.constant 0 : i32
      %dma_wait3A_759 = tpu.memref_slice %arg2[%dma_wait3A_757, %dma_wait3A_758] : memref<10240x128xf32, #tpu.memory_space<hbm>> -> memref<112x128xf32, #tpu.memory_space<hbm>>
      %dma_wait3A_760 = arith.constant 0 : i32
      %dma_wait3A_761 = arith.constant 0 : i32
      %dma_wait3A_762 = tpu.memref_slice %arg6[%dma_wait3A_752, %dma_wait3A_760, %dma_wait3A_761] : memref<3x112x128xf32, #tpu.memory_space<vmem>> -> memref<1x112x128xf32, #tpu.memory_space<vmem>>
      %dma_wait3A_763 = tpu.memref_squeeze %dma_wait3A_762 : memref<1x112x128xf32, #tpu.memory_space<vmem>> -> memref<112x128xf32, #tpu.memory_space<vmem>>
      %dma_wait3A_764 = arith.constant 0 : i32
      %dma_wait3A_765 = arith.constant 0 : i32
      %dma_wait3A_766 = tpu.memref_slice %arg2[%dma_wait3A_764, %dma_wait3A_765] : memref<10240x128xf32, #tpu.memory_space<hbm>> -> memref<112x128xf32, #tpu.memory_space<hbm>>
      tpu.wait_dma2 semaphore(%arg11 : memref<!tpu.dma_semaphore, #tpu.memory_space<semaphore_mem>>) src(%dma_wait3A_766 : memref<112x128xf32, #tpu.memory_space<hbm>>) dst(%dma_wait3A_763 : memref<112x128xf32, #tpu.memory_space<vmem>>)
      %dma_start3A_767 = arith.constant 1 : i32
      %dma_start3A_768 = arith.constant 1 : i32
      %dma_start3A_769 = arith.constant 1 : i32
      %dma_start3A_770 = arith.constant 1 : i32
      %dma_start3A_771 = arith.constant 0 : i32
      %dma_start3A_772 = arith.constant 0 : i32
      %dma_start3A_773 = tpu.memref_slice %arg6[%dma_start3A_767, %dma_start3A_771, %dma_start3A_772] : memref<3x112x128xf32, #tpu.memory_space<vmem>> -> memref<1x112x128xf32, #tpu.memory_space<vmem>>
      %dma_start3A_774 = tpu.memref_squeeze %dma_start3A_773 : memref<1x112x128xf32, #tpu.memory_space<vmem>> -> memref<112x128xf32, #tpu.memory_space<vmem>>
      %dma_start3A_775 = arith.constant 0 : i32
      %dma_start3A_776 = tpu.memref_slice %arg5[%dma_start3A_768, %dma_start3A_769, %dma_start3A_770, %dma_start3A_775] : memref<2x3x2x112xi32, #tpu.memory_space<vmem>> -> memref<1x1x1x112xi32, #tpu.memory_space<vmem>>
      %dma_start3A_777 = tpu.memref_squeeze %dma_start3A_776 : memref<1x1x1x112xi32, #tpu.memory_space<vmem>> -> memref<112xi32, #tpu.memory_space<vmem>>
      %dma_start3A_778 = arith.constant 0 : i32
      %dma_start3A_779 = arith.constant 0 : i32
      %dma_start3A_780 = tpu.memref_slice %arg7[%dma_start3A_778, %dma_start3A_779] : memref<10240x128xf32, #tpu.memory_space<vmem_shared>> -> memref<10240x128xf32, #tpu.memory_space<vmem_shared>>
      tpu.enqueue_indirect_dma source(%dma_start3A_774 : memref<112x128xf32, #tpu.memory_space<vmem>>) target(%dma_start3A_780 : memref<10240x128xf32, #tpu.memory_space<vmem_shared>>) offsets(%dma_start3A_777 : memref<112xi32, #tpu.memory_space<vmem>>) semaphore(%arg14 : memref<!tpu.dma_semaphore, #tpu.memory_space<semaphore_mem>>) {add = true}
      %dma_wait3A_781 = arith.constant 2 : i32
      %dma_wait3A_782 = arith.constant 0 : i32
      %dma_wait3A_783 = arith.constant 0 : i32
      %dma_wait3A_784 = tpu.memref_slice %arg6[%dma_wait3A_781, %dma_wait3A_782, %dma_wait3A_783] : memref<3x112x128xf32, #tpu.memory_space<vmem>> -> memref<1x112x128xf32, #tpu.memory_space<vmem>>
      %dma_wait3A_785 = tpu.memref_squeeze %dma_wait3A_784 : memref<1x112x128xf32, #tpu.memory_space<vmem>> -> memref<112x128xf32, #tpu.memory_space<vmem>>
      %dma_wait3A_786 = arith.constant 0 : i32
      %dma_wait3A_787 = arith.constant 0 : i32
      %dma_wait3A_788 = tpu.memref_slice %arg2[%dma_wait3A_786, %dma_wait3A_787] : memref<10240x128xf32, #tpu.memory_space<hbm>> -> memref<112x128xf32, #tpu.memory_space<hbm>>
      %dma_wait3A_789 = arith.constant 0 : i32
      %dma_wait3A_790 = arith.constant 0 : i32
      %dma_wait3A_791 = tpu.memref_slice %arg6[%dma_wait3A_781, %dma_wait3A_789, %dma_wait3A_790] : memref<3x112x128xf32, #tpu.memory_space<vmem>> -> memref<1x112x128xf32, #tpu.memory_space<vmem>>
      %dma_wait3A_792 = tpu.memref_squeeze %dma_wait3A_791 : memref<1x112x128xf32, #tpu.memory_space<vmem>> -> memref<112x128xf32, #tpu.memory_space<vmem>>
      %dma_wait3A_793 = arith.constant 0 : i32
      %dma_wait3A_794 = arith.constant 0 : i32
      %dma_wait3A_795 = tpu.memref_slice %arg2[%dma_wait3A_793, %dma_wait3A_794] : memref<10240x128xf32, #tpu.memory_space<hbm>> -> memref<112x128xf32, #tpu.memory_space<hbm>>
      tpu.wait_dma2 semaphore(%arg12 : memref<!tpu.dma_semaphore, #tpu.memory_space<semaphore_mem>>) src(%dma_wait3A_795 : memref<112x128xf32, #tpu.memory_space<hbm>>) dst(%dma_wait3A_792 : memref<112x128xf32, #tpu.memory_space<vmem>>)
      %dma_start3A_796 = arith.constant 2 : i32
      %dma_start3A_797 = arith.constant 1 : i32
      %dma_start3A_798 = arith.constant 2 : i32
      %dma_start3A_799 = arith.constant 1 : i32
      %dma_start3A_800 = arith.constant 0 : i32
      %dma_start3A_801 = arith.constant 0 : i32
      %dma_start3A_802 = tpu.memref_slice %arg6[%dma_start3A_796, %dma_start3A_800, %dma_start3A_801] : memref<3x112x128xf32, #tpu.memory_space<vmem>> -> memref<1x112x128xf32, #tpu.memory_space<vmem>>
      %dma_start3A_803 = tpu.memref_squeeze %dma_start3A_802 : memref<1x112x128xf32, #tpu.memory_space<vmem>> -> memref<112x128xf32, #tpu.memory_space<vmem>>
      %dma_start3A_804 = arith.constant 0 : i32
      %dma_start3A_805 = tpu.memref_slice %arg5[%dma_start3A_797, %dma_start3A_798, %dma_start3A_799, %dma_start3A_804] : memref<2x3x2x112xi32, #tpu.memory_space<vmem>> -> memref<1x1x1x112xi32, #tpu.memory_space<vmem>>
      %dma_start3A_806 = tpu.memref_squeeze %dma_start3A_805 : memref<1x1x1x112xi32, #tpu.memory_space<vmem>> -> memref<112xi32, #tpu.memory_space<vmem>>
      %dma_start3A_807 = arith.constant 0 : i32
      %dma_start3A_808 = arith.constant 0 : i32
      %dma_start3A_809 = tpu.memref_slice %arg7[%dma_start3A_807, %dma_start3A_808] : memref<10240x128xf32, #tpu.memory_space<vmem_shared>> -> memref<10240x128xf32, #tpu.memory_space<vmem_shared>>
      tpu.enqueue_indirect_dma source(%dma_start3A_803 : memref<112x128xf32, #tpu.memory_space<vmem>>) target(%dma_start3A_809 : memref<10240x128xf32, #tpu.memory_space<vmem_shared>>) offsets(%dma_start3A_806 : memref<112xi32, #tpu.memory_space<vmem>>) semaphore(%arg15 : memref<!tpu.dma_semaphore, #tpu.memory_space<semaphore_mem>>) {add = true}
      %dma_wait3A_810 = arith.constant 0 : i32
      %dma_wait3A_811 = arith.constant 0 : i32
      %dma_wait3A_812 = arith.constant 0 : i32
      %dma_wait3A_813 = tpu.memref_slice %arg6[%dma_wait3A_810, %dma_wait3A_811, %dma_wait3A_812] : memref<3x112x128xf32, #tpu.memory_space<vmem>> -> memref<1x112x128xf32, #tpu.memory_space<vmem>>
      %dma_wait3A_814 = tpu.memref_squeeze %dma_wait3A_813 : memref<1x112x128xf32, #tpu.memory_space<vmem>> -> memref<112x128xf32, #tpu.memory_space<vmem>>
      %dma_wait3A_815 = arith.constant 0 : i32
      %dma_wait3A_816 = arith.constant 0 : i32
      %dma_wait3A_817 = tpu.memref_slice %arg7[%dma_wait3A_815, %dma_wait3A_816] : memref<10240x128xf32, #tpu.memory_space<vmem_shared>> -> memref<112x128xf32, #tpu.memory_space<vmem_shared>>
      %dma_wait3A_818 = arith.constant 0 : i32
      %dma_wait3A_819 = arith.constant 0 : i32
      %dma_wait3A_820 = tpu.memref_slice %arg7[%dma_wait3A_818, %dma_wait3A_819] : memref<10240x128xf32, #tpu.memory_space<vmem_shared>> -> memref<112x128xf32, #tpu.memory_space<vmem_shared>>
      %dma_wait3A_821 = arith.constant 0 : i32
      %dma_wait3A_822 = arith.constant 0 : i32
      %dma_wait3A_823 = tpu.memref_slice %arg6[%dma_wait3A_810, %dma_wait3A_821, %dma_wait3A_822] : memref<3x112x128xf32, #tpu.memory_space<vmem>> -> memref<1x112x128xf32, #tpu.memory_space<vmem>>
      %dma_wait3A_824 = tpu.memref_squeeze %dma_wait3A_823 : memref<1x112x128xf32, #tpu.memory_space<vmem>> -> memref<112x128xf32, #tpu.memory_space<vmem>>
      tpu.wait_dma2 semaphore(%arg13 : memref<!tpu.dma_semaphore, #tpu.memory_space<semaphore_mem>>) src(%dma_wait3A_824 : memref<112x128xf32, #tpu.memory_space<vmem>>) dst(%dma_wait3A_820 : memref<112x128xf32, #tpu.memory_space<vmem_shared>>)
      %dma_wait3A_825 = arith.constant 1 : i32
      %dma_wait3A_826 = arith.constant 0 : i32
      %dma_wait3A_827 = arith.constant 0 : i32
      %dma_wait3A_828 = tpu.memref_slice %arg6[%dma_wait3A_825, %dma_wait3A_826, %dma_wait3A_827] : memref<3x112x128xf32, #tpu.memory_space<vmem>> -> memref<1x112x128xf32, #tpu.memory_space<vmem>>
      %dma_wait3A_829 = tpu.memref_squeeze %dma_wait3A_828 : memref<1x112x128xf32, #tpu.memory_space<vmem>> -> memref<112x128xf32, #tpu.memory_space<vmem>>
      %dma_wait3A_830 = arith.constant 0 : i32
      %dma_wait3A_831 = arith.constant 0 : i32
      %dma_wait3A_832 = tpu.memref_slice %arg7[%dma_wait3A_830, %dma_wait3A_831] : memref<10240x128xf32, #tpu.memory_space<vmem_shared>> -> memref<112x128xf32, #tpu.memory_space<vmem_shared>>
      %dma_wait3A_833 = arith.constant 0 : i32
      %dma_wait3A_834 = arith.constant 0 : i32
      %dma_wait3A_835 = tpu.memref_slice %arg7[%dma_wait3A_833, %dma_wait3A_834] : memref<10240x128xf32, #tpu.memory_space<vmem_shared>> -> memref<112x128xf32, #tpu.memory_space<vmem_shared>>
      %dma_wait3A_836 = arith.constant 0 : i32
      %dma_wait3A_837 = arith.constant 0 : i32
      %dma_wait3A_838 = tpu.memref_slice %arg6[%dma_wait3A_825, %dma_wait3A_836, %dma_wait3A_837] : memref<3x112x128xf32, #tpu.memory_space<vmem>> -> memref<1x112x128xf32, #tpu.memory_space<vmem>>
      %dma_wait3A_839 = tpu.memref_squeeze %dma_wait3A_838 : memref<1x112x128xf32, #tpu.memory_space<vmem>> -> memref<112x128xf32, #tpu.memory_space<vmem>>
      tpu.wait_dma2 semaphore(%arg14 : memref<!tpu.dma_semaphore, #tpu.memory_space<semaphore_mem>>) src(%dma_wait3A_839 : memref<112x128xf32, #tpu.memory_space<vmem>>) dst(%dma_wait3A_835 : memref<112x128xf32, #tpu.memory_space<vmem_shared>>)
      %dma_wait3A_840 = arith.constant 2 : i32
      %dma_wait3A_841 = arith.constant 0 : i32
      %dma_wait3A_842 = arith.constant 0 : i32
      %dma_wait3A_843 = tpu.memref_slice %arg6[%dma_wait3A_840, %dma_wait3A_841, %dma_wait3A_842] : memref<3x112x128xf32, #tpu.memory_space<vmem>> -> memref<1x112x128xf32, #tpu.memory_space<vmem>>
      %dma_wait3A_844 = tpu.memref_squeeze %dma_wait3A_843 : memref<1x112x128xf32, #tpu.memory_space<vmem>> -> memref<112x128xf32, #tpu.memory_space<vmem>>
      %dma_wait3A_845 = arith.constant 0 : i32
      %dma_wait3A_846 = arith.constant 0 : i32
      %dma_wait3A_847 = tpu.memref_slice %arg7[%dma_wait3A_845, %dma_wait3A_846] : memref<10240x128xf32, #tpu.memory_space<vmem_shared>> -> memref<112x128xf32, #tpu.memory_space<vmem_shared>>
      %dma_wait3A_848 = arith.constant 0 : i32
      %dma_wait3A_849 = arith.constant 0 : i32
      %dma_wait3A_850 = tpu.memref_slice %arg7[%dma_wait3A_848, %dma_wait3A_849] : memref<10240x128xf32, #tpu.memory_space<vmem_shared>> -> memref<112x128xf32, #tpu.memory_space<vmem_shared>>
      %dma_wait3A_851 = arith.constant 0 : i32
      %dma_wait3A_852 = arith.constant 0 : i32
      %dma_wait3A_853 = tpu.memref_slice %arg6[%dma_wait3A_840, %dma_wait3A_851, %dma_wait3A_852] : memref<3x112x128xf32, #tpu.memory_space<vmem>> -> memref<1x112x128xf32, #tpu.memory_space<vmem>>
      %dma_wait3A_854 = tpu.memref_squeeze %dma_wait3A_853 : memref<1x112x128xf32, #tpu.memory_space<vmem>> -> memref<112x128xf32, #tpu.memory_space<vmem>>
      tpu.wait_dma2 semaphore(%arg15 : memref<!tpu.dma_semaphore, #tpu.memory_space<semaphore_mem>>) src(%dma_wait3A_854 : memref<112x128xf32, #tpu.memory_space<vmem>>) dst(%dma_wait3A_850 : memref<112x128xf32, #tpu.memory_space<vmem_shared>>)
      %add3A_855 = arith.constant 2 : i32
      %add3A_856 = arith.addi %add3A_722, %add3A_855 : i32
      %mul3A_857 = arith.constant 3 : i32
      %mul3A_858 = arith.muli %add3A_856, %mul3A_857 : i32
      %dma_start3A_859 = arith.constant 1 : i32
      %dma_start3A_860 = arith.constant 0 : i32
      %dma_start3A_861 = arith.constant 0 : i32
      %dma_start3A_862 = arith.constant 0 : i32
      %dma_start3A_863 = tpu.memref_slice %arg5[%dma_start3A_859, %dma_start3A_860, %dma_start3A_861, %dma_start3A_862] : memref<2x3x2x112xi32, #tpu.memory_space<vmem>> -> memref<1x3x2x112xi32, #tpu.memory_space<vmem>>
      %dma_start3A_864 = tpu.memref_squeeze %dma_start3A_863 : memref<1x3x2x112xi32, #tpu.memory_space<vmem>> -> memref<3x2x112xi32, #tpu.memory_space<vmem>>
      %dma_start3A_865 = arith.constant 0 : i32
      %dma_start3A_866 = arith.constant 0 : i32
      %dma_start3A_867 = arith.constant 0 : i32
      %dma_start3A_868 = tpu.memref_slice %arg3[%add3A, %dma_start3A_865, %dma_start3A_866, %dma_start3A_867] : memref<32x90x2x112xi32, #tpu.memory_space<hbm>> -> memref<1x90x2x112xi32, #tpu.memory_space<hbm>>
      %dma_start3A_869 = tpu.memref_squeeze %dma_start3A_868 : memref<1x90x2x112xi32, #tpu.memory_space<hbm>> -> memref<90x2x112xi32, #tpu.memory_space<hbm>>
      %dma_start3A_870 = arith.constant 0 : i32
      %dma_start3A_871 = arith.constant 0 : i32
      %dma_start3A_872 = tpu.memref_slice %dma_start3A_869[%mul3A_858, %dma_start3A_870, %dma_start3A_871] : memref<90x2x112xi32, #tpu.memory_space<hbm>> -> memref<3x2x112xi32, #tpu.memory_space<hbm>>
      %dma_start3A_873 = arith.constant 0 : i32
      %dma_start3A_874 = arith.constant 0 : i32
      %dma_start3A_875 = arith.constant 0 : i32
      %dma_start3A_876 = tpu.memref_slice %arg5[%dma_start3A_859, %dma_start3A_873, %dma_start3A_874, %dma_start3A_875] : memref<2x3x2x112xi32, #tpu.memory_space<vmem>> -> memref<1x3x2x112xi32, #tpu.memory_space<vmem>>
      %dma_start3A_877 = tpu.memref_squeeze %dma_start3A_876 : memref<1x3x2x112xi32, #tpu.memory_space<vmem>> -> memref<3x2x112xi32, #tpu.memory_space<vmem>>
      %dma_start3A_878 = arith.constant 0 : i32
      %dma_start3A_879 = arith.constant 0 : i32
      %dma_start3A_880 = arith.constant 0 : i32
      %dma_start3A_881 = tpu.memref_slice %arg3[%add3A, %dma_start3A_878, %dma_start3A_879, %dma_start3A_880] : memref<32x90x2x112xi32, #tpu.memory_space<hbm>> -> memref<1x90x2x112xi32, #tpu.memory_space<hbm>>
      %dma_start3A_882 = tpu.memref_squeeze %dma_start3A_881 : memref<1x90x2x112xi32, #tpu.memory_space<hbm>> -> memref<90x2x112xi32, #tpu.memory_space<hbm>>
      %dma_start3A_883 = arith.constant 0 : i32
      %dma_start3A_884 = arith.constant 0 : i32
      %dma_start3A_885 = tpu.memref_slice %dma_start3A_882[%mul3A_858, %dma_start3A_883, %dma_start3A_884] : memref<90x2x112xi32, #tpu.memory_space<hbm>> -> memref<3x2x112xi32, #tpu.memory_space<hbm>>
      tpu.enqueue_dma source(%dma_start3A_885 : memref<3x2x112xi32, #tpu.memory_space<hbm>>) target(%dma_start3A_877 : memref<3x2x112xi32, #tpu.memory_space<vmem>>) target_semaphore(%arg9 : memref<!tpu.dma_semaphore, #tpu.memory_space<semaphore_mem>>)
      %dma_wait3A_886 = arith.constant 0 : i32
      %dma_wait3A_887 = arith.constant 0 : i32
      %dma_wait3A_888 = arith.constant 0 : i32
      %dma_wait3A_889 = arith.constant 0 : i32
      %dma_wait3A_890 = arith.constant 0 : i32
      %dma_wait3A_891 = tpu.memref_slice %arg5[%dma_wait3A_887, %dma_wait3A_888, %dma_wait3A_889, %dma_wait3A_890] : memref<2x3x2x112xi32, #tpu.memory_space<vmem>> -> memref<1x3x2x112xi32, #tpu.memory_space<vmem>>
      %dma_wait3A_892 = tpu.memref_squeeze %dma_wait3A_891 : memref<1x3x2x112xi32, #tpu.memory_space<vmem>> -> memref<3x2x112xi32, #tpu.memory_space<vmem>>
      %dma_wait3A_893 = arith.constant 0 : i32
      %dma_wait3A_894 = arith.constant 0 : i32
      %dma_wait3A_895 = arith.constant 0 : i32
      %dma_wait3A_896 = tpu.memref_slice %arg3[%dma_wait3A_886, %dma_wait3A_893, %dma_wait3A_894, %dma_wait3A_895] : memref<32x90x2x112xi32, #tpu.memory_space<hbm>> -> memref<1x90x2x112xi32, #tpu.memory_space<hbm>>
      %dma_wait3A_897 = tpu.memref_squeeze %dma_wait3A_896 : memref<1x90x2x112xi32, #tpu.memory_space<hbm>> -> memref<90x2x112xi32, #tpu.memory_space<hbm>>
      %dma_wait3A_898 = arith.constant 0 : i32
      %dma_wait3A_899 = arith.constant 0 : i32
      %dma_wait3A_900 = arith.constant 0 : i32
      %dma_wait3A_901 = tpu.memref_slice %dma_wait3A_897[%dma_wait3A_898, %dma_wait3A_899, %dma_wait3A_900] : memref<90x2x112xi32, #tpu.memory_space<hbm>> -> memref<3x2x112xi32, #tpu.memory_space<hbm>>
      %dma_wait3A_902 = arith.constant 0 : i32
      %dma_wait3A_903 = arith.constant 0 : i32
      %dma_wait3A_904 = arith.constant 0 : i32
      %dma_wait3A_905 = tpu.memref_slice %arg5[%dma_wait3A_887, %dma_wait3A_902, %dma_wait3A_903, %dma_wait3A_904] : memref<2x3x2x112xi32, #tpu.memory_space<vmem>> -> memref<1x3x2x112xi32, #tpu.memory_space<vmem>>
      %dma_wait3A_906 = tpu.memref_squeeze %dma_wait3A_905 : memref<1x3x2x112xi32, #tpu.memory_space<vmem>> -> memref<3x2x112xi32, #tpu.memory_space<vmem>>
      %dma_wait3A_907 = arith.constant 0 : i32
      %dma_wait3A_908 = arith.constant 0 : i32
      %dma_wait3A_909 = arith.constant 0 : i32
      %dma_wait3A_910 = tpu.memref_slice %arg3[%dma_wait3A_886, %dma_wait3A_907, %dma_wait3A_908, %dma_wait3A_909] : memref<32x90x2x112xi32, #tpu.memory_space<hbm>> -> memref<1x90x2x112xi32, #tpu.memory_space<hbm>>
      %dma_wait3A_911 = tpu.memref_squeeze %dma_wait3A_910 : memref<1x90x2x112xi32, #tpu.memory_space<hbm>> -> memref<90x2x112xi32, #tpu.memory_space<hbm>>
      %dma_wait3A_912 = arith.constant 0 : i32
      %dma_wait3A_913 = arith.constant 0 : i32
      %dma_wait3A_914 = arith.constant 0 : i32
      %dma_wait3A_915 = tpu.memref_slice %dma_wait3A_911[%dma_wait3A_912, %dma_wait3A_913, %dma_wait3A_914] : memref<90x2x112xi32, #tpu.memory_space<hbm>> -> memref<3x2x112xi32, #tpu.memory_space<hbm>>
      tpu.wait_dma2 semaphore(%arg8 : memref<!tpu.dma_semaphore, #tpu.memory_space<semaphore_mem>>) src(%dma_wait3A_915 : memref<3x2x112xi32, #tpu.memory_space<hbm>>) dst(%dma_wait3A_906 : memref<3x2x112xi32, #tpu.memory_space<vmem>>)
      %dma_start3A_916 = arith.constant 0 : i32
      %dma_start3A_917 = arith.constant 0 : i32
      %dma_start3A_918 = arith.constant 0 : i32
      %dma_start3A_919 = arith.constant 0 : i32
      %dma_start3A_920 = arith.constant 0 : i32
      %dma_start3A_921 = arith.constant 0 : i32
      %dma_start3A_922 = tpu.memref_slice %arg6[%dma_start3A_919, %dma_start3A_920, %dma_start3A_921] : memref<3x112x128xf32, #tpu.memory_space<vmem>> -> memref<1x112x128xf32, #tpu.memory_space<vmem>>
      %dma_start3A_923 = tpu.memref_squeeze %dma_start3A_922 : memref<1x112x128xf32, #tpu.memory_space<vmem>> -> memref<112x128xf32, #tpu.memory_space<vmem>>
      %dma_start3A_924 = arith.constant 0 : i32
      %dma_start3A_925 = tpu.memref_slice %arg5[%dma_start3A_916, %dma_start3A_917, %dma_start3A_918, %dma_start3A_924] : memref<2x3x2x112xi32, #tpu.memory_space<vmem>> -> memref<1x1x1x112xi32, #tpu.memory_space<vmem>>
      %dma_start3A_926 = tpu.memref_squeeze %dma_start3A_925 : memref<1x1x1x112xi32, #tpu.memory_space<vmem>> -> memref<112xi32, #tpu.memory_space<vmem>>
      %dma_start3A_927 = arith.constant 0 : i32
      %dma_start3A_928 = arith.constant 0 : i32
      %dma_start3A_929 = tpu.memref_slice %arg2[%dma_start3A_927, %dma_start3A_928] : memref<10240x128xf32, #tpu.memory_space<hbm>> -> memref<10240x128xf32, #tpu.memory_space<hbm>>
      tpu.enqueue_indirect_dma source(%dma_start3A_929 : memref<10240x128xf32, #tpu.memory_space<hbm>>) target(%dma_start3A_923 : memref<112x128xf32, #tpu.memory_space<vmem>>) offsets(%dma_start3A_926 : memref<112xi32, #tpu.memory_space<vmem>>) semaphore(%arg10 : memref<!tpu.dma_semaphore, #tpu.memory_space<semaphore_mem>>)
      %dma_start3A_930 = arith.constant 0 : i32
      %dma_start3A_931 = arith.constant 1 : i32
      %dma_start3A_932 = arith.constant 0 : i32
      %dma_start3A_933 = arith.constant 1 : i32
      %dma_start3A_934 = arith.constant 0 : i32
      %dma_start3A_935 = arith.constant 0 : i32
      %dma_start3A_936 = tpu.memref_slice %arg6[%dma_start3A_933, %dma_start3A_934, %dma_start3A_935] : memref<3x112x128xf32, #tpu.memory_space<vmem>> -> memref<1x112x128xf32, #tpu.memory_space<vmem>>
      %dma_start3A_937 = tpu.memref_squeeze %dma_start3A_936 : memref<1x112x128xf32, #tpu.memory_space<vmem>> -> memref<112x128xf32, #tpu.memory_space<vmem>>
      %dma_start3A_938 = arith.constant 0 : i32
      %dma_start3A_939 = tpu.memref_slice %arg5[%dma_start3A_930, %dma_start3A_931, %dma_start3A_932, %dma_start3A_938] : memref<2x3x2x112xi32, #tpu.memory_space<vmem>> -> memref<1x1x1x112xi32, #tpu.memory_space<vmem>>
      %dma_start3A_940 = tpu.memref_squeeze %dma_start3A_939 : memref<1x1x1x112xi32, #tpu.memory_space<vmem>> -> memref<112xi32, #tpu.memory_space<vmem>>
      %dma_start3A_941 = arith.constant 0 : i32
      %dma_start3A_942 = arith.constant 0 : i32
      %dma_start3A_943 = tpu.memref_slice %arg2[%dma_start3A_941, %dma_start3A_942] : memref<10240x128xf32, #tpu.memory_space<hbm>> -> memref<10240x128xf32, #tpu.memory_space<hbm>>
      tpu.enqueue_indirect_dma source(%dma_start3A_943 : memref<10240x128xf32, #tpu.memory_space<hbm>>) target(%dma_start3A_937 : memref<112x128xf32, #tpu.memory_space<vmem>>) offsets(%dma_start3A_940 : memref<112xi32, #tpu.memory_space<vmem>>) semaphore(%arg11 : memref<!tpu.dma_semaphore, #tpu.memory_space<semaphore_mem>>)
      %dma_start3A_944 = arith.constant 0 : i32
      %dma_start3A_945 = arith.constant 2 : i32
      %dma_start3A_946 = arith.constant 0 : i32
      %dma_start3A_947 = arith.constant 2 : i32
      %dma_start3A_948 = arith.constant 0 : i32
      %dma_start3A_949 = arith.constant 0 : i32
      %dma_start3A_950 = tpu.memref_slice %arg6[%dma_start3A_947, %dma_start3A_948, %dma_start3A_949] : memref<3x112x128xf32, #tpu.memory_space<vmem>> -> memref<1x112x128xf32, #tpu.memory_space<vmem>>
      %dma_start3A_951 = tpu.memref_squeeze %dma_start3A_950 : memref<1x112x128xf32, #tpu.memory_space<vmem>> -> memref<112x128xf32, #tpu.memory_space<vmem>>
      %dma_start3A_952 = arith.constant 0 : i32
      %dma_start3A_953 = tpu.memref_slice %arg5[%dma_start3A_944, %dma_start3A_945, %dma_start3A_946, %dma_start3A_952] : memref<2x3x2x112xi32, #tpu.memory_space<vmem>> -> memref<1x1x1x112xi32, #tpu.memory_space<vmem>>
      %dma_start3A_954 = tpu.memref_squeeze %dma_start3A_953 : memref<1x1x1x112xi32, #tpu.memory_space<vmem>> -> memref<112xi32, #tpu.memory_space<vmem>>
      %dma_start3A_955 = arith.constant 0 : i32
      %dma_start3A_956 = arith.constant 0 : i32
      %dma_start3A_957 = tpu.memref_slice %arg2[%dma_start3A_955, %dma_start3A_956] : memref<10240x128xf32, #tpu.memory_space<hbm>> -> memref<10240x128xf32, #tpu.memory_space<hbm>>
      tpu.enqueue_indirect_dma source(%dma_start3A_957 : memref<10240x128xf32, #tpu.memory_space<hbm>>) target(%dma_start3A_951 : memref<112x128xf32, #tpu.memory_space<vmem>>) offsets(%dma_start3A_954 : memref<112xi32, #tpu.memory_space<vmem>>) semaphore(%arg12 : memref<!tpu.dma_semaphore, #tpu.memory_space<semaphore_mem>>)
    }
    %scan3A_143 = arith.constant 14 : i32
    %dma_wait3A_144 = arith.constant 0 : i32
    %dma_wait3A_145 = arith.constant 0 : i32
    %dma_wait3A_146 = arith.constant 0 : i32
    %dma_wait3A_147 = tpu.memref_slice %arg6[%dma_wait3A_144, %dma_wait3A_145, %dma_wait3A_146] : memref<3x112x128xf32, #tpu.memory_space<vmem>> -> memref<1x112x128xf32, #tpu.memory_space<vmem>>
    %dma_wait3A_148 = tpu.memref_squeeze %dma_wait3A_147 : memref<1x112x128xf32, #tpu.memory_space<vmem>> -> memref<112x128xf32, #tpu.memory_space<vmem>>
    %dma_wait3A_149 = arith.constant 0 : i32
    %dma_wait3A_150 = arith.constant 0 : i32
    %dma_wait3A_151 = tpu.memref_slice %arg2[%dma_wait3A_149, %dma_wait3A_150] : memref<10240x128xf32, #tpu.memory_space<hbm>> -> memref<112x128xf32, #tpu.memory_space<hbm>>
    %dma_wait3A_152 = arith.constant 0 : i32
    %dma_wait3A_153 = arith.constant 0 : i32
    %dma_wait3A_154 = tpu.memref_slice %arg6[%dma_wait3A_144, %dma_wait3A_152, %dma_wait3A_153] : memref<3x112x128xf32, #tpu.memory_space<vmem>> -> memref<1x112x128xf32, #tpu.memory_space<vmem>>
    %dma_wait3A_155 = tpu.memref_squeeze %dma_wait3A_154 : memref<1x112x128xf32, #tpu.memory_space<vmem>> -> memref<112x128xf32, #tpu.memory_space<vmem>>
    %dma_wait3A_156 = arith.constant 0 : i32
    %dma_wait3A_157 = arith.constant 0 : i32
    %dma_wait3A_158 = tpu.memref_slice %arg2[%dma_wait3A_156, %dma_wait3A_157] : memref<10240x128xf32, #tpu.memory_space<hbm>> -> memref<112x128xf32, #tpu.memory_space<hbm>>
    tpu.wait_dma2 semaphore(%arg10 : memref<!tpu.dma_semaphore, #tpu.memory_space<semaphore_mem>>) src(%dma_wait3A_158 : memref<112x128xf32, #tpu.memory_space<hbm>>) dst(%dma_wait3A_155 : memref<112x128xf32, #tpu.memory_space<vmem>>)
    %dma_start3A_159 = arith.constant 0 : i32
    %dma_start3A_160 = arith.constant 0 : i32
    %dma_start3A_161 = arith.constant 0 : i32
    %dma_start3A_162 = arith.constant 1 : i32
    %dma_start3A_163 = arith.constant 0 : i32
    %dma_start3A_164 = arith.constant 0 : i32
    %dma_start3A_165 = tpu.memref_slice %arg6[%dma_start3A_159, %dma_start3A_163, %dma_start3A_164] : memref<3x112x128xf32, #tpu.memory_space<vmem>> -> memref<1x112x128xf32, #tpu.memory_space<vmem>>
    %dma_start3A_166 = tpu.memref_squeeze %dma_start3A_165 : memref<1x112x128xf32, #tpu.memory_space<vmem>> -> memref<112x128xf32, #tpu.memory_space<vmem>>
    %dma_start3A_167 = arith.constant 0 : i32
    %dma_start3A_168 = tpu.memref_slice %arg5[%dma_start3A_160, %dma_start3A_161, %dma_start3A_162, %dma_start3A_167] : memref<2x3x2x112xi32, #tpu.memory_space<vmem>> -> memref<1x1x1x112xi32, #tpu.memory_space<vmem>>
    %dma_start3A_169 = tpu.memref_squeeze %dma_start3A_168 : memref<1x1x1x112xi32, #tpu.memory_space<vmem>> -> memref<112xi32, #tpu.memory_space<vmem>>
    %dma_start3A_170 = arith.constant 0 : i32
    %dma_start3A_171 = arith.constant 0 : i32
    %dma_start3A_172 = tpu.memref_slice %arg7[%dma_start3A_170, %dma_start3A_171] : memref<10240x128xf32, #tpu.memory_space<vmem_shared>> -> memref<10240x128xf32, #tpu.memory_space<vmem_shared>>
    tpu.enqueue_indirect_dma source(%dma_start3A_166 : memref<112x128xf32, #tpu.memory_space<vmem>>) target(%dma_start3A_172 : memref<10240x128xf32, #tpu.memory_space<vmem_shared>>) offsets(%dma_start3A_169 : memref<112xi32, #tpu.memory_space<vmem>>) semaphore(%arg13 : memref<!tpu.dma_semaphore, #tpu.memory_space<semaphore_mem>>) {add = true}
    %dma_wait3A_173 = arith.constant 1 : i32
    %dma_wait3A_174 = arith.constant 0 : i32
    %dma_wait3A_175 = arith.constant 0 : i32
    %dma_wait3A_176 = tpu.memref_slice %arg6[%dma_wait3A_173, %dma_wait3A_174, %dma_wait3A_175] : memref<3x112x128xf32, #tpu.memory_space<vmem>> -> memref<1x112x128xf32, #tpu.memory_space<vmem>>
    %dma_wait3A_177 = tpu.memref_squeeze %dma_wait3A_176 : memref<1x112x128xf32, #tpu.memory_space<vmem>> -> memref<112x128xf32, #tpu.memory_space<vmem>>
    %dma_wait3A_178 = arith.constant 0 : i32
    %dma_wait3A_179 = arith.constant 0 : i32
    %dma_wait3A_180 = tpu.memref_slice %arg2[%dma_wait3A_178, %dma_wait3A_179] : memref<10240x128xf32, #tpu.memory_space<hbm>> -> memref<112x128xf32, #tpu.memory_space<hbm>>
    %dma_wait3A_181 = arith.constant 0 : i32
    %dma_wait3A_182 = arith.constant 0 : i32
    %dma_wait3A_183 = tpu.memref_slice %arg6[%dma_wait3A_173, %dma_wait3A_181, %dma_wait3A_182] : memref<3x112x128xf32, #tpu.memory_space<vmem>> -> memref<1x112x128xf32, #tpu.memory_space<vmem>>
    %dma_wait3A_184 = tpu.memref_squeeze %dma_wait3A_183 : memref<1x112x128xf32, #tpu.memory_space<vmem>> -> memref<112x128xf32, #tpu.memory_space<vmem>>
    %dma_wait3A_185 = arith.constant 0 : i32
    %dma_wait3A_186 = arith.constant 0 : i32
    %dma_wait3A_187 = tpu.memref_slice %arg2[%dma_wait3A_185, %dma_wait3A_186] : memref<10240x128xf32, #tpu.memory_space<hbm>> -> memref<112x128xf32, #tpu.memory_space<hbm>>
    tpu.wait_dma2 semaphore(%arg11 : memref<!tpu.dma_semaphore, #tpu.memory_space<semaphore_mem>>) src(%dma_wait3A_187 : memref<112x128xf32, #tpu.memory_space<hbm>>) dst(%dma_wait3A_184 : memref<112x128xf32, #tpu.memory_space<vmem>>)
    %dma_start3A_188 = arith.constant 1 : i32
    %dma_start3A_189 = arith.constant 0 : i32
    %dma_start3A_190 = arith.constant 1 : i32
    %dma_start3A_191 = arith.constant 1 : i32
    %dma_start3A_192 = arith.constant 0 : i32
    %dma_start3A_193 = arith.constant 0 : i32
    %dma_start3A_194 = tpu.memref_slice %arg6[%dma_start3A_188, %dma_start3A_192, %dma_start3A_193] : memref<3x112x128xf32, #tpu.memory_space<vmem>> -> memref<1x112x128xf32, #tpu.memory_space<vmem>>
    %dma_start3A_195 = tpu.memref_squeeze %dma_start3A_194 : memref<1x112x128xf32, #tpu.memory_space<vmem>> -> memref<112x128xf32, #tpu.memory_space<vmem>>
    %dma_start3A_196 = arith.constant 0 : i32
    %dma_start3A_197 = tpu.memref_slice %arg5[%dma_start3A_189, %dma_start3A_190, %dma_start3A_191, %dma_start3A_196] : memref<2x3x2x112xi32, #tpu.memory_space<vmem>> -> memref<1x1x1x112xi32, #tpu.memory_space<vmem>>
    %dma_start3A_198 = tpu.memref_squeeze %dma_start3A_197 : memref<1x1x1x112xi32, #tpu.memory_space<vmem>> -> memref<112xi32, #tpu.memory_space<vmem>>
    %dma_start3A_199 = arith.constant 0 : i32
    %dma_start3A_200 = arith.constant 0 : i32
    %dma_start3A_201 = tpu.memref_slice %arg7[%dma_start3A_199, %dma_start3A_200] : memref<10240x128xf32, #tpu.memory_space<vmem_shared>> -> memref<10240x128xf32, #tpu.memory_space<vmem_shared>>
    tpu.enqueue_indirect_dma source(%dma_start3A_195 : memref<112x128xf32, #tpu.memory_space<vmem>>) target(%dma_start3A_201 : memref<10240x128xf32, #tpu.memory_space<vmem_shared>>) offsets(%dma_start3A_198 : memref<112xi32, #tpu.memory_space<vmem>>) semaphore(%arg14 : memref<!tpu.dma_semaphore, #tpu.memory_space<semaphore_mem>>) {add = true}
    %dma_wait3A_202 = arith.constant 2 : i32
    %dma_wait3A_203 = arith.constant 0 : i32
    %dma_wait3A_204 = arith.constant 0 : i32
    %dma_wait3A_205 = tpu.memref_slice %arg6[%dma_wait3A_202, %dma_wait3A_203, %dma_wait3A_204] : memref<3x112x128xf32, #tpu.memory_space<vmem>> -> memref<1x112x128xf32, #tpu.memory_space<vmem>>
    %dma_wait3A_206 = tpu.memref_squeeze %dma_wait3A_205 : memref<1x112x128xf32, #tpu.memory_space<vmem>> -> memref<112x128xf32, #tpu.memory_space<vmem>>
    %dma_wait3A_207 = arith.constant 0 : i32
    %dma_wait3A_208 = arith.constant 0 : i32
    %dma_wait3A_209 = tpu.memref_slice %arg2[%dma_wait3A_207, %dma_wait3A_208] : memref<10240x128xf32, #tpu.memory_space<hbm>> -> memref<112x128xf32, #tpu.memory_space<hbm>>
    %dma_wait3A_210 = arith.constant 0 : i32
    %dma_wait3A_211 = arith.constant 0 : i32
    %dma_wait3A_212 = tpu.memref_slice %arg6[%dma_wait3A_202, %dma_wait3A_210, %dma_wait3A_211] : memref<3x112x128xf32, #tpu.memory_space<vmem>> -> memref<1x112x128xf32, #tpu.memory_space<vmem>>
    %dma_wait3A_213 = tpu.memref_squeeze %dma_wait3A_212 : memref<1x112x128xf32, #tpu.memory_space<vmem>> -> memref<112x128xf32, #tpu.memory_space<vmem>>
    %dma_wait3A_214 = arith.constant 0 : i32
    %dma_wait3A_215 = arith.constant 0 : i32
    %dma_wait3A_216 = tpu.memref_slice %arg2[%dma_wait3A_214, %dma_wait3A_215] : memref<10240x128xf32, #tpu.memory_space<hbm>> -> memref<112x128xf32, #tpu.memory_space<hbm>>
    tpu.wait_dma2 semaphore(%arg12 : memref<!tpu.dma_semaphore, #tpu.memory_space<semaphore_mem>>) src(%dma_wait3A_216 : memref<112x128xf32, #tpu.memory_space<hbm>>) dst(%dma_wait3A_213 : memref<112x128xf32, #tpu.memory_space<vmem>>)
    %dma_start3A_217 = arith.constant 2 : i32
    %dma_start3A_218 = arith.constant 0 : i32
    %dma_start3A_219 = arith.constant 2 : i32
    %dma_start3A_220 = arith.constant 1 : i32
    %dma_start3A_221 = arith.constant 0 : i32
    %dma_start3A_222 = arith.constant 0 : i32
    %dma_start3A_223 = tpu.memref_slice %arg6[%dma_start3A_217, %dma_start3A_221, %dma_start3A_222] : memref<3x112x128xf32, #tpu.memory_space<vmem>> -> memref<1x112x128xf32, #tpu.memory_space<vmem>>
    %dma_start3A_224 = tpu.memref_squeeze %dma_start3A_223 : memref<1x112x128xf32, #tpu.memory_space<vmem>> -> memref<112x128xf32, #tpu.memory_space<vmem>>
    %dma_start3A_225 = arith.constant 0 : i32
    %dma_start3A_226 = tpu.memref_slice %arg5[%dma_start3A_218, %dma_start3A_219, %dma_start3A_220, %dma_start3A_225] : memref<2x3x2x112xi32, #tpu.memory_space<vmem>> -> memref<1x1x1x112xi32, #tpu.memory_space<vmem>>
    %dma_start3A_227 = tpu.memref_squeeze %dma_start3A_226 : memref<1x1x1x112xi32, #tpu.memory_space<vmem>> -> memref<112xi32, #tpu.memory_space<vmem>>
    %dma_start3A_228 = arith.constant 0 : i32
    %dma_start3A_229 = arith.constant 0 : i32
    %dma_start3A_230 = tpu.memref_slice %arg7[%dma_start3A_228, %dma_start3A_229] : memref<10240x128xf32, #tpu.memory_space<vmem_shared>> -> memref<10240x128xf32, #tpu.memory_space<vmem_shared>>
    tpu.enqueue_indirect_dma source(%dma_start3A_224 : memref<112x128xf32, #tpu.memory_space<vmem>>) target(%dma_start3A_230 : memref<10240x128xf32, #tpu.memory_space<vmem_shared>>) offsets(%dma_start3A_227 : memref<112xi32, #tpu.memory_space<vmem>>) semaphore(%arg15 : memref<!tpu.dma_semaphore, #tpu.memory_space<semaphore_mem>>) {add = true}
    %dma_wait3A_231 = arith.constant 0 : i32
    %dma_wait3A_232 = arith.constant 0 : i32
    %dma_wait3A_233 = arith.constant 0 : i32
    %dma_wait3A_234 = tpu.memref_slice %arg6[%dma_wait3A_231, %dma_wait3A_232, %dma_wait3A_233] : memref<3x112x128xf32, #tpu.memory_space<vmem>> -> memref<1x112x128xf32, #tpu.memory_space<vmem>>
    %dma_wait3A_235 = tpu.memref_squeeze %dma_wait3A_234 : memref<1x112x128xf32, #tpu.memory_space<vmem>> -> memref<112x128xf32, #tpu.memory_space<vmem>>
    %dma_wait3A_236 = arith.constant 0 : i32
    %dma_wait3A_237 = arith.constant 0 : i32
    %dma_wait3A_238 = tpu.memref_slice %arg7[%dma_wait3A_236, %dma_wait3A_237] : memref<10240x128xf32, #tpu.memory_space<vmem_shared>> -> memref<112x128xf32, #tpu.memory_space<vmem_shared>>
    %dma_wait3A_239 = arith.constant 0 : i32
    %dma_wait3A_240 = arith.constant 0 : i32
    %dma_wait3A_241 = tpu.memref_slice %arg7[%dma_wait3A_239, %dma_wait3A_240] : memref<10240x128xf32, #tpu.memory_space<vmem_shared>> -> memref<112x128xf32, #tpu.memory_space<vmem_shared>>
    %dma_wait3A_242 = arith.constant 0 : i32
    %dma_wait3A_243 = arith.constant 0 : i32
    %dma_wait3A_244 = tpu.memref_slice %arg6[%dma_wait3A_231, %dma_wait3A_242, %dma_wait3A_243] : memref<3x112x128xf32, #tpu.memory_space<vmem>> -> memref<1x112x128xf32, #tpu.memory_space<vmem>>
    %dma_wait3A_245 = tpu.memref_squeeze %dma_wait3A_244 : memref<1x112x128xf32, #tpu.memory_space<vmem>> -> memref<112x128xf32, #tpu.memory_space<vmem>>
    tpu.wait_dma2 semaphore(%arg13 : memref<!tpu.dma_semaphore, #tpu.memory_space<semaphore_mem>>) src(%dma_wait3A_245 : memref<112x128xf32, #tpu.memory_space<vmem>>) dst(%dma_wait3A_241 : memref<112x128xf32, #tpu.memory_space<vmem_shared>>)
    %dma_wait3A_246 = arith.constant 1 : i32
    %dma_wait3A_247 = arith.constant 0 : i32
    %dma_wait3A_248 = arith.constant 0 : i32
    %dma_wait3A_249 = tpu.memref_slice %arg6[%dma_wait3A_246, %dma_wait3A_247, %dma_wait3A_248] : memref<3x112x128xf32, #tpu.memory_space<vmem>> -> memref<1x112x128xf32, #tpu.memory_space<vmem>>
    %dma_wait3A_250 = tpu.memref_squeeze %dma_wait3A_249 : memref<1x112x128xf32, #tpu.memory_space<vmem>> -> memref<112x128xf32, #tpu.memory_space<vmem>>
    %dma_wait3A_251 = arith.constant 0 : i32
    %dma_wait3A_252 = arith.constant 0 : i32
    %dma_wait3A_253 = tpu.memref_slice %arg7[%dma_wait3A_251, %dma_wait3A_252] : memref<10240x128xf32, #tpu.memory_space<vmem_shared>> -> memref<112x128xf32, #tpu.memory_space<vmem_shared>>
    %dma_wait3A_254 = arith.constant 0 : i32
    %dma_wait3A_255 = arith.constant 0 : i32
    %dma_wait3A_256 = tpu.memref_slice %arg7[%dma_wait3A_254, %dma_wait3A_255] : memref<10240x128xf32, #tpu.memory_space<vmem_shared>> -> memref<112x128xf32, #tpu.memory_space<vmem_shared>>
    %dma_wait3A_257 = arith.constant 0 : i32
    %dma_wait3A_258 = arith.constant 0 : i32
    %dma_wait3A_259 = tpu.memref_slice %arg6[%dma_wait3A_246, %dma_wait3A_257, %dma_wait3A_258] : memref<3x112x128xf32, #tpu.memory_space<vmem>> -> memref<1x112x128xf32, #tpu.memory_space<vmem>>
    %dma_wait3A_260 = tpu.memref_squeeze %dma_wait3A_259 : memref<1x112x128xf32, #tpu.memory_space<vmem>> -> memref<112x128xf32, #tpu.memory_space<vmem>>
    tpu.wait_dma2 semaphore(%arg14 : memref<!tpu.dma_semaphore, #tpu.memory_space<semaphore_mem>>) src(%dma_wait3A_260 : memref<112x128xf32, #tpu.memory_space<vmem>>) dst(%dma_wait3A_256 : memref<112x128xf32, #tpu.memory_space<vmem_shared>>)
    %dma_wait3A_261 = arith.constant 2 : i32
    %dma_wait3A_262 = arith.constant 0 : i32
    %dma_wait3A_263 = arith.constant 0 : i32
    %dma_wait3A_264 = tpu.memref_slice %arg6[%dma_wait3A_261, %dma_wait3A_262, %dma_wait3A_263] : memref<3x112x128xf32, #tpu.memory_space<vmem>> -> memref<1x112x128xf32, #tpu.memory_space<vmem>>
    %dma_wait3A_265 = tpu.memref_squeeze %dma_wait3A_264 : memref<1x112x128xf32, #tpu.memory_space<vmem>> -> memref<112x128xf32, #tpu.memory_space<vmem>>
    %dma_wait3A_266 = arith.constant 0 : i32
    %dma_wait3A_267 = arith.constant 0 : i32
    %dma_wait3A_268 = tpu.memref_slice %arg7[%dma_wait3A_266, %dma_wait3A_267] : memref<10240x128xf32, #tpu.memory_space<vmem_shared>> -> memref<112x128xf32, #tpu.memory_space<vmem_shared>>
    %dma_wait3A_269 = arith.constant 0 : i32
    %dma_wait3A_270 = arith.constant 0 : i32
    %dma_wait3A_271 = tpu.memref_slice %arg7[%dma_wait3A_269, %dma_wait3A_270] : memref<10240x128xf32, #tpu.memory_space<vmem_shared>> -> memref<112x128xf32, #tpu.memory_space<vmem_shared>>
    %dma_wait3A_272 = arith.constant 0 : i32
    %dma_wait3A_273 = arith.constant 0 : i32
    %dma_wait3A_274 = tpu.memref_slice %arg6[%dma_wait3A_261, %dma_wait3A_272, %dma_wait3A_273] : memref<3x112x128xf32, #tpu.memory_space<vmem>> -> memref<1x112x128xf32, #tpu.memory_space<vmem>>
    %dma_wait3A_275 = tpu.memref_squeeze %dma_wait3A_274 : memref<1x112x128xf32, #tpu.memory_space<vmem>> -> memref<112x128xf32, #tpu.memory_space<vmem>>
    tpu.wait_dma2 semaphore(%arg15 : memref<!tpu.dma_semaphore, #tpu.memory_space<semaphore_mem>>) src(%dma_wait3A_275 : memref<112x128xf32, #tpu.memory_space<vmem>>) dst(%dma_wait3A_271 : memref<112x128xf32, #tpu.memory_space<vmem_shared>>)
    %dma_wait3A_276 = arith.constant 0 : i32
    %dma_wait3A_277 = arith.constant 1 : i32
    %dma_wait3A_278 = arith.constant 0 : i32
    %dma_wait3A_279 = arith.constant 0 : i32
    %dma_wait3A_280 = arith.constant 0 : i32
    %dma_wait3A_281 = tpu.memref_slice %arg5[%dma_wait3A_277, %dma_wait3A_278, %dma_wait3A_279, %dma_wait3A_280] : memref<2x3x2x112xi32, #tpu.memory_space<vmem>> -> memref<1x3x2x112xi32, #tpu.memory_space<vmem>>
    %dma_wait3A_282 = tpu.memref_squeeze %dma_wait3A_281 : memref<1x3x2x112xi32, #tpu.memory_space<vmem>> -> memref<3x2x112xi32, #tpu.memory_space<vmem>>
    %dma_wait3A_283 = arith.constant 0 : i32
    %dma_wait3A_284 = arith.constant 0 : i32
    %dma_wait3A_285 = arith.constant 0 : i32
    %dma_wait3A_286 = tpu.memref_slice %arg3[%dma_wait3A_276, %dma_wait3A_283, %dma_wait3A_284, %dma_wait3A_285] : memref<32x90x2x112xi32, #tpu.memory_space<hbm>> -> memref<1x90x2x112xi32, #tpu.memory_space<hbm>>
    %dma_wait3A_287 = tpu.memref_squeeze %dma_wait3A_286 : memref<1x90x2x112xi32, #tpu.memory_space<hbm>> -> memref<90x2x112xi32, #tpu.memory_space<hbm>>
    %dma_wait3A_288 = arith.constant 0 : i32
    %dma_wait3A_289 = arith.constant 0 : i32
    %dma_wait3A_290 = arith.constant 0 : i32
    %dma_wait3A_291 = tpu.memref_slice %dma_wait3A_287[%dma_wait3A_288, %dma_wait3A_289, %dma_wait3A_290] : memref<90x2x112xi32, #tpu.memory_space<hbm>> -> memref<3x2x112xi32, #tpu.memory_space<hbm>>
    %dma_wait3A_292 = arith.constant 0 : i32
    %dma_wait3A_293 = arith.constant 0 : i32
    %dma_wait3A_294 = arith.constant 0 : i32
    %dma_wait3A_295 = tpu.memref_slice %arg5[%dma_wait3A_277, %dma_wait3A_292, %dma_wait3A_293, %dma_wait3A_294] : memref<2x3x2x112xi32, #tpu.memory_space<vmem>> -> memref<1x3x2x112xi32, #tpu.memory_space<vmem>>
    %dma_wait3A_296 = tpu.memref_squeeze %dma_wait3A_295 : memref<1x3x2x112xi32, #tpu.memory_space<vmem>> -> memref<3x2x112xi32, #tpu.memory_space<vmem>>
    %dma_wait3A_297 = arith.constant 0 : i32
    %dma_wait3A_298 = arith.constant 0 : i32
    %dma_wait3A_299 = arith.constant 0 : i32
    %dma_wait3A_300 = tpu.memref_slice %arg3[%dma_wait3A_276, %dma_wait3A_297, %dma_wait3A_298, %dma_wait3A_299] : memref<32x90x2x112xi32, #tpu.memory_space<hbm>> -> memref<1x90x2x112xi32, #tpu.memory_space<hbm>>
    %dma_wait3A_301 = tpu.memref_squeeze %dma_wait3A_300 : memref<1x90x2x112xi32, #tpu.memory_space<hbm>> -> memref<90x2x112xi32, #tpu.memory_space<hbm>>
    %dma_wait3A_302 = arith.constant 0 : i32
    %dma_wait3A_303 = arith.constant 0 : i32
    %dma_wait3A_304 = arith.constant 0 : i32
    %dma_wait3A_305 = tpu.memref_slice %dma_wait3A_301[%dma_wait3A_302, %dma_wait3A_303, %dma_wait3A_304] : memref<90x2x112xi32, #tpu.memory_space<hbm>> -> memref<3x2x112xi32, #tpu.memory_space<hbm>>
    tpu.wait_dma2 semaphore(%arg9 : memref<!tpu.dma_semaphore, #tpu.memory_space<semaphore_mem>>) src(%dma_wait3A_305 : memref<3x2x112xi32, #tpu.memory_space<hbm>>) dst(%dma_wait3A_296 : memref<3x2x112xi32, #tpu.memory_space<vmem>>)
    %dma_start3A_306 = arith.constant 1 : i32
    %dma_start3A_307 = arith.constant 0 : i32
    %dma_start3A_308 = arith.constant 0 : i32
    %dma_start3A_309 = arith.constant 0 : i32
    %dma_start3A_310 = arith.constant 0 : i32
    %dma_start3A_311 = arith.constant 0 : i32
    %dma_start3A_312 = tpu.memref_slice %arg6[%dma_start3A_309, %dma_start3A_310, %dma_start3A_311] : memref<3x112x128xf32, #tpu.memory_space<vmem>> -> memref<1x112x128xf32, #tpu.memory_space<vmem>>
    %dma_start3A_313 = tpu.memref_squeeze %dma_start3A_312 : memref<1x112x128xf32, #tpu.memory_space<vmem>> -> memref<112x128xf32, #tpu.memory_space<vmem>>
    %dma_start3A_314 = arith.constant 0 : i32
    %dma_start3A_315 = tpu.memref_slice %arg5[%dma_start3A_306, %dma_start3A_307, %dma_start3A_308, %dma_start3A_314] : memref<2x3x2x112xi32, #tpu.memory_space<vmem>> -> memref<1x1x1x112xi32, #tpu.memory_space<vmem>>
    %dma_start3A_316 = tpu.memref_squeeze %dma_start3A_315 : memref<1x1x1x112xi32, #tpu.memory_space<vmem>> -> memref<112xi32, #tpu.memory_space<vmem>>
    %dma_start3A_317 = arith.constant 0 : i32
    %dma_start3A_318 = arith.constant 0 : i32
    %dma_start3A_319 = tpu.memref_slice %arg2[%dma_start3A_317, %dma_start3A_318] : memref<10240x128xf32, #tpu.memory_space<hbm>> -> memref<10240x128xf32, #tpu.memory_space<hbm>>
    tpu.enqueue_indirect_dma source(%dma_start3A_319 : memref<10240x128xf32, #tpu.memory_space<hbm>>) target(%dma_start3A_313 : memref<112x128xf32, #tpu.memory_space<vmem>>) offsets(%dma_start3A_316 : memref<112xi32, #tpu.memory_space<vmem>>) semaphore(%arg10 : memref<!tpu.dma_semaphore, #tpu.memory_space<semaphore_mem>>)
    %dma_start3A_320 = arith.constant 1 : i32
    %dma_start3A_321 = arith.constant 1 : i32
    %dma_start3A_322 = arith.constant 0 : i32
    %dma_start3A_323 = arith.constant 1 : i32
    %dma_start3A_324 = arith.constant 0 : i32
    %dma_start3A_325 = arith.constant 0 : i32
    %dma_start3A_326 = tpu.memref_slice %arg6[%dma_start3A_323, %dma_start3A_324, %dma_start3A_325] : memref<3x112x128xf32, #tpu.memory_space<vmem>> -> memref<1x112x128xf32, #tpu.memory_space<vmem>>
    %dma_start3A_327 = tpu.memref_squeeze %dma_start3A_326 : memref<1x112x128xf32, #tpu.memory_space<vmem>> -> memref<112x128xf32, #tpu.memory_space<vmem>>
    %dma_start3A_328 = arith.constant 0 : i32
    %dma_start3A_329 = tpu.memref_slice %arg5[%dma_start3A_320, %dma_start3A_321, %dma_start3A_322, %dma_start3A_328] : memref<2x3x2x112xi32, #tpu.memory_space<vmem>> -> memref<1x1x1x112xi32, #tpu.memory_space<vmem>>
    %dma_start3A_330 = tpu.memref_squeeze %dma_start3A_329 : memref<1x1x1x112xi32, #tpu.memory_space<vmem>> -> memref<112xi32, #tpu.memory_space<vmem>>
    %dma_start3A_331 = arith.constant 0 : i32
    %dma_start3A_332 = arith.constant 0 : i32
    %dma_start3A_333 = tpu.memref_slice %arg2[%dma_start3A_331, %dma_start3A_332] : memref<10240x128xf32, #tpu.memory_space<hbm>> -> memref<10240x128xf32, #tpu.memory_space<hbm>>
    tpu.enqueue_indirect_dma source(%dma_start3A_333 : memref<10240x128xf32, #tpu.memory_space<hbm>>) target(%dma_start3A_327 : memref<112x128xf32, #tpu.memory_space<vmem>>) offsets(%dma_start3A_330 : memref<112xi32, #tpu.memory_space<vmem>>) semaphore(%arg11 : memref<!tpu.dma_semaphore, #tpu.memory_space<semaphore_mem>>)
    %dma_start3A_334 = arith.constant 1 : i32
    %dma_start3A_335 = arith.constant 2 : i32
    %dma_start3A_336 = arith.constant 0 : i32
    %dma_start3A_337 = arith.constant 2 : i32
    %dma_start3A_338 = arith.constant 0 : i32
    %dma_start3A_339 = arith.constant 0 : i32
    %dma_start3A_340 = tpu.memref_slice %arg6[%dma_start3A_337, %dma_start3A_338, %dma_start3A_339] : memref<3x112x128xf32, #tpu.memory_space<vmem>> -> memref<1x112x128xf32, #tpu.memory_space<vmem>>
    %dma_start3A_341 = tpu.memref_squeeze %dma_start3A_340 : memref<1x112x128xf32, #tpu.memory_space<vmem>> -> memref<112x128xf32, #tpu.memory_space<vmem>>
    %dma_start3A_342 = arith.constant 0 : i32
    %dma_start3A_343 = tpu.memref_slice %arg5[%dma_start3A_334, %dma_start3A_335, %dma_start3A_336, %dma_start3A_342] : memref<2x3x2x112xi32, #tpu.memory_space<vmem>> -> memref<1x1x1x112xi32, #tpu.memory_space<vmem>>
    %dma_start3A_344 = tpu.memref_squeeze %dma_start3A_343 : memref<1x1x1x112xi32, #tpu.memory_space<vmem>> -> memref<112xi32, #tpu.memory_space<vmem>>
    %dma_start3A_345 = arith.constant 0 : i32
    %dma_start3A_346 = arith.constant 0 : i32
    %dma_start3A_347 = tpu.memref_slice %arg2[%dma_start3A_345, %dma_start3A_346] : memref<10240x128xf32, #tpu.memory_space<hbm>> -> memref<10240x128xf32, #tpu.memory_space<hbm>>
    tpu.enqueue_indirect_dma source(%dma_start3A_347 : memref<10240x128xf32, #tpu.memory_space<hbm>>) target(%dma_start3A_341 : memref<112x128xf32, #tpu.memory_space<vmem>>) offsets(%dma_start3A_344 : memref<112xi32, #tpu.memory_space<vmem>>) semaphore(%arg12 : memref<!tpu.dma_semaphore, #tpu.memory_space<semaphore_mem>>)
    %dma_wait3A_348 = arith.constant 0 : i32
    %dma_wait3A_349 = arith.constant 0 : i32
    %dma_wait3A_350 = arith.constant 0 : i32
    %dma_wait3A_351 = tpu.memref_slice %arg6[%dma_wait3A_348, %dma_wait3A_349, %dma_wait3A_350] : memref<3x112x128xf32, #tpu.memory_space<vmem>> -> memref<1x112x128xf32, #tpu.memory_space<vmem>>
    %dma_wait3A_352 = tpu.memref_squeeze %dma_wait3A_351 : memref<1x112x128xf32, #tpu.memory_space<vmem>> -> memref<112x128xf32, #tpu.memory_space<vmem>>
    %dma_wait3A_353 = arith.constant 0 : i32
    %dma_wait3A_354 = arith.constant 0 : i32
    %dma_wait3A_355 = tpu.memref_slice %arg2[%dma_wait3A_353, %dma_wait3A_354] : memref<10240x128xf32, #tpu.memory_space<hbm>> -> memref<112x128xf32, #tpu.memory_space<hbm>>
    %dma_wait3A_356 = arith.constant 0 : i32
    %dma_wait3A_357 = arith.constant 0 : i32
    %dma_wait3A_358 = tpu.memref_slice %arg6[%dma_wait3A_348, %dma_wait3A_356, %dma_wait3A_357] : memref<3x112x128xf32, #tpu.memory_space<vmem>> -> memref<1x112x128xf32, #tpu.memory_space<vmem>>
    %dma_wait3A_359 = tpu.memref_squeeze %dma_wait3A_358 : memref<1x112x128xf32, #tpu.memory_space<vmem>> -> memref<112x128xf32, #tpu.memory_space<vmem>>
    %dma_wait3A_360 = arith.constant 0 : i32
    %dma_wait3A_361 = arith.constant 0 : i32
    %dma_wait3A_362 = tpu.memref_slice %arg2[%dma_wait3A_360, %dma_wait3A_361] : memref<10240x128xf32, #tpu.memory_space<hbm>> -> memref<112x128xf32, #tpu.memory_space<hbm>>
    tpu.wait_dma2 semaphore(%arg10 : memref<!tpu.dma_semaphore, #tpu.memory_space<semaphore_mem>>) src(%dma_wait3A_362 : memref<112x128xf32, #tpu.memory_space<hbm>>) dst(%dma_wait3A_359 : memref<112x128xf32, #tpu.memory_space<vmem>>)
    %dma_start3A_363 = arith.constant 0 : i32
    %dma_start3A_364 = arith.constant 1 : i32
    %dma_start3A_365 = arith.constant 0 : i32
    %dma_start3A_366 = arith.constant 1 : i32
    %dma_start3A_367 = arith.constant 0 : i32
    %dma_start3A_368 = arith.constant 0 : i32
    %dma_start3A_369 = tpu.memref_slice %arg6[%dma_start3A_363, %dma_start3A_367, %dma_start3A_368] : memref<3x112x128xf32, #tpu.memory_space<vmem>> -> memref<1x112x128xf32, #tpu.memory_space<vmem>>
    %dma_start3A_370 = tpu.memref_squeeze %dma_start3A_369 : memref<1x112x128xf32, #tpu.memory_space<vmem>> -> memref<112x128xf32, #tpu.memory_space<vmem>>
    %dma_start3A_371 = arith.constant 0 : i32
    %dma_start3A_372 = tpu.memref_slice %arg5[%dma_start3A_364, %dma_start3A_365, %dma_start3A_366, %dma_start3A_371] : memref<2x3x2x112xi32, #tpu.memory_space<vmem>> -> memref<1x1x1x112xi32, #tpu.memory_space<vmem>>
    %dma_start3A_373 = tpu.memref_squeeze %dma_start3A_372 : memref<1x1x1x112xi32, #tpu.memory_space<vmem>> -> memref<112xi32, #tpu.memory_space<vmem>>
    %dma_start3A_374 = arith.constant 0 : i32
    %dma_start3A_375 = arith.constant 0 : i32
    %dma_start3A_376 = tpu.memref_slice %arg7[%dma_start3A_374, %dma_start3A_375] : memref<10240x128xf32, #tpu.memory_space<vmem_shared>> -> memref<10240x128xf32, #tpu.memory_space<vmem_shared>>
    tpu.enqueue_indirect_dma source(%dma_start3A_370 : memref<112x128xf32, #tpu.memory_space<vmem>>) target(%dma_start3A_376 : memref<10240x128xf32, #tpu.memory_space<vmem_shared>>) offsets(%dma_start3A_373 : memref<112xi32, #tpu.memory_space<vmem>>) semaphore(%arg13 : memref<!tpu.dma_semaphore, #tpu.memory_space<semaphore_mem>>) {add = true}
    %dma_wait3A_377 = arith.constant 1 : i32
    %dma_wait3A_378 = arith.constant 0 : i32
    %dma_wait3A_379 = arith.constant 0 : i32
    %dma_wait3A_380 = tpu.memref_slice %arg6[%dma_wait3A_377, %dma_wait3A_378, %dma_wait3A_379] : memref<3x112x128xf32, #tpu.memory_space<vmem>> -> memref<1x112x128xf32, #tpu.memory_space<vmem>>
    %dma_wait3A_381 = tpu.memref_squeeze %dma_wait3A_380 : memref<1x112x128xf32, #tpu.memory_space<vmem>> -> memref<112x128xf32, #tpu.memory_space<vmem>>
    %dma_wait3A_382 = arith.constant 0 : i32
    %dma_wait3A_383 = arith.constant 0 : i32
    %dma_wait3A_384 = tpu.memref_slice %arg2[%dma_wait3A_382, %dma_wait3A_383] : memref<10240x128xf32, #tpu.memory_space<hbm>> -> memref<112x128xf32, #tpu.memory_space<hbm>>
    %dma_wait3A_385 = arith.constant 0 : i32
    %dma_wait3A_386 = arith.constant 0 : i32
    %dma_wait3A_387 = tpu.memref_slice %arg6[%dma_wait3A_377, %dma_wait3A_385, %dma_wait3A_386] : memref<3x112x128xf32, #tpu.memory_space<vmem>> -> memref<1x112x128xf32, #tpu.memory_space<vmem>>
    %dma_wait3A_388 = tpu.memref_squeeze %dma_wait3A_387 : memref<1x112x128xf32, #tpu.memory_space<vmem>> -> memref<112x128xf32, #tpu.memory_space<vmem>>
    %dma_wait3A_389 = arith.constant 0 : i32
    %dma_wait3A_390 = arith.constant 0 : i32
    %dma_wait3A_391 = tpu.memref_slice %arg2[%dma_wait3A_389, %dma_wait3A_390] : memref<10240x128xf32, #tpu.memory_space<hbm>> -> memref<112x128xf32, #tpu.memory_space<hbm>>
    tpu.wait_dma2 semaphore(%arg11 : memref<!tpu.dma_semaphore, #tpu.memory_space<semaphore_mem>>) src(%dma_wait3A_391 : memref<112x128xf32, #tpu.memory_space<hbm>>) dst(%dma_wait3A_388 : memref<112x128xf32, #tpu.memory_space<vmem>>)
    %dma_start3A_392 = arith.constant 1 : i32
    %dma_start3A_393 = arith.constant 1 : i32
    %dma_start3A_394 = arith.constant 1 : i32
    %dma_start3A_395 = arith.constant 1 : i32
    %dma_start3A_396 = arith.constant 0 : i32
    %dma_start3A_397 = arith.constant 0 : i32
    %dma_start3A_398 = tpu.memref_slice %arg6[%dma_start3A_392, %dma_start3A_396, %dma_start3A_397] : memref<3x112x128xf32, #tpu.memory_space<vmem>> -> memref<1x112x128xf32, #tpu.memory_space<vmem>>
    %dma_start3A_399 = tpu.memref_squeeze %dma_start3A_398 : memref<1x112x128xf32, #tpu.memory_space<vmem>> -> memref<112x128xf32, #tpu.memory_space<vmem>>
    %dma_start3A_400 = arith.constant 0 : i32
    %dma_start3A_401 = tpu.memref_slice %arg5[%dma_start3A_393, %dma_start3A_394, %dma_start3A_395, %dma_start3A_400] : memref<2x3x2x112xi32, #tpu.memory_space<vmem>> -> memref<1x1x1x112xi32, #tpu.memory_space<vmem>>
    %dma_start3A_402 = tpu.memref_squeeze %dma_start3A_401 : memref<1x1x1x112xi32, #tpu.memory_space<vmem>> -> memref<112xi32, #tpu.memory_space<vmem>>
    %dma_start3A_403 = arith.constant 0 : i32
    %dma_start3A_404 = arith.constant 0 : i32
    %dma_start3A_405 = tpu.memref_slice %arg7[%dma_start3A_403, %dma_start3A_404] : memref<10240x128xf32, #tpu.memory_space<vmem_shared>> -> memref<10240x128xf32, #tpu.memory_space<vmem_shared>>
    tpu.enqueue_indirect_dma source(%dma_start3A_399 : memref<112x128xf32, #tpu.memory_space<vmem>>) target(%dma_start3A_405 : memref<10240x128xf32, #tpu.memory_space<vmem_shared>>) offsets(%dma_start3A_402 : memref<112xi32, #tpu.memory_space<vmem>>) semaphore(%arg14 : memref<!tpu.dma_semaphore, #tpu.memory_space<semaphore_mem>>) {add = true}
    %dma_wait3A_406 = arith.constant 2 : i32
    %dma_wait3A_407 = arith.constant 0 : i32
    %dma_wait3A_408 = arith.constant 0 : i32
    %dma_wait3A_409 = tpu.memref_slice %arg6[%dma_wait3A_406, %dma_wait3A_407, %dma_wait3A_408] : memref<3x112x128xf32, #tpu.memory_space<vmem>> -> memref<1x112x128xf32, #tpu.memory_space<vmem>>
    %dma_wait3A_410 = tpu.memref_squeeze %dma_wait3A_409 : memref<1x112x128xf32, #tpu.memory_space<vmem>> -> memref<112x128xf32, #tpu.memory_space<vmem>>
    %dma_wait3A_411 = arith.constant 0 : i32
    %dma_wait3A_412 = arith.constant 0 : i32
    %dma_wait3A_413 = tpu.memref_slice %arg2[%dma_wait3A_411, %dma_wait3A_412] : memref<10240x128xf32, #tpu.memory_space<hbm>> -> memref<112x128xf32, #tpu.memory_space<hbm>>
    %dma_wait3A_414 = arith.constant 0 : i32
    %dma_wait3A_415 = arith.constant 0 : i32
    %dma_wait3A_416 = tpu.memref_slice %arg6[%dma_wait3A_406, %dma_wait3A_414, %dma_wait3A_415] : memref<3x112x128xf32, #tpu.memory_space<vmem>> -> memref<1x112x128xf32, #tpu.memory_space<vmem>>
    %dma_wait3A_417 = tpu.memref_squeeze %dma_wait3A_416 : memref<1x112x128xf32, #tpu.memory_space<vmem>> -> memref<112x128xf32, #tpu.memory_space<vmem>>
    %dma_wait3A_418 = arith.constant 0 : i32
    %dma_wait3A_419 = arith.constant 0 : i32
    %dma_wait3A_420 = tpu.memref_slice %arg2[%dma_wait3A_418, %dma_wait3A_419] : memref<10240x128xf32, #tpu.memory_space<hbm>> -> memref<112x128xf32, #tpu.memory_space<hbm>>
    tpu.wait_dma2 semaphore(%arg12 : memref<!tpu.dma_semaphore, #tpu.memory_space<semaphore_mem>>) src(%dma_wait3A_420 : memref<112x128xf32, #tpu.memory_space<hbm>>) dst(%dma_wait3A_417 : memref<112x128xf32, #tpu.memory_space<vmem>>)
    %dma_start3A_421 = arith.constant 2 : i32
    %dma_start3A_422 = arith.constant 1 : i32
    %dma_start3A_423 = arith.constant 2 : i32
    %dma_start3A_424 = arith.constant 1 : i32
    %dma_start3A_425 = arith.constant 0 : i32
    %dma_start3A_426 = arith.constant 0 : i32
    %dma_start3A_427 = tpu.memref_slice %arg6[%dma_start3A_421, %dma_start3A_425, %dma_start3A_426] : memref<3x112x128xf32, #tpu.memory_space<vmem>> -> memref<1x112x128xf32, #tpu.memory_space<vmem>>
    %dma_start3A_428 = tpu.memref_squeeze %dma_start3A_427 : memref<1x112x128xf32, #tpu.memory_space<vmem>> -> memref<112x128xf32, #tpu.memory_space<vmem>>
    %dma_start3A_429 = arith.constant 0 : i32
    %dma_start3A_430 = tpu.memref_slice %arg5[%dma_start3A_422, %dma_start3A_423, %dma_start3A_424, %dma_start3A_429] : memref<2x3x2x112xi32, #tpu.memory_space<vmem>> -> memref<1x1x1x112xi32, #tpu.memory_space<vmem>>
    %dma_start3A_431 = tpu.memref_squeeze %dma_start3A_430 : memref<1x1x1x112xi32, #tpu.memory_space<vmem>> -> memref<112xi32, #tpu.memory_space<vmem>>
    %dma_start3A_432 = arith.constant 0 : i32
    %dma_start3A_433 = arith.constant 0 : i32
    %dma_start3A_434 = tpu.memref_slice %arg7[%dma_start3A_432, %dma_start3A_433] : memref<10240x128xf32, #tpu.memory_space<vmem_shared>> -> memref<10240x128xf32, #tpu.memory_space<vmem_shared>>
    tpu.enqueue_indirect_dma source(%dma_start3A_428 : memref<112x128xf32, #tpu.memory_space<vmem>>) target(%dma_start3A_434 : memref<10240x128xf32, #tpu.memory_space<vmem_shared>>) offsets(%dma_start3A_431 : memref<112xi32, #tpu.memory_space<vmem>>) semaphore(%arg15 : memref<!tpu.dma_semaphore, #tpu.memory_space<semaphore_mem>>) {add = true}
    %dma_wait3A_435 = arith.constant 0 : i32
    %dma_wait3A_436 = arith.constant 0 : i32
    %dma_wait3A_437 = arith.constant 0 : i32
    %dma_wait3A_438 = tpu.memref_slice %arg6[%dma_wait3A_435, %dma_wait3A_436, %dma_wait3A_437] : memref<3x112x128xf32, #tpu.memory_space<vmem>> -> memref<1x112x128xf32, #tpu.memory_space<vmem>>
    %dma_wait3A_439 = tpu.memref_squeeze %dma_wait3A_438 : memref<1x112x128xf32, #tpu.memory_space<vmem>> -> memref<112x128xf32, #tpu.memory_space<vmem>>
    %dma_wait3A_440 = arith.constant 0 : i32
    %dma_wait3A_441 = arith.constant 0 : i32
    %dma_wait3A_442 = tpu.memref_slice %arg7[%dma_wait3A_440, %dma_wait3A_441] : memref<10240x128xf32, #tpu.memory_space<vmem_shared>> -> memref<112x128xf32, #tpu.memory_space<vmem_shared>>
    %dma_wait3A_443 = arith.constant 0 : i32
    %dma_wait3A_444 = arith.constant 0 : i32
    %dma_wait3A_445 = tpu.memref_slice %arg7[%dma_wait3A_443, %dma_wait3A_444] : memref<10240x128xf32, #tpu.memory_space<vmem_shared>> -> memref<112x128xf32, #tpu.memory_space<vmem_shared>>
    %dma_wait3A_446 = arith.constant 0 : i32
    %dma_wait3A_447 = arith.constant 0 : i32
    %dma_wait3A_448 = tpu.memref_slice %arg6[%dma_wait3A_435, %dma_wait3A_446, %dma_wait3A_447] : memref<3x112x128xf32, #tpu.memory_space<vmem>> -> memref<1x112x128xf32, #tpu.memory_space<vmem>>
    %dma_wait3A_449 = tpu.memref_squeeze %dma_wait3A_448 : memref<1x112x128xf32, #tpu.memory_space<vmem>> -> memref<112x128xf32, #tpu.memory_space<vmem>>
    tpu.wait_dma2 semaphore(%arg13 : memref<!tpu.dma_semaphore, #tpu.memory_space<semaphore_mem>>) src(%dma_wait3A_449 : memref<112x128xf32, #tpu.memory_space<vmem>>) dst(%dma_wait3A_445 : memref<112x128xf32, #tpu.memory_space<vmem_shared>>)
    %dma_wait3A_450 = arith.constant 1 : i32
    %dma_wait3A_451 = arith.constant 0 : i32
    %dma_wait3A_452 = arith.constant 0 : i32
    %dma_wait3A_453 = tpu.memref_slice %arg6[%dma_wait3A_450, %dma_wait3A_451, %dma_wait3A_452] : memref<3x112x128xf32, #tpu.memory_space<vmem>> -> memref<1x112x128xf32, #tpu.memory_space<vmem>>
    %dma_wait3A_454 = tpu.memref_squeeze %dma_wait3A_453 : memref<1x112x128xf32, #tpu.memory_space<vmem>> -> memref<112x128xf32, #tpu.memory_space<vmem>>
    %dma_wait3A_455 = arith.constant 0 : i32
    %dma_wait3A_456 = arith.constant 0 : i32
    %dma_wait3A_457 = tpu.memref_slice %arg7[%dma_wait3A_455, %dma_wait3A_456] : memref<10240x128xf32, #tpu.memory_space<vmem_shared>> -> memref<112x128xf32, #tpu.memory_space<vmem_shared>>
    %dma_wait3A_458 = arith.constant 0 : i32
    %dma_wait3A_459 = arith.constant 0 : i32
    %dma_wait3A_460 = tpu.memref_slice %arg7[%dma_wait3A_458, %dma_wait3A_459] : memref<10240x128xf32, #tpu.memory_space<vmem_shared>> -> memref<112x128xf32, #tpu.memory_space<vmem_shared>>
    %dma_wait3A_461 = arith.constant 0 : i32
    %dma_wait3A_462 = arith.constant 0 : i32
    %dma_wait3A_463 = tpu.memref_slice %arg6[%dma_wait3A_450, %dma_wait3A_461, %dma_wait3A_462] : memref<3x112x128xf32, #tpu.memory_space<vmem>> -> memref<1x112x128xf32, #tpu.memory_space<vmem>>
    %dma_wait3A_464 = tpu.memref_squeeze %dma_wait3A_463 : memref<1x112x128xf32, #tpu.memory_space<vmem>> -> memref<112x128xf32, #tpu.memory_space<vmem>>
    tpu.wait_dma2 semaphore(%arg14 : memref<!tpu.dma_semaphore, #tpu.memory_space<semaphore_mem>>) src(%dma_wait3A_464 : memref<112x128xf32, #tpu.memory_space<vmem>>) dst(%dma_wait3A_460 : memref<112x128xf32, #tpu.memory_space<vmem_shared>>)
    %dma_wait3A_465 = arith.constant 2 : i32
    %dma_wait3A_466 = arith.constant 0 : i32
    %dma_wait3A_467 = arith.constant 0 : i32
    %dma_wait3A_468 = tpu.memref_slice %arg6[%dma_wait3A_465, %dma_wait3A_466, %dma_wait3A_467] : memref<3x112x128xf32, #tpu.memory_space<vmem>> -> memref<1x112x128xf32, #tpu.memory_space<vmem>>
    %dma_wait3A_469 = tpu.memref_squeeze %dma_wait3A_468 : memref<1x112x128xf32, #tpu.memory_space<vmem>> -> memref<112x128xf32, #tpu.memory_space<vmem>>
    %dma_wait3A_470 = arith.constant 0 : i32
    %dma_wait3A_471 = arith.constant 0 : i32
    %dma_wait3A_472 = tpu.memref_slice %arg7[%dma_wait3A_470, %dma_wait3A_471] : memref<10240x128xf32, #tpu.memory_space<vmem_shared>> -> memref<112x128xf32, #tpu.memory_space<vmem_shared>>
    %dma_wait3A_473 = arith.constant 0 : i32
    %dma_wait3A_474 = arith.constant 0 : i32
    %dma_wait3A_475 = tpu.memref_slice %arg7[%dma_wait3A_473, %dma_wait3A_474] : memref<10240x128xf32, #tpu.memory_space<vmem_shared>> -> memref<112x128xf32, #tpu.memory_space<vmem_shared>>
    %dma_wait3A_476 = arith.constant 0 : i32
    %dma_wait3A_477 = arith.constant 0 : i32
    %dma_wait3A_478 = tpu.memref_slice %arg6[%dma_wait3A_465, %dma_wait3A_476, %dma_wait3A_477] : memref<3x112x128xf32, #tpu.memory_space<vmem>> -> memref<1x112x128xf32, #tpu.memory_space<vmem>>
    %dma_wait3A_479 = tpu.memref_squeeze %dma_wait3A_478 : memref<1x112x128xf32, #tpu.memory_space<vmem>> -> memref<112x128xf32, #tpu.memory_space<vmem>>
    tpu.wait_dma2 semaphore(%arg15 : memref<!tpu.dma_semaphore, #tpu.memory_space<semaphore_mem>>) src(%dma_wait3A_479 : memref<112x128xf32, #tpu.memory_space<vmem>>) dst(%dma_wait3A_475 : memref<112x128xf32, #tpu.memory_space<vmem_shared>>)
    %barrier3A_480 = arith.constant 0 : index
    tpu.barrier barrier_id(%barrier3A_480)
    "tpu.region"() ({
      %run_scoped3A = tpu.sem_alloc : memref<!tpu.dma_semaphore, #tpu.memory_space<semaphore_mem>>
      %dma_start3A_481 = arith.constant 0 : i32
      %dma_start3A_482 = arith.constant 0 : i32
      %dma_start3A_483 = tpu.memref_slice %arg4[%arg0, %dma_start3A_481, %dma_start3A_482] : memref<2x10240x128xf32, #tpu.memory_space<hbm>> -> memref<1x10240x128xf32, #tpu.memory_space<hbm>>
      %dma_start3A_484 = tpu.memref_squeeze %dma_start3A_483 : memref<1x10240x128xf32, #tpu.memory_space<hbm>> -> memref<10240x128xf32, #tpu.memory_space<hbm>>
      %dma_start3A_485 = arith.constant 0 : i32
      %dma_start3A_486 = tpu.memref_slice %dma_start3A_484[%mul3A_2, %dma_start3A_485] : memref<10240x128xf32, #tpu.memory_space<hbm>> -> memref<640x128xf32, #tpu.memory_space<hbm>>
      %dma_start3A_487 = arith.constant 0 : i32
      %dma_start3A_488 = tpu.memref_slice %arg7[%mul3A_2, %dma_start3A_487] : memref<10240x128xf32, #tpu.memory_space<vmem_shared>> -> memref<640x128xf32, #tpu.memory_space<vmem_shared>>
      tpu.enqueue_dma source(%dma_start3A_488 : memref<640x128xf32, #tpu.memory_space<vmem_shared>>) target(%dma_start3A_486 : memref<640x128xf32, #tpu.memory_space<hbm>>) target_semaphore(%run_scoped3A : memref<!tpu.dma_semaphore, #tpu.memory_space<semaphore_mem>>)
      %dma_wait3A_489 = arith.constant 0 : i32
      %dma_wait3A_490 = arith.constant 0 : i32
      %dma_wait3A_491 = tpu.memref_slice %arg4[%arg0, %dma_wait3A_489, %dma_wait3A_490] : memref<2x10240x128xf32, #tpu.memory_space<hbm>> -> memref<1x10240x128xf32, #tpu.memory_space<hbm>>
      %dma_wait3A_492 = tpu.memref_squeeze %dma_wait3A_491 : memref<1x10240x128xf32, #tpu.memory_space<hbm>> -> memref<10240x128xf32, #tpu.memory_space<hbm>>
      %dma_wait3A_493 = arith.constant 0 : i32
      %dma_wait3A_494 = tpu.memref_slice %dma_wait3A_492[%mul3A_2, %dma_wait3A_493] : memref<10240x128xf32, #tpu.memory_space<hbm>> -> memref<640x128xf32, #tpu.memory_space<hbm>>
      %dma_wait3A_495 = arith.constant 0 : i32
      %dma_wait3A_496 = tpu.memref_slice %arg7[%mul3A_2, %dma_wait3A_495] : memref<10240x128xf32, #tpu.memory_space<vmem_shared>> -> memref<640x128xf32, #tpu.memory_space<vmem_shared>>
      tpu.wait_dma2 semaphore(%run_scoped3A : memref<!tpu.dma_semaphore, #tpu.memory_space<semaphore_mem>>) src(%dma_wait3A_496 : memref<640x128xf32, #tpu.memory_space<vmem_shared>>) dst(%dma_wait3A_494 : memref<640x128xf32, #tpu.memory_space<hbm>>)
      tpu.yield
    }) : () -> ()
    return
  }
}

#map = affine_map<(d0, d1) -> (0, 0)>
#map1 = affine_map<(d0, d1) -> (0, 0, 0, 0)>
#map2 = affine_map<(d0, d1) -> (0, 0, 0)>
module attributes {stable_mosaic.version = 14 : i64} {
  func.func @_sc_aggregate(%arg0: i32, %arg1: i32, %arg2: memref<10240x128xf32, #tpu.memory_space<hbm>>, %arg3: memref<32x90x2x112xi32, #tpu.memory_space<hbm>>, %arg4: memref<2x10240x128xf32, #tpu.memory_space<hbm>>, %arg5: memref<2x3x2x112xi32, #tpu.memory_space<vmem>>, %arg6: memref<3x112x128xf32, #tpu.memory_space<vmem>>, %arg7: memref<10240x128xf32, #tpu.memory_space<vmem_shared>>, %arg8: memref<!tpu.dma_semaphore, #tpu.memory_space<semaphore_mem>>, %arg9: memref<!tpu.dma_semaphore, #tpu.memory_space<semaphore_mem>>, %arg10: memref<!tpu.dma_semaphore, #tpu.memory_space<semaphore_mem>>, %arg11: memref<!tpu.dma_semaphore, #tpu.memory_space<semaphore_mem>>, %arg12: memref<!tpu.dma_semaphore, #tpu.memory_space<semaphore_mem>>, %arg13: memref<!tpu.dma_semaphore, #tpu.memory_space<semaphore_mem>>, %arg14: memref<!tpu.dma_semaphore, #tpu.memory_space<semaphore_mem>>, %arg15: memref<!tpu.dma_semaphore, #tpu.memory_space<semaphore_mem>>, %arg16: memref<!tpu.dma_semaphore, #tpu.memory_space<semaphore_mem>>) attributes {dimension_semantics = [#tpu.dimension_semantics<core_parallel>, #tpu.dimension_semantics<subcore_parallel>], iteration_bounds = array<i64: 2, 16>, scalar_prefetch = 0 : i64, scratch_operands = 12 : i64, tpu.core_type = #tpu.core_type<sc_vector_subcore>, window_params = [{transform_indices = #map}, {transform_indices = #map1}, {transform_indices = #map2}]} {
    %mul3A = arith.constant 2 : i32
    %mul3A_0 = arith.muli %arg1, %mul3A : i32
    %add3A = arith.addi %mul3A_0, %arg0 : i32
    %mul3A_1 = arith.constant 640 : i32
    %mul3A_2 = arith.muli %arg1, %mul3A_1 : i32
    %dma_start3A = arith.constant 0 : i32
    %dma_start3A_3 = tpu.memref_slice %arg7[%mul3A_2, %dma_start3A] : memref<10240x128xf32, #tpu.memory_space<vmem_shared>> -> memref<640x128xf32, #tpu.memory_space<vmem_shared>>
    %dma_start3A_4 = arith.constant 0 : i32
    %dma_start3A_5 = tpu.memref_slice %arg2[%mul3A_2, %dma_start3A_4] : memref<10240x128xf32, #tpu.memory_space<hbm>> -> memref<640x128xf32, #tpu.memory_space<hbm>>
    tpu.enqueue_dma source(%dma_start3A_5 : memref<640x128xf32, #tpu.memory_space<hbm>>) target(%dma_start3A_3 : memref<640x128xf32, #tpu.memory_space<vmem_shared>>) target_semaphore(%arg16 : memref<!tpu.dma_semaphore, #tpu.memory_space<semaphore_mem>>)
    %dma_start3A_6 = arith.constant 0 : i32
    %dma_start3A_7 = arith.constant 0 : i32
    %dma_start3A_8 = arith.constant 0 : i32
    %dma_start3A_9 = arith.constant 0 : i32
    %dma_start3A_10 = tpu.memref_slice %arg5[%dma_start3A_6, %dma_start3A_7, %dma_start3A_8, %dma_start3A_9] : memref<2x3x2x112xi32, #tpu.memory_space<vmem>> -> memref<1x3x2x112xi32, #tpu.memory_space<vmem>>
    %dma_start3A_11 = tpu.memref_squeeze %dma_start3A_10 : memref<1x3x2x112xi32, #tpu.memory_space<vmem>> -> memref<3x2x112xi32, #tpu.memory_space<vmem>>
    %dma_start3A_12 = arith.constant 0 : i32
    %dma_start3A_13 = arith.constant 0 : i32
    %dma_start3A_14 = arith.constant 0 : i32
    %dma_start3A_15 = tpu.memref_slice %arg3[%add3A, %dma_start3A_12, %dma_start3A_13, %dma_start3A_14] : memref<32x90x2x112xi32, #tpu.memory_space<hbm>> -> memref<1x90x2x112xi32, #tpu.memory_space<hbm>>
    %dma_start3A_16 = tpu.memref_squeeze %dma_start3A_15 : memref<1x90x2x112xi32, #tpu.memory_space<hbm>> -> memref<90x2x112xi32, #tpu.memory_space<hbm>>
    %dma_start3A_17 = arith.constant 0 : i32
    %dma_start3A_18 = arith.constant 0 : i32
    %dma_start3A_19 = arith.constant 0 : i32
    %dma_start3A_20 = tpu.memref_slice %dma_start3A_16[%dma_start3A_17, %dma_start3A_18, %dma_start3A_19] : memref<90x2x112xi32, #tpu.memory_space<hbm>> -> memref<3x2x112xi32, #tpu.memory_space<hbm>>
    %dma_start3A_21 = arith.constant 0 : i32
    %dma_start3A_22 = arith.constant 0 : i32
    %dma_start3A_23 = arith.constant 0 : i32
    %dma_start3A_24 = tpu.memref_slice %arg5[%dma_start3A_6, %dma_start3A_21, %dma_start3A_22, %dma_start3A_23] : memref<2x3x2x112xi32, #tpu.memory_space<vmem>> -> memref<1x3x2x112xi32, #tpu.memory_space<vmem>>
    %dma_start3A_25 = tpu.memref_squeeze %dma_start3A_24 : memref<1x3x2x112xi32, #tpu.memory_space<vmem>> -> memref<3x2x112xi32, #tpu.memory_space<vmem>>
    %dma_start3A_26 = arith.constant 0 : i32
    %dma_start3A_27 = arith.constant 0 : i32
    %dma_start3A_28 = arith.constant 0 : i32
    %dma_start3A_29 = tpu.memref_slice %arg3[%add3A, %dma_start3A_26, %dma_start3A_27, %dma_start3A_28] : memref<32x90x2x112xi32, #tpu.memory_space<hbm>> -> memref<1x90x2x112xi32, #tpu.memory_space<hbm>>
    %dma_start3A_30 = tpu.memref_squeeze %dma_start3A_29 : memref<1x90x2x112xi32, #tpu.memory_space<hbm>> -> memref<90x2x112xi32, #tpu.memory_space<hbm>>
    %dma_start3A_31 = arith.constant 0 : i32
    %dma_start3A_32 = arith.constant 0 : i32
    %dma_start3A_33 = arith.constant 0 : i32
    %dma_start3A_34 = tpu.memref_slice %dma_start3A_30[%dma_start3A_31, %dma_start3A_32, %dma_start3A_33] : memref<90x2x112xi32, #tpu.memory_space<hbm>> -> memref<3x2x112xi32, #tpu.memory_space<hbm>>
    tpu.enqueue_dma source(%dma_start3A_34 : memref<3x2x112xi32, #tpu.memory_space<hbm>>) target(%dma_start3A_25 : memref<3x2x112xi32, #tpu.memory_space<vmem>>) target_semaphore(%arg8 : memref<!tpu.dma_semaphore, #tpu.memory_space<semaphore_mem>>)
    %dma_wait3A = arith.constant 0 : i32
    %dma_wait3A_35 = arith.constant 0 : i32
    %dma_wait3A_36 = arith.constant 0 : i32
    %dma_wait3A_37 = arith.constant 0 : i32
    %dma_wait3A_38 = arith.constant 0 : i32
    %dma_wait3A_39 = tpu.memref_slice %arg5[%dma_wait3A_35, %dma_wait3A_36, %dma_wait3A_37, %dma_wait3A_38] : memref<2x3x2x112xi32, #tpu.memory_space<vmem>> -> memref<1x3x2x112xi32, #tpu.memory_space<vmem>>
    %dma_wait3A_40 = tpu.memref_squeeze %dma_wait3A_39 : memref<1x3x2x112xi32, #tpu.memory_space<vmem>> -> memref<3x2x112xi32, #tpu.memory_space<vmem>>
    %dma_wait3A_41 = arith.constant 0 : i32
    %dma_wait3A_42 = arith.constant 0 : i32
    %dma_wait3A_43 = arith.constant 0 : i32
    %dma_wait3A_44 = tpu.memref_slice %arg3[%dma_wait3A, %dma_wait3A_41, %dma_wait3A_42, %dma_wait3A_43] : memref<32x90x2x112xi32, #tpu.memory_space<hbm>> -> memref<1x90x2x112xi32, #tpu.memory_space<hbm>>
    %dma_wait3A_45 = tpu.memref_squeeze %dma_wait3A_44 : memref<1x90x2x112xi32, #tpu.memory_space<hbm>> -> memref<90x2x112xi32, #tpu.memory_space<hbm>>
    %dma_wait3A_46 = arith.constant 0 : i32
    %dma_wait3A_47 = arith.constant 0 : i32
    %dma_wait3A_48 = arith.constant 0 : i32
    %dma_wait3A_49 = tpu.memref_slice %dma_wait3A_45[%dma_wait3A_46, %dma_wait3A_47, %dma_wait3A_48] : memref<90x2x112xi32, #tpu.memory_space<hbm>> -> memref<3x2x112xi32, #tpu.memory_space<hbm>>
    %dma_wait3A_50 = arith.constant 0 : i32
    %dma_wait3A_51 = arith.constant 0 : i32
    %dma_wait3A_52 = arith.constant 0 : i32
    %dma_wait3A_53 = tpu.memref_slice %arg5[%dma_wait3A_35, %dma_wait3A_50, %dma_wait3A_51, %dma_wait3A_52] : memref<2x3x2x112xi32, #tpu.memory_space<vmem>> -> memref<1x3x2x112xi32, #tpu.memory_space<vmem>>
    %dma_wait3A_54 = tpu.memref_squeeze %dma_wait3A_53 : memref<1x3x2x112xi32, #tpu.memory_space<vmem>> -> memref<3x2x112xi32, #tpu.memory_space<vmem>>
    %dma_wait3A_55 = arith.constant 0 : i32
    %dma_wait3A_56 = arith.constant 0 : i32
    %dma_wait3A_57 = arith.constant 0 : i32
    %dma_wait3A_58 = tpu.memref_slice %arg3[%dma_wait3A, %dma_wait3A_55, %dma_wait3A_56, %dma_wait3A_57] : memref<32x90x2x112xi32, #tpu.memory_space<hbm>> -> memref<1x90x2x112xi32, #tpu.memory_space<hbm>>
    %dma_wait3A_59 = tpu.memref_squeeze %dma_wait3A_58 : memref<1x90x2x112xi32, #tpu.memory_space<hbm>> -> memref<90x2x112xi32, #tpu.memory_space<hbm>>
    %dma_wait3A_60 = arith.constant 0 : i32
    %dma_wait3A_61 = arith.constant 0 : i32
    %dma_wait3A_62 = arith.constant 0 : i32
    %dma_wait3A_63 = tpu.memref_slice %dma_wait3A_59[%dma_wait3A_60, %dma_wait3A_61, %dma_wait3A_62] : memref<90x2x112xi32, #tpu.memory_space<hbm>> -> memref<3x2x112xi32, #tpu.memory_space<hbm>>
    tpu.wait_dma2 semaphore(%arg8 : memref<!tpu.dma_semaphore, #tpu.memory_space<semaphore_mem>>) src(%dma_wait3A_63 : memref<3x2x112xi32, #tpu.memory_space<hbm>>) dst(%dma_wait3A_54 : memref<3x2x112xi32, #tpu.memory_space<vmem>>)
    %dma_start3A_64 = arith.constant 0 : i32
    %dma_start3A_65 = arith.constant 0 : i32
    %dma_start3A_66 = arith.constant 0 : i32
    %dma_start3A_67 = arith.constant 0 : i32
    %dma_start3A_68 = arith.constant 0 : i32
    %dma_start3A_69 = arith.constant 0 : i32
    %dma_start3A_70 = tpu.memref_slice %arg6[%dma_start3A_67, %dma_start3A_68, %dma_start3A_69] : memref<3x112x128xf32, #tpu.memory_space<vmem>> -> memref<1x112x128xf32, #tpu.memory_space<vmem>>
    %dma_start3A_71 = tpu.memref_squeeze %dma_start3A_70 : memref<1x112x128xf32, #tpu.memory_space<vmem>> -> memref<112x128xf32, #tpu.memory_space<vmem>>
    %dma_start3A_72 = arith.constant 0 : i32
    %dma_start3A_73 = tpu.memref_slice %arg5[%dma_start3A_64, %dma_start3A_65, %dma_start3A_66, %dma_start3A_72] : memref<2x3x2x112xi32, #tpu.memory_space<vmem>> -> memref<1x1x1x112xi32, #tpu.memory_space<vmem>>
    %dma_start3A_74 = tpu.memref_squeeze %dma_start3A_73 : memref<1x1x1x112xi32, #tpu.memory_space<vmem>> -> memref<112xi32, #tpu.memory_space<vmem>>
    %dma_start3A_75 = arith.constant 0 : i32
    %dma_start3A_76 = arith.constant 0 : i32
    %dma_start3A_77 = tpu.memref_slice %arg2[%dma_start3A_75, %dma_start3A_76] : memref<10240x128xf32, #tpu.memory_space<hbm>> -> memref<10240x128xf32, #tpu.memory_space<hbm>>
    tpu.enqueue_indirect_dma source(%dma_start3A_77 : memref<10240x128xf32, #tpu.memory_space<hbm>>) target(%dma_start3A_71 : memref<112x128xf32, #tpu.memory_space<vmem>>) offsets(%dma_start3A_74 : memref<112xi32, #tpu.memory_space<vmem>>) semaphore(%arg10 : memref<!tpu.dma_semaphore, #tpu.memory_space<semaphore_mem>>)
    %dma_start3A_78 = arith.constant 0 : i32
    %dma_start3A_79 = arith.constant 1 : i32
    %dma_start3A_80 = arith.constant 0 : i32
    %dma_start3A_81 = arith.constant 1 : i32
    %dma_start3A_82 = arith.constant 0 : i32
    %dma_start3A_83 = arith.constant 0 : i32
    %dma_start3A_84 = tpu.memref_slice %arg6[%dma_start3A_81, %dma_start3A_82, %dma_start3A_83] : memref<3x112x128xf32, #tpu.memory_space<vmem>> -> memref<1x112x128xf32, #tpu.memory_space<vmem>>
    %dma_start3A_85 = tpu.memref_squeeze %dma_start3A_84 : memref<1x112x128xf32, #tpu.memory_space<vmem>> -> memref<112x128xf32, #tpu.memory_space<vmem>>
    %dma_start3A_86 = arith.constant 0 : i32
    %dma_start3A_87 = tpu.memref_slice %arg5[%dma_start3A_78, %dma_start3A_79, %dma_start3A_80, %dma_start3A_86] : memref<2x3x2x112xi32, #tpu.memory_space<vmem>> -> memref<1x1x1x112xi32, #tpu.memory_space<vmem>>
    %dma_start3A_88 = tpu.memref_squeeze %dma_start3A_87 : memref<1x1x1x112xi32, #tpu.memory_space<vmem>> -> memref<112xi32, #tpu.memory_space<vmem>>
    %dma_start3A_89 = arith.constant 0 : i32
    %dma_start3A_90 = arith.constant 0 : i32
    %dma_start3A_91 = tpu.memref_slice %arg2[%dma_start3A_89, %dma_start3A_90] : memref<10240x128xf32, #tpu.memory_space<hbm>> -> memref<10240x128xf32, #tpu.memory_space<hbm>>
    tpu.enqueue_indirect_dma source(%dma_start3A_91 : memref<10240x128xf32, #tpu.memory_space<hbm>>) target(%dma_start3A_85 : memref<112x128xf32, #tpu.memory_space<vmem>>) offsets(%dma_start3A_88 : memref<112xi32, #tpu.memory_space<vmem>>) semaphore(%arg11 : memref<!tpu.dma_semaphore, #tpu.memory_space<semaphore_mem>>)
    %dma_start3A_92 = arith.constant 0 : i32
    %dma_start3A_93 = arith.constant 2 : i32
    %dma_start3A_94 = arith.constant 0 : i32
    %dma_start3A_95 = arith.constant 2 : i32
    %dma_start3A_96 = arith.constant 0 : i32
    %dma_start3A_97 = arith.constant 0 : i32
    %dma_start3A_98 = tpu.memref_slice %arg6[%dma_start3A_95, %dma_start3A_96, %dma_start3A_97] : memref<3x112x128xf32, #tpu.memory_space<vmem>> -> memref<1x112x128xf32, #tpu.memory_space<vmem>>
    %dma_start3A_99 = tpu.memref_squeeze %dma_start3A_98 : memref<1x112x128xf32, #tpu.memory_space<vmem>> -> memref<112x128xf32, #tpu.memory_space<vmem>>
    %dma_start3A_100 = arith.constant 0 : i32
    %dma_start3A_101 = tpu.memref_slice %arg5[%dma_start3A_92, %dma_start3A_93, %dma_start3A_94, %dma_start3A_100] : memref<2x3x2x112xi32, #tpu.memory_space<vmem>> -> memref<1x1x1x112xi32, #tpu.memory_space<vmem>>
    %dma_start3A_102 = tpu.memref_squeeze %dma_start3A_101 : memref<1x1x1x112xi32, #tpu.memory_space<vmem>> -> memref<112xi32, #tpu.memory_space<vmem>>
    %dma_start3A_103 = arith.constant 0 : i32
    %dma_start3A_104 = arith.constant 0 : i32
    %dma_start3A_105 = tpu.memref_slice %arg2[%dma_start3A_103, %dma_start3A_104] : memref<10240x128xf32, #tpu.memory_space<hbm>> -> memref<10240x128xf32, #tpu.memory_space<hbm>>
    tpu.enqueue_indirect_dma source(%dma_start3A_105 : memref<10240x128xf32, #tpu.memory_space<hbm>>) target(%dma_start3A_99 : memref<112x128xf32, #tpu.memory_space<vmem>>) offsets(%dma_start3A_102 : memref<112xi32, #tpu.memory_space<vmem>>) semaphore(%arg12 : memref<!tpu.dma_semaphore, #tpu.memory_space<semaphore_mem>>)
    %dma_start3A_106 = arith.constant 1 : i32
    %dma_start3A_107 = arith.constant 0 : i32
    %dma_start3A_108 = arith.constant 0 : i32
    %dma_start3A_109 = arith.constant 0 : i32
    %dma_start3A_110 = tpu.memref_slice %arg5[%dma_start3A_106, %dma_start3A_107, %dma_start3A_108, %dma_start3A_109] : memref<2x3x2x112xi32, #tpu.memory_space<vmem>> -> memref<1x3x2x112xi32, #tpu.memory_space<vmem>>
    %dma_start3A_111 = tpu.memref_squeeze %dma_start3A_110 : memref<1x3x2x112xi32, #tpu.memory_space<vmem>> -> memref<3x2x112xi32, #tpu.memory_space<vmem>>
    %dma_start3A_112 = arith.constant 0 : i32
    %dma_start3A_113 = arith.constant 0 : i32
    %dma_start3A_114 = arith.constant 0 : i32
    %dma_start3A_115 = tpu.memref_slice %arg3[%add3A, %dma_start3A_112, %dma_start3A_113, %dma_start3A_114] : memref<32x90x2x112xi32, #tpu.memory_space<hbm>> -> memref<1x90x2x112xi32, #tpu.memory_space<hbm>>
    %dma_start3A_116 = tpu.memref_squeeze %dma_start3A_115 : memref<1x90x2x112xi32, #tpu.memory_space<hbm>> -> memref<90x2x112xi32, #tpu.memory_space<hbm>>
    %dma_start3A_117 = arith.constant 3 : i32
    %dma_start3A_118 = arith.constant 0 : i32
    %dma_start3A_119 = arith.constant 0 : i32
    %dma_start3A_120 = tpu.memref_slice %dma_start3A_116[%dma_start3A_117, %dma_start3A_118, %dma_start3A_119] : memref<90x2x112xi32, #tpu.memory_space<hbm>> -> memref<3x2x112xi32, #tpu.memory_space<hbm>>
    %dma_start3A_121 = arith.constant 0 : i32
    %dma_start3A_122 = arith.constant 0 : i32
    %dma_start3A_123 = arith.constant 0 : i32
    %dma_start3A_124 = tpu.memref_slice %arg5[%dma_start3A_106, %dma_start3A_121, %dma_start3A_122, %dma_start3A_123] : memref<2x3x2x112xi32, #tpu.memory_space<vmem>> -> memref<1x3x2x112xi32, #tpu.memory_space<vmem>>
    %dma_start3A_125 = tpu.memref_squeeze %dma_start3A_124 : memref<1x3x2x112xi32, #tpu.memory_space<vmem>> -> memref<3x2x112xi32, #tpu.memory_space<vmem>>
    %dma_start3A_126 = arith.constant 0 : i32
    %dma_start3A_127 = arith.constant 0 : i32
    %dma_start3A_128 = arith.constant 0 : i32
    %dma_start3A_129 = tpu.memref_slice %arg3[%add3A, %dma_start3A_126, %dma_start3A_127, %dma_start3A_128] : memref<32x90x2x112xi32, #tpu.memory_space<hbm>> -> memref<1x90x2x112xi32, #tpu.memory_space<hbm>>
    %dma_start3A_130 = tpu.memref_squeeze %dma_start3A_129 : memref<1x90x2x112xi32, #tpu.memory_space<hbm>> -> memref<90x2x112xi32, #tpu.memory_space<hbm>>
    %dma_start3A_131 = arith.constant 3 : i32
    %dma_start3A_132 = arith.constant 0 : i32
    %dma_start3A_133 = arith.constant 0 : i32
    %dma_start3A_134 = tpu.memref_slice %dma_start3A_130[%dma_start3A_131, %dma_start3A_132, %dma_start3A_133] : memref<90x2x112xi32, #tpu.memory_space<hbm>> -> memref<3x2x112xi32, #tpu.memory_space<hbm>>
    tpu.enqueue_dma source(%dma_start3A_134 : memref<3x2x112xi32, #tpu.memory_space<hbm>>) target(%dma_start3A_125 : memref<3x2x112xi32, #tpu.memory_space<vmem>>) target_semaphore(%arg9 : memref<!tpu.dma_semaphore, #tpu.memory_space<semaphore_mem>>)
    %dma_wait3A_135 = arith.constant 0 : i32
    %dma_wait3A_136 = tpu.memref_slice %arg7[%mul3A_2, %dma_wait3A_135] : memref<10240x128xf32, #tpu.memory_space<vmem_shared>> -> memref<640x128xf32, #tpu.memory_space<vmem_shared>>
    %dma_wait3A_137 = arith.constant 0 : i32
    %dma_wait3A_138 = tpu.memref_slice %arg2[%mul3A_2, %dma_wait3A_137] : memref<10240x128xf32, #tpu.memory_space<hbm>> -> memref<640x128xf32, #tpu.memory_space<hbm>>
    tpu.wait_dma2 semaphore(%arg16 : memref<!tpu.dma_semaphore, #tpu.memory_space<semaphore_mem>>) src(%dma_wait3A_138 : memref<640x128xf32, #tpu.memory_space<hbm>>) dst(%dma_wait3A_136 : memref<640x128xf32, #tpu.memory_space<vmem_shared>>)
    %barrier3A = arith.constant 0 : index
    tpu.barrier barrier_id(%barrier3A)
    %scan3A = arith.constant 0 : i32
    %scan3A_139 = arith.constant 0 : i32
    %scan3A_140 = arith.constant 14 : i32
    %scan3A_141 = arith.addi %scan3A_139, %scan3A_140 : i32
    %scan3A_142 = arith.constant 1 : i32
    scf.for %scan3A_481 = %scan3A_139 to %scan3A_141 step %scan3A_142  : i32 {
      %mul3A_482 = arith.constant 2 : i32
      %mul3A_483 = arith.muli %mul3A_482, %scan3A_481 : i32
      %dma_wait3A_484 = arith.constant 0 : i32
      %dma_wait3A_485 = arith.constant 0 : i32
      %dma_wait3A_486 = arith.constant 0 : i32
      %dma_wait3A_487 = tpu.memref_slice %arg6[%dma_wait3A_484, %dma_wait3A_485, %dma_wait3A_486] : memref<3x112x128xf32, #tpu.memory_space<vmem>> -> memref<1x112x128xf32, #tpu.memory_space<vmem>>
      %dma_wait3A_488 = tpu.memref_squeeze %dma_wait3A_487 : memref<1x112x128xf32, #tpu.memory_space<vmem>> -> memref<112x128xf32, #tpu.memory_space<vmem>>
      %dma_wait3A_489 = arith.constant 0 : i32
      %dma_wait3A_490 = arith.constant 0 : i32
      %dma_wait3A_491 = tpu.memref_slice %arg2[%dma_wait3A_489, %dma_wait3A_490] : memref<10240x128xf32, #tpu.memory_space<hbm>> -> memref<112x128xf32, #tpu.memory_space<hbm>>
      %dma_wait3A_492 = arith.constant 0 : i32
      %dma_wait3A_493 = arith.constant 0 : i32
      %dma_wait3A_494 = tpu.memref_slice %arg6[%dma_wait3A_484, %dma_wait3A_492, %dma_wait3A_493] : memref<3x112x128xf32, #tpu.memory_space<vmem>> -> memref<1x112x128xf32, #tpu.memory_space<vmem>>
      %dma_wait3A_495 = tpu.memref_squeeze %dma_wait3A_494 : memref<1x112x128xf32, #tpu.memory_space<vmem>> -> memref<112x128xf32, #tpu.memory_space<vmem>>
      %dma_wait3A_496 = arith.constant 0 : i32
      %dma_wait3A_497 = arith.constant 0 : i32
      %dma_wait3A_498 = tpu.memref_slice %arg2[%dma_wait3A_496, %dma_wait3A_497] : memref<10240x128xf32, #tpu.memory_space<hbm>> -> memref<112x128xf32, #tpu.memory_space<hbm>>
      tpu.wait_dma2 semaphore(%arg10 : memref<!tpu.dma_semaphore, #tpu.memory_space<semaphore_mem>>) src(%dma_wait3A_498 : memref<112x128xf32, #tpu.memory_space<hbm>>) dst(%dma_wait3A_495 : memref<112x128xf32, #tpu.memory_space<vmem>>)
      %dma_start3A_499 = arith.constant 0 : i32
      %dma_start3A_500 = arith.constant 0 : i32
      %dma_start3A_501 = arith.constant 0 : i32
      %dma_start3A_502 = arith.constant 1 : i32
      %dma_start3A_503 = arith.constant 0 : i32
      %dma_start3A_504 = arith.constant 0 : i32
      %dma_start3A_505 = tpu.memref_slice %arg6[%dma_start3A_499, %dma_start3A_503, %dma_start3A_504] : memref<3x112x128xf32, #tpu.memory_space<vmem>> -> memref<1x112x128xf32, #tpu.memory_space<vmem>>
      %dma_start3A_506 = tpu.memref_squeeze %dma_start3A_505 : memref<1x112x128xf32, #tpu.memory_space<vmem>> -> memref<112x128xf32, #tpu.memory_space<vmem>>
      %dma_start3A_507 = arith.constant 0 : i32
      %dma_start3A_508 = tpu.memref_slice %arg5[%dma_start3A_500, %dma_start3A_501, %dma_start3A_502, %dma_start3A_507] : memref<2x3x2x112xi32, #tpu.memory_space<vmem>> -> memref<1x1x1x112xi32, #tpu.memory_space<vmem>>
      %dma_start3A_509 = tpu.memref_squeeze %dma_start3A_508 : memref<1x1x1x112xi32, #tpu.memory_space<vmem>> -> memref<112xi32, #tpu.memory_space<vmem>>
      %dma_start3A_510 = arith.constant 0 : i32
      %dma_start3A_511 = arith.constant 0 : i32
      %dma_start3A_512 = tpu.memref_slice %arg7[%dma_start3A_510, %dma_start3A_511] : memref<10240x128xf32, #tpu.memory_space<vmem_shared>> -> memref<10240x128xf32, #tpu.memory_space<vmem_shared>>
      tpu.enqueue_indirect_dma source(%dma_start3A_506 : memref<112x128xf32, #tpu.memory_space<vmem>>) target(%dma_start3A_512 : memref<10240x128xf32, #tpu.memory_space<vmem_shared>>) offsets(%dma_start3A_509 : memref<112xi32, #tpu.memory_space<vmem>>) semaphore(%arg13 : memref<!tpu.dma_semaphore, #tpu.memory_space<semaphore_mem>>) {add = true}
      %dma_wait3A_513 = arith.constant 1 : i32
      %dma_wait3A_514 = arith.constant 0 : i32
      %dma_wait3A_515 = arith.constant 0 : i32
      %dma_wait3A_516 = tpu.memref_slice %arg6[%dma_wait3A_513, %dma_wait3A_514, %dma_wait3A_515] : memref<3x112x128xf32, #tpu.memory_space<vmem>> -> memref<1x112x128xf32, #tpu.memory_space<vmem>>
      %dma_wait3A_517 = tpu.memref_squeeze %dma_wait3A_516 : memref<1x112x128xf32, #tpu.memory_space<vmem>> -> memref<112x128xf32, #tpu.memory_space<vmem>>
      %dma_wait3A_518 = arith.constant 0 : i32
      %dma_wait3A_519 = arith.constant 0 : i32
      %dma_wait3A_520 = tpu.memref_slice %arg2[%dma_wait3A_518, %dma_wait3A_519] : memref<10240x128xf32, #tpu.memory_space<hbm>> -> memref<112x128xf32, #tpu.memory_space<hbm>>
      %dma_wait3A_521 = arith.constant 0 : i32
      %dma_wait3A_522 = arith.constant 0 : i32
      %dma_wait3A_523 = tpu.memref_slice %arg6[%dma_wait3A_513, %dma_wait3A_521, %dma_wait3A_522] : memref<3x112x128xf32, #tpu.memory_space<vmem>> -> memref<1x112x128xf32, #tpu.memory_space<vmem>>
      %dma_wait3A_524 = tpu.memref_squeeze %dma_wait3A_523 : memref<1x112x128xf32, #tpu.memory_space<vmem>> -> memref<112x128xf32, #tpu.memory_space<vmem>>
      %dma_wait3A_525 = arith.constant 0 : i32
      %dma_wait3A_526 = arith.constant 0 : i32
      %dma_wait3A_527 = tpu.memref_slice %arg2[%dma_wait3A_525, %dma_wait3A_526] : memref<10240x128xf32, #tpu.memory_space<hbm>> -> memref<112x128xf32, #tpu.memory_space<hbm>>
      tpu.wait_dma2 semaphore(%arg11 : memref<!tpu.dma_semaphore, #tpu.memory_space<semaphore_mem>>) src(%dma_wait3A_527 : memref<112x128xf32, #tpu.memory_space<hbm>>) dst(%dma_wait3A_524 : memref<112x128xf32, #tpu.memory_space<vmem>>)
      %dma_start3A_528 = arith.constant 1 : i32
      %dma_start3A_529 = arith.constant 0 : i32
      %dma_start3A_530 = arith.constant 1 : i32
      %dma_start3A_531 = arith.constant 1 : i32
      %dma_start3A_532 = arith.constant 0 : i32
      %dma_start3A_533 = arith.constant 0 : i32
      %dma_start3A_534 = tpu.memref_slice %arg6[%dma_start3A_528, %dma_start3A_532, %dma_start3A_533] : memref<3x112x128xf32, #tpu.memory_space<vmem>> -> memref<1x112x128xf32, #tpu.memory_space<vmem>>
      %dma_start3A_535 = tpu.memref_squeeze %dma_start3A_534 : memref<1x112x128xf32, #tpu.memory_space<vmem>> -> memref<112x128xf32, #tpu.memory_space<vmem>>
      %dma_start3A_536 = arith.constant 0 : i32
      %dma_start3A_537 = tpu.memref_slice %arg5[%dma_start3A_529, %dma_start3A_530, %dma_start3A_531, %dma_start3A_536] : memref<2x3x2x112xi32, #tpu.memory_space<vmem>> -> memref<1x1x1x112xi32, #tpu.memory_space<vmem>>
      %dma_start3A_538 = tpu.memref_squeeze %dma_start3A_537 : memref<1x1x1x112xi32, #tpu.memory_space<vmem>> -> memref<112xi32, #tpu.memory_space<vmem>>
      %dma_start3A_539 = arith.constant 0 : i32
      %dma_start3A_540 = arith.constant 0 : i32
      %dma_start3A_541 = tpu.memref_slice %arg7[%dma_start3A_539, %dma_start3A_540] : memref<10240x128xf32, #tpu.memory_space<vmem_shared>> -> memref<10240x128xf32, #tpu.memory_space<vmem_shared>>
      tpu.enqueue_indirect_dma source(%dma_start3A_535 : memref<112x128xf32, #tpu.memory_space<vmem>>) target(%dma_start3A_541 : memref<10240x128xf32, #tpu.memory_space<vmem_shared>>) offsets(%dma_start3A_538 : memref<112xi32, #tpu.memory_space<vmem>>) semaphore(%arg14 : memref<!tpu.dma_semaphore, #tpu.memory_space<semaphore_mem>>) {add = true}
      %dma_wait3A_542 = arith.constant 2 : i32
      %dma_wait3A_543 = arith.constant 0 : i32
      %dma_wait3A_544 = arith.constant 0 : i32
      %dma_wait3A_545 = tpu.memref_slice %arg6[%dma_wait3A_542, %dma_wait3A_543, %dma_wait3A_544] : memref<3x112x128xf32, #tpu.memory_space<vmem>> -> memref<1x112x128xf32, #tpu.memory_space<vmem>>
      %dma_wait3A_546 = tpu.memref_squeeze %dma_wait3A_545 : memref<1x112x128xf32, #tpu.memory_space<vmem>> -> memref<112x128xf32, #tpu.memory_space<vmem>>
      %dma_wait3A_547 = arith.constant 0 : i32
      %dma_wait3A_548 = arith.constant 0 : i32
      %dma_wait3A_549 = tpu.memref_slice %arg2[%dma_wait3A_547, %dma_wait3A_548] : memref<10240x128xf32, #tpu.memory_space<hbm>> -> memref<112x128xf32, #tpu.memory_space<hbm>>
      %dma_wait3A_550 = arith.constant 0 : i32
      %dma_wait3A_551 = arith.constant 0 : i32
      %dma_wait3A_552 = tpu.memref_slice %arg6[%dma_wait3A_542, %dma_wait3A_550, %dma_wait3A_551] : memref<3x112x128xf32, #tpu.memory_space<vmem>> -> memref<1x112x128xf32, #tpu.memory_space<vmem>>
      %dma_wait3A_553 = tpu.memref_squeeze %dma_wait3A_552 : memref<1x112x128xf32, #tpu.memory_space<vmem>> -> memref<112x128xf32, #tpu.memory_space<vmem>>
      %dma_wait3A_554 = arith.constant 0 : i32
      %dma_wait3A_555 = arith.constant 0 : i32
      %dma_wait3A_556 = tpu.memref_slice %arg2[%dma_wait3A_554, %dma_wait3A_555] : memref<10240x128xf32, #tpu.memory_space<hbm>> -> memref<112x128xf32, #tpu.memory_space<hbm>>
      tpu.wait_dma2 semaphore(%arg12 : memref<!tpu.dma_semaphore, #tpu.memory_space<semaphore_mem>>) src(%dma_wait3A_556 : memref<112x128xf32, #tpu.memory_space<hbm>>) dst(%dma_wait3A_553 : memref<112x128xf32, #tpu.memory_space<vmem>>)
      %dma_start3A_557 = arith.constant 2 : i32
      %dma_start3A_558 = arith.constant 0 : i32
      %dma_start3A_559 = arith.constant 2 : i32
      %dma_start3A_560 = arith.constant 1 : i32
      %dma_start3A_561 = arith.constant 0 : i32
      %dma_start3A_562 = arith.constant 0 : i32
      %dma_start3A_563 = tpu.memref_slice %arg6[%dma_start3A_557, %dma_start3A_561, %dma_start3A_562] : memref<3x112x128xf32, #tpu.memory_space<vmem>> -> memref<1x112x128xf32, #tpu.memory_space<vmem>>
      %dma_start3A_564 = tpu.memref_squeeze %dma_start3A_563 : memref<1x112x128xf32, #tpu.memory_space<vmem>> -> memref<112x128xf32, #tpu.memory_space<vmem>>
      %dma_start3A_565 = arith.constant 0 : i32
      %dma_start3A_566 = tpu.memref_slice %arg5[%dma_start3A_558, %dma_start3A_559, %dma_start3A_560, %dma_start3A_565] : memref<2x3x2x112xi32, #tpu.memory_space<vmem>> -> memref<1x1x1x112xi32, #tpu.memory_space<vmem>>
      %dma_start3A_567 = tpu.memref_squeeze %dma_start3A_566 : memref<1x1x1x112xi32, #tpu.memory_space<vmem>> -> memref<112xi32, #tpu.memory_space<vmem>>
      %dma_start3A_568 = arith.constant 0 : i32
      %dma_start3A_569 = arith.constant 0 : i32
      %dma_start3A_570 = tpu.memref_slice %arg7[%dma_start3A_568, %dma_start3A_569] : memref<10240x128xf32, #tpu.memory_space<vmem_shared>> -> memref<10240x128xf32, #tpu.memory_space<vmem_shared>>
      tpu.enqueue_indirect_dma source(%dma_start3A_564 : memref<112x128xf32, #tpu.memory_space<vmem>>) target(%dma_start3A_570 : memref<10240x128xf32, #tpu.memory_space<vmem_shared>>) offsets(%dma_start3A_567 : memref<112xi32, #tpu.memory_space<vmem>>) semaphore(%arg15 : memref<!tpu.dma_semaphore, #tpu.memory_space<semaphore_mem>>) {add = true}
      %dma_wait3A_571 = arith.constant 0 : i32
      %dma_wait3A_572 = arith.constant 0 : i32
      %dma_wait3A_573 = arith.constant 0 : i32
      %dma_wait3A_574 = tpu.memref_slice %arg6[%dma_wait3A_571, %dma_wait3A_572, %dma_wait3A_573] : memref<3x112x128xf32, #tpu.memory_space<vmem>> -> memref<1x112x128xf32, #tpu.memory_space<vmem>>
      %dma_wait3A_575 = tpu.memref_squeeze %dma_wait3A_574 : memref<1x112x128xf32, #tpu.memory_space<vmem>> -> memref<112x128xf32, #tpu.memory_space<vmem>>
      %dma_wait3A_576 = arith.constant 0 : i32
      %dma_wait3A_577 = arith.constant 0 : i32
      %dma_wait3A_578 = tpu.memref_slice %arg7[%dma_wait3A_576, %dma_wait3A_577] : memref<10240x128xf32, #tpu.memory_space<vmem_shared>> -> memref<112x128xf32, #tpu.memory_space<vmem_shared>>
      %dma_wait3A_579 = arith.constant 0 : i32
      %dma_wait3A_580 = arith.constant 0 : i32
      %dma_wait3A_581 = tpu.memref_slice %arg7[%dma_wait3A_579, %dma_wait3A_580] : memref<10240x128xf32, #tpu.memory_space<vmem_shared>> -> memref<112x128xf32, #tpu.memory_space<vmem_shared>>
      %dma_wait3A_582 = arith.constant 0 : i32
      %dma_wait3A_583 = arith.constant 0 : i32
      %dma_wait3A_584 = tpu.memref_slice %arg6[%dma_wait3A_571, %dma_wait3A_582, %dma_wait3A_583] : memref<3x112x128xf32, #tpu.memory_space<vmem>> -> memref<1x112x128xf32, #tpu.memory_space<vmem>>
      %dma_wait3A_585 = tpu.memref_squeeze %dma_wait3A_584 : memref<1x112x128xf32, #tpu.memory_space<vmem>> -> memref<112x128xf32, #tpu.memory_space<vmem>>
      tpu.wait_dma2 semaphore(%arg13 : memref<!tpu.dma_semaphore, #tpu.memory_space<semaphore_mem>>) src(%dma_wait3A_585 : memref<112x128xf32, #tpu.memory_space<vmem>>) dst(%dma_wait3A_581 : memref<112x128xf32, #tpu.memory_space<vmem_shared>>)
      %dma_wait3A_586 = arith.constant 1 : i32
      %dma_wait3A_587 = arith.constant 0 : i32
      %dma_wait3A_588 = arith.constant 0 : i32
      %dma_wait3A_589 = tpu.memref_slice %arg6[%dma_wait3A_586, %dma_wait3A_587, %dma_wait3A_588] : memref<3x112x128xf32, #tpu.memory_space<vmem>> -> memref<1x112x128xf32, #tpu.memory_space<vmem>>
      %dma_wait3A_590 = tpu.memref_squeeze %dma_wait3A_589 : memref<1x112x128xf32, #tpu.memory_space<vmem>> -> memref<112x128xf32, #tpu.memory_space<vmem>>
      %dma_wait3A_591 = arith.constant 0 : i32
      %dma_wait3A_592 = arith.constant 0 : i32
      %dma_wait3A_593 = tpu.memref_slice %arg7[%dma_wait3A_591, %dma_wait3A_592] : memref<10240x128xf32, #tpu.memory_space<vmem_shared>> -> memref<112x128xf32, #tpu.memory_space<vmem_shared>>
      %dma_wait3A_594 = arith.constant 0 : i32
      %dma_wait3A_595 = arith.constant 0 : i32
      %dma_wait3A_596 = tpu.memref_slice %arg7[%dma_wait3A_594, %dma_wait3A_595] : memref<10240x128xf32, #tpu.memory_space<vmem_shared>> -> memref<112x128xf32, #tpu.memory_space<vmem_shared>>
      %dma_wait3A_597 = arith.constant 0 : i32
      %dma_wait3A_598 = arith.constant 0 : i32
      %dma_wait3A_599 = tpu.memref_slice %arg6[%dma_wait3A_586, %dma_wait3A_597, %dma_wait3A_598] : memref<3x112x128xf32, #tpu.memory_space<vmem>> -> memref<1x112x128xf32, #tpu.memory_space<vmem>>
      %dma_wait3A_600 = tpu.memref_squeeze %dma_wait3A_599 : memref<1x112x128xf32, #tpu.memory_space<vmem>> -> memref<112x128xf32, #tpu.memory_space<vmem>>
      tpu.wait_dma2 semaphore(%arg14 : memref<!tpu.dma_semaphore, #tpu.memory_space<semaphore_mem>>) src(%dma_wait3A_600 : memref<112x128xf32, #tpu.memory_space<vmem>>) dst(%dma_wait3A_596 : memref<112x128xf32, #tpu.memory_space<vmem_shared>>)
      %dma_wait3A_601 = arith.constant 2 : i32
      %dma_wait3A_602 = arith.constant 0 : i32
      %dma_wait3A_603 = arith.constant 0 : i32
      %dma_wait3A_604 = tpu.memref_slice %arg6[%dma_wait3A_601, %dma_wait3A_602, %dma_wait3A_603] : memref<3x112x128xf32, #tpu.memory_space<vmem>> -> memref<1x112x128xf32, #tpu.memory_space<vmem>>
      %dma_wait3A_605 = tpu.memref_squeeze %dma_wait3A_604 : memref<1x112x128xf32, #tpu.memory_space<vmem>> -> memref<112x128xf32, #tpu.memory_space<vmem>>
      %dma_wait3A_606 = arith.constant 0 : i32
      %dma_wait3A_607 = arith.constant 0 : i32
      %dma_wait3A_608 = tpu.memref_slice %arg7[%dma_wait3A_606, %dma_wait3A_607] : memref<10240x128xf32, #tpu.memory_space<vmem_shared>> -> memref<112x128xf32, #tpu.memory_space<vmem_shared>>
      %dma_wait3A_609 = arith.constant 0 : i32
      %dma_wait3A_610 = arith.constant 0 : i32
      %dma_wait3A_611 = tpu.memref_slice %arg7[%dma_wait3A_609, %dma_wait3A_610] : memref<10240x128xf32, #tpu.memory_space<vmem_shared>> -> memref<112x128xf32, #tpu.memory_space<vmem_shared>>
      %dma_wait3A_612 = arith.constant 0 : i32
      %dma_wait3A_613 = arith.constant 0 : i32
      %dma_wait3A_614 = tpu.memref_slice %arg6[%dma_wait3A_601, %dma_wait3A_612, %dma_wait3A_613] : memref<3x112x128xf32, #tpu.memory_space<vmem>> -> memref<1x112x128xf32, #tpu.memory_space<vmem>>
      %dma_wait3A_615 = tpu.memref_squeeze %dma_wait3A_614 : memref<1x112x128xf32, #tpu.memory_space<vmem>> -> memref<112x128xf32, #tpu.memory_space<vmem>>
      tpu.wait_dma2 semaphore(%arg15 : memref<!tpu.dma_semaphore, #tpu.memory_space<semaphore_mem>>) src(%dma_wait3A_615 : memref<112x128xf32, #tpu.memory_space<vmem>>) dst(%dma_wait3A_611 : memref<112x128xf32, #tpu.memory_space<vmem_shared>>)
      %add3A_616 = arith.constant 2 : i32
      %add3A_617 = arith.addi %mul3A_483, %add3A_616 : i32
      %mul3A_618 = arith.constant 3 : i32
      %mul3A_619 = arith.muli %add3A_617, %mul3A_618 : i32
      %dma_start3A_620 = arith.constant 0 : i32
      %dma_start3A_621 = arith.constant 0 : i32
      %dma_start3A_622 = arith.constant 0 : i32
      %dma_start3A_623 = arith.constant 0 : i32
      %dma_start3A_624 = tpu.memref_slice %arg5[%dma_start3A_620, %dma_start3A_621, %dma_start3A_622, %dma_start3A_623] : memref<2x3x2x112xi32, #tpu.memory_space<vmem>> -> memref<1x3x2x112xi32, #tpu.memory_space<vmem>>
      %dma_start3A_625 = tpu.memref_squeeze %dma_start3A_624 : memref<1x3x2x112xi32, #tpu.memory_space<vmem>> -> memref<3x2x112xi32, #tpu.memory_space<vmem>>
      %dma_start3A_626 = arith.constant 0 : i32
      %dma_start3A_627 = arith.constant 0 : i32
      %dma_start3A_628 = arith.constant 0 : i32
      %dma_start3A_629 = tpu.memref_slice %arg3[%add3A, %dma_start3A_626, %dma_start3A_627, %dma_start3A_628] : memref<32x90x2x112xi32, #tpu.memory_space<hbm>> -> memref<1x90x2x112xi32, #tpu.memory_space<hbm>>
      %dma_start3A_630 = tpu.memref_squeeze %dma_start3A_629 : memref<1x90x2x112xi32, #tpu.memory_space<hbm>> -> memref<90x2x112xi32, #tpu.memory_space<hbm>>
      %dma_start3A_631 = arith.constant 0 : i32
      %dma_start3A_632 = arith.constant 0 : i32
      %dma_start3A_633 = tpu.memref_slice %dma_start3A_630[%mul3A_619, %dma_start3A_631, %dma_start3A_632] : memref<90x2x112xi32, #tpu.memory_space<hbm>> -> memref<3x2x112xi32, #tpu.memory_space<hbm>>
      %dma_start3A_634 = arith.constant 0 : i32
      %dma_start3A_635 = arith.constant 0 : i32
      %dma_start3A_636 = arith.constant 0 : i32
      %dma_start3A_637 = tpu.memref_slice %arg5[%dma_start3A_620, %dma_start3A_634, %dma_start3A_635, %dma_start3A_636] : memref<2x3x2x112xi32, #tpu.memory_space<vmem>> -> memref<1x3x2x112xi32, #tpu.memory_space<vmem>>
      %dma_start3A_638 = tpu.memref_squeeze %dma_start3A_637 : memref<1x3x2x112xi32, #tpu.memory_space<vmem>> -> memref<3x2x112xi32, #tpu.memory_space<vmem>>
      %dma_start3A_639 = arith.constant 0 : i32
      %dma_start3A_640 = arith.constant 0 : i32
      %dma_start3A_641 = arith.constant 0 : i32
      %dma_start3A_642 = tpu.memref_slice %arg3[%add3A, %dma_start3A_639, %dma_start3A_640, %dma_start3A_641] : memref<32x90x2x112xi32, #tpu.memory_space<hbm>> -> memref<1x90x2x112xi32, #tpu.memory_space<hbm>>
      %dma_start3A_643 = tpu.memref_squeeze %dma_start3A_642 : memref<1x90x2x112xi32, #tpu.memory_space<hbm>> -> memref<90x2x112xi32, #tpu.memory_space<hbm>>
      %dma_start3A_644 = arith.constant 0 : i32
      %dma_start3A_645 = arith.constant 0 : i32
      %dma_start3A_646 = tpu.memref_slice %dma_start3A_643[%mul3A_619, %dma_start3A_644, %dma_start3A_645] : memref<90x2x112xi32, #tpu.memory_space<hbm>> -> memref<3x2x112xi32, #tpu.memory_space<hbm>>
      tpu.enqueue_dma source(%dma_start3A_646 : memref<3x2x112xi32, #tpu.memory_space<hbm>>) target(%dma_start3A_638 : memref<3x2x112xi32, #tpu.memory_space<vmem>>) target_semaphore(%arg8 : memref<!tpu.dma_semaphore, #tpu.memory_space<semaphore_mem>>)
      %dma_wait3A_647 = arith.constant 0 : i32
      %dma_wait3A_648 = arith.constant 1 : i32
      %dma_wait3A_649 = arith.constant 0 : i32
      %dma_wait3A_650 = arith.constant 0 : i32
      %dma_wait3A_651 = arith.constant 0 : i32
      %dma_wait3A_652 = tpu.memref_slice %arg5[%dma_wait3A_648, %dma_wait3A_649, %dma_wait3A_650, %dma_wait3A_651] : memref<2x3x2x112xi32, #tpu.memory_space<vmem>> -> memref<1x3x2x112xi32, #tpu.memory_space<vmem>>
      %dma_wait3A_653 = tpu.memref_squeeze %dma_wait3A_652 : memref<1x3x2x112xi32, #tpu.memory_space<vmem>> -> memref<3x2x112xi32, #tpu.memory_space<vmem>>
      %dma_wait3A_654 = arith.constant 0 : i32
      %dma_wait3A_655 = arith.constant 0 : i32
      %dma_wait3A_656 = arith.constant 0 : i32
      %dma_wait3A_657 = tpu.memref_slice %arg3[%dma_wait3A_647, %dma_wait3A_654, %dma_wait3A_655, %dma_wait3A_656] : memref<32x90x2x112xi32, #tpu.memory_space<hbm>> -> memref<1x90x2x112xi32, #tpu.memory_space<hbm>>
      %dma_wait3A_658 = tpu.memref_squeeze %dma_wait3A_657 : memref<1x90x2x112xi32, #tpu.memory_space<hbm>> -> memref<90x2x112xi32, #tpu.memory_space<hbm>>
      %dma_wait3A_659 = arith.constant 0 : i32
      %dma_wait3A_660 = arith.constant 0 : i32
      %dma_wait3A_661 = arith.constant 0 : i32
      %dma_wait3A_662 = tpu.memref_slice %dma_wait3A_658[%dma_wait3A_659, %dma_wait3A_660, %dma_wait3A_661] : memref<90x2x112xi32, #tpu.memory_space<hbm>> -> memref<3x2x112xi32, #tpu.memory_space<hbm>>
      %dma_wait3A_663 = arith.constant 0 : i32
      %dma_wait3A_664 = arith.constant 0 : i32
      %dma_wait3A_665 = arith.constant 0 : i32
      %dma_wait3A_666 = tpu.memref_slice %arg5[%dma_wait3A_648, %dma_wait3A_663, %dma_wait3A_664, %dma_wait3A_665] : memref<2x3x2x112xi32, #tpu.memory_space<vmem>> -> memref<1x3x2x112xi32, #tpu.memory_space<vmem>>
      %dma_wait3A_667 = tpu.memref_squeeze %dma_wait3A_666 : memref<1x3x2x112xi32, #tpu.memory_space<vmem>> -> memref<3x2x112xi32, #tpu.memory_space<vmem>>
      %dma_wait3A_668 = arith.constant 0 : i32
      %dma_wait3A_669 = arith.constant 0 : i32
      %dma_wait3A_670 = arith.constant 0 : i32
      %dma_wait3A_671 = tpu.memref_slice %arg3[%dma_wait3A_647, %dma_wait3A_668, %dma_wait3A_669, %dma_wait3A_670] : memref<32x90x2x112xi32, #tpu.memory_space<hbm>> -> memref<1x90x2x112xi32, #tpu.memory_space<hbm>>
      %dma_wait3A_672 = tpu.memref_squeeze %dma_wait3A_671 : memref<1x90x2x112xi32, #tpu.memory_space<hbm>> -> memref<90x2x112xi32, #tpu.memory_space<hbm>>
      %dma_wait3A_673 = arith.constant 0 : i32
      %dma_wait3A_674 = arith.constant 0 : i32
      %dma_wait3A_675 = arith.constant 0 : i32
      %dma_wait3A_676 = tpu.memref_slice %dma_wait3A_672[%dma_wait3A_673, %dma_wait3A_674, %dma_wait3A_675] : memref<90x2x112xi32, #tpu.memory_space<hbm>> -> memref<3x2x112xi32, #tpu.memory_space<hbm>>
      tpu.wait_dma2 semaphore(%arg9 : memref<!tpu.dma_semaphore, #tpu.memory_space<semaphore_mem>>) src(%dma_wait3A_676 : memref<3x2x112xi32, #tpu.memory_space<hbm>>) dst(%dma_wait3A_667 : memref<3x2x112xi32, #tpu.memory_space<vmem>>)
      %dma_start3A_677 = arith.constant 1 : i32
      %dma_start3A_678 = arith.constant 0 : i32
      %dma_start3A_679 = arith.constant 0 : i32
      %dma_start3A_680 = arith.constant 0 : i32
      %dma_start3A_681 = arith.constant 0 : i32
      %dma_start3A_682 = arith.constant 0 : i32
      %dma_start3A_683 = tpu.memref_slice %arg6[%dma_start3A_680, %dma_start3A_681, %dma_start3A_682] : memref<3x112x128xf32, #tpu.memory_space<vmem>> -> memref<1x112x128xf32, #tpu.memory_space<vmem>>
      %dma_start3A_684 = tpu.memref_squeeze %dma_start3A_683 : memref<1x112x128xf32, #tpu.memory_space<vmem>> -> memref<112x128xf32, #tpu.memory_space<vmem>>
      %dma_start3A_685 = arith.constant 0 : i32
      %dma_start3A_686 = tpu.memref_slice %arg5[%dma_start3A_677, %dma_start3A_678, %dma_start3A_679, %dma_start3A_685] : memref<2x3x2x112xi32, #tpu.memory_space<vmem>> -> memref<1x1x1x112xi32, #tpu.memory_space<vmem>>
      %dma_start3A_687 = tpu.memref_squeeze %dma_start3A_686 : memref<1x1x1x112xi32, #tpu.memory_space<vmem>> -> memref<112xi32, #tpu.memory_space<vmem>>
      %dma_start3A_688 = arith.constant 0 : i32
      %dma_start3A_689 = arith.constant 0 : i32
      %dma_start3A_690 = tpu.memref_slice %arg2[%dma_start3A_688, %dma_start3A_689] : memref<10240x128xf32, #tpu.memory_space<hbm>> -> memref<10240x128xf32, #tpu.memory_space<hbm>>
      tpu.enqueue_indirect_dma source(%dma_start3A_690 : memref<10240x128xf32, #tpu.memory_space<hbm>>) target(%dma_start3A_684 : memref<112x128xf32, #tpu.memory_space<vmem>>) offsets(%dma_start3A_687 : memref<112xi32, #tpu.memory_space<vmem>>) semaphore(%arg10 : memref<!tpu.dma_semaphore, #tpu.memory_space<semaphore_mem>>)
      %dma_start3A_691 = arith.constant 1 : i32
      %dma_start3A_692 = arith.constant 1 : i32
      %dma_start3A_693 = arith.constant 0 : i32
      %dma_start3A_694 = arith.constant 1 : i32
      %dma_start3A_695 = arith.constant 0 : i32
      %dma_start3A_696 = arith.constant 0 : i32
      %dma_start3A_697 = tpu.memref_slice %arg6[%dma_start3A_694, %dma_start3A_695, %dma_start3A_696] : memref<3x112x128xf32, #tpu.memory_space<vmem>> -> memref<1x112x128xf32, #tpu.memory_space<vmem>>
      %dma_start3A_698 = tpu.memref_squeeze %dma_start3A_697 : memref<1x112x128xf32, #tpu.memory_space<vmem>> -> memref<112x128xf32, #tpu.memory_space<vmem>>
      %dma_start3A_699 = arith.constant 0 : i32
      %dma_start3A_700 = tpu.memref_slice %arg5[%dma_start3A_691, %dma_start3A_692, %dma_start3A_693, %dma_start3A_699] : memref<2x3x2x112xi32, #tpu.memory_space<vmem>> -> memref<1x1x1x112xi32, #tpu.memory_space<vmem>>
      %dma_start3A_701 = tpu.memref_squeeze %dma_start3A_700 : memref<1x1x1x112xi32, #tpu.memory_space<vmem>> -> memref<112xi32, #tpu.memory_space<vmem>>
      %dma_start3A_702 = arith.constant 0 : i32
      %dma_start3A_703 = arith.constant 0 : i32
      %dma_start3A_704 = tpu.memref_slice %arg2[%dma_start3A_702, %dma_start3A_703] : memref<10240x128xf32, #tpu.memory_space<hbm>> -> memref<10240x128xf32, #tpu.memory_space<hbm>>
      tpu.enqueue_indirect_dma source(%dma_start3A_704 : memref<10240x128xf32, #tpu.memory_space<hbm>>) target(%dma_start3A_698 : memref<112x128xf32, #tpu.memory_space<vmem>>) offsets(%dma_start3A_701 : memref<112xi32, #tpu.memory_space<vmem>>) semaphore(%arg11 : memref<!tpu.dma_semaphore, #tpu.memory_space<semaphore_mem>>)
      %dma_start3A_705 = arith.constant 1 : i32
      %dma_start3A_706 = arith.constant 2 : i32
      %dma_start3A_707 = arith.constant 0 : i32
      %dma_start3A_708 = arith.constant 2 : i32
      %dma_start3A_709 = arith.constant 0 : i32
      %dma_start3A_710 = arith.constant 0 : i32
      %dma_start3A_711 = tpu.memref_slice %arg6[%dma_start3A_708, %dma_start3A_709, %dma_start3A_710] : memref<3x112x128xf32, #tpu.memory_space<vmem>> -> memref<1x112x128xf32, #tpu.memory_space<vmem>>
      %dma_start3A_712 = tpu.memref_squeeze %dma_start3A_711 : memref<1x112x128xf32, #tpu.memory_space<vmem>> -> memref<112x128xf32, #tpu.memory_space<vmem>>
      %dma_start3A_713 = arith.constant 0 : i32
      %dma_start3A_714 = tpu.memref_slice %arg5[%dma_start3A_705, %dma_start3A_706, %dma_start3A_707, %dma_start3A_713] : memref<2x3x2x112xi32, #tpu.memory_space<vmem>> -> memref<1x1x1x112xi32, #tpu.memory_space<vmem>>
      %dma_start3A_715 = tpu.memref_squeeze %dma_start3A_714 : memref<1x1x1x112xi32, #tpu.memory_space<vmem>> -> memref<112xi32, #tpu.memory_space<vmem>>
      %dma_start3A_716 = arith.constant 0 : i32
      %dma_start3A_717 = arith.constant 0 : i32
      %dma_start3A_718 = tpu.memref_slice %arg2[%dma_start3A_716, %dma_start3A_717] : memref<10240x128xf32, #tpu.memory_space<hbm>> -> memref<10240x128xf32, #tpu.memory_space<hbm>>
      tpu.enqueue_indirect_dma source(%dma_start3A_718 : memref<10240x128xf32, #tpu.memory_space<hbm>>) target(%dma_start3A_712 : memref<112x128xf32, #tpu.memory_space<vmem>>) offsets(%dma_start3A_715 : memref<112xi32, #tpu.memory_space<vmem>>) semaphore(%arg12 : memref<!tpu.dma_semaphore, #tpu.memory_space<semaphore_mem>>)
      %mul3A_719 = arith.constant 2 : i32
      %mul3A_720 = arith.muli %mul3A_719, %scan3A_481 : i32
      %add3A_721 = arith.constant 1 : i32
      %add3A_722 = arith.addi %mul3A_720, %add3A_721 : i32
      %dma_wait3A_723 = arith.constant 0 : i32
      %dma_wait3A_724 = arith.constant 0 : i32
      %dma_wait3A_725 = arith.constant 0 : i32
      %dma_wait3A_726 = tpu.memref_slice %arg6[%dma_wait3A_723, %dma_wait3A_724, %dma_wait3A_725] : memref<3x112x128xf32, #tpu.memory_space<vmem>> -> memref<1x112x128xf32, #tpu.memory_space<vmem>>
      %dma_wait3A_727 = tpu.memref_squeeze %dma_wait3A_726 : memref<1x112x128xf32, #tpu.memory_space<vmem>> -> memref<112x128xf32, #tpu.memory_space<vmem>>
      %dma_wait3A_728 = arith.constant 0 : i32
      %dma_wait3A_729 = arith.constant 0 : i32
      %dma_wait3A_730 = tpu.memref_slice %arg2[%dma_wait3A_728, %dma_wait3A_729] : memref<10240x128xf32, #tpu.memory_space<hbm>> -> memref<112x128xf32, #tpu.memory_space<hbm>>
      %dma_wait3A_731 = arith.constant 0 : i32
      %dma_wait3A_732 = arith.constant 0 : i32
      %dma_wait3A_733 = tpu.memref_slice %arg6[%dma_wait3A_723, %dma_wait3A_731, %dma_wait3A_732] : memref<3x112x128xf32, #tpu.memory_space<vmem>> -> memref<1x112x128xf32, #tpu.memory_space<vmem>>
      %dma_wait3A_734 = tpu.memref_squeeze %dma_wait3A_733 : memref<1x112x128xf32, #tpu.memory_space<vmem>> -> memref<112x128xf32, #tpu.memory_space<vmem>>
      %dma_wait3A_735 = arith.constant 0 : i32
      %dma_wait3A_736 = arith.constant 0 : i32
      %dma_wait3A_737 = tpu.memref_slice %arg2[%dma_wait3A_735, %dma_wait3A_736] : memref<10240x128xf32, #tpu.memory_space<hbm>> -> memref<112x128xf32, #tpu.memory_space<hbm>>
      tpu.wait_dma2 semaphore(%arg10 : memref<!tpu.dma_semaphore, #tpu.memory_space<semaphore_mem>>) src(%dma_wait3A_737 : memref<112x128xf32, #tpu.memory_space<hbm>>) dst(%dma_wait3A_734 : memref<112x128xf32, #tpu.memory_space<vmem>>)
      %dma_start3A_738 = arith.constant 0 : i32
      %dma_start3A_739 = arith.constant 1 : i32
      %dma_start3A_740 = arith.constant 0 : i32
      %dma_start3A_741 = arith.constant 1 : i32
      %dma_start3A_742 = arith.constant 0 : i32
      %dma_start3A_743 = arith.constant 0 : i32
      %dma_start3A_744 = tpu.memref_slice %arg6[%dma_start3A_738, %dma_start3A_742, %dma_start3A_743] : memref<3x112x128xf32, #tpu.memory_space<vmem>> -> memref<1x112x128xf32, #tpu.memory_space<vmem>>
      %dma_start3A_745 = tpu.memref_squeeze %dma_start3A_744 : memref<1x112x128xf32, #tpu.memory_space<vmem>> -> memref<112x128xf32, #tpu.memory_space<vmem>>
      %dma_start3A_746 = arith.constant 0 : i32
      %dma_start3A_747 = tpu.memref_slice %arg5[%dma_start3A_739, %dma_start3A_740, %dma_start3A_741, %dma_start3A_746] : memref<2x3x2x112xi32, #tpu.memory_space<vmem>> -> memref<1x1x1x112xi32, #tpu.memory_space<vmem>>
      %dma_start3A_748 = tpu.memref_squeeze %dma_start3A_747 : memref<1x1x1x112xi32, #tpu.memory_space<vmem>> -> memref<112xi32, #tpu.memory_space<vmem>>
      %dma_start3A_749 = arith.constant 0 : i32
      %dma_start3A_750 = arith.constant 0 : i32
      %dma_start3A_751 = tpu.memref_slice %arg7[%dma_start3A_749, %dma_start3A_750] : memref<10240x128xf32, #tpu.memory_space<vmem_shared>> -> memref<10240x128xf32, #tpu.memory_space<vmem_shared>>
      tpu.enqueue_indirect_dma source(%dma_start3A_745 : memref<112x128xf32, #tpu.memory_space<vmem>>) target(%dma_start3A_751 : memref<10240x128xf32, #tpu.memory_space<vmem_shared>>) offsets(%dma_start3A_748 : memref<112xi32, #tpu.memory_space<vmem>>) semaphore(%arg13 : memref<!tpu.dma_semaphore, #tpu.memory_space<semaphore_mem>>) {add = true}
      %dma_wait3A_752 = arith.constant 1 : i32
      %dma_wait3A_753 = arith.constant 0 : i32
      %dma_wait3A_754 = arith.constant 0 : i32
      %dma_wait3A_755 = tpu.memref_slice %arg6[%dma_wait3A_752, %dma_wait3A_753, %dma_wait3A_754] : memref<3x112x128xf32, #tpu.memory_space<vmem>> -> memref<1x112x128xf32, #tpu.memory_space<vmem>>
      %dma_wait3A_756 = tpu.memref_squeeze %dma_wait3A_755 : memref<1x112x128xf32, #tpu.memory_space<vmem>> -> memref<112x128xf32, #tpu.memory_space<vmem>>
      %dma_wait3A_757 = arith.constant 0 : i32
      %dma_wait3A_758 = arith.constant 0 : i32
      %dma_wait3A_759 = tpu.memref_slice %arg2[%dma_wait3A_757, %dma_wait3A_758] : memref<10240x128xf32, #tpu.memory_space<hbm>> -> memref<112x128xf32, #tpu.memory_space<hbm>>
      %dma_wait3A_760 = arith.constant 0 : i32
      %dma_wait3A_761 = arith.constant 0 : i32
      %dma_wait3A_762 = tpu.memref_slice %arg6[%dma_wait3A_752, %dma_wait3A_760, %dma_wait3A_761] : memref<3x112x128xf32, #tpu.memory_space<vmem>> -> memref<1x112x128xf32, #tpu.memory_space<vmem>>
      %dma_wait3A_763 = tpu.memref_squeeze %dma_wait3A_762 : memref<1x112x128xf32, #tpu.memory_space<vmem>> -> memref<112x128xf32, #tpu.memory_space<vmem>>
      %dma_wait3A_764 = arith.constant 0 : i32
      %dma_wait3A_765 = arith.constant 0 : i32
      %dma_wait3A_766 = tpu.memref_slice %arg2[%dma_wait3A_764, %dma_wait3A_765] : memref<10240x128xf32, #tpu.memory_space<hbm>> -> memref<112x128xf32, #tpu.memory_space<hbm>>
      tpu.wait_dma2 semaphore(%arg11 : memref<!tpu.dma_semaphore, #tpu.memory_space<semaphore_mem>>) src(%dma_wait3A_766 : memref<112x128xf32, #tpu.memory_space<hbm>>) dst(%dma_wait3A_763 : memref<112x128xf32, #tpu.memory_space<vmem>>)
      %dma_start3A_767 = arith.constant 1 : i32
      %dma_start3A_768 = arith.constant 1 : i32
      %dma_start3A_769 = arith.constant 1 : i32
      %dma_start3A_770 = arith.constant 1 : i32
      %dma_start3A_771 = arith.constant 0 : i32
      %dma_start3A_772 = arith.constant 0 : i32
      %dma_start3A_773 = tpu.memref_slice %arg6[%dma_start3A_767, %dma_start3A_771, %dma_start3A_772] : memref<3x112x128xf32, #tpu.memory_space<vmem>> -> memref<1x112x128xf32, #tpu.memory_space<vmem>>
      %dma_start3A_774 = tpu.memref_squeeze %dma_start3A_773 : memref<1x112x128xf32, #tpu.memory_space<vmem>> -> memref<112x128xf32, #tpu.memory_space<vmem>>
      %dma_start3A_775 = arith.constant 0 : i32
      %dma_start3A_776 = tpu.memref_slice %arg5[%dma_start3A_768, %dma_start3A_769, %dma_start3A_770, %dma_start3A_775] : memref<2x3x2x112xi32, #tpu.memory_space<vmem>> -> memref<1x1x1x112xi32, #tpu.memory_space<vmem>>
      %dma_start3A_777 = tpu.memref_squeeze %dma_start3A_776 : memref<1x1x1x112xi32, #tpu.memory_space<vmem>> -> memref<112xi32, #tpu.memory_space<vmem>>
      %dma_start3A_778 = arith.constant 0 : i32
      %dma_start3A_779 = arith.constant 0 : i32
      %dma_start3A_780 = tpu.memref_slice %arg7[%dma_start3A_778, %dma_start3A_779] : memref<10240x128xf32, #tpu.memory_space<vmem_shared>> -> memref<10240x128xf32, #tpu.memory_space<vmem_shared>>
      tpu.enqueue_indirect_dma source(%dma_start3A_774 : memref<112x128xf32, #tpu.memory_space<vmem>>) target(%dma_start3A_780 : memref<10240x128xf32, #tpu.memory_space<vmem_shared>>) offsets(%dma_start3A_777 : memref<112xi32, #tpu.memory_space<vmem>>) semaphore(%arg14 : memref<!tpu.dma_semaphore, #tpu.memory_space<semaphore_mem>>) {add = true}
      %dma_wait3A_781 = arith.constant 2 : i32
      %dma_wait3A_782 = arith.constant 0 : i32
      %dma_wait3A_783 = arith.constant 0 : i32
      %dma_wait3A_784 = tpu.memref_slice %arg6[%dma_wait3A_781, %dma_wait3A_782, %dma_wait3A_783] : memref<3x112x128xf32, #tpu.memory_space<vmem>> -> memref<1x112x128xf32, #tpu.memory_space<vmem>>
      %dma_wait3A_785 = tpu.memref_squeeze %dma_wait3A_784 : memref<1x112x128xf32, #tpu.memory_space<vmem>> -> memref<112x128xf32, #tpu.memory_space<vmem>>
      %dma_wait3A_786 = arith.constant 0 : i32
      %dma_wait3A_787 = arith.constant 0 : i32
      %dma_wait3A_788 = tpu.memref_slice %arg2[%dma_wait3A_786, %dma_wait3A_787] : memref<10240x128xf32, #tpu.memory_space<hbm>> -> memref<112x128xf32, #tpu.memory_space<hbm>>
      %dma_wait3A_789 = arith.constant 0 : i32
      %dma_wait3A_790 = arith.constant 0 : i32
      %dma_wait3A_791 = tpu.memref_slice %arg6[%dma_wait3A_781, %dma_wait3A_789, %dma_wait3A_790] : memref<3x112x128xf32, #tpu.memory_space<vmem>> -> memref<1x112x128xf32, #tpu.memory_space<vmem>>
      %dma_wait3A_792 = tpu.memref_squeeze %dma_wait3A_791 : memref<1x112x128xf32, #tpu.memory_space<vmem>> -> memref<112x128xf32, #tpu.memory_space<vmem>>
      %dma_wait3A_793 = arith.constant 0 : i32
      %dma_wait3A_794 = arith.constant 0 : i32
      %dma_wait3A_795 = tpu.memref_slice %arg2[%dma_wait3A_793, %dma_wait3A_794] : memref<10240x128xf32, #tpu.memory_space<hbm>> -> memref<112x128xf32, #tpu.memory_space<hbm>>
      tpu.wait_dma2 semaphore(%arg12 : memref<!tpu.dma_semaphore, #tpu.memory_space<semaphore_mem>>) src(%dma_wait3A_795 : memref<112x128xf32, #tpu.memory_space<hbm>>) dst(%dma_wait3A_792 : memref<112x128xf32, #tpu.memory_space<vmem>>)
      %dma_start3A_796 = arith.constant 2 : i32
      %dma_start3A_797 = arith.constant 1 : i32
      %dma_start3A_798 = arith.constant 2 : i32
      %dma_start3A_799 = arith.constant 1 : i32
      %dma_start3A_800 = arith.constant 0 : i32
      %dma_start3A_801 = arith.constant 0 : i32
      %dma_start3A_802 = tpu.memref_slice %arg6[%dma_start3A_796, %dma_start3A_800, %dma_start3A_801] : memref<3x112x128xf32, #tpu.memory_space<vmem>> -> memref<1x112x128xf32, #tpu.memory_space<vmem>>
      %dma_start3A_803 = tpu.memref_squeeze %dma_start3A_802 : memref<1x112x128xf32, #tpu.memory_space<vmem>> -> memref<112x128xf32, #tpu.memory_space<vmem>>
      %dma_start3A_804 = arith.constant 0 : i32
      %dma_start3A_805 = tpu.memref_slice %arg5[%dma_start3A_797, %dma_start3A_798, %dma_start3A_799, %dma_start3A_804] : memref<2x3x2x112xi32, #tpu.memory_space<vmem>> -> memref<1x1x1x112xi32, #tpu.memory_space<vmem>>
      %dma_start3A_806 = tpu.memref_squeeze %dma_start3A_805 : memref<1x1x1x112xi32, #tpu.memory_space<vmem>> -> memref<112xi32, #tpu.memory_space<vmem>>
      %dma_start3A_807 = arith.constant 0 : i32
      %dma_start3A_808 = arith.constant 0 : i32
      %dma_start3A_809 = tpu.memref_slice %arg7[%dma_start3A_807, %dma_start3A_808] : memref<10240x128xf32, #tpu.memory_space<vmem_shared>> -> memref<10240x128xf32, #tpu.memory_space<vmem_shared>>
      tpu.enqueue_indirect_dma source(%dma_start3A_803 : memref<112x128xf32, #tpu.memory_space<vmem>>) target(%dma_start3A_809 : memref<10240x128xf32, #tpu.memory_space<vmem_shared>>) offsets(%dma_start3A_806 : memref<112xi32, #tpu.memory_space<vmem>>) semaphore(%arg15 : memref<!tpu.dma_semaphore, #tpu.memory_space<semaphore_mem>>) {add = true}
      %dma_wait3A_810 = arith.constant 0 : i32
      %dma_wait3A_811 = arith.constant 0 : i32
      %dma_wait3A_812 = arith.constant 0 : i32
      %dma_wait3A_813 = tpu.memref_slice %arg6[%dma_wait3A_810, %dma_wait3A_811, %dma_wait3A_812] : memref<3x112x128xf32, #tpu.memory_space<vmem>> -> memref<1x112x128xf32, #tpu.memory_space<vmem>>
      %dma_wait3A_814 = tpu.memref_squeeze %dma_wait3A_813 : memref<1x112x128xf32, #tpu.memory_space<vmem>> -> memref<112x128xf32, #tpu.memory_space<vmem>>
      %dma_wait3A_815 = arith.constant 0 : i32
      %dma_wait3A_816 = arith.constant 0 : i32
      %dma_wait3A_817 = tpu.memref_slice %arg7[%dma_wait3A_815, %dma_wait3A_816] : memref<10240x128xf32, #tpu.memory_space<vmem_shared>> -> memref<112x128xf32, #tpu.memory_space<vmem_shared>>
      %dma_wait3A_818 = arith.constant 0 : i32
      %dma_wait3A_819 = arith.constant 0 : i32
      %dma_wait3A_820 = tpu.memref_slice %arg7[%dma_wait3A_818, %dma_wait3A_819] : memref<10240x128xf32, #tpu.memory_space<vmem_shared>> -> memref<112x128xf32, #tpu.memory_space<vmem_shared>>
      %dma_wait3A_821 = arith.constant 0 : i32
      %dma_wait3A_822 = arith.constant 0 : i32
      %dma_wait3A_823 = tpu.memref_slice %arg6[%dma_wait3A_810, %dma_wait3A_821, %dma_wait3A_822] : memref<3x112x128xf32, #tpu.memory_space<vmem>> -> memref<1x112x128xf32, #tpu.memory_space<vmem>>
      %dma_wait3A_824 = tpu.memref_squeeze %dma_wait3A_823 : memref<1x112x128xf32, #tpu.memory_space<vmem>> -> memref<112x128xf32, #tpu.memory_space<vmem>>
      tpu.wait_dma2 semaphore(%arg13 : memref<!tpu.dma_semaphore, #tpu.memory_space<semaphore_mem>>) src(%dma_wait3A_824 : memref<112x128xf32, #tpu.memory_space<vmem>>) dst(%dma_wait3A_820 : memref<112x128xf32, #tpu.memory_space<vmem_shared>>)
      %dma_wait3A_825 = arith.constant 1 : i32
      %dma_wait3A_826 = arith.constant 0 : i32
      %dma_wait3A_827 = arith.constant 0 : i32
      %dma_wait3A_828 = tpu.memref_slice %arg6[%dma_wait3A_825, %dma_wait3A_826, %dma_wait3A_827] : memref<3x112x128xf32, #tpu.memory_space<vmem>> -> memref<1x112x128xf32, #tpu.memory_space<vmem>>
      %dma_wait3A_829 = tpu.memref_squeeze %dma_wait3A_828 : memref<1x112x128xf32, #tpu.memory_space<vmem>> -> memref<112x128xf32, #tpu.memory_space<vmem>>
      %dma_wait3A_830 = arith.constant 0 : i32
      %dma_wait3A_831 = arith.constant 0 : i32
      %dma_wait3A_832 = tpu.memref_slice %arg7[%dma_wait3A_830, %dma_wait3A_831] : memref<10240x128xf32, #tpu.memory_space<vmem_shared>> -> memref<112x128xf32, #tpu.memory_space<vmem_shared>>
      %dma_wait3A_833 = arith.constant 0 : i32
      %dma_wait3A_834 = arith.constant 0 : i32
      %dma_wait3A_835 = tpu.memref_slice %arg7[%dma_wait3A_833, %dma_wait3A_834] : memref<10240x128xf32, #tpu.memory_space<vmem_shared>> -> memref<112x128xf32, #tpu.memory_space<vmem_shared>>
      %dma_wait3A_836 = arith.constant 0 : i32
      %dma_wait3A_837 = arith.constant 0 : i32
      %dma_wait3A_838 = tpu.memref_slice %arg6[%dma_wait3A_825, %dma_wait3A_836, %dma_wait3A_837] : memref<3x112x128xf32, #tpu.memory_space<vmem>> -> memref<1x112x128xf32, #tpu.memory_space<vmem>>
      %dma_wait3A_839 = tpu.memref_squeeze %dma_wait3A_838 : memref<1x112x128xf32, #tpu.memory_space<vmem>> -> memref<112x128xf32, #tpu.memory_space<vmem>>
      tpu.wait_dma2 semaphore(%arg14 : memref<!tpu.dma_semaphore, #tpu.memory_space<semaphore_mem>>) src(%dma_wait3A_839 : memref<112x128xf32, #tpu.memory_space<vmem>>) dst(%dma_wait3A_835 : memref<112x128xf32, #tpu.memory_space<vmem_shared>>)
      %dma_wait3A_840 = arith.constant 2 : i32
      %dma_wait3A_841 = arith.constant 0 : i32
      %dma_wait3A_842 = arith.constant 0 : i32
      %dma_wait3A_843 = tpu.memref_slice %arg6[%dma_wait3A_840, %dma_wait3A_841, %dma_wait3A_842] : memref<3x112x128xf32, #tpu.memory_space<vmem>> -> memref<1x112x128xf32, #tpu.memory_space<vmem>>
      %dma_wait3A_844 = tpu.memref_squeeze %dma_wait3A_843 : memref<1x112x128xf32, #tpu.memory_space<vmem>> -> memref<112x128xf32, #tpu.memory_space<vmem>>
      %dma_wait3A_845 = arith.constant 0 : i32
      %dma_wait3A_846 = arith.constant 0 : i32
      %dma_wait3A_847 = tpu.memref_slice %arg7[%dma_wait3A_845, %dma_wait3A_846] : memref<10240x128xf32, #tpu.memory_space<vmem_shared>> -> memref<112x128xf32, #tpu.memory_space<vmem_shared>>
      %dma_wait3A_848 = arith.constant 0 : i32
      %dma_wait3A_849 = arith.constant 0 : i32
      %dma_wait3A_850 = tpu.memref_slice %arg7[%dma_wait3A_848, %dma_wait3A_849] : memref<10240x128xf32, #tpu.memory_space<vmem_shared>> -> memref<112x128xf32, #tpu.memory_space<vmem_shared>>
      %dma_wait3A_851 = arith.constant 0 : i32
      %dma_wait3A_852 = arith.constant 0 : i32
      %dma_wait3A_853 = tpu.memref_slice %arg6[%dma_wait3A_840, %dma_wait3A_851, %dma_wait3A_852] : memref<3x112x128xf32, #tpu.memory_space<vmem>> -> memref<1x112x128xf32, #tpu.memory_space<vmem>>
      %dma_wait3A_854 = tpu.memref_squeeze %dma_wait3A_853 : memref<1x112x128xf32, #tpu.memory_space<vmem>> -> memref<112x128xf32, #tpu.memory_space<vmem>>
      tpu.wait_dma2 semaphore(%arg15 : memref<!tpu.dma_semaphore, #tpu.memory_space<semaphore_mem>>) src(%dma_wait3A_854 : memref<112x128xf32, #tpu.memory_space<vmem>>) dst(%dma_wait3A_850 : memref<112x128xf32, #tpu.memory_space<vmem_shared>>)
      %add3A_855 = arith.constant 2 : i32
      %add3A_856 = arith.addi %add3A_722, %add3A_855 : i32
      %mul3A_857 = arith.constant 3 : i32
      %mul3A_858 = arith.muli %add3A_856, %mul3A_857 : i32
      %dma_start3A_859 = arith.constant 1 : i32
      %dma_start3A_860 = arith.constant 0 : i32
      %dma_start3A_861 = arith.constant 0 : i32
      %dma_start3A_862 = arith.constant 0 : i32
      %dma_start3A_863 = tpu.memref_slice %arg5[%dma_start3A_859, %dma_start3A_860, %dma_start3A_861, %dma_start3A_862] : memref<2x3x2x112xi32, #tpu.memory_space<vmem>> -> memref<1x3x2x112xi32, #tpu.memory_space<vmem>>
      %dma_start3A_864 = tpu.memref_squeeze %dma_start3A_863 : memref<1x3x2x112xi32, #tpu.memory_space<vmem>> -> memref<3x2x112xi32, #tpu.memory_space<vmem>>
      %dma_start3A_865 = arith.constant 0 : i32
      %dma_start3A_866 = arith.constant 0 : i32
      %dma_start3A_867 = arith.constant 0 : i32
      %dma_start3A_868 = tpu.memref_slice %arg3[%add3A, %dma_start3A_865, %dma_start3A_866, %dma_start3A_867] : memref<32x90x2x112xi32, #tpu.memory_space<hbm>> -> memref<1x90x2x112xi32, #tpu.memory_space<hbm>>
      %dma_start3A_869 = tpu.memref_squeeze %dma_start3A_868 : memref<1x90x2x112xi32, #tpu.memory_space<hbm>> -> memref<90x2x112xi32, #tpu.memory_space<hbm>>
      %dma_start3A_870 = arith.constant 0 : i32
      %dma_start3A_871 = arith.constant 0 : i32
      %dma_start3A_872 = tpu.memref_slice %dma_start3A_869[%mul3A_858, %dma_start3A_870, %dma_start3A_871] : memref<90x2x112xi32, #tpu.memory_space<hbm>> -> memref<3x2x112xi32, #tpu.memory_space<hbm>>
      %dma_start3A_873 = arith.constant 0 : i32
      %dma_start3A_874 = arith.constant 0 : i32
      %dma_start3A_875 = arith.constant 0 : i32
      %dma_start3A_876 = tpu.memref_slice %arg5[%dma_start3A_859, %dma_start3A_873, %dma_start3A_874, %dma_start3A_875] : memref<2x3x2x112xi32, #tpu.memory_space<vmem>> -> memref<1x3x2x112xi32, #tpu.memory_space<vmem>>
      %dma_start3A_877 = tpu.memref_squeeze %dma_start3A_876 : memref<1x3x2x112xi32, #tpu.memory_space<vmem>> -> memref<3x2x112xi32, #tpu.memory_space<vmem>>
      %dma_start3A_878 = arith.constant 0 : i32
      %dma_start3A_879 = arith.constant 0 : i32
      %dma_start3A_880 = arith.constant 0 : i32
      %dma_start3A_881 = tpu.memref_slice %arg3[%add3A, %dma_start3A_878, %dma_start3A_879, %dma_start3A_880] : memref<32x90x2x112xi32, #tpu.memory_space<hbm>> -> memref<1x90x2x112xi32, #tpu.memory_space<hbm>>
      %dma_start3A_882 = tpu.memref_squeeze %dma_start3A_881 : memref<1x90x2x112xi32, #tpu.memory_space<hbm>> -> memref<90x2x112xi32, #tpu.memory_space<hbm>>
      %dma_start3A_883 = arith.constant 0 : i32
      %dma_start3A_884 = arith.constant 0 : i32
      %dma_start3A_885 = tpu.memref_slice %dma_start3A_882[%mul3A_858, %dma_start3A_883, %dma_start3A_884] : memref<90x2x112xi32, #tpu.memory_space<hbm>> -> memref<3x2x112xi32, #tpu.memory_space<hbm>>
      tpu.enqueue_dma source(%dma_start3A_885 : memref<3x2x112xi32, #tpu.memory_space<hbm>>) target(%dma_start3A_877 : memref<3x2x112xi32, #tpu.memory_space<vmem>>) target_semaphore(%arg9 : memref<!tpu.dma_semaphore, #tpu.memory_space<semaphore_mem>>)
      %dma_wait3A_886 = arith.constant 0 : i32
      %dma_wait3A_887 = arith.constant 0 : i32
      %dma_wait3A_888 = arith.constant 0 : i32
      %dma_wait3A_889 = arith.constant 0 : i32
      %dma_wait3A_890 = arith.constant 0 : i32
      %dma_wait3A_891 = tpu.memref_slice %arg5[%dma_wait3A_887, %dma_wait3A_888, %dma_wait3A_889, %dma_wait3A_890] : memref<2x3x2x112xi32, #tpu.memory_space<vmem>> -> memref<1x3x2x112xi32, #tpu.memory_space<vmem>>
      %dma_wait3A_892 = tpu.memref_squeeze %dma_wait3A_891 : memref<1x3x2x112xi32, #tpu.memory_space<vmem>> -> memref<3x2x112xi32, #tpu.memory_space<vmem>>
      %dma_wait3A_893 = arith.constant 0 : i32
      %dma_wait3A_894 = arith.constant 0 : i32
      %dma_wait3A_895 = arith.constant 0 : i32
      %dma_wait3A_896 = tpu.memref_slice %arg3[%dma_wait3A_886, %dma_wait3A_893, %dma_wait3A_894, %dma_wait3A_895] : memref<32x90x2x112xi32, #tpu.memory_space<hbm>> -> memref<1x90x2x112xi32, #tpu.memory_space<hbm>>
      %dma_wait3A_897 = tpu.memref_squeeze %dma_wait3A_896 : memref<1x90x2x112xi32, #tpu.memory_space<hbm>> -> memref<90x2x112xi32, #tpu.memory_space<hbm>>
      %dma_wait3A_898 = arith.constant 0 : i32
      %dma_wait3A_899 = arith.constant 0 : i32
      %dma_wait3A_900 = arith.constant 0 : i32
      %dma_wait3A_901 = tpu.memref_slice %dma_wait3A_897[%dma_wait3A_898, %dma_wait3A_899, %dma_wait3A_900] : memref<90x2x112xi32, #tpu.memory_space<hbm>> -> memref<3x2x112xi32, #tpu.memory_space<hbm>>
      %dma_wait3A_902 = arith.constant 0 : i32
      %dma_wait3A_903 = arith.constant 0 : i32
      %dma_wait3A_904 = arith.constant 0 : i32
      %dma_wait3A_905 = tpu.memref_slice %arg5[%dma_wait3A_887, %dma_wait3A_902, %dma_wait3A_903, %dma_wait3A_904] : memref<2x3x2x112xi32, #tpu.memory_space<vmem>> -> memref<1x3x2x112xi32, #tpu.memory_space<vmem>>
      %dma_wait3A_906 = tpu.memref_squeeze %dma_wait3A_905 : memref<1x3x2x112xi32, #tpu.memory_space<vmem>> -> memref<3x2x112xi32, #tpu.memory_space<vmem>>
      %dma_wait3A_907 = arith.constant 0 : i32
      %dma_wait3A_908 = arith.constant 0 : i32
      %dma_wait3A_909 = arith.constant 0 : i32
      %dma_wait3A_910 = tpu.memref_slice %arg3[%dma_wait3A_886, %dma_wait3A_907, %dma_wait3A_908, %dma_wait3A_909] : memref<32x90x2x112xi32, #tpu.memory_space<hbm>> -> memref<1x90x2x112xi32, #tpu.memory_space<hbm>>
      %dma_wait3A_911 = tpu.memref_squeeze %dma_wait3A_910 : memref<1x90x2x112xi32, #tpu.memory_space<hbm>> -> memref<90x2x112xi32, #tpu.memory_space<hbm>>
      %dma_wait3A_912 = arith.constant 0 : i32
      %dma_wait3A_913 = arith.constant 0 : i32
      %dma_wait3A_914 = arith.constant 0 : i32
      %dma_wait3A_915 = tpu.memref_slice %dma_wait3A_911[%dma_wait3A_912, %dma_wait3A_913, %dma_wait3A_914] : memref<90x2x112xi32, #tpu.memory_space<hbm>> -> memref<3x2x112xi32, #tpu.memory_space<hbm>>
      tpu.wait_dma2 semaphore(%arg8 : memref<!tpu.dma_semaphore, #tpu.memory_space<semaphore_mem>>) src(%dma_wait3A_915 : memref<3x2x112xi32, #tpu.memory_space<hbm>>) dst(%dma_wait3A_906 : memref<3x2x112xi32, #tpu.memory_space<vmem>>)
      %dma_start3A_916 = arith.constant 0 : i32
      %dma_start3A_917 = arith.constant 0 : i32
      %dma_start3A_918 = arith.constant 0 : i32
      %dma_start3A_919 = arith.constant 0 : i32
      %dma_start3A_920 = arith.constant 0 : i32
      %dma_start3A_921 = arith.constant 0 : i32
      %dma_start3A_922 = tpu.memref_slice %arg6[%dma_start3A_919, %dma_start3A_920, %dma_start3A_921] : memref<3x112x128xf32, #tpu.memory_space<vmem>> -> memref<1x112x128xf32, #tpu.memory_space<vmem>>
      %dma_start3A_923 = tpu.memref_squeeze %dma_start3A_922 : memref<1x112x128xf32, #tpu.memory_space<vmem>> -> memref<112x128xf32, #tpu.memory_space<vmem>>
      %dma_start3A_924 = arith.constant 0 : i32
      %dma_start3A_925 = tpu.memref_slice %arg5[%dma_start3A_916, %dma_start3A_917, %dma_start3A_918, %dma_start3A_924] : memref<2x3x2x112xi32, #tpu.memory_space<vmem>> -> memref<1x1x1x112xi32, #tpu.memory_space<vmem>>
      %dma_start3A_926 = tpu.memref_squeeze %dma_start3A_925 : memref<1x1x1x112xi32, #tpu.memory_space<vmem>> -> memref<112xi32, #tpu.memory_space<vmem>>
      %dma_start3A_927 = arith.constant 0 : i32
      %dma_start3A_928 = arith.constant 0 : i32
      %dma_start3A_929 = tpu.memref_slice %arg2[%dma_start3A_927, %dma_start3A_928] : memref<10240x128xf32, #tpu.memory_space<hbm>> -> memref<10240x128xf32, #tpu.memory_space<hbm>>
      tpu.enqueue_indirect_dma source(%dma_start3A_929 : memref<10240x128xf32, #tpu.memory_space<hbm>>) target(%dma_start3A_923 : memref<112x128xf32, #tpu.memory_space<vmem>>) offsets(%dma_start3A_926 : memref<112xi32, #tpu.memory_space<vmem>>) semaphore(%arg10 : memref<!tpu.dma_semaphore, #tpu.memory_space<semaphore_mem>>)
      %dma_start3A_930 = arith.constant 0 : i32
      %dma_start3A_931 = arith.constant 1 : i32
      %dma_start3A_932 = arith.constant 0 : i32
      %dma_start3A_933 = arith.constant 1 : i32
      %dma_start3A_934 = arith.constant 0 : i32
      %dma_start3A_935 = arith.constant 0 : i32
      %dma_start3A_936 = tpu.memref_slice %arg6[%dma_start3A_933, %dma_start3A_934, %dma_start3A_935] : memref<3x112x128xf32, #tpu.memory_space<vmem>> -> memref<1x112x128xf32, #tpu.memory_space<vmem>>
      %dma_start3A_937 = tpu.memref_squeeze %dma_start3A_936 : memref<1x112x128xf32, #tpu.memory_space<vmem>> -> memref<112x128xf32, #tpu.memory_space<vmem>>
      %dma_start3A_938 = arith.constant 0 : i32
      %dma_start3A_939 = tpu.memref_slice %arg5[%dma_start3A_930, %dma_start3A_931, %dma_start3A_932, %dma_start3A_938] : memref<2x3x2x112xi32, #tpu.memory_space<vmem>> -> memref<1x1x1x112xi32, #tpu.memory_space<vmem>>
      %dma_start3A_940 = tpu.memref_squeeze %dma_start3A_939 : memref<1x1x1x112xi32, #tpu.memory_space<vmem>> -> memref<112xi32, #tpu.memory_space<vmem>>
      %dma_start3A_941 = arith.constant 0 : i32
      %dma_start3A_942 = arith.constant 0 : i32
      %dma_start3A_943 = tpu.memref_slice %arg2[%dma_start3A_941, %dma_start3A_942] : memref<10240x128xf32, #tpu.memory_space<hbm>> -> memref<10240x128xf32, #tpu.memory_space<hbm>>
      tpu.enqueue_indirect_dma source(%dma_start3A_943 : memref<10240x128xf32, #tpu.memory_space<hbm>>) target(%dma_start3A_937 : memref<112x128xf32, #tpu.memory_space<vmem>>) offsets(%dma_start3A_940 : memref<112xi32, #tpu.memory_space<vmem>>) semaphore(%arg11 : memref<!tpu.dma_semaphore, #tpu.memory_space<semaphore_mem>>)
      %dma_start3A_944 = arith.constant 0 : i32
      %dma_start3A_945 = arith.constant 2 : i32
      %dma_start3A_946 = arith.constant 0 : i32
      %dma_start3A_947 = arith.constant 2 : i32
      %dma_start3A_948 = arith.constant 0 : i32
      %dma_start3A_949 = arith.constant 0 : i32
      %dma_start3A_950 = tpu.memref_slice %arg6[%dma_start3A_947, %dma_start3A_948, %dma_start3A_949] : memref<3x112x128xf32, #tpu.memory_space<vmem>> -> memref<1x112x128xf32, #tpu.memory_space<vmem>>
      %dma_start3A_951 = tpu.memref_squeeze %dma_start3A_950 : memref<1x112x128xf32, #tpu.memory_space<vmem>> -> memref<112x128xf32, #tpu.memory_space<vmem>>
      %dma_start3A_952 = arith.constant 0 : i32
      %dma_start3A_953 = tpu.memref_slice %arg5[%dma_start3A_944, %dma_start3A_945, %dma_start3A_946, %dma_start3A_952] : memref<2x3x2x112xi32, #tpu.memory_space<vmem>> -> memref<1x1x1x112xi32, #tpu.memory_space<vmem>>
      %dma_start3A_954 = tpu.memref_squeeze %dma_start3A_953 : memref<1x1x1x112xi32, #tpu.memory_space<vmem>> -> memref<112xi32, #tpu.memory_space<vmem>>
      %dma_start3A_955 = arith.constant 0 : i32
      %dma_start3A_956 = arith.constant 0 : i32
      %dma_start3A_957 = tpu.memref_slice %arg2[%dma_start3A_955, %dma_start3A_956] : memref<10240x128xf32, #tpu.memory_space<hbm>> -> memref<10240x128xf32, #tpu.memory_space<hbm>>
      tpu.enqueue_indirect_dma source(%dma_start3A_957 : memref<10240x128xf32, #tpu.memory_space<hbm>>) target(%dma_start3A_951 : memref<112x128xf32, #tpu.memory_space<vmem>>) offsets(%dma_start3A_954 : memref<112xi32, #tpu.memory_space<vmem>>) semaphore(%arg12 : memref<!tpu.dma_semaphore, #tpu.memory_space<semaphore_mem>>)
    }
    %scan3A_143 = arith.constant 14 : i32
    %dma_wait3A_144 = arith.constant 0 : i32
    %dma_wait3A_145 = arith.constant 0 : i32
    %dma_wait3A_146 = arith.constant 0 : i32
    %dma_wait3A_147 = tpu.memref_slice %arg6[%dma_wait3A_144, %dma_wait3A_145, %dma_wait3A_146] : memref<3x112x128xf32, #tpu.memory_space<vmem>> -> memref<1x112x128xf32, #tpu.memory_space<vmem>>
    %dma_wait3A_148 = tpu.memref_squeeze %dma_wait3A_147 : memref<1x112x128xf32, #tpu.memory_space<vmem>> -> memref<112x128xf32, #tpu.memory_space<vmem>>
    %dma_wait3A_149 = arith.constant 0 : i32
    %dma_wait3A_150 = arith.constant 0 : i32
    %dma_wait3A_151 = tpu.memref_slice %arg2[%dma_wait3A_149, %dma_wait3A_150] : memref<10240x128xf32, #tpu.memory_space<hbm>> -> memref<112x128xf32, #tpu.memory_space<hbm>>
    %dma_wait3A_152 = arith.constant 0 : i32
    %dma_wait3A_153 = arith.constant 0 : i32
    %dma_wait3A_154 = tpu.memref_slice %arg6[%dma_wait3A_144, %dma_wait3A_152, %dma_wait3A_153] : memref<3x112x128xf32, #tpu.memory_space<vmem>> -> memref<1x112x128xf32, #tpu.memory_space<vmem>>
    %dma_wait3A_155 = tpu.memref_squeeze %dma_wait3A_154 : memref<1x112x128xf32, #tpu.memory_space<vmem>> -> memref<112x128xf32, #tpu.memory_space<vmem>>
    %dma_wait3A_156 = arith.constant 0 : i32
    %dma_wait3A_157 = arith.constant 0 : i32
    %dma_wait3A_158 = tpu.memref_slice %arg2[%dma_wait3A_156, %dma_wait3A_157] : memref<10240x128xf32, #tpu.memory_space<hbm>> -> memref<112x128xf32, #tpu.memory_space<hbm>>
    tpu.wait_dma2 semaphore(%arg10 : memref<!tpu.dma_semaphore, #tpu.memory_space<semaphore_mem>>) src(%dma_wait3A_158 : memref<112x128xf32, #tpu.memory_space<hbm>>) dst(%dma_wait3A_155 : memref<112x128xf32, #tpu.memory_space<vmem>>)
    %dma_start3A_159 = arith.constant 0 : i32
    %dma_start3A_160 = arith.constant 0 : i32
    %dma_start3A_161 = arith.constant 0 : i32
    %dma_start3A_162 = arith.constant 1 : i32
    %dma_start3A_163 = arith.constant 0 : i32
    %dma_start3A_164 = arith.constant 0 : i32
    %dma_start3A_165 = tpu.memref_slice %arg6[%dma_start3A_159, %dma_start3A_163, %dma_start3A_164] : memref<3x112x128xf32, #tpu.memory_space<vmem>> -> memref<1x112x128xf32, #tpu.memory_space<vmem>>
    %dma_start3A_166 = tpu.memref_squeeze %dma_start3A_165 : memref<1x112x128xf32, #tpu.memory_space<vmem>> -> memref<112x128xf32, #tpu.memory_space<vmem>>
    %dma_start3A_167 = arith.constant 0 : i32
    %dma_start3A_168 = tpu.memref_slice %arg5[%dma_start3A_160, %dma_start3A_161, %dma_start3A_162, %dma_start3A_167] : memref<2x3x2x112xi32, #tpu.memory_space<vmem>> -> memref<1x1x1x112xi32, #tpu.memory_space<vmem>>
    %dma_start3A_169 = tpu.memref_squeeze %dma_start3A_168 : memref<1x1x1x112xi32, #tpu.memory_space<vmem>> -> memref<112xi32, #tpu.memory_space<vmem>>
    %dma_start3A_170 = arith.constant 0 : i32
    %dma_start3A_171 = arith.constant 0 : i32
    %dma_start3A_172 = tpu.memref_slice %arg7[%dma_start3A_170, %dma_start3A_171] : memref<10240x128xf32, #tpu.memory_space<vmem_shared>> -> memref<10240x128xf32, #tpu.memory_space<vmem_shared>>
    tpu.enqueue_indirect_dma source(%dma_start3A_166 : memref<112x128xf32, #tpu.memory_space<vmem>>) target(%dma_start3A_172 : memref<10240x128xf32, #tpu.memory_space<vmem_shared>>) offsets(%dma_start3A_169 : memref<112xi32, #tpu.memory_space<vmem>>) semaphore(%arg13 : memref<!tpu.dma_semaphore, #tpu.memory_space<semaphore_mem>>) {add = true}
    %dma_wait3A_173 = arith.constant 1 : i32
    %dma_wait3A_174 = arith.constant 0 : i32
    %dma_wait3A_175 = arith.constant 0 : i32
    %dma_wait3A_176 = tpu.memref_slice %arg6[%dma_wait3A_173, %dma_wait3A_174, %dma_wait3A_175] : memref<3x112x128xf32, #tpu.memory_space<vmem>> -> memref<1x112x128xf32, #tpu.memory_space<vmem>>
    %dma_wait3A_177 = tpu.memref_squeeze %dma_wait3A_176 : memref<1x112x128xf32, #tpu.memory_space<vmem>> -> memref<112x128xf32, #tpu.memory_space<vmem>>
    %dma_wait3A_178 = arith.constant 0 : i32
    %dma_wait3A_179 = arith.constant 0 : i32
    %dma_wait3A_180 = tpu.memref_slice %arg2[%dma_wait3A_178, %dma_wait3A_179] : memref<10240x128xf32, #tpu.memory_space<hbm>> -> memref<112x128xf32, #tpu.memory_space<hbm>>
    %dma_wait3A_181 = arith.constant 0 : i32
    %dma_wait3A_182 = arith.constant 0 : i32
    %dma_wait3A_183 = tpu.memref_slice %arg6[%dma_wait3A_173, %dma_wait3A_181, %dma_wait3A_182] : memref<3x112x128xf32, #tpu.memory_space<vmem>> -> memref<1x112x128xf32, #tpu.memory_space<vmem>>
    %dma_wait3A_184 = tpu.memref_squeeze %dma_wait3A_183 : memref<1x112x128xf32, #tpu.memory_space<vmem>> -> memref<112x128xf32, #tpu.memory_space<vmem>>
    %dma_wait3A_185 = arith.constant 0 : i32
    %dma_wait3A_186 = arith.constant 0 : i32
    %dma_wait3A_187 = tpu.memref_slice %arg2[%dma_wait3A_185, %dma_wait3A_186] : memref<10240x128xf32, #tpu.memory_space<hbm>> -> memref<112x128xf32, #tpu.memory_space<hbm>>
    tpu.wait_dma2 semaphore(%arg11 : memref<!tpu.dma_semaphore, #tpu.memory_space<semaphore_mem>>) src(%dma_wait3A_187 : memref<112x128xf32, #tpu.memory_space<hbm>>) dst(%dma_wait3A_184 : memref<112x128xf32, #tpu.memory_space<vmem>>)
    %dma_start3A_188 = arith.constant 1 : i32
    %dma_start3A_189 = arith.constant 0 : i32
    %dma_start3A_190 = arith.constant 1 : i32
    %dma_start3A_191 = arith.constant 1 : i32
    %dma_start3A_192 = arith.constant 0 : i32
    %dma_start3A_193 = arith.constant 0 : i32
    %dma_start3A_194 = tpu.memref_slice %arg6[%dma_start3A_188, %dma_start3A_192, %dma_start3A_193] : memref<3x112x128xf32, #tpu.memory_space<vmem>> -> memref<1x112x128xf32, #tpu.memory_space<vmem>>
    %dma_start3A_195 = tpu.memref_squeeze %dma_start3A_194 : memref<1x112x128xf32, #tpu.memory_space<vmem>> -> memref<112x128xf32, #tpu.memory_space<vmem>>
    %dma_start3A_196 = arith.constant 0 : i32
    %dma_start3A_197 = tpu.memref_slice %arg5[%dma_start3A_189, %dma_start3A_190, %dma_start3A_191, %dma_start3A_196] : memref<2x3x2x112xi32, #tpu.memory_space<vmem>> -> memref<1x1x1x112xi32, #tpu.memory_space<vmem>>
    %dma_start3A_198 = tpu.memref_squeeze %dma_start3A_197 : memref<1x1x1x112xi32, #tpu.memory_space<vmem>> -> memref<112xi32, #tpu.memory_space<vmem>>
    %dma_start3A_199 = arith.constant 0 : i32
    %dma_start3A_200 = arith.constant 0 : i32
    %dma_start3A_201 = tpu.memref_slice %arg7[%dma_start3A_199, %dma_start3A_200] : memref<10240x128xf32, #tpu.memory_space<vmem_shared>> -> memref<10240x128xf32, #tpu.memory_space<vmem_shared>>
    tpu.enqueue_indirect_dma source(%dma_start3A_195 : memref<112x128xf32, #tpu.memory_space<vmem>>) target(%dma_start3A_201 : memref<10240x128xf32, #tpu.memory_space<vmem_shared>>) offsets(%dma_start3A_198 : memref<112xi32, #tpu.memory_space<vmem>>) semaphore(%arg14 : memref<!tpu.dma_semaphore, #tpu.memory_space<semaphore_mem>>) {add = true}
    %dma_wait3A_202 = arith.constant 2 : i32
    %dma_wait3A_203 = arith.constant 0 : i32
    %dma_wait3A_204 = arith.constant 0 : i32
    %dma_wait3A_205 = tpu.memref_slice %arg6[%dma_wait3A_202, %dma_wait3A_203, %dma_wait3A_204] : memref<3x112x128xf32, #tpu.memory_space<vmem>> -> memref<1x112x128xf32, #tpu.memory_space<vmem>>
    %dma_wait3A_206 = tpu.memref_squeeze %dma_wait3A_205 : memref<1x112x128xf32, #tpu.memory_space<vmem>> -> memref<112x128xf32, #tpu.memory_space<vmem>>
    %dma_wait3A_207 = arith.constant 0 : i32
    %dma_wait3A_208 = arith.constant 0 : i32
    %dma_wait3A_209 = tpu.memref_slice %arg2[%dma_wait3A_207, %dma_wait3A_208] : memref<10240x128xf32, #tpu.memory_space<hbm>> -> memref<112x128xf32, #tpu.memory_space<hbm>>
    %dma_wait3A_210 = arith.constant 0 : i32
    %dma_wait3A_211 = arith.constant 0 : i32
    %dma_wait3A_212 = tpu.memref_slice %arg6[%dma_wait3A_202, %dma_wait3A_210, %dma_wait3A_211] : memref<3x112x128xf32, #tpu.memory_space<vmem>> -> memref<1x112x128xf32, #tpu.memory_space<vmem>>
    %dma_wait3A_213 = tpu.memref_squeeze %dma_wait3A_212 : memref<1x112x128xf32, #tpu.memory_space<vmem>> -> memref<112x128xf32, #tpu.memory_space<vmem>>
    %dma_wait3A_214 = arith.constant 0 : i32
    %dma_wait3A_215 = arith.constant 0 : i32
    %dma_wait3A_216 = tpu.memref_slice %arg2[%dma_wait3A_214, %dma_wait3A_215] : memref<10240x128xf32, #tpu.memory_space<hbm>> -> memref<112x128xf32, #tpu.memory_space<hbm>>
    tpu.wait_dma2 semaphore(%arg12 : memref<!tpu.dma_semaphore, #tpu.memory_space<semaphore_mem>>) src(%dma_wait3A_216 : memref<112x128xf32, #tpu.memory_space<hbm>>) dst(%dma_wait3A_213 : memref<112x128xf32, #tpu.memory_space<vmem>>)
    %dma_start3A_217 = arith.constant 2 : i32
    %dma_start3A_218 = arith.constant 0 : i32
    %dma_start3A_219 = arith.constant 2 : i32
    %dma_start3A_220 = arith.constant 1 : i32
    %dma_start3A_221 = arith.constant 0 : i32
    %dma_start3A_222 = arith.constant 0 : i32
    %dma_start3A_223 = tpu.memref_slice %arg6[%dma_start3A_217, %dma_start3A_221, %dma_start3A_222] : memref<3x112x128xf32, #tpu.memory_space<vmem>> -> memref<1x112x128xf32, #tpu.memory_space<vmem>>
    %dma_start3A_224 = tpu.memref_squeeze %dma_start3A_223 : memref<1x112x128xf32, #tpu.memory_space<vmem>> -> memref<112x128xf32, #tpu.memory_space<vmem>>
    %dma_start3A_225 = arith.constant 0 : i32
    %dma_start3A_226 = tpu.memref_slice %arg5[%dma_start3A_218, %dma_start3A_219, %dma_start3A_220, %dma_start3A_225] : memref<2x3x2x112xi32, #tpu.memory_space<vmem>> -> memref<1x1x1x112xi32, #tpu.memory_space<vmem>>
    %dma_start3A_227 = tpu.memref_squeeze %dma_start3A_226 : memref<1x1x1x112xi32, #tpu.memory_space<vmem>> -> memref<112xi32, #tpu.memory_space<vmem>>
    %dma_start3A_228 = arith.constant 0 : i32
    %dma_start3A_229 = arith.constant 0 : i32
    %dma_start3A_230 = tpu.memref_slice %arg7[%dma_start3A_228, %dma_start3A_229] : memref<10240x128xf32, #tpu.memory_space<vmem_shared>> -> memref<10240x128xf32, #tpu.memory_space<vmem_shared>>
    tpu.enqueue_indirect_dma source(%dma_start3A_224 : memref<112x128xf32, #tpu.memory_space<vmem>>) target(%dma_start3A_230 : memref<10240x128xf32, #tpu.memory_space<vmem_shared>>) offsets(%dma_start3A_227 : memref<112xi32, #tpu.memory_space<vmem>>) semaphore(%arg15 : memref<!tpu.dma_semaphore, #tpu.memory_space<semaphore_mem>>) {add = true}
    %dma_wait3A_231 = arith.constant 0 : i32
    %dma_wait3A_232 = arith.constant 0 : i32
    %dma_wait3A_233 = arith.constant 0 : i32
    %dma_wait3A_234 = tpu.memref_slice %arg6[%dma_wait3A_231, %dma_wait3A_232, %dma_wait3A_233] : memref<3x112x128xf32, #tpu.memory_space<vmem>> -> memref<1x112x128xf32, #tpu.memory_space<vmem>>
    %dma_wait3A_235 = tpu.memref_squeeze %dma_wait3A_234 : memref<1x112x128xf32, #tpu.memory_space<vmem>> -> memref<112x128xf32, #tpu.memory_space<vmem>>
    %dma_wait3A_236 = arith.constant 0 : i32
    %dma_wait3A_237 = arith.constant 0 : i32
    %dma_wait3A_238 = tpu.memref_slice %arg7[%dma_wait3A_236, %dma_wait3A_237] : memref<10240x128xf32, #tpu.memory_space<vmem_shared>> -> memref<112x128xf32, #tpu.memory_space<vmem_shared>>
    %dma_wait3A_239 = arith.constant 0 : i32
    %dma_wait3A_240 = arith.constant 0 : i32
    %dma_wait3A_241 = tpu.memref_slice %arg7[%dma_wait3A_239, %dma_wait3A_240] : memref<10240x128xf32, #tpu.memory_space<vmem_shared>> -> memref<112x128xf32, #tpu.memory_space<vmem_shared>>
    %dma_wait3A_242 = arith.constant 0 : i32
    %dma_wait3A_243 = arith.constant 0 : i32
    %dma_wait3A_244 = tpu.memref_slice %arg6[%dma_wait3A_231, %dma_wait3A_242, %dma_wait3A_243] : memref<3x112x128xf32, #tpu.memory_space<vmem>> -> memref<1x112x128xf32, #tpu.memory_space<vmem>>
    %dma_wait3A_245 = tpu.memref_squeeze %dma_wait3A_244 : memref<1x112x128xf32, #tpu.memory_space<vmem>> -> memref<112x128xf32, #tpu.memory_space<vmem>>
    tpu.wait_dma2 semaphore(%arg13 : memref<!tpu.dma_semaphore, #tpu.memory_space<semaphore_mem>>) src(%dma_wait3A_245 : memref<112x128xf32, #tpu.memory_space<vmem>>) dst(%dma_wait3A_241 : memref<112x128xf32, #tpu.memory_space<vmem_shared>>)
    %dma_wait3A_246 = arith.constant 1 : i32
    %dma_wait3A_247 = arith.constant 0 : i32
    %dma_wait3A_248 = arith.constant 0 : i32
    %dma_wait3A_249 = tpu.memref_slice %arg6[%dma_wait3A_246, %dma_wait3A_247, %dma_wait3A_248] : memref<3x112x128xf32, #tpu.memory_space<vmem>> -> memref<1x112x128xf32, #tpu.memory_space<vmem>>
    %dma_wait3A_250 = tpu.memref_squeeze %dma_wait3A_249 : memref<1x112x128xf32, #tpu.memory_space<vmem>> -> memref<112x128xf32, #tpu.memory_space<vmem>>
    %dma_wait3A_251 = arith.constant 0 : i32
    %dma_wait3A_252 = arith.constant 0 : i32
    %dma_wait3A_253 = tpu.memref_slice %arg7[%dma_wait3A_251, %dma_wait3A_252] : memref<10240x128xf32, #tpu.memory_space<vmem_shared>> -> memref<112x128xf32, #tpu.memory_space<vmem_shared>>
    %dma_wait3A_254 = arith.constant 0 : i32
    %dma_wait3A_255 = arith.constant 0 : i32
    %dma_wait3A_256 = tpu.memref_slice %arg7[%dma_wait3A_254, %dma_wait3A_255] : memref<10240x128xf32, #tpu.memory_space<vmem_shared>> -> memref<112x128xf32, #tpu.memory_space<vmem_shared>>
    %dma_wait3A_257 = arith.constant 0 : i32
    %dma_wait3A_258 = arith.constant 0 : i32
    %dma_wait3A_259 = tpu.memref_slice %arg6[%dma_wait3A_246, %dma_wait3A_257, %dma_wait3A_258] : memref<3x112x128xf32, #tpu.memory_space<vmem>> -> memref<1x112x128xf32, #tpu.memory_space<vmem>>
    %dma_wait3A_260 = tpu.memref_squeeze %dma_wait3A_259 : memref<1x112x128xf32, #tpu.memory_space<vmem>> -> memref<112x128xf32, #tpu.memory_space<vmem>>
    tpu.wait_dma2 semaphore(%arg14 : memref<!tpu.dma_semaphore, #tpu.memory_space<semaphore_mem>>) src(%dma_wait3A_260 : memref<112x128xf32, #tpu.memory_space<vmem>>) dst(%dma_wait3A_256 : memref<112x128xf32, #tpu.memory_space<vmem_shared>>)
    %dma_wait3A_261 = arith.constant 2 : i32
    %dma_wait3A_262 = arith.constant 0 : i32
    %dma_wait3A_263 = arith.constant 0 : i32
    %dma_wait3A_264 = tpu.memref_slice %arg6[%dma_wait3A_261, %dma_wait3A_262, %dma_wait3A_263] : memref<3x112x128xf32, #tpu.memory_space<vmem>> -> memref<1x112x128xf32, #tpu.memory_space<vmem>>
    %dma_wait3A_265 = tpu.memref_squeeze %dma_wait3A_264 : memref<1x112x128xf32, #tpu.memory_space<vmem>> -> memref<112x128xf32, #tpu.memory_space<vmem>>
    %dma_wait3A_266 = arith.constant 0 : i32
    %dma_wait3A_267 = arith.constant 0 : i32
    %dma_wait3A_268 = tpu.memref_slice %arg7[%dma_wait3A_266, %dma_wait3A_267] : memref<10240x128xf32, #tpu.memory_space<vmem_shared>> -> memref<112x128xf32, #tpu.memory_space<vmem_shared>>
    %dma_wait3A_269 = arith.constant 0 : i32
    %dma_wait3A_270 = arith.constant 0 : i32
    %dma_wait3A_271 = tpu.memref_slice %arg7[%dma_wait3A_269, %dma_wait3A_270] : memref<10240x128xf32, #tpu.memory_space<vmem_shared>> -> memref<112x128xf32, #tpu.memory_space<vmem_shared>>
    %dma_wait3A_272 = arith.constant 0 : i32
    %dma_wait3A_273 = arith.constant 0 : i32
    %dma_wait3A_274 = tpu.memref_slice %arg6[%dma_wait3A_261, %dma_wait3A_272, %dma_wait3A_273] : memref<3x112x128xf32, #tpu.memory_space<vmem>> -> memref<1x112x128xf32, #tpu.memory_space<vmem>>
    %dma_wait3A_275 = tpu.memref_squeeze %dma_wait3A_274 : memref<1x112x128xf32, #tpu.memory_space<vmem>> -> memref<112x128xf32, #tpu.memory_space<vmem>>
    tpu.wait_dma2 semaphore(%arg15 : memref<!tpu.dma_semaphore, #tpu.memory_space<semaphore_mem>>) src(%dma_wait3A_275 : memref<112x128xf32, #tpu.memory_space<vmem>>) dst(%dma_wait3A_271 : memref<112x128xf32, #tpu.memory_space<vmem_shared>>)
    %dma_wait3A_276 = arith.constant 0 : i32
    %dma_wait3A_277 = arith.constant 1 : i32
    %dma_wait3A_278 = arith.constant 0 : i32
    %dma_wait3A_279 = arith.constant 0 : i32
    %dma_wait3A_280 = arith.constant 0 : i32
    %dma_wait3A_281 = tpu.memref_slice %arg5[%dma_wait3A_277, %dma_wait3A_278, %dma_wait3A_279, %dma_wait3A_280] : memref<2x3x2x112xi32, #tpu.memory_space<vmem>> -> memref<1x3x2x112xi32, #tpu.memory_space<vmem>>
    %dma_wait3A_282 = tpu.memref_squeeze %dma_wait3A_281 : memref<1x3x2x112xi32, #tpu.memory_space<vmem>> -> memref<3x2x112xi32, #tpu.memory_space<vmem>>
    %dma_wait3A_283 = arith.constant 0 : i32
    %dma_wait3A_284 = arith.constant 0 : i32
    %dma_wait3A_285 = arith.constant 0 : i32
    %dma_wait3A_286 = tpu.memref_slice %arg3[%dma_wait3A_276, %dma_wait3A_283, %dma_wait3A_284, %dma_wait3A_285] : memref<32x90x2x112xi32, #tpu.memory_space<hbm>> -> memref<1x90x2x112xi32, #tpu.memory_space<hbm>>
    %dma_wait3A_287 = tpu.memref_squeeze %dma_wait3A_286 : memref<1x90x2x112xi32, #tpu.memory_space<hbm>> -> memref<90x2x112xi32, #tpu.memory_space<hbm>>
    %dma_wait3A_288 = arith.constant 0 : i32
    %dma_wait3A_289 = arith.constant 0 : i32
    %dma_wait3A_290 = arith.constant 0 : i32
    %dma_wait3A_291 = tpu.memref_slice %dma_wait3A_287[%dma_wait3A_288, %dma_wait3A_289, %dma_wait3A_290] : memref<90x2x112xi32, #tpu.memory_space<hbm>> -> memref<3x2x112xi32, #tpu.memory_space<hbm>>
    %dma_wait3A_292 = arith.constant 0 : i32
    %dma_wait3A_293 = arith.constant 0 : i32
    %dma_wait3A_294 = arith.constant 0 : i32
    %dma_wait3A_295 = tpu.memref_slice %arg5[%dma_wait3A_277, %dma_wait3A_292, %dma_wait3A_293, %dma_wait3A_294] : memref<2x3x2x112xi32, #tpu.memory_space<vmem>> -> memref<1x3x2x112xi32, #tpu.memory_space<vmem>>
    %dma_wait3A_296 = tpu.memref_squeeze %dma_wait3A_295 : memref<1x3x2x112xi32, #tpu.memory_space<vmem>> -> memref<3x2x112xi32, #tpu.memory_space<vmem>>
    %dma_wait3A_297 = arith.constant 0 : i32
    %dma_wait3A_298 = arith.constant 0 : i32
    %dma_wait3A_299 = arith.constant 0 : i32
    %dma_wait3A_300 = tpu.memref_slice %arg3[%dma_wait3A_276, %dma_wait3A_297, %dma_wait3A_298, %dma_wait3A_299] : memref<32x90x2x112xi32, #tpu.memory_space<hbm>> -> memref<1x90x2x112xi32, #tpu.memory_space<hbm>>
    %dma_wait3A_301 = tpu.memref_squeeze %dma_wait3A_300 : memref<1x90x2x112xi32, #tpu.memory_space<hbm>> -> memref<90x2x112xi32, #tpu.memory_space<hbm>>
    %dma_wait3A_302 = arith.constant 0 : i32
    %dma_wait3A_303 = arith.constant 0 : i32
    %dma_wait3A_304 = arith.constant 0 : i32
    %dma_wait3A_305 = tpu.memref_slice %dma_wait3A_301[%dma_wait3A_302, %dma_wait3A_303, %dma_wait3A_304] : memref<90x2x112xi32, #tpu.memory_space<hbm>> -> memref<3x2x112xi32, #tpu.memory_space<hbm>>
    tpu.wait_dma2 semaphore(%arg9 : memref<!tpu.dma_semaphore, #tpu.memory_space<semaphore_mem>>) src(%dma_wait3A_305 : memref<3x2x112xi32, #tpu.memory_space<hbm>>) dst(%dma_wait3A_296 : memref<3x2x112xi32, #tpu.memory_space<vmem>>)
    %dma_start3A_306 = arith.constant 1 : i32
    %dma_start3A_307 = arith.constant 0 : i32
    %dma_start3A_308 = arith.constant 0 : i32
    %dma_start3A_309 = arith.constant 0 : i32
    %dma_start3A_310 = arith.constant 0 : i32
    %dma_start3A_311 = arith.constant 0 : i32
    %dma_start3A_312 = tpu.memref_slice %arg6[%dma_start3A_309, %dma_start3A_310, %dma_start3A_311] : memref<3x112x128xf32, #tpu.memory_space<vmem>> -> memref<1x112x128xf32, #tpu.memory_space<vmem>>
    %dma_start3A_313 = tpu.memref_squeeze %dma_start3A_312 : memref<1x112x128xf32, #tpu.memory_space<vmem>> -> memref<112x128xf32, #tpu.memory_space<vmem>>
    %dma_start3A_314 = arith.constant 0 : i32
    %dma_start3A_315 = tpu.memref_slice %arg5[%dma_start3A_306, %dma_start3A_307, %dma_start3A_308, %dma_start3A_314] : memref<2x3x2x112xi32, #tpu.memory_space<vmem>> -> memref<1x1x1x112xi32, #tpu.memory_space<vmem>>
    %dma_start3A_316 = tpu.memref_squeeze %dma_start3A_315 : memref<1x1x1x112xi32, #tpu.memory_space<vmem>> -> memref<112xi32, #tpu.memory_space<vmem>>
    %dma_start3A_317 = arith.constant 0 : i32
    %dma_start3A_318 = arith.constant 0 : i32
    %dma_start3A_319 = tpu.memref_slice %arg2[%dma_start3A_317, %dma_start3A_318] : memref<10240x128xf32, #tpu.memory_space<hbm>> -> memref<10240x128xf32, #tpu.memory_space<hbm>>
    tpu.enqueue_indirect_dma source(%dma_start3A_319 : memref<10240x128xf32, #tpu.memory_space<hbm>>) target(%dma_start3A_313 : memref<112x128xf32, #tpu.memory_space<vmem>>) offsets(%dma_start3A_316 : memref<112xi32, #tpu.memory_space<vmem>>) semaphore(%arg10 : memref<!tpu.dma_semaphore, #tpu.memory_space<semaphore_mem>>)
    %dma_start3A_320 = arith.constant 1 : i32
    %dma_start3A_321 = arith.constant 1 : i32
    %dma_start3A_322 = arith.constant 0 : i32
    %dma_start3A_323 = arith.constant 1 : i32
    %dma_start3A_324 = arith.constant 0 : i32
    %dma_start3A_325 = arith.constant 0 : i32
    %dma_start3A_326 = tpu.memref_slice %arg6[%dma_start3A_323, %dma_start3A_324, %dma_start3A_325] : memref<3x112x128xf32, #tpu.memory_space<vmem>> -> memref<1x112x128xf32, #tpu.memory_space<vmem>>
    %dma_start3A_327 = tpu.memref_squeeze %dma_start3A_326 : memref<1x112x128xf32, #tpu.memory_space<vmem>> -> memref<112x128xf32, #tpu.memory_space<vmem>>
    %dma_start3A_328 = arith.constant 0 : i32
    %dma_start3A_329 = tpu.memref_slice %arg5[%dma_start3A_320, %dma_start3A_321, %dma_start3A_322, %dma_start3A_328] : memref<2x3x2x112xi32, #tpu.memory_space<vmem>> -> memref<1x1x1x112xi32, #tpu.memory_space<vmem>>
    %dma_start3A_330 = tpu.memref_squeeze %dma_start3A_329 : memref<1x1x1x112xi32, #tpu.memory_space<vmem>> -> memref<112xi32, #tpu.memory_space<vmem>>
    %dma_start3A_331 = arith.constant 0 : i32
    %dma_start3A_332 = arith.constant 0 : i32
    %dma_start3A_333 = tpu.memref_slice %arg2[%dma_start3A_331, %dma_start3A_332] : memref<10240x128xf32, #tpu.memory_space<hbm>> -> memref<10240x128xf32, #tpu.memory_space<hbm>>
    tpu.enqueue_indirect_dma source(%dma_start3A_333 : memref<10240x128xf32, #tpu.memory_space<hbm>>) target(%dma_start3A_327 : memref<112x128xf32, #tpu.memory_space<vmem>>) offsets(%dma_start3A_330 : memref<112xi32, #tpu.memory_space<vmem>>) semaphore(%arg11 : memref<!tpu.dma_semaphore, #tpu.memory_space<semaphore_mem>>)
    %dma_start3A_334 = arith.constant 1 : i32
    %dma_start3A_335 = arith.constant 2 : i32
    %dma_start3A_336 = arith.constant 0 : i32
    %dma_start3A_337 = arith.constant 2 : i32
    %dma_start3A_338 = arith.constant 0 : i32
    %dma_start3A_339 = arith.constant 0 : i32
    %dma_start3A_340 = tpu.memref_slice %arg6[%dma_start3A_337, %dma_start3A_338, %dma_start3A_339] : memref<3x112x128xf32, #tpu.memory_space<vmem>> -> memref<1x112x128xf32, #tpu.memory_space<vmem>>
    %dma_start3A_341 = tpu.memref_squeeze %dma_start3A_340 : memref<1x112x128xf32, #tpu.memory_space<vmem>> -> memref<112x128xf32, #tpu.memory_space<vmem>>
    %dma_start3A_342 = arith.constant 0 : i32
    %dma_start3A_343 = tpu.memref_slice %arg5[%dma_start3A_334, %dma_start3A_335, %dma_start3A_336, %dma_start3A_342] : memref<2x3x2x112xi32, #tpu.memory_space<vmem>> -> memref<1x1x1x112xi32, #tpu.memory_space<vmem>>
    %dma_start3A_344 = tpu.memref_squeeze %dma_start3A_343 : memref<1x1x1x112xi32, #tpu.memory_space<vmem>> -> memref<112xi32, #tpu.memory_space<vmem>>
    %dma_start3A_345 = arith.constant 0 : i32
    %dma_start3A_346 = arith.constant 0 : i32
    %dma_start3A_347 = tpu.memref_slice %arg2[%dma_start3A_345, %dma_start3A_346] : memref<10240x128xf32, #tpu.memory_space<hbm>> -> memref<10240x128xf32, #tpu.memory_space<hbm>>
    tpu.enqueue_indirect_dma source(%dma_start3A_347 : memref<10240x128xf32, #tpu.memory_space<hbm>>) target(%dma_start3A_341 : memref<112x128xf32, #tpu.memory_space<vmem>>) offsets(%dma_start3A_344 : memref<112xi32, #tpu.memory_space<vmem>>) semaphore(%arg12 : memref<!tpu.dma_semaphore, #tpu.memory_space<semaphore_mem>>)
    %dma_wait3A_348 = arith.constant 0 : i32
    %dma_wait3A_349 = arith.constant 0 : i32
    %dma_wait3A_350 = arith.constant 0 : i32
    %dma_wait3A_351 = tpu.memref_slice %arg6[%dma_wait3A_348, %dma_wait3A_349, %dma_wait3A_350] : memref<3x112x128xf32, #tpu.memory_space<vmem>> -> memref<1x112x128xf32, #tpu.memory_space<vmem>>
    %dma_wait3A_352 = tpu.memref_squeeze %dma_wait3A_351 : memref<1x112x128xf32, #tpu.memory_space<vmem>> -> memref<112x128xf32, #tpu.memory_space<vmem>>
    %dma_wait3A_353 = arith.constant 0 : i32
    %dma_wait3A_354 = arith.constant 0 : i32
    %dma_wait3A_355 = tpu.memref_slice %arg2[%dma_wait3A_353, %dma_wait3A_354] : memref<10240x128xf32, #tpu.memory_space<hbm>> -> memref<112x128xf32, #tpu.memory_space<hbm>>
    %dma_wait3A_356 = arith.constant 0 : i32
    %dma_wait3A_357 = arith.constant 0 : i32
    %dma_wait3A_358 = tpu.memref_slice %arg6[%dma_wait3A_348, %dma_wait3A_356, %dma_wait3A_357] : memref<3x112x128xf32, #tpu.memory_space<vmem>> -> memref<1x112x128xf32, #tpu.memory_space<vmem>>
    %dma_wait3A_359 = tpu.memref_squeeze %dma_wait3A_358 : memref<1x112x128xf32, #tpu.memory_space<vmem>> -> memref<112x128xf32, #tpu.memory_space<vmem>>
    %dma_wait3A_360 = arith.constant 0 : i32
    %dma_wait3A_361 = arith.constant 0 : i32
    %dma_wait3A_362 = tpu.memref_slice %arg2[%dma_wait3A_360, %dma_wait3A_361] : memref<10240x128xf32, #tpu.memory_space<hbm>> -> memref<112x128xf32, #tpu.memory_space<hbm>>
    tpu.wait_dma2 semaphore(%arg10 : memref<!tpu.dma_semaphore, #tpu.memory_space<semaphore_mem>>) src(%dma_wait3A_362 : memref<112x128xf32, #tpu.memory_space<hbm>>) dst(%dma_wait3A_359 : memref<112x128xf32, #tpu.memory_space<vmem>>)
    %dma_start3A_363 = arith.constant 0 : i32
    %dma_start3A_364 = arith.constant 1 : i32
    %dma_start3A_365 = arith.constant 0 : i32
    %dma_start3A_366 = arith.constant 1 : i32
    %dma_start3A_367 = arith.constant 0 : i32
    %dma_start3A_368 = arith.constant 0 : i32
    %dma_start3A_369 = tpu.memref_slice %arg6[%dma_start3A_363, %dma_start3A_367, %dma_start3A_368] : memref<3x112x128xf32, #tpu.memory_space<vmem>> -> memref<1x112x128xf32, #tpu.memory_space<vmem>>
    %dma_start3A_370 = tpu.memref_squeeze %dma_start3A_369 : memref<1x112x128xf32, #tpu.memory_space<vmem>> -> memref<112x128xf32, #tpu.memory_space<vmem>>
    %dma_start3A_371 = arith.constant 0 : i32
    %dma_start3A_372 = tpu.memref_slice %arg5[%dma_start3A_364, %dma_start3A_365, %dma_start3A_366, %dma_start3A_371] : memref<2x3x2x112xi32, #tpu.memory_space<vmem>> -> memref<1x1x1x112xi32, #tpu.memory_space<vmem>>
    %dma_start3A_373 = tpu.memref_squeeze %dma_start3A_372 : memref<1x1x1x112xi32, #tpu.memory_space<vmem>> -> memref<112xi32, #tpu.memory_space<vmem>>
    %dma_start3A_374 = arith.constant 0 : i32
    %dma_start3A_375 = arith.constant 0 : i32
    %dma_start3A_376 = tpu.memref_slice %arg7[%dma_start3A_374, %dma_start3A_375] : memref<10240x128xf32, #tpu.memory_space<vmem_shared>> -> memref<10240x128xf32, #tpu.memory_space<vmem_shared>>
    tpu.enqueue_indirect_dma source(%dma_start3A_370 : memref<112x128xf32, #tpu.memory_space<vmem>>) target(%dma_start3A_376 : memref<10240x128xf32, #tpu.memory_space<vmem_shared>>) offsets(%dma_start3A_373 : memref<112xi32, #tpu.memory_space<vmem>>) semaphore(%arg13 : memref<!tpu.dma_semaphore, #tpu.memory_space<semaphore_mem>>) {add = true}
    %dma_wait3A_377 = arith.constant 1 : i32
    %dma_wait3A_378 = arith.constant 0 : i32
    %dma_wait3A_379 = arith.constant 0 : i32
    %dma_wait3A_380 = tpu.memref_slice %arg6[%dma_wait3A_377, %dma_wait3A_378, %dma_wait3A_379] : memref<3x112x128xf32, #tpu.memory_space<vmem>> -> memref<1x112x128xf32, #tpu.memory_space<vmem>>
    %dma_wait3A_381 = tpu.memref_squeeze %dma_wait3A_380 : memref<1x112x128xf32, #tpu.memory_space<vmem>> -> memref<112x128xf32, #tpu.memory_space<vmem>>
    %dma_wait3A_382 = arith.constant 0 : i32
    %dma_wait3A_383 = arith.constant 0 : i32
    %dma_wait3A_384 = tpu.memref_slice %arg2[%dma_wait3A_382, %dma_wait3A_383] : memref<10240x128xf32, #tpu.memory_space<hbm>> -> memref<112x128xf32, #tpu.memory_space<hbm>>
    %dma_wait3A_385 = arith.constant 0 : i32
    %dma_wait3A_386 = arith.constant 0 : i32
    %dma_wait3A_387 = tpu.memref_slice %arg6[%dma_wait3A_377, %dma_wait3A_385, %dma_wait3A_386] : memref<3x112x128xf32, #tpu.memory_space<vmem>> -> memref<1x112x128xf32, #tpu.memory_space<vmem>>
    %dma_wait3A_388 = tpu.memref_squeeze %dma_wait3A_387 : memref<1x112x128xf32, #tpu.memory_space<vmem>> -> memref<112x128xf32, #tpu.memory_space<vmem>>
    %dma_wait3A_389 = arith.constant 0 : i32
    %dma_wait3A_390 = arith.constant 0 : i32
    %dma_wait3A_391 = tpu.memref_slice %arg2[%dma_wait3A_389, %dma_wait3A_390] : memref<10240x128xf32, #tpu.memory_space<hbm>> -> memref<112x128xf32, #tpu.memory_space<hbm>>
    tpu.wait_dma2 semaphore(%arg11 : memref<!tpu.dma_semaphore, #tpu.memory_space<semaphore_mem>>) src(%dma_wait3A_391 : memref<112x128xf32, #tpu.memory_space<hbm>>) dst(%dma_wait3A_388 : memref<112x128xf32, #tpu.memory_space<vmem>>)
    %dma_start3A_392 = arith.constant 1 : i32
    %dma_start3A_393 = arith.constant 1 : i32
    %dma_start3A_394 = arith.constant 1 : i32
    %dma_start3A_395 = arith.constant 1 : i32
    %dma_start3A_396 = arith.constant 0 : i32
    %dma_start3A_397 = arith.constant 0 : i32
    %dma_start3A_398 = tpu.memref_slice %arg6[%dma_start3A_392, %dma_start3A_396, %dma_start3A_397] : memref<3x112x128xf32, #tpu.memory_space<vmem>> -> memref<1x112x128xf32, #tpu.memory_space<vmem>>
    %dma_start3A_399 = tpu.memref_squeeze %dma_start3A_398 : memref<1x112x128xf32, #tpu.memory_space<vmem>> -> memref<112x128xf32, #tpu.memory_space<vmem>>
    %dma_start3A_400 = arith.constant 0 : i32
    %dma_start3A_401 = tpu.memref_slice %arg5[%dma_start3A_393, %dma_start3A_394, %dma_start3A_395, %dma_start3A_400] : memref<2x3x2x112xi32, #tpu.memory_space<vmem>> -> memref<1x1x1x112xi32, #tpu.memory_space<vmem>>
    %dma_start3A_402 = tpu.memref_squeeze %dma_start3A_401 : memref<1x1x1x112xi32, #tpu.memory_space<vmem>> -> memref<112xi32, #tpu.memory_space<vmem>>
    %dma_start3A_403 = arith.constant 0 : i32
    %dma_start3A_404 = arith.constant 0 : i32
    %dma_start3A_405 = tpu.memref_slice %arg7[%dma_start3A_403, %dma_start3A_404] : memref<10240x128xf32, #tpu.memory_space<vmem_shared>> -> memref<10240x128xf32, #tpu.memory_space<vmem_shared>>
    tpu.enqueue_indirect_dma source(%dma_start3A_399 : memref<112x128xf32, #tpu.memory_space<vmem>>) target(%dma_start3A_405 : memref<10240x128xf32, #tpu.memory_space<vmem_shared>>) offsets(%dma_start3A_402 : memref<112xi32, #tpu.memory_space<vmem>>) semaphore(%arg14 : memref<!tpu.dma_semaphore, #tpu.memory_space<semaphore_mem>>) {add = true}
    %dma_wait3A_406 = arith.constant 2 : i32
    %dma_wait3A_407 = arith.constant 0 : i32
    %dma_wait3A_408 = arith.constant 0 : i32
    %dma_wait3A_409 = tpu.memref_slice %arg6[%dma_wait3A_406, %dma_wait3A_407, %dma_wait3A_408] : memref<3x112x128xf32, #tpu.memory_space<vmem>> -> memref<1x112x128xf32, #tpu.memory_space<vmem>>
    %dma_wait3A_410 = tpu.memref_squeeze %dma_wait3A_409 : memref<1x112x128xf32, #tpu.memory_space<vmem>> -> memref<112x128xf32, #tpu.memory_space<vmem>>
    %dma_wait3A_411 = arith.constant 0 : i32
    %dma_wait3A_412 = arith.constant 0 : i32
    %dma_wait3A_413 = tpu.memref_slice %arg2[%dma_wait3A_411, %dma_wait3A_412] : memref<10240x128xf32, #tpu.memory_space<hbm>> -> memref<112x128xf32, #tpu.memory_space<hbm>>
    %dma_wait3A_414 = arith.constant 0 : i32
    %dma_wait3A_415 = arith.constant 0 : i32
    %dma_wait3A_416 = tpu.memref_slice %arg6[%dma_wait3A_406, %dma_wait3A_414, %dma_wait3A_415] : memref<3x112x128xf32, #tpu.memory_space<vmem>> -> memref<1x112x128xf32, #tpu.memory_space<vmem>>
    %dma_wait3A_417 = tpu.memref_squeeze %dma_wait3A_416 : memref<1x112x128xf32, #tpu.memory_space<vmem>> -> memref<112x128xf32, #tpu.memory_space<vmem>>
    %dma_wait3A_418 = arith.constant 0 : i32
    %dma_wait3A_419 = arith.constant 0 : i32
    %dma_wait3A_420 = tpu.memref_slice %arg2[%dma_wait3A_418, %dma_wait3A_419] : memref<10240x128xf32, #tpu.memory_space<hbm>> -> memref<112x128xf32, #tpu.memory_space<hbm>>
    tpu.wait_dma2 semaphore(%arg12 : memref<!tpu.dma_semaphore, #tpu.memory_space<semaphore_mem>>) src(%dma_wait3A_420 : memref<112x128xf32, #tpu.memory_space<hbm>>) dst(%dma_wait3A_417 : memref<112x128xf32, #tpu.memory_space<vmem>>)
    %dma_start3A_421 = arith.constant 2 : i32
    %dma_start3A_422 = arith.constant 1 : i32
    %dma_start3A_423 = arith.constant 2 : i32
    %dma_start3A_424 = arith.constant 1 : i32
    %dma_start3A_425 = arith.constant 0 : i32
    %dma_start3A_426 = arith.constant 0 : i32
    %dma_start3A_427 = tpu.memref_slice %arg6[%dma_start3A_421, %dma_start3A_425, %dma_start3A_426] : memref<3x112x128xf32, #tpu.memory_space<vmem>> -> memref<1x112x128xf32, #tpu.memory_space<vmem>>
    %dma_start3A_428 = tpu.memref_squeeze %dma_start3A_427 : memref<1x112x128xf32, #tpu.memory_space<vmem>> -> memref<112x128xf32, #tpu.memory_space<vmem>>
    %dma_start3A_429 = arith.constant 0 : i32
    %dma_start3A_430 = tpu.memref_slice %arg5[%dma_start3A_422, %dma_start3A_423, %dma_start3A_424, %dma_start3A_429] : memref<2x3x2x112xi32, #tpu.memory_space<vmem>> -> memref<1x1x1x112xi32, #tpu.memory_space<vmem>>
    %dma_start3A_431 = tpu.memref_squeeze %dma_start3A_430 : memref<1x1x1x112xi32, #tpu.memory_space<vmem>> -> memref<112xi32, #tpu.memory_space<vmem>>
    %dma_start3A_432 = arith.constant 0 : i32
    %dma_start3A_433 = arith.constant 0 : i32
    %dma_start3A_434 = tpu.memref_slice %arg7[%dma_start3A_432, %dma_start3A_433] : memref<10240x128xf32, #tpu.memory_space<vmem_shared>> -> memref<10240x128xf32, #tpu.memory_space<vmem_shared>>
    tpu.enqueue_indirect_dma source(%dma_start3A_428 : memref<112x128xf32, #tpu.memory_space<vmem>>) target(%dma_start3A_434 : memref<10240x128xf32, #tpu.memory_space<vmem_shared>>) offsets(%dma_start3A_431 : memref<112xi32, #tpu.memory_space<vmem>>) semaphore(%arg15 : memref<!tpu.dma_semaphore, #tpu.memory_space<semaphore_mem>>) {add = true}
    %dma_wait3A_435 = arith.constant 0 : i32
    %dma_wait3A_436 = arith.constant 0 : i32
    %dma_wait3A_437 = arith.constant 0 : i32
    %dma_wait3A_438 = tpu.memref_slice %arg6[%dma_wait3A_435, %dma_wait3A_436, %dma_wait3A_437] : memref<3x112x128xf32, #tpu.memory_space<vmem>> -> memref<1x112x128xf32, #tpu.memory_space<vmem>>
    %dma_wait3A_439 = tpu.memref_squeeze %dma_wait3A_438 : memref<1x112x128xf32, #tpu.memory_space<vmem>> -> memref<112x128xf32, #tpu.memory_space<vmem>>
    %dma_wait3A_440 = arith.constant 0 : i32
    %dma_wait3A_441 = arith.constant 0 : i32
    %dma_wait3A_442 = tpu.memref_slice %arg7[%dma_wait3A_440, %dma_wait3A_441] : memref<10240x128xf32, #tpu.memory_space<vmem_shared>> -> memref<112x128xf32, #tpu.memory_space<vmem_shared>>
    %dma_wait3A_443 = arith.constant 0 : i32
    %dma_wait3A_444 = arith.constant 0 : i32
    %dma_wait3A_445 = tpu.memref_slice %arg7[%dma_wait3A_443, %dma_wait3A_444] : memref<10240x128xf32, #tpu.memory_space<vmem_shared>> -> memref<112x128xf32, #tpu.memory_space<vmem_shared>>
    %dma_wait3A_446 = arith.constant 0 : i32
    %dma_wait3A_447 = arith.constant 0 : i32
    %dma_wait3A_448 = tpu.memref_slice %arg6[%dma_wait3A_435, %dma_wait3A_446, %dma_wait3A_447] : memref<3x112x128xf32, #tpu.memory_space<vmem>> -> memref<1x112x128xf32, #tpu.memory_space<vmem>>
    %dma_wait3A_449 = tpu.memref_squeeze %dma_wait3A_448 : memref<1x112x128xf32, #tpu.memory_space<vmem>> -> memref<112x128xf32, #tpu.memory_space<vmem>>
    tpu.wait_dma2 semaphore(%arg13 : memref<!tpu.dma_semaphore, #tpu.memory_space<semaphore_mem>>) src(%dma_wait3A_449 : memref<112x128xf32, #tpu.memory_space<vmem>>) dst(%dma_wait3A_445 : memref<112x128xf32, #tpu.memory_space<vmem_shared>>)
    %dma_wait3A_450 = arith.constant 1 : i32
    %dma_wait3A_451 = arith.constant 0 : i32
    %dma_wait3A_452 = arith.constant 0 : i32
    %dma_wait3A_453 = tpu.memref_slice %arg6[%dma_wait3A_450, %dma_wait3A_451, %dma_wait3A_452] : memref<3x112x128xf32, #tpu.memory_space<vmem>> -> memref<1x112x128xf32, #tpu.memory_space<vmem>>
    %dma_wait3A_454 = tpu.memref_squeeze %dma_wait3A_453 : memref<1x112x128xf32, #tpu.memory_space<vmem>> -> memref<112x128xf32, #tpu.memory_space<vmem>>
    %dma_wait3A_455 = arith.constant 0 : i32
    %dma_wait3A_456 = arith.constant 0 : i32
    %dma_wait3A_457 = tpu.memref_slice %arg7[%dma_wait3A_455, %dma_wait3A_456] : memref<10240x128xf32, #tpu.memory_space<vmem_shared>> -> memref<112x128xf32, #tpu.memory_space<vmem_shared>>
    %dma_wait3A_458 = arith.constant 0 : i32
    %dma_wait3A_459 = arith.constant 0 : i32
    %dma_wait3A_460 = tpu.memref_slice %arg7[%dma_wait3A_458, %dma_wait3A_459] : memref<10240x128xf32, #tpu.memory_space<vmem_shared>> -> memref<112x128xf32, #tpu.memory_space<vmem_shared>>
    %dma_wait3A_461 = arith.constant 0 : i32
    %dma_wait3A_462 = arith.constant 0 : i32
    %dma_wait3A_463 = tpu.memref_slice %arg6[%dma_wait3A_450, %dma_wait3A_461, %dma_wait3A_462] : memref<3x112x128xf32, #tpu.memory_space<vmem>> -> memref<1x112x128xf32, #tpu.memory_space<vmem>>
    %dma_wait3A_464 = tpu.memref_squeeze %dma_wait3A_463 : memref<1x112x128xf32, #tpu.memory_space<vmem>> -> memref<112x128xf32, #tpu.memory_space<vmem>>
    tpu.wait_dma2 semaphore(%arg14 : memref<!tpu.dma_semaphore, #tpu.memory_space<semaphore_mem>>) src(%dma_wait3A_464 : memref<112x128xf32, #tpu.memory_space<vmem>>) dst(%dma_wait3A_460 : memref<112x128xf32, #tpu.memory_space<vmem_shared>>)
    %dma_wait3A_465 = arith.constant 2 : i32
    %dma_wait3A_466 = arith.constant 0 : i32
    %dma_wait3A_467 = arith.constant 0 : i32
    %dma_wait3A_468 = tpu.memref_slice %arg6[%dma_wait3A_465, %dma_wait3A_466, %dma_wait3A_467] : memref<3x112x128xf32, #tpu.memory_space<vmem>> -> memref<1x112x128xf32, #tpu.memory_space<vmem>>
    %dma_wait3A_469 = tpu.memref_squeeze %dma_wait3A_468 : memref<1x112x128xf32, #tpu.memory_space<vmem>> -> memref<112x128xf32, #tpu.memory_space<vmem>>
    %dma_wait3A_470 = arith.constant 0 : i32
    %dma_wait3A_471 = arith.constant 0 : i32
    %dma_wait3A_472 = tpu.memref_slice %arg7[%dma_wait3A_470, %dma_wait3A_471] : memref<10240x128xf32, #tpu.memory_space<vmem_shared>> -> memref<112x128xf32, #tpu.memory_space<vmem_shared>>
    %dma_wait3A_473 = arith.constant 0 : i32
    %dma_wait3A_474 = arith.constant 0 : i32
    %dma_wait3A_475 = tpu.memref_slice %arg7[%dma_wait3A_473, %dma_wait3A_474] : memref<10240x128xf32, #tpu.memory_space<vmem_shared>> -> memref<112x128xf32, #tpu.memory_space<vmem_shared>>
    %dma_wait3A_476 = arith.constant 0 : i32
    %dma_wait3A_477 = arith.constant 0 : i32
    %dma_wait3A_478 = tpu.memref_slice %arg6[%dma_wait3A_465, %dma_wait3A_476, %dma_wait3A_477] : memref<3x112x128xf32, #tpu.memory_space<vmem>> -> memref<1x112x128xf32, #tpu.memory_space<vmem>>
    %dma_wait3A_479 = tpu.memref_squeeze %dma_wait3A_478 : memref<1x112x128xf32, #tpu.memory_space<vmem>> -> memref<112x128xf32, #tpu.memory_space<vmem>>
    tpu.wait_dma2 semaphore(%arg15 : memref<!tpu.dma_semaphore, #tpu.memory_space<semaphore_mem>>) src(%dma_wait3A_479 : memref<112x128xf32, #tpu.memory_space<vmem>>) dst(%dma_wait3A_475 : memref<112x128xf32, #tpu.memory_space<vmem_shared>>)
    %barrier3A_480 = arith.constant 0 : index
    tpu.barrier barrier_id(%barrier3A_480)
    "tpu.region"() ({
      %run_scoped3A = tpu.sem_alloc : memref<!tpu.dma_semaphore, #tpu.memory_space<semaphore_mem>>
      %dma_start3A_481 = arith.constant 0 : i32
      %dma_start3A_482 = arith.constant 0 : i32
      %dma_start3A_483 = tpu.memref_slice %arg4[%arg0, %dma_start3A_481, %dma_start3A_482] : memref<2x10240x128xf32, #tpu.memory_space<hbm>> -> memref<1x10240x128xf32, #tpu.memory_space<hbm>>
      %dma_start3A_484 = tpu.memref_squeeze %dma_start3A_483 : memref<1x10240x128xf32, #tpu.memory_space<hbm>> -> memref<10240x128xf32, #tpu.memory_space<hbm>>
      %dma_start3A_485 = arith.constant 0 : i32
      %dma_start3A_486 = tpu.memref_slice %dma_start3A_484[%mul3A_2, %dma_start3A_485] : memref<10240x128xf32, #tpu.memory_space<hbm>> -> memref<640x128xf32, #tpu.memory_space<hbm>>
      %dma_start3A_487 = arith.constant 0 : i32
      %dma_start3A_488 = tpu.memref_slice %arg7[%mul3A_2, %dma_start3A_487] : memref<10240x128xf32, #tpu.memory_space<vmem_shared>> -> memref<640x128xf32, #tpu.memory_space<vmem_shared>>
      tpu.enqueue_dma source(%dma_start3A_488 : memref<640x128xf32, #tpu.memory_space<vmem_shared>>) target(%dma_start3A_486 : memref<640x128xf32, #tpu.memory_space<hbm>>) target_semaphore(%run_scoped3A : memref<!tpu.dma_semaphore, #tpu.memory_space<semaphore_mem>>)
      %dma_wait3A_489 = arith.constant 0 : i32
      %dma_wait3A_490 = arith.constant 0 : i32
      %dma_wait3A_491 = tpu.memref_slice %arg4[%arg0, %dma_wait3A_489, %dma_wait3A_490] : memref<2x10240x128xf32, #tpu.memory_space<hbm>> -> memref<1x10240x128xf32, #tpu.memory_space<hbm>>
      %dma_wait3A_492 = tpu.memref_squeeze %dma_wait3A_491 : memref<1x10240x128xf32, #tpu.memory_space<hbm>> -> memref<10240x128xf32, #tpu.memory_space<hbm>>
      %dma_wait3A_493 = arith.constant 0 : i32
      %dma_wait3A_494 = tpu.memref_slice %dma_wait3A_492[%mul3A_2, %dma_wait3A_493] : memref<10240x128xf32, #tpu.memory_space<hbm>> -> memref<640x128xf32, #tpu.memory_space<hbm>>
      %dma_wait3A_495 = arith.constant 0 : i32
      %dma_wait3A_496 = tpu.memref_slice %arg7[%mul3A_2, %dma_wait3A_495] : memref<10240x128xf32, #tpu.memory_space<vmem_shared>> -> memref<640x128xf32, #tpu.memory_space<vmem_shared>>
      tpu.wait_dma2 semaphore(%run_scoped3A : memref<!tpu.dma_semaphore, #tpu.memory_space<semaphore_mem>>) src(%dma_wait3A_496 : memref<640x128xf32, #tpu.memory_space<vmem_shared>>) dst(%dma_wait3A_494 : memref<640x128xf32, #tpu.memory_space<hbm>>)
      tpu.yield
    }) : () -> ()
    return
  }
}

#map = affine_map<(d0, d1) -> (0, 0)>
#map1 = affine_map<(d0, d1) -> (0, 0, 0, 0)>
#map2 = affine_map<(d0, d1) -> (0, 0, 0)>
module attributes {stable_mosaic.version = 14 : i64} {
  func.func @_sc_aggregate(%arg0: i32, %arg1: i32, %arg2: memref<10240x128xf32, #tpu.memory_space<hbm>>, %arg3: memref<32x90x2x112xi32, #tpu.memory_space<hbm>>, %arg4: memref<2x10240x128xf32, #tpu.memory_space<hbm>>, %arg5: memref<2x3x2x112xi32, #tpu.memory_space<vmem>>, %arg6: memref<3x112x128xf32, #tpu.memory_space<vmem>>, %arg7: memref<10240x128xf32, #tpu.memory_space<vmem_shared>>, %arg8: memref<!tpu.dma_semaphore, #tpu.memory_space<semaphore_mem>>, %arg9: memref<!tpu.dma_semaphore, #tpu.memory_space<semaphore_mem>>, %arg10: memref<!tpu.dma_semaphore, #tpu.memory_space<semaphore_mem>>, %arg11: memref<!tpu.dma_semaphore, #tpu.memory_space<semaphore_mem>>, %arg12: memref<!tpu.dma_semaphore, #tpu.memory_space<semaphore_mem>>, %arg13: memref<!tpu.dma_semaphore, #tpu.memory_space<semaphore_mem>>, %arg14: memref<!tpu.dma_semaphore, #tpu.memory_space<semaphore_mem>>, %arg15: memref<!tpu.dma_semaphore, #tpu.memory_space<semaphore_mem>>, %arg16: memref<!tpu.dma_semaphore, #tpu.memory_space<semaphore_mem>>) attributes {dimension_semantics = [#tpu.dimension_semantics<core_parallel>, #tpu.dimension_semantics<subcore_parallel>], iteration_bounds = array<i64: 2, 16>, scalar_prefetch = 0 : i64, scratch_operands = 12 : i64, tpu.core_type = #tpu.core_type<sc_vector_subcore>, window_params = [{transform_indices = #map}, {transform_indices = #map1}, {transform_indices = #map2}]} {
    %mul3A = arith.constant 2 : i32
    %mul3A_0 = arith.muli %arg1, %mul3A : i32
    %add3A = arith.addi %mul3A_0, %arg0 : i32
    %mul3A_1 = arith.constant 640 : i32
    %mul3A_2 = arith.muli %arg1, %mul3A_1 : i32
    %dma_start3A = arith.constant 0 : i32
    %dma_start3A_3 = tpu.memref_slice %arg7[%mul3A_2, %dma_start3A] : memref<10240x128xf32, #tpu.memory_space<vmem_shared>> -> memref<640x128xf32, #tpu.memory_space<vmem_shared>>
    %dma_start3A_4 = arith.constant 0 : i32
    %dma_start3A_5 = tpu.memref_slice %arg2[%mul3A_2, %dma_start3A_4] : memref<10240x128xf32, #tpu.memory_space<hbm>> -> memref<640x128xf32, #tpu.memory_space<hbm>>
    tpu.enqueue_dma source(%dma_start3A_5 : memref<640x128xf32, #tpu.memory_space<hbm>>) target(%dma_start3A_3 : memref<640x128xf32, #tpu.memory_space<vmem_shared>>) target_semaphore(%arg16 : memref<!tpu.dma_semaphore, #tpu.memory_space<semaphore_mem>>)
    %dma_start3A_6 = arith.constant 0 : i32
    %dma_start3A_7 = arith.constant 0 : i32
    %dma_start3A_8 = arith.constant 0 : i32
    %dma_start3A_9 = arith.constant 0 : i32
    %dma_start3A_10 = tpu.memref_slice %arg5[%dma_start3A_6, %dma_start3A_7, %dma_start3A_8, %dma_start3A_9] : memref<2x3x2x112xi32, #tpu.memory_space<vmem>> -> memref<1x3x2x112xi32, #tpu.memory_space<vmem>>
    %dma_start3A_11 = tpu.memref_squeeze %dma_start3A_10 : memref<1x3x2x112xi32, #tpu.memory_space<vmem>> -> memref<3x2x112xi32, #tpu.memory_space<vmem>>
    %dma_start3A_12 = arith.constant 0 : i32
    %dma_start3A_13 = arith.constant 0 : i32
    %dma_start3A_14 = arith.constant 0 : i32
    %dma_start3A_15 = tpu.memref_slice %arg3[%add3A, %dma_start3A_12, %dma_start3A_13, %dma_start3A_14] : memref<32x90x2x112xi32, #tpu.memory_space<hbm>> -> memref<1x90x2x112xi32, #tpu.memory_space<hbm>>
    %dma_start3A_16 = tpu.memref_squeeze %dma_start3A_15 : memref<1x90x2x112xi32, #tpu.memory_space<hbm>> -> memref<90x2x112xi32, #tpu.memory_space<hbm>>
    %dma_start3A_17 = arith.constant 0 : i32
    %dma_start3A_18 = arith.constant 0 : i32
    %dma_start3A_19 = arith.constant 0 : i32
    %dma_start3A_20 = tpu.memref_slice %dma_start3A_16[%dma_start3A_17, %dma_start3A_18, %dma_start3A_19] : memref<90x2x112xi32, #tpu.memory_space<hbm>> -> memref<3x2x112xi32, #tpu.memory_space<hbm>>
    %dma_start3A_21 = arith.constant 0 : i32
    %dma_start3A_22 = arith.constant 0 : i32
    %dma_start3A_23 = arith.constant 0 : i32
    %dma_start3A_24 = tpu.memref_slice %arg5[%dma_start3A_6, %dma_start3A_21, %dma_start3A_22, %dma_start3A_23] : memref<2x3x2x112xi32, #tpu.memory_space<vmem>> -> memref<1x3x2x112xi32, #tpu.memory_space<vmem>>
    %dma_start3A_25 = tpu.memref_squeeze %dma_start3A_24 : memref<1x3x2x112xi32, #tpu.memory_space<vmem>> -> memref<3x2x112xi32, #tpu.memory_space<vmem>>
    %dma_start3A_26 = arith.constant 0 : i32
    %dma_start3A_27 = arith.constant 0 : i32
    %dma_start3A_28 = arith.constant 0 : i32
    %dma_start3A_29 = tpu.memref_slice %arg3[%add3A, %dma_start3A_26, %dma_start3A_27, %dma_start3A_28] : memref<32x90x2x112xi32, #tpu.memory_space<hbm>> -> memref<1x90x2x112xi32, #tpu.memory_space<hbm>>
    %dma_start3A_30 = tpu.memref_squeeze %dma_start3A_29 : memref<1x90x2x112xi32, #tpu.memory_space<hbm>> -> memref<90x2x112xi32, #tpu.memory_space<hbm>>
    %dma_start3A_31 = arith.constant 0 : i32
    %dma_start3A_32 = arith.constant 0 : i32
    %dma_start3A_33 = arith.constant 0 : i32
    %dma_start3A_34 = tpu.memref_slice %dma_start3A_30[%dma_start3A_31, %dma_start3A_32, %dma_start3A_33] : memref<90x2x112xi32, #tpu.memory_space<hbm>> -> memref<3x2x112xi32, #tpu.memory_space<hbm>>
    tpu.enqueue_dma source(%dma_start3A_34 : memref<3x2x112xi32, #tpu.memory_space<hbm>>) target(%dma_start3A_25 : memref<3x2x112xi32, #tpu.memory_space<vmem>>) target_semaphore(%arg8 : memref<!tpu.dma_semaphore, #tpu.memory_space<semaphore_mem>>)
    %dma_wait3A = arith.constant 0 : i32
    %dma_wait3A_35 = arith.constant 0 : i32
    %dma_wait3A_36 = arith.constant 0 : i32
    %dma_wait3A_37 = arith.constant 0 : i32
    %dma_wait3A_38 = arith.constant 0 : i32
    %dma_wait3A_39 = tpu.memref_slice %arg5[%dma_wait3A_35, %dma_wait3A_36, %dma_wait3A_37, %dma_wait3A_38] : memref<2x3x2x112xi32, #tpu.memory_space<vmem>> -> memref<1x3x2x112xi32, #tpu.memory_space<vmem>>
    %dma_wait3A_40 = tpu.memref_squeeze %dma_wait3A_39 : memref<1x3x2x112xi32, #tpu.memory_space<vmem>> -> memref<3x2x112xi32, #tpu.memory_space<vmem>>
    %dma_wait3A_41 = arith.constant 0 : i32
    %dma_wait3A_42 = arith.constant 0 : i32
    %dma_wait3A_43 = arith.constant 0 : i32
    %dma_wait3A_44 = tpu.memref_slice %arg3[%dma_wait3A, %dma_wait3A_41, %dma_wait3A_42, %dma_wait3A_43] : memref<32x90x2x112xi32, #tpu.memory_space<hbm>> -> memref<1x90x2x112xi32, #tpu.memory_space<hbm>>
    %dma_wait3A_45 = tpu.memref_squeeze %dma_wait3A_44 : memref<1x90x2x112xi32, #tpu.memory_space<hbm>> -> memref<90x2x112xi32, #tpu.memory_space<hbm>>
    %dma_wait3A_46 = arith.constant 0 : i32
    %dma_wait3A_47 = arith.constant 0 : i32
    %dma_wait3A_48 = arith.constant 0 : i32
    %dma_wait3A_49 = tpu.memref_slice %dma_wait3A_45[%dma_wait3A_46, %dma_wait3A_47, %dma_wait3A_48] : memref<90x2x112xi32, #tpu.memory_space<hbm>> -> memref<3x2x112xi32, #tpu.memory_space<hbm>>
    %dma_wait3A_50 = arith.constant 0 : i32
    %dma_wait3A_51 = arith.constant 0 : i32
    %dma_wait3A_52 = arith.constant 0 : i32
    %dma_wait3A_53 = tpu.memref_slice %arg5[%dma_wait3A_35, %dma_wait3A_50, %dma_wait3A_51, %dma_wait3A_52] : memref<2x3x2x112xi32, #tpu.memory_space<vmem>> -> memref<1x3x2x112xi32, #tpu.memory_space<vmem>>
    %dma_wait3A_54 = tpu.memref_squeeze %dma_wait3A_53 : memref<1x3x2x112xi32, #tpu.memory_space<vmem>> -> memref<3x2x112xi32, #tpu.memory_space<vmem>>
    %dma_wait3A_55 = arith.constant 0 : i32
    %dma_wait3A_56 = arith.constant 0 : i32
    %dma_wait3A_57 = arith.constant 0 : i32
    %dma_wait3A_58 = tpu.memref_slice %arg3[%dma_wait3A, %dma_wait3A_55, %dma_wait3A_56, %dma_wait3A_57] : memref<32x90x2x112xi32, #tpu.memory_space<hbm>> -> memref<1x90x2x112xi32, #tpu.memory_space<hbm>>
    %dma_wait3A_59 = tpu.memref_squeeze %dma_wait3A_58 : memref<1x90x2x112xi32, #tpu.memory_space<hbm>> -> memref<90x2x112xi32, #tpu.memory_space<hbm>>
    %dma_wait3A_60 = arith.constant 0 : i32
    %dma_wait3A_61 = arith.constant 0 : i32
    %dma_wait3A_62 = arith.constant 0 : i32
    %dma_wait3A_63 = tpu.memref_slice %dma_wait3A_59[%dma_wait3A_60, %dma_wait3A_61, %dma_wait3A_62] : memref<90x2x112xi32, #tpu.memory_space<hbm>> -> memref<3x2x112xi32, #tpu.memory_space<hbm>>
    tpu.wait_dma2 semaphore(%arg8 : memref<!tpu.dma_semaphore, #tpu.memory_space<semaphore_mem>>) src(%dma_wait3A_63 : memref<3x2x112xi32, #tpu.memory_space<hbm>>) dst(%dma_wait3A_54 : memref<3x2x112xi32, #tpu.memory_space<vmem>>)
    %dma_start3A_64 = arith.constant 0 : i32
    %dma_start3A_65 = arith.constant 0 : i32
    %dma_start3A_66 = arith.constant 0 : i32
    %dma_start3A_67 = arith.constant 0 : i32
    %dma_start3A_68 = arith.constant 0 : i32
    %dma_start3A_69 = arith.constant 0 : i32
    %dma_start3A_70 = tpu.memref_slice %arg6[%dma_start3A_67, %dma_start3A_68, %dma_start3A_69] : memref<3x112x128xf32, #tpu.memory_space<vmem>> -> memref<1x112x128xf32, #tpu.memory_space<vmem>>
    %dma_start3A_71 = tpu.memref_squeeze %dma_start3A_70 : memref<1x112x128xf32, #tpu.memory_space<vmem>> -> memref<112x128xf32, #tpu.memory_space<vmem>>
    %dma_start3A_72 = arith.constant 0 : i32
    %dma_start3A_73 = tpu.memref_slice %arg5[%dma_start3A_64, %dma_start3A_65, %dma_start3A_66, %dma_start3A_72] : memref<2x3x2x112xi32, #tpu.memory_space<vmem>> -> memref<1x1x1x112xi32, #tpu.memory_space<vmem>>
    %dma_start3A_74 = tpu.memref_squeeze %dma_start3A_73 : memref<1x1x1x112xi32, #tpu.memory_space<vmem>> -> memref<112xi32, #tpu.memory_space<vmem>>
    %dma_start3A_75 = arith.constant 0 : i32
    %dma_start3A_76 = arith.constant 0 : i32
    %dma_start3A_77 = tpu.memref_slice %arg2[%dma_start3A_75, %dma_start3A_76] : memref<10240x128xf32, #tpu.memory_space<hbm>> -> memref<10240x128xf32, #tpu.memory_space<hbm>>
    tpu.enqueue_indirect_dma source(%dma_start3A_77 : memref<10240x128xf32, #tpu.memory_space<hbm>>) target(%dma_start3A_71 : memref<112x128xf32, #tpu.memory_space<vmem>>) offsets(%dma_start3A_74 : memref<112xi32, #tpu.memory_space<vmem>>) semaphore(%arg10 : memref<!tpu.dma_semaphore, #tpu.memory_space<semaphore_mem>>)
    %dma_start3A_78 = arith.constant 0 : i32
    %dma_start3A_79 = arith.constant 1 : i32
    %dma_start3A_80 = arith.constant 0 : i32
    %dma_start3A_81 = arith.constant 1 : i32
    %dma_start3A_82 = arith.constant 0 : i32
    %dma_start3A_83 = arith.constant 0 : i32
    %dma_start3A_84 = tpu.memref_slice %arg6[%dma_start3A_81, %dma_start3A_82, %dma_start3A_83] : memref<3x112x128xf32, #tpu.memory_space<vmem>> -> memref<1x112x128xf32, #tpu.memory_space<vmem>>
    %dma_start3A_85 = tpu.memref_squeeze %dma_start3A_84 : memref<1x112x128xf32, #tpu.memory_space<vmem>> -> memref<112x128xf32, #tpu.memory_space<vmem>>
    %dma_start3A_86 = arith.constant 0 : i32
    %dma_start3A_87 = tpu.memref_slice %arg5[%dma_start3A_78, %dma_start3A_79, %dma_start3A_80, %dma_start3A_86] : memref<2x3x2x112xi32, #tpu.memory_space<vmem>> -> memref<1x1x1x112xi32, #tpu.memory_space<vmem>>
    %dma_start3A_88 = tpu.memref_squeeze %dma_start3A_87 : memref<1x1x1x112xi32, #tpu.memory_space<vmem>> -> memref<112xi32, #tpu.memory_space<vmem>>
    %dma_start3A_89 = arith.constant 0 : i32
    %dma_start3A_90 = arith.constant 0 : i32
    %dma_start3A_91 = tpu.memref_slice %arg2[%dma_start3A_89, %dma_start3A_90] : memref<10240x128xf32, #tpu.memory_space<hbm>> -> memref<10240x128xf32, #tpu.memory_space<hbm>>
    tpu.enqueue_indirect_dma source(%dma_start3A_91 : memref<10240x128xf32, #tpu.memory_space<hbm>>) target(%dma_start3A_85 : memref<112x128xf32, #tpu.memory_space<vmem>>) offsets(%dma_start3A_88 : memref<112xi32, #tpu.memory_space<vmem>>) semaphore(%arg11 : memref<!tpu.dma_semaphore, #tpu.memory_space<semaphore_mem>>)
    %dma_start3A_92 = arith.constant 0 : i32
    %dma_start3A_93 = arith.constant 2 : i32
    %dma_start3A_94 = arith.constant 0 : i32
    %dma_start3A_95 = arith.constant 2 : i32
    %dma_start3A_96 = arith.constant 0 : i32
    %dma_start3A_97 = arith.constant 0 : i32
    %dma_start3A_98 = tpu.memref_slice %arg6[%dma_start3A_95, %dma_start3A_96, %dma_start3A_97] : memref<3x112x128xf32, #tpu.memory_space<vmem>> -> memref<1x112x128xf32, #tpu.memory_space<vmem>>
    %dma_start3A_99 = tpu.memref_squeeze %dma_start3A_98 : memref<1x112x128xf32, #tpu.memory_space<vmem>> -> memref<112x128xf32, #tpu.memory_space<vmem>>
    %dma_start3A_100 = arith.constant 0 : i32
    %dma_start3A_101 = tpu.memref_slice %arg5[%dma_start3A_92, %dma_start3A_93, %dma_start3A_94, %dma_start3A_100] : memref<2x3x2x112xi32, #tpu.memory_space<vmem>> -> memref<1x1x1x112xi32, #tpu.memory_space<vmem>>
    %dma_start3A_102 = tpu.memref_squeeze %dma_start3A_101 : memref<1x1x1x112xi32, #tpu.memory_space<vmem>> -> memref<112xi32, #tpu.memory_space<vmem>>
    %dma_start3A_103 = arith.constant 0 : i32
    %dma_start3A_104 = arith.constant 0 : i32
    %dma_start3A_105 = tpu.memref_slice %arg2[%dma_start3A_103, %dma_start3A_104] : memref<10240x128xf32, #tpu.memory_space<hbm>> -> memref<10240x128xf32, #tpu.memory_space<hbm>>
    tpu.enqueue_indirect_dma source(%dma_start3A_105 : memref<10240x128xf32, #tpu.memory_space<hbm>>) target(%dma_start3A_99 : memref<112x128xf32, #tpu.memory_space<vmem>>) offsets(%dma_start3A_102 : memref<112xi32, #tpu.memory_space<vmem>>) semaphore(%arg12 : memref<!tpu.dma_semaphore, #tpu.memory_space<semaphore_mem>>)
    %dma_start3A_106 = arith.constant 1 : i32
    %dma_start3A_107 = arith.constant 0 : i32
    %dma_start3A_108 = arith.constant 0 : i32
    %dma_start3A_109 = arith.constant 0 : i32
    %dma_start3A_110 = tpu.memref_slice %arg5[%dma_start3A_106, %dma_start3A_107, %dma_start3A_108, %dma_start3A_109] : memref<2x3x2x112xi32, #tpu.memory_space<vmem>> -> memref<1x3x2x112xi32, #tpu.memory_space<vmem>>
    %dma_start3A_111 = tpu.memref_squeeze %dma_start3A_110 : memref<1x3x2x112xi32, #tpu.memory_space<vmem>> -> memref<3x2x112xi32, #tpu.memory_space<vmem>>
    %dma_start3A_112 = arith.constant 0 : i32
    %dma_start3A_113 = arith.constant 0 : i32
    %dma_start3A_114 = arith.constant 0 : i32
    %dma_start3A_115 = tpu.memref_slice %arg3[%add3A, %dma_start3A_112, %dma_start3A_113, %dma_start3A_114] : memref<32x90x2x112xi32, #tpu.memory_space<hbm>> -> memref<1x90x2x112xi32, #tpu.memory_space<hbm>>
    %dma_start3A_116 = tpu.memref_squeeze %dma_start3A_115 : memref<1x90x2x112xi32, #tpu.memory_space<hbm>> -> memref<90x2x112xi32, #tpu.memory_space<hbm>>
    %dma_start3A_117 = arith.constant 3 : i32
    %dma_start3A_118 = arith.constant 0 : i32
    %dma_start3A_119 = arith.constant 0 : i32
    %dma_start3A_120 = tpu.memref_slice %dma_start3A_116[%dma_start3A_117, %dma_start3A_118, %dma_start3A_119] : memref<90x2x112xi32, #tpu.memory_space<hbm>> -> memref<3x2x112xi32, #tpu.memory_space<hbm>>
    %dma_start3A_121 = arith.constant 0 : i32
    %dma_start3A_122 = arith.constant 0 : i32
    %dma_start3A_123 = arith.constant 0 : i32
    %dma_start3A_124 = tpu.memref_slice %arg5[%dma_start3A_106, %dma_start3A_121, %dma_start3A_122, %dma_start3A_123] : memref<2x3x2x112xi32, #tpu.memory_space<vmem>> -> memref<1x3x2x112xi32, #tpu.memory_space<vmem>>
    %dma_start3A_125 = tpu.memref_squeeze %dma_start3A_124 : memref<1x3x2x112xi32, #tpu.memory_space<vmem>> -> memref<3x2x112xi32, #tpu.memory_space<vmem>>
    %dma_start3A_126 = arith.constant 0 : i32
    %dma_start3A_127 = arith.constant 0 : i32
    %dma_start3A_128 = arith.constant 0 : i32
    %dma_start3A_129 = tpu.memref_slice %arg3[%add3A, %dma_start3A_126, %dma_start3A_127, %dma_start3A_128] : memref<32x90x2x112xi32, #tpu.memory_space<hbm>> -> memref<1x90x2x112xi32, #tpu.memory_space<hbm>>
    %dma_start3A_130 = tpu.memref_squeeze %dma_start3A_129 : memref<1x90x2x112xi32, #tpu.memory_space<hbm>> -> memref<90x2x112xi32, #tpu.memory_space<hbm>>
    %dma_start3A_131 = arith.constant 3 : i32
    %dma_start3A_132 = arith.constant 0 : i32
    %dma_start3A_133 = arith.constant 0 : i32
    %dma_start3A_134 = tpu.memref_slice %dma_start3A_130[%dma_start3A_131, %dma_start3A_132, %dma_start3A_133] : memref<90x2x112xi32, #tpu.memory_space<hbm>> -> memref<3x2x112xi32, #tpu.memory_space<hbm>>
    tpu.enqueue_dma source(%dma_start3A_134 : memref<3x2x112xi32, #tpu.memory_space<hbm>>) target(%dma_start3A_125 : memref<3x2x112xi32, #tpu.memory_space<vmem>>) target_semaphore(%arg9 : memref<!tpu.dma_semaphore, #tpu.memory_space<semaphore_mem>>)
    %dma_wait3A_135 = arith.constant 0 : i32
    %dma_wait3A_136 = tpu.memref_slice %arg7[%mul3A_2, %dma_wait3A_135] : memref<10240x128xf32, #tpu.memory_space<vmem_shared>> -> memref<640x128xf32, #tpu.memory_space<vmem_shared>>
    %dma_wait3A_137 = arith.constant 0 : i32
    %dma_wait3A_138 = tpu.memref_slice %arg2[%mul3A_2, %dma_wait3A_137] : memref<10240x128xf32, #tpu.memory_space<hbm>> -> memref<640x128xf32, #tpu.memory_space<hbm>>
    tpu.wait_dma2 semaphore(%arg16 : memref<!tpu.dma_semaphore, #tpu.memory_space<semaphore_mem>>) src(%dma_wait3A_138 : memref<640x128xf32, #tpu.memory_space<hbm>>) dst(%dma_wait3A_136 : memref<640x128xf32, #tpu.memory_space<vmem_shared>>)
    %barrier3A = arith.constant 0 : index
    tpu.barrier barrier_id(%barrier3A)
    %scan3A = arith.constant 0 : i32
    %scan3A_139 = arith.constant 0 : i32
    %scan3A_140 = arith.constant 14 : i32
    %scan3A_141 = arith.addi %scan3A_139, %scan3A_140 : i32
    %scan3A_142 = arith.constant 1 : i32
    scf.for %scan3A_481 = %scan3A_139 to %scan3A_141 step %scan3A_142  : i32 {
      %mul3A_482 = arith.constant 2 : i32
      %mul3A_483 = arith.muli %mul3A_482, %scan3A_481 : i32
      %dma_wait3A_484 = arith.constant 0 : i32
      %dma_wait3A_485 = arith.constant 0 : i32
      %dma_wait3A_486 = arith.constant 0 : i32
      %dma_wait3A_487 = tpu.memref_slice %arg6[%dma_wait3A_484, %dma_wait3A_485, %dma_wait3A_486] : memref<3x112x128xf32, #tpu.memory_space<vmem>> -> memref<1x112x128xf32, #tpu.memory_space<vmem>>
      %dma_wait3A_488 = tpu.memref_squeeze %dma_wait3A_487 : memref<1x112x128xf32, #tpu.memory_space<vmem>> -> memref<112x128xf32, #tpu.memory_space<vmem>>
      %dma_wait3A_489 = arith.constant 0 : i32
      %dma_wait3A_490 = arith.constant 0 : i32
      %dma_wait3A_491 = tpu.memref_slice %arg2[%dma_wait3A_489, %dma_wait3A_490] : memref<10240x128xf32, #tpu.memory_space<hbm>> -> memref<112x128xf32, #tpu.memory_space<hbm>>
      %dma_wait3A_492 = arith.constant 0 : i32
      %dma_wait3A_493 = arith.constant 0 : i32
      %dma_wait3A_494 = tpu.memref_slice %arg6[%dma_wait3A_484, %dma_wait3A_492, %dma_wait3A_493] : memref<3x112x128xf32, #tpu.memory_space<vmem>> -> memref<1x112x128xf32, #tpu.memory_space<vmem>>
      %dma_wait3A_495 = tpu.memref_squeeze %dma_wait3A_494 : memref<1x112x128xf32, #tpu.memory_space<vmem>> -> memref<112x128xf32, #tpu.memory_space<vmem>>
      %dma_wait3A_496 = arith.constant 0 : i32
      %dma_wait3A_497 = arith.constant 0 : i32
      %dma_wait3A_498 = tpu.memref_slice %arg2[%dma_wait3A_496, %dma_wait3A_497] : memref<10240x128xf32, #tpu.memory_space<hbm>> -> memref<112x128xf32, #tpu.memory_space<hbm>>
      tpu.wait_dma2 semaphore(%arg10 : memref<!tpu.dma_semaphore, #tpu.memory_space<semaphore_mem>>) src(%dma_wait3A_498 : memref<112x128xf32, #tpu.memory_space<hbm>>) dst(%dma_wait3A_495 : memref<112x128xf32, #tpu.memory_space<vmem>>)
      %dma_start3A_499 = arith.constant 0 : i32
      %dma_start3A_500 = arith.constant 0 : i32
      %dma_start3A_501 = arith.constant 0 : i32
      %dma_start3A_502 = arith.constant 1 : i32
      %dma_start3A_503 = arith.constant 0 : i32
      %dma_start3A_504 = arith.constant 0 : i32
      %dma_start3A_505 = tpu.memref_slice %arg6[%dma_start3A_499, %dma_start3A_503, %dma_start3A_504] : memref<3x112x128xf32, #tpu.memory_space<vmem>> -> memref<1x112x128xf32, #tpu.memory_space<vmem>>
      %dma_start3A_506 = tpu.memref_squeeze %dma_start3A_505 : memref<1x112x128xf32, #tpu.memory_space<vmem>> -> memref<112x128xf32, #tpu.memory_space<vmem>>
      %dma_start3A_507 = arith.constant 0 : i32
      %dma_start3A_508 = tpu.memref_slice %arg5[%dma_start3A_500, %dma_start3A_501, %dma_start3A_502, %dma_start3A_507] : memref<2x3x2x112xi32, #tpu.memory_space<vmem>> -> memref<1x1x1x112xi32, #tpu.memory_space<vmem>>
      %dma_start3A_509 = tpu.memref_squeeze %dma_start3A_508 : memref<1x1x1x112xi32, #tpu.memory_space<vmem>> -> memref<112xi32, #tpu.memory_space<vmem>>
      %dma_start3A_510 = arith.constant 0 : i32
      %dma_start3A_511 = arith.constant 0 : i32
      %dma_start3A_512 = tpu.memref_slice %arg7[%dma_start3A_510, %dma_start3A_511] : memref<10240x128xf32, #tpu.memory_space<vmem_shared>> -> memref<10240x128xf32, #tpu.memory_space<vmem_shared>>
      tpu.enqueue_indirect_dma source(%dma_start3A_506 : memref<112x128xf32, #tpu.memory_space<vmem>>) target(%dma_start3A_512 : memref<10240x128xf32, #tpu.memory_space<vmem_shared>>) offsets(%dma_start3A_509 : memref<112xi32, #tpu.memory_space<vmem>>) semaphore(%arg13 : memref<!tpu.dma_semaphore, #tpu.memory_space<semaphore_mem>>) {add = true}
      %dma_wait3A_513 = arith.constant 1 : i32
      %dma_wait3A_514 = arith.constant 0 : i32
      %dma_wait3A_515 = arith.constant 0 : i32
      %dma_wait3A_516 = tpu.memref_slice %arg6[%dma_wait3A_513, %dma_wait3A_514, %dma_wait3A_515] : memref<3x112x128xf32, #tpu.memory_space<vmem>> -> memref<1x112x128xf32, #tpu.memory_space<vmem>>
      %dma_wait3A_517 = tpu.memref_squeeze %dma_wait3A_516 : memref<1x112x128xf32, #tpu.memory_space<vmem>> -> memref<112x128xf32, #tpu.memory_space<vmem>>
      %dma_wait3A_518 = arith.constant 0 : i32
      %dma_wait3A_519 = arith.constant 0 : i32
      %dma_wait3A_520 = tpu.memref_slice %arg2[%dma_wait3A_518, %dma_wait3A_519] : memref<10240x128xf32, #tpu.memory_space<hbm>> -> memref<112x128xf32, #tpu.memory_space<hbm>>
      %dma_wait3A_521 = arith.constant 0 : i32
      %dma_wait3A_522 = arith.constant 0 : i32
      %dma_wait3A_523 = tpu.memref_slice %arg6[%dma_wait3A_513, %dma_wait3A_521, %dma_wait3A_522] : memref<3x112x128xf32, #tpu.memory_space<vmem>> -> memref<1x112x128xf32, #tpu.memory_space<vmem>>
      %dma_wait3A_524 = tpu.memref_squeeze %dma_wait3A_523 : memref<1x112x128xf32, #tpu.memory_space<vmem>> -> memref<112x128xf32, #tpu.memory_space<vmem>>
      %dma_wait3A_525 = arith.constant 0 : i32
      %dma_wait3A_526 = arith.constant 0 : i32
      %dma_wait3A_527 = tpu.memref_slice %arg2[%dma_wait3A_525, %dma_wait3A_526] : memref<10240x128xf32, #tpu.memory_space<hbm>> -> memref<112x128xf32, #tpu.memory_space<hbm>>
      tpu.wait_dma2 semaphore(%arg11 : memref<!tpu.dma_semaphore, #tpu.memory_space<semaphore_mem>>) src(%dma_wait3A_527 : memref<112x128xf32, #tpu.memory_space<hbm>>) dst(%dma_wait3A_524 : memref<112x128xf32, #tpu.memory_space<vmem>>)
      %dma_start3A_528 = arith.constant 1 : i32
      %dma_start3A_529 = arith.constant 0 : i32
      %dma_start3A_530 = arith.constant 1 : i32
      %dma_start3A_531 = arith.constant 1 : i32
      %dma_start3A_532 = arith.constant 0 : i32
      %dma_start3A_533 = arith.constant 0 : i32
      %dma_start3A_534 = tpu.memref_slice %arg6[%dma_start3A_528, %dma_start3A_532, %dma_start3A_533] : memref<3x112x128xf32, #tpu.memory_space<vmem>> -> memref<1x112x128xf32, #tpu.memory_space<vmem>>
      %dma_start3A_535 = tpu.memref_squeeze %dma_start3A_534 : memref<1x112x128xf32, #tpu.memory_space<vmem>> -> memref<112x128xf32, #tpu.memory_space<vmem>>
      %dma_start3A_536 = arith.constant 0 : i32
      %dma_start3A_537 = tpu.memref_slice %arg5[%dma_start3A_529, %dma_start3A_530, %dma_start3A_531, %dma_start3A_536] : memref<2x3x2x112xi32, #tpu.memory_space<vmem>> -> memref<1x1x1x112xi32, #tpu.memory_space<vmem>>
      %dma_start3A_538 = tpu.memref_squeeze %dma_start3A_537 : memref<1x1x1x112xi32, #tpu.memory_space<vmem>> -> memref<112xi32, #tpu.memory_space<vmem>>
      %dma_start3A_539 = arith.constant 0 : i32
      %dma_start3A_540 = arith.constant 0 : i32
      %dma_start3A_541 = tpu.memref_slice %arg7[%dma_start3A_539, %dma_start3A_540] : memref<10240x128xf32, #tpu.memory_space<vmem_shared>> -> memref<10240x128xf32, #tpu.memory_space<vmem_shared>>
      tpu.enqueue_indirect_dma source(%dma_start3A_535 : memref<112x128xf32, #tpu.memory_space<vmem>>) target(%dma_start3A_541 : memref<10240x128xf32, #tpu.memory_space<vmem_shared>>) offsets(%dma_start3A_538 : memref<112xi32, #tpu.memory_space<vmem>>) semaphore(%arg14 : memref<!tpu.dma_semaphore, #tpu.memory_space<semaphore_mem>>) {add = true}
      %dma_wait3A_542 = arith.constant 2 : i32
      %dma_wait3A_543 = arith.constant 0 : i32
      %dma_wait3A_544 = arith.constant 0 : i32
      %dma_wait3A_545 = tpu.memref_slice %arg6[%dma_wait3A_542, %dma_wait3A_543, %dma_wait3A_544] : memref<3x112x128xf32, #tpu.memory_space<vmem>> -> memref<1x112x128xf32, #tpu.memory_space<vmem>>
      %dma_wait3A_546 = tpu.memref_squeeze %dma_wait3A_545 : memref<1x112x128xf32, #tpu.memory_space<vmem>> -> memref<112x128xf32, #tpu.memory_space<vmem>>
      %dma_wait3A_547 = arith.constant 0 : i32
      %dma_wait3A_548 = arith.constant 0 : i32
      %dma_wait3A_549 = tpu.memref_slice %arg2[%dma_wait3A_547, %dma_wait3A_548] : memref<10240x128xf32, #tpu.memory_space<hbm>> -> memref<112x128xf32, #tpu.memory_space<hbm>>
      %dma_wait3A_550 = arith.constant 0 : i32
      %dma_wait3A_551 = arith.constant 0 : i32
      %dma_wait3A_552 = tpu.memref_slice %arg6[%dma_wait3A_542, %dma_wait3A_550, %dma_wait3A_551] : memref<3x112x128xf32, #tpu.memory_space<vmem>> -> memref<1x112x128xf32, #tpu.memory_space<vmem>>
      %dma_wait3A_553 = tpu.memref_squeeze %dma_wait3A_552 : memref<1x112x128xf32, #tpu.memory_space<vmem>> -> memref<112x128xf32, #tpu.memory_space<vmem>>
      %dma_wait3A_554 = arith.constant 0 : i32
      %dma_wait3A_555 = arith.constant 0 : i32
      %dma_wait3A_556 = tpu.memref_slice %arg2[%dma_wait3A_554, %dma_wait3A_555] : memref<10240x128xf32, #tpu.memory_space<hbm>> -> memref<112x128xf32, #tpu.memory_space<hbm>>
      tpu.wait_dma2 semaphore(%arg12 : memref<!tpu.dma_semaphore, #tpu.memory_space<semaphore_mem>>) src(%dma_wait3A_556 : memref<112x128xf32, #tpu.memory_space<hbm>>) dst(%dma_wait3A_553 : memref<112x128xf32, #tpu.memory_space<vmem>>)
      %dma_start3A_557 = arith.constant 2 : i32
      %dma_start3A_558 = arith.constant 0 : i32
      %dma_start3A_559 = arith.constant 2 : i32
      %dma_start3A_560 = arith.constant 1 : i32
      %dma_start3A_561 = arith.constant 0 : i32
      %dma_start3A_562 = arith.constant 0 : i32
      %dma_start3A_563 = tpu.memref_slice %arg6[%dma_start3A_557, %dma_start3A_561, %dma_start3A_562] : memref<3x112x128xf32, #tpu.memory_space<vmem>> -> memref<1x112x128xf32, #tpu.memory_space<vmem>>
      %dma_start3A_564 = tpu.memref_squeeze %dma_start3A_563 : memref<1x112x128xf32, #tpu.memory_space<vmem>> -> memref<112x128xf32, #tpu.memory_space<vmem>>
      %dma_start3A_565 = arith.constant 0 : i32
      %dma_start3A_566 = tpu.memref_slice %arg5[%dma_start3A_558, %dma_start3A_559, %dma_start3A_560, %dma_start3A_565] : memref<2x3x2x112xi32, #tpu.memory_space<vmem>> -> memref<1x1x1x112xi32, #tpu.memory_space<vmem>>
      %dma_start3A_567 = tpu.memref_squeeze %dma_start3A_566 : memref<1x1x1x112xi32, #tpu.memory_space<vmem>> -> memref<112xi32, #tpu.memory_space<vmem>>
      %dma_start3A_568 = arith.constant 0 : i32
      %dma_start3A_569 = arith.constant 0 : i32
      %dma_start3A_570 = tpu.memref_slice %arg7[%dma_start3A_568, %dma_start3A_569] : memref<10240x128xf32, #tpu.memory_space<vmem_shared>> -> memref<10240x128xf32, #tpu.memory_space<vmem_shared>>
      tpu.enqueue_indirect_dma source(%dma_start3A_564 : memref<112x128xf32, #tpu.memory_space<vmem>>) target(%dma_start3A_570 : memref<10240x128xf32, #tpu.memory_space<vmem_shared>>) offsets(%dma_start3A_567 : memref<112xi32, #tpu.memory_space<vmem>>) semaphore(%arg15 : memref<!tpu.dma_semaphore, #tpu.memory_space<semaphore_mem>>) {add = true}
      %dma_wait3A_571 = arith.constant 0 : i32
      %dma_wait3A_572 = arith.constant 0 : i32
      %dma_wait3A_573 = arith.constant 0 : i32
      %dma_wait3A_574 = tpu.memref_slice %arg6[%dma_wait3A_571, %dma_wait3A_572, %dma_wait3A_573] : memref<3x112x128xf32, #tpu.memory_space<vmem>> -> memref<1x112x128xf32, #tpu.memory_space<vmem>>
      %dma_wait3A_575 = tpu.memref_squeeze %dma_wait3A_574 : memref<1x112x128xf32, #tpu.memory_space<vmem>> -> memref<112x128xf32, #tpu.memory_space<vmem>>
      %dma_wait3A_576 = arith.constant 0 : i32
      %dma_wait3A_577 = arith.constant 0 : i32
      %dma_wait3A_578 = tpu.memref_slice %arg7[%dma_wait3A_576, %dma_wait3A_577] : memref<10240x128xf32, #tpu.memory_space<vmem_shared>> -> memref<112x128xf32, #tpu.memory_space<vmem_shared>>
      %dma_wait3A_579 = arith.constant 0 : i32
      %dma_wait3A_580 = arith.constant 0 : i32
      %dma_wait3A_581 = tpu.memref_slice %arg7[%dma_wait3A_579, %dma_wait3A_580] : memref<10240x128xf32, #tpu.memory_space<vmem_shared>> -> memref<112x128xf32, #tpu.memory_space<vmem_shared>>
      %dma_wait3A_582 = arith.constant 0 : i32
      %dma_wait3A_583 = arith.constant 0 : i32
      %dma_wait3A_584 = tpu.memref_slice %arg6[%dma_wait3A_571, %dma_wait3A_582, %dma_wait3A_583] : memref<3x112x128xf32, #tpu.memory_space<vmem>> -> memref<1x112x128xf32, #tpu.memory_space<vmem>>
      %dma_wait3A_585 = tpu.memref_squeeze %dma_wait3A_584 : memref<1x112x128xf32, #tpu.memory_space<vmem>> -> memref<112x128xf32, #tpu.memory_space<vmem>>
      tpu.wait_dma2 semaphore(%arg13 : memref<!tpu.dma_semaphore, #tpu.memory_space<semaphore_mem>>) src(%dma_wait3A_585 : memref<112x128xf32, #tpu.memory_space<vmem>>) dst(%dma_wait3A_581 : memref<112x128xf32, #tpu.memory_space<vmem_shared>>)
      %dma_wait3A_586 = arith.constant 1 : i32
      %dma_wait3A_587 = arith.constant 0 : i32
      %dma_wait3A_588 = arith.constant 0 : i32
      %dma_wait3A_589 = tpu.memref_slice %arg6[%dma_wait3A_586, %dma_wait3A_587, %dma_wait3A_588] : memref<3x112x128xf32, #tpu.memory_space<vmem>> -> memref<1x112x128xf32, #tpu.memory_space<vmem>>
      %dma_wait3A_590 = tpu.memref_squeeze %dma_wait3A_589 : memref<1x112x128xf32, #tpu.memory_space<vmem>> -> memref<112x128xf32, #tpu.memory_space<vmem>>
      %dma_wait3A_591 = arith.constant 0 : i32
      %dma_wait3A_592 = arith.constant 0 : i32
      %dma_wait3A_593 = tpu.memref_slice %arg7[%dma_wait3A_591, %dma_wait3A_592] : memref<10240x128xf32, #tpu.memory_space<vmem_shared>> -> memref<112x128xf32, #tpu.memory_space<vmem_shared>>
      %dma_wait3A_594 = arith.constant 0 : i32
      %dma_wait3A_595 = arith.constant 0 : i32
      %dma_wait3A_596 = tpu.memref_slice %arg7[%dma_wait3A_594, %dma_wait3A_595] : memref<10240x128xf32, #tpu.memory_space<vmem_shared>> -> memref<112x128xf32, #tpu.memory_space<vmem_shared>>
      %dma_wait3A_597 = arith.constant 0 : i32
      %dma_wait3A_598 = arith.constant 0 : i32
      %dma_wait3A_599 = tpu.memref_slice %arg6[%dma_wait3A_586, %dma_wait3A_597, %dma_wait3A_598] : memref<3x112x128xf32, #tpu.memory_space<vmem>> -> memref<1x112x128xf32, #tpu.memory_space<vmem>>
      %dma_wait3A_600 = tpu.memref_squeeze %dma_wait3A_599 : memref<1x112x128xf32, #tpu.memory_space<vmem>> -> memref<112x128xf32, #tpu.memory_space<vmem>>
      tpu.wait_dma2 semaphore(%arg14 : memref<!tpu.dma_semaphore, #tpu.memory_space<semaphore_mem>>) src(%dma_wait3A_600 : memref<112x128xf32, #tpu.memory_space<vmem>>) dst(%dma_wait3A_596 : memref<112x128xf32, #tpu.memory_space<vmem_shared>>)
      %dma_wait3A_601 = arith.constant 2 : i32
      %dma_wait3A_602 = arith.constant 0 : i32
      %dma_wait3A_603 = arith.constant 0 : i32
      %dma_wait3A_604 = tpu.memref_slice %arg6[%dma_wait3A_601, %dma_wait3A_602, %dma_wait3A_603] : memref<3x112x128xf32, #tpu.memory_space<vmem>> -> memref<1x112x128xf32, #tpu.memory_space<vmem>>
      %dma_wait3A_605 = tpu.memref_squeeze %dma_wait3A_604 : memref<1x112x128xf32, #tpu.memory_space<vmem>> -> memref<112x128xf32, #tpu.memory_space<vmem>>
      %dma_wait3A_606 = arith.constant 0 : i32
      %dma_wait3A_607 = arith.constant 0 : i32
      %dma_wait3A_608 = tpu.memref_slice %arg7[%dma_wait3A_606, %dma_wait3A_607] : memref<10240x128xf32, #tpu.memory_space<vmem_shared>> -> memref<112x128xf32, #tpu.memory_space<vmem_shared>>
      %dma_wait3A_609 = arith.constant 0 : i32
      %dma_wait3A_610 = arith.constant 0 : i32
      %dma_wait3A_611 = tpu.memref_slice %arg7[%dma_wait3A_609, %dma_wait3A_610] : memref<10240x128xf32, #tpu.memory_space<vmem_shared>> -> memref<112x128xf32, #tpu.memory_space<vmem_shared>>
      %dma_wait3A_612 = arith.constant 0 : i32
      %dma_wait3A_613 = arith.constant 0 : i32
      %dma_wait3A_614 = tpu.memref_slice %arg6[%dma_wait3A_601, %dma_wait3A_612, %dma_wait3A_613] : memref<3x112x128xf32, #tpu.memory_space<vmem>> -> memref<1x112x128xf32, #tpu.memory_space<vmem>>
      %dma_wait3A_615 = tpu.memref_squeeze %dma_wait3A_614 : memref<1x112x128xf32, #tpu.memory_space<vmem>> -> memref<112x128xf32, #tpu.memory_space<vmem>>
      tpu.wait_dma2 semaphore(%arg15 : memref<!tpu.dma_semaphore, #tpu.memory_space<semaphore_mem>>) src(%dma_wait3A_615 : memref<112x128xf32, #tpu.memory_space<vmem>>) dst(%dma_wait3A_611 : memref<112x128xf32, #tpu.memory_space<vmem_shared>>)
      %add3A_616 = arith.constant 2 : i32
      %add3A_617 = arith.addi %mul3A_483, %add3A_616 : i32
      %mul3A_618 = arith.constant 3 : i32
      %mul3A_619 = arith.muli %add3A_617, %mul3A_618 : i32
      %dma_start3A_620 = arith.constant 0 : i32
      %dma_start3A_621 = arith.constant 0 : i32
      %dma_start3A_622 = arith.constant 0 : i32
      %dma_start3A_623 = arith.constant 0 : i32
      %dma_start3A_624 = tpu.memref_slice %arg5[%dma_start3A_620, %dma_start3A_621, %dma_start3A_622, %dma_start3A_623] : memref<2x3x2x112xi32, #tpu.memory_space<vmem>> -> memref<1x3x2x112xi32, #tpu.memory_space<vmem>>
      %dma_start3A_625 = tpu.memref_squeeze %dma_start3A_624 : memref<1x3x2x112xi32, #tpu.memory_space<vmem>> -> memref<3x2x112xi32, #tpu.memory_space<vmem>>
      %dma_start3A_626 = arith.constant 0 : i32
      %dma_start3A_627 = arith.constant 0 : i32
      %dma_start3A_628 = arith.constant 0 : i32
      %dma_start3A_629 = tpu.memref_slice %arg3[%add3A, %dma_start3A_626, %dma_start3A_627, %dma_start3A_628] : memref<32x90x2x112xi32, #tpu.memory_space<hbm>> -> memref<1x90x2x112xi32, #tpu.memory_space<hbm>>
      %dma_start3A_630 = tpu.memref_squeeze %dma_start3A_629 : memref<1x90x2x112xi32, #tpu.memory_space<hbm>> -> memref<90x2x112xi32, #tpu.memory_space<hbm>>
      %dma_start3A_631 = arith.constant 0 : i32
      %dma_start3A_632 = arith.constant 0 : i32
      %dma_start3A_633 = tpu.memref_slice %dma_start3A_630[%mul3A_619, %dma_start3A_631, %dma_start3A_632] : memref<90x2x112xi32, #tpu.memory_space<hbm>> -> memref<3x2x112xi32, #tpu.memory_space<hbm>>
      %dma_start3A_634 = arith.constant 0 : i32
      %dma_start3A_635 = arith.constant 0 : i32
      %dma_start3A_636 = arith.constant 0 : i32
      %dma_start3A_637 = tpu.memref_slice %arg5[%dma_start3A_620, %dma_start3A_634, %dma_start3A_635, %dma_start3A_636] : memref<2x3x2x112xi32, #tpu.memory_space<vmem>> -> memref<1x3x2x112xi32, #tpu.memory_space<vmem>>
      %dma_start3A_638 = tpu.memref_squeeze %dma_start3A_637 : memref<1x3x2x112xi32, #tpu.memory_space<vmem>> -> memref<3x2x112xi32, #tpu.memory_space<vmem>>
      %dma_start3A_639 = arith.constant 0 : i32
      %dma_start3A_640 = arith.constant 0 : i32
      %dma_start3A_641 = arith.constant 0 : i32
      %dma_start3A_642 = tpu.memref_slice %arg3[%add3A, %dma_start3A_639, %dma_start3A_640, %dma_start3A_641] : memref<32x90x2x112xi32, #tpu.memory_space<hbm>> -> memref<1x90x2x112xi32, #tpu.memory_space<hbm>>
      %dma_start3A_643 = tpu.memref_squeeze %dma_start3A_642 : memref<1x90x2x112xi32, #tpu.memory_space<hbm>> -> memref<90x2x112xi32, #tpu.memory_space<hbm>>
      %dma_start3A_644 = arith.constant 0 : i32
      %dma_start3A_645 = arith.constant 0 : i32
      %dma_start3A_646 = tpu.memref_slice %dma_start3A_643[%mul3A_619, %dma_start3A_644, %dma_start3A_645] : memref<90x2x112xi32, #tpu.memory_space<hbm>> -> memref<3x2x112xi32, #tpu.memory_space<hbm>>
      tpu.enqueue_dma source(%dma_start3A_646 : memref<3x2x112xi32, #tpu.memory_space<hbm>>) target(%dma_start3A_638 : memref<3x2x112xi32, #tpu.memory_space<vmem>>) target_semaphore(%arg8 : memref<!tpu.dma_semaphore, #tpu.memory_space<semaphore_mem>>)
      %dma_wait3A_647 = arith.constant 0 : i32
      %dma_wait3A_648 = arith.constant 1 : i32
      %dma_wait3A_649 = arith.constant 0 : i32
      %dma_wait3A_650 = arith.constant 0 : i32
      %dma_wait3A_651 = arith.constant 0 : i32
      %dma_wait3A_652 = tpu.memref_slice %arg5[%dma_wait3A_648, %dma_wait3A_649, %dma_wait3A_650, %dma_wait3A_651] : memref<2x3x2x112xi32, #tpu.memory_space<vmem>> -> memref<1x3x2x112xi32, #tpu.memory_space<vmem>>
      %dma_wait3A_653 = tpu.memref_squeeze %dma_wait3A_652 : memref<1x3x2x112xi32, #tpu.memory_space<vmem>> -> memref<3x2x112xi32, #tpu.memory_space<vmem>>
      %dma_wait3A_654 = arith.constant 0 : i32
      %dma_wait3A_655 = arith.constant 0 : i32
      %dma_wait3A_656 = arith.constant 0 : i32
      %dma_wait3A_657 = tpu.memref_slice %arg3[%dma_wait3A_647, %dma_wait3A_654, %dma_wait3A_655, %dma_wait3A_656] : memref<32x90x2x112xi32, #tpu.memory_space<hbm>> -> memref<1x90x2x112xi32, #tpu.memory_space<hbm>>
      %dma_wait3A_658 = tpu.memref_squeeze %dma_wait3A_657 : memref<1x90x2x112xi32, #tpu.memory_space<hbm>> -> memref<90x2x112xi32, #tpu.memory_space<hbm>>
      %dma_wait3A_659 = arith.constant 0 : i32
      %dma_wait3A_660 = arith.constant 0 : i32
      %dma_wait3A_661 = arith.constant 0 : i32
      %dma_wait3A_662 = tpu.memref_slice %dma_wait3A_658[%dma_wait3A_659, %dma_wait3A_660, %dma_wait3A_661] : memref<90x2x112xi32, #tpu.memory_space<hbm>> -> memref<3x2x112xi32, #tpu.memory_space<hbm>>
      %dma_wait3A_663 = arith.constant 0 : i32
      %dma_wait3A_664 = arith.constant 0 : i32
      %dma_wait3A_665 = arith.constant 0 : i32
      %dma_wait3A_666 = tpu.memref_slice %arg5[%dma_wait3A_648, %dma_wait3A_663, %dma_wait3A_664, %dma_wait3A_665] : memref<2x3x2x112xi32, #tpu.memory_space<vmem>> -> memref<1x3x2x112xi32, #tpu.memory_space<vmem>>
      %dma_wait3A_667 = tpu.memref_squeeze %dma_wait3A_666 : memref<1x3x2x112xi32, #tpu.memory_space<vmem>> -> memref<3x2x112xi32, #tpu.memory_space<vmem>>
      %dma_wait3A_668 = arith.constant 0 : i32
      %dma_wait3A_669 = arith.constant 0 : i32
      %dma_wait3A_670 = arith.constant 0 : i32
      %dma_wait3A_671 = tpu.memref_slice %arg3[%dma_wait3A_647, %dma_wait3A_668, %dma_wait3A_669, %dma_wait3A_670] : memref<32x90x2x112xi32, #tpu.memory_space<hbm>> -> memref<1x90x2x112xi32, #tpu.memory_space<hbm>>
      %dma_wait3A_672 = tpu.memref_squeeze %dma_wait3A_671 : memref<1x90x2x112xi32, #tpu.memory_space<hbm>> -> memref<90x2x112xi32, #tpu.memory_space<hbm>>
      %dma_wait3A_673 = arith.constant 0 : i32
      %dma_wait3A_674 = arith.constant 0 : i32
      %dma_wait3A_675 = arith.constant 0 : i32
      %dma_wait3A_676 = tpu.memref_slice %dma_wait3A_672[%dma_wait3A_673, %dma_wait3A_674, %dma_wait3A_675] : memref<90x2x112xi32, #tpu.memory_space<hbm>> -> memref<3x2x112xi32, #tpu.memory_space<hbm>>
      tpu.wait_dma2 semaphore(%arg9 : memref<!tpu.dma_semaphore, #tpu.memory_space<semaphore_mem>>) src(%dma_wait3A_676 : memref<3x2x112xi32, #tpu.memory_space<hbm>>) dst(%dma_wait3A_667 : memref<3x2x112xi32, #tpu.memory_space<vmem>>)
      %dma_start3A_677 = arith.constant 1 : i32
      %dma_start3A_678 = arith.constant 0 : i32
      %dma_start3A_679 = arith.constant 0 : i32
      %dma_start3A_680 = arith.constant 0 : i32
      %dma_start3A_681 = arith.constant 0 : i32
      %dma_start3A_682 = arith.constant 0 : i32
      %dma_start3A_683 = tpu.memref_slice %arg6[%dma_start3A_680, %dma_start3A_681, %dma_start3A_682] : memref<3x112x128xf32, #tpu.memory_space<vmem>> -> memref<1x112x128xf32, #tpu.memory_space<vmem>>
      %dma_start3A_684 = tpu.memref_squeeze %dma_start3A_683 : memref<1x112x128xf32, #tpu.memory_space<vmem>> -> memref<112x128xf32, #tpu.memory_space<vmem>>
      %dma_start3A_685 = arith.constant 0 : i32
      %dma_start3A_686 = tpu.memref_slice %arg5[%dma_start3A_677, %dma_start3A_678, %dma_start3A_679, %dma_start3A_685] : memref<2x3x2x112xi32, #tpu.memory_space<vmem>> -> memref<1x1x1x112xi32, #tpu.memory_space<vmem>>
      %dma_start3A_687 = tpu.memref_squeeze %dma_start3A_686 : memref<1x1x1x112xi32, #tpu.memory_space<vmem>> -> memref<112xi32, #tpu.memory_space<vmem>>
      %dma_start3A_688 = arith.constant 0 : i32
      %dma_start3A_689 = arith.constant 0 : i32
      %dma_start3A_690 = tpu.memref_slice %arg2[%dma_start3A_688, %dma_start3A_689] : memref<10240x128xf32, #tpu.memory_space<hbm>> -> memref<10240x128xf32, #tpu.memory_space<hbm>>
      tpu.enqueue_indirect_dma source(%dma_start3A_690 : memref<10240x128xf32, #tpu.memory_space<hbm>>) target(%dma_start3A_684 : memref<112x128xf32, #tpu.memory_space<vmem>>) offsets(%dma_start3A_687 : memref<112xi32, #tpu.memory_space<vmem>>) semaphore(%arg10 : memref<!tpu.dma_semaphore, #tpu.memory_space<semaphore_mem>>)
      %dma_start3A_691 = arith.constant 1 : i32
      %dma_start3A_692 = arith.constant 1 : i32
      %dma_start3A_693 = arith.constant 0 : i32
      %dma_start3A_694 = arith.constant 1 : i32
      %dma_start3A_695 = arith.constant 0 : i32
      %dma_start3A_696 = arith.constant 0 : i32
      %dma_start3A_697 = tpu.memref_slice %arg6[%dma_start3A_694, %dma_start3A_695, %dma_start3A_696] : memref<3x112x128xf32, #tpu.memory_space<vmem>> -> memref<1x112x128xf32, #tpu.memory_space<vmem>>
      %dma_start3A_698 = tpu.memref_squeeze %dma_start3A_697 : memref<1x112x128xf32, #tpu.memory_space<vmem>> -> memref<112x128xf32, #tpu.memory_space<vmem>>
      %dma_start3A_699 = arith.constant 0 : i32
      %dma_start3A_700 = tpu.memref_slice %arg5[%dma_start3A_691, %dma_start3A_692, %dma_start3A_693, %dma_start3A_699] : memref<2x3x2x112xi32, #tpu.memory_space<vmem>> -> memref<1x1x1x112xi32, #tpu.memory_space<vmem>>
      %dma_start3A_701 = tpu.memref_squeeze %dma_start3A_700 : memref<1x1x1x112xi32, #tpu.memory_space<vmem>> -> memref<112xi32, #tpu.memory_space<vmem>>
      %dma_start3A_702 = arith.constant 0 : i32
      %dma_start3A_703 = arith.constant 0 : i32
      %dma_start3A_704 = tpu.memref_slice %arg2[%dma_start3A_702, %dma_start3A_703] : memref<10240x128xf32, #tpu.memory_space<hbm>> -> memref<10240x128xf32, #tpu.memory_space<hbm>>
      tpu.enqueue_indirect_dma source(%dma_start3A_704 : memref<10240x128xf32, #tpu.memory_space<hbm>>) target(%dma_start3A_698 : memref<112x128xf32, #tpu.memory_space<vmem>>) offsets(%dma_start3A_701 : memref<112xi32, #tpu.memory_space<vmem>>) semaphore(%arg11 : memref<!tpu.dma_semaphore, #tpu.memory_space<semaphore_mem>>)
      %dma_start3A_705 = arith.constant 1 : i32
      %dma_start3A_706 = arith.constant 2 : i32
      %dma_start3A_707 = arith.constant 0 : i32
      %dma_start3A_708 = arith.constant 2 : i32
      %dma_start3A_709 = arith.constant 0 : i32
      %dma_start3A_710 = arith.constant 0 : i32
      %dma_start3A_711 = tpu.memref_slice %arg6[%dma_start3A_708, %dma_start3A_709, %dma_start3A_710] : memref<3x112x128xf32, #tpu.memory_space<vmem>> -> memref<1x112x128xf32, #tpu.memory_space<vmem>>
      %dma_start3A_712 = tpu.memref_squeeze %dma_start3A_711 : memref<1x112x128xf32, #tpu.memory_space<vmem>> -> memref<112x128xf32, #tpu.memory_space<vmem>>
      %dma_start3A_713 = arith.constant 0 : i32
      %dma_start3A_714 = tpu.memref_slice %arg5[%dma_start3A_705, %dma_start3A_706, %dma_start3A_707, %dma_start3A_713] : memref<2x3x2x112xi32, #tpu.memory_space<vmem>> -> memref<1x1x1x112xi32, #tpu.memory_space<vmem>>
      %dma_start3A_715 = tpu.memref_squeeze %dma_start3A_714 : memref<1x1x1x112xi32, #tpu.memory_space<vmem>> -> memref<112xi32, #tpu.memory_space<vmem>>
      %dma_start3A_716 = arith.constant 0 : i32
      %dma_start3A_717 = arith.constant 0 : i32
      %dma_start3A_718 = tpu.memref_slice %arg2[%dma_start3A_716, %dma_start3A_717] : memref<10240x128xf32, #tpu.memory_space<hbm>> -> memref<10240x128xf32, #tpu.memory_space<hbm>>
      tpu.enqueue_indirect_dma source(%dma_start3A_718 : memref<10240x128xf32, #tpu.memory_space<hbm>>) target(%dma_start3A_712 : memref<112x128xf32, #tpu.memory_space<vmem>>) offsets(%dma_start3A_715 : memref<112xi32, #tpu.memory_space<vmem>>) semaphore(%arg12 : memref<!tpu.dma_semaphore, #tpu.memory_space<semaphore_mem>>)
      %mul3A_719 = arith.constant 2 : i32
      %mul3A_720 = arith.muli %mul3A_719, %scan3A_481 : i32
      %add3A_721 = arith.constant 1 : i32
      %add3A_722 = arith.addi %mul3A_720, %add3A_721 : i32
      %dma_wait3A_723 = arith.constant 0 : i32
      %dma_wait3A_724 = arith.constant 0 : i32
      %dma_wait3A_725 = arith.constant 0 : i32
      %dma_wait3A_726 = tpu.memref_slice %arg6[%dma_wait3A_723, %dma_wait3A_724, %dma_wait3A_725] : memref<3x112x128xf32, #tpu.memory_space<vmem>> -> memref<1x112x128xf32, #tpu.memory_space<vmem>>
      %dma_wait3A_727 = tpu.memref_squeeze %dma_wait3A_726 : memref<1x112x128xf32, #tpu.memory_space<vmem>> -> memref<112x128xf32, #tpu.memory_space<vmem>>
      %dma_wait3A_728 = arith.constant 0 : i32
      %dma_wait3A_729 = arith.constant 0 : i32
      %dma_wait3A_730 = tpu.memref_slice %arg2[%dma_wait3A_728, %dma_wait3A_729] : memref<10240x128xf32, #tpu.memory_space<hbm>> -> memref<112x128xf32, #tpu.memory_space<hbm>>
      %dma_wait3A_731 = arith.constant 0 : i32
      %dma_wait3A_732 = arith.constant 0 : i32
      %dma_wait3A_733 = tpu.memref_slice %arg6[%dma_wait3A_723, %dma_wait3A_731, %dma_wait3A_732] : memref<3x112x128xf32, #tpu.memory_space<vmem>> -> memref<1x112x128xf32, #tpu.memory_space<vmem>>
      %dma_wait3A_734 = tpu.memref_squeeze %dma_wait3A_733 : memref<1x112x128xf32, #tpu.memory_space<vmem>> -> memref<112x128xf32, #tpu.memory_space<vmem>>
      %dma_wait3A_735 = arith.constant 0 : i32
      %dma_wait3A_736 = arith.constant 0 : i32
      %dma_wait3A_737 = tpu.memref_slice %arg2[%dma_wait3A_735, %dma_wait3A_736] : memref<10240x128xf32, #tpu.memory_space<hbm>> -> memref<112x128xf32, #tpu.memory_space<hbm>>
      tpu.wait_dma2 semaphore(%arg10 : memref<!tpu.dma_semaphore, #tpu.memory_space<semaphore_mem>>) src(%dma_wait3A_737 : memref<112x128xf32, #tpu.memory_space<hbm>>) dst(%dma_wait3A_734 : memref<112x128xf32, #tpu.memory_space<vmem>>)
      %dma_start3A_738 = arith.constant 0 : i32
      %dma_start3A_739 = arith.constant 1 : i32
      %dma_start3A_740 = arith.constant 0 : i32
      %dma_start3A_741 = arith.constant 1 : i32
      %dma_start3A_742 = arith.constant 0 : i32
      %dma_start3A_743 = arith.constant 0 : i32
      %dma_start3A_744 = tpu.memref_slice %arg6[%dma_start3A_738, %dma_start3A_742, %dma_start3A_743] : memref<3x112x128xf32, #tpu.memory_space<vmem>> -> memref<1x112x128xf32, #tpu.memory_space<vmem>>
      %dma_start3A_745 = tpu.memref_squeeze %dma_start3A_744 : memref<1x112x128xf32, #tpu.memory_space<vmem>> -> memref<112x128xf32, #tpu.memory_space<vmem>>
      %dma_start3A_746 = arith.constant 0 : i32
      %dma_start3A_747 = tpu.memref_slice %arg5[%dma_start3A_739, %dma_start3A_740, %dma_start3A_741, %dma_start3A_746] : memref<2x3x2x112xi32, #tpu.memory_space<vmem>> -> memref<1x1x1x112xi32, #tpu.memory_space<vmem>>
      %dma_start3A_748 = tpu.memref_squeeze %dma_start3A_747 : memref<1x1x1x112xi32, #tpu.memory_space<vmem>> -> memref<112xi32, #tpu.memory_space<vmem>>
      %dma_start3A_749 = arith.constant 0 : i32
      %dma_start3A_750 = arith.constant 0 : i32
      %dma_start3A_751 = tpu.memref_slice %arg7[%dma_start3A_749, %dma_start3A_750] : memref<10240x128xf32, #tpu.memory_space<vmem_shared>> -> memref<10240x128xf32, #tpu.memory_space<vmem_shared>>
      tpu.enqueue_indirect_dma source(%dma_start3A_745 : memref<112x128xf32, #tpu.memory_space<vmem>>) target(%dma_start3A_751 : memref<10240x128xf32, #tpu.memory_space<vmem_shared>>) offsets(%dma_start3A_748 : memref<112xi32, #tpu.memory_space<vmem>>) semaphore(%arg13 : memref<!tpu.dma_semaphore, #tpu.memory_space<semaphore_mem>>) {add = true}
      %dma_wait3A_752 = arith.constant 1 : i32
      %dma_wait3A_753 = arith.constant 0 : i32
      %dma_wait3A_754 = arith.constant 0 : i32
      %dma_wait3A_755 = tpu.memref_slice %arg6[%dma_wait3A_752, %dma_wait3A_753, %dma_wait3A_754] : memref<3x112x128xf32, #tpu.memory_space<vmem>> -> memref<1x112x128xf32, #tpu.memory_space<vmem>>
      %dma_wait3A_756 = tpu.memref_squeeze %dma_wait3A_755 : memref<1x112x128xf32, #tpu.memory_space<vmem>> -> memref<112x128xf32, #tpu.memory_space<vmem>>
      %dma_wait3A_757 = arith.constant 0 : i32
      %dma_wait3A_758 = arith.constant 0 : i32
      %dma_wait3A_759 = tpu.memref_slice %arg2[%dma_wait3A_757, %dma_wait3A_758] : memref<10240x128xf32, #tpu.memory_space<hbm>> -> memref<112x128xf32, #tpu.memory_space<hbm>>
      %dma_wait3A_760 = arith.constant 0 : i32
      %dma_wait3A_761 = arith.constant 0 : i32
      %dma_wait3A_762 = tpu.memref_slice %arg6[%dma_wait3A_752, %dma_wait3A_760, %dma_wait3A_761] : memref<3x112x128xf32, #tpu.memory_space<vmem>> -> memref<1x112x128xf32, #tpu.memory_space<vmem>>
      %dma_wait3A_763 = tpu.memref_squeeze %dma_wait3A_762 : memref<1x112x128xf32, #tpu.memory_space<vmem>> -> memref<112x128xf32, #tpu.memory_space<vmem>>
      %dma_wait3A_764 = arith.constant 0 : i32
      %dma_wait3A_765 = arith.constant 0 : i32
      %dma_wait3A_766 = tpu.memref_slice %arg2[%dma_wait3A_764, %dma_wait3A_765] : memref<10240x128xf32, #tpu.memory_space<hbm>> -> memref<112x128xf32, #tpu.memory_space<hbm>>
      tpu.wait_dma2 semaphore(%arg11 : memref<!tpu.dma_semaphore, #tpu.memory_space<semaphore_mem>>) src(%dma_wait3A_766 : memref<112x128xf32, #tpu.memory_space<hbm>>) dst(%dma_wait3A_763 : memref<112x128xf32, #tpu.memory_space<vmem>>)
      %dma_start3A_767 = arith.constant 1 : i32
      %dma_start3A_768 = arith.constant 1 : i32
      %dma_start3A_769 = arith.constant 1 : i32
      %dma_start3A_770 = arith.constant 1 : i32
      %dma_start3A_771 = arith.constant 0 : i32
      %dma_start3A_772 = arith.constant 0 : i32
      %dma_start3A_773 = tpu.memref_slice %arg6[%dma_start3A_767, %dma_start3A_771, %dma_start3A_772] : memref<3x112x128xf32, #tpu.memory_space<vmem>> -> memref<1x112x128xf32, #tpu.memory_space<vmem>>
      %dma_start3A_774 = tpu.memref_squeeze %dma_start3A_773 : memref<1x112x128xf32, #tpu.memory_space<vmem>> -> memref<112x128xf32, #tpu.memory_space<vmem>>
      %dma_start3A_775 = arith.constant 0 : i32
      %dma_start3A_776 = tpu.memref_slice %arg5[%dma_start3A_768, %dma_start3A_769, %dma_start3A_770, %dma_start3A_775] : memref<2x3x2x112xi32, #tpu.memory_space<vmem>> -> memref<1x1x1x112xi32, #tpu.memory_space<vmem>>
      %dma_start3A_777 = tpu.memref_squeeze %dma_start3A_776 : memref<1x1x1x112xi32, #tpu.memory_space<vmem>> -> memref<112xi32, #tpu.memory_space<vmem>>
      %dma_start3A_778 = arith.constant 0 : i32
      %dma_start3A_779 = arith.constant 0 : i32
      %dma_start3A_780 = tpu.memref_slice %arg7[%dma_start3A_778, %dma_start3A_779] : memref<10240x128xf32, #tpu.memory_space<vmem_shared>> -> memref<10240x128xf32, #tpu.memory_space<vmem_shared>>
      tpu.enqueue_indirect_dma source(%dma_start3A_774 : memref<112x128xf32, #tpu.memory_space<vmem>>) target(%dma_start3A_780 : memref<10240x128xf32, #tpu.memory_space<vmem_shared>>) offsets(%dma_start3A_777 : memref<112xi32, #tpu.memory_space<vmem>>) semaphore(%arg14 : memref<!tpu.dma_semaphore, #tpu.memory_space<semaphore_mem>>) {add = true}
      %dma_wait3A_781 = arith.constant 2 : i32
      %dma_wait3A_782 = arith.constant 0 : i32
      %dma_wait3A_783 = arith.constant 0 : i32
      %dma_wait3A_784 = tpu.memref_slice %arg6[%dma_wait3A_781, %dma_wait3A_782, %dma_wait3A_783] : memref<3x112x128xf32, #tpu.memory_space<vmem>> -> memref<1x112x128xf32, #tpu.memory_space<vmem>>
      %dma_wait3A_785 = tpu.memref_squeeze %dma_wait3A_784 : memref<1x112x128xf32, #tpu.memory_space<vmem>> -> memref<112x128xf32, #tpu.memory_space<vmem>>
      %dma_wait3A_786 = arith.constant 0 : i32
      %dma_wait3A_787 = arith.constant 0 : i32
      %dma_wait3A_788 = tpu.memref_slice %arg2[%dma_wait3A_786, %dma_wait3A_787] : memref<10240x128xf32, #tpu.memory_space<hbm>> -> memref<112x128xf32, #tpu.memory_space<hbm>>
      %dma_wait3A_789 = arith.constant 0 : i32
      %dma_wait3A_790 = arith.constant 0 : i32
      %dma_wait3A_791 = tpu.memref_slice %arg6[%dma_wait3A_781, %dma_wait3A_789, %dma_wait3A_790] : memref<3x112x128xf32, #tpu.memory_space<vmem>> -> memref<1x112x128xf32, #tpu.memory_space<vmem>>
      %dma_wait3A_792 = tpu.memref_squeeze %dma_wait3A_791 : memref<1x112x128xf32, #tpu.memory_space<vmem>> -> memref<112x128xf32, #tpu.memory_space<vmem>>
      %dma_wait3A_793 = arith.constant 0 : i32
      %dma_wait3A_794 = arith.constant 0 : i32
      %dma_wait3A_795 = tpu.memref_slice %arg2[%dma_wait3A_793, %dma_wait3A_794] : memref<10240x128xf32, #tpu.memory_space<hbm>> -> memref<112x128xf32, #tpu.memory_space<hbm>>
      tpu.wait_dma2 semaphore(%arg12 : memref<!tpu.dma_semaphore, #tpu.memory_space<semaphore_mem>>) src(%dma_wait3A_795 : memref<112x128xf32, #tpu.memory_space<hbm>>) dst(%dma_wait3A_792 : memref<112x128xf32, #tpu.memory_space<vmem>>)
      %dma_start3A_796 = arith.constant 2 : i32
      %dma_start3A_797 = arith.constant 1 : i32
      %dma_start3A_798 = arith.constant 2 : i32
      %dma_start3A_799 = arith.constant 1 : i32
      %dma_start3A_800 = arith.constant 0 : i32
      %dma_start3A_801 = arith.constant 0 : i32
      %dma_start3A_802 = tpu.memref_slice %arg6[%dma_start3A_796, %dma_start3A_800, %dma_start3A_801] : memref<3x112x128xf32, #tpu.memory_space<vmem>> -> memref<1x112x128xf32, #tpu.memory_space<vmem>>
      %dma_start3A_803 = tpu.memref_squeeze %dma_start3A_802 : memref<1x112x128xf32, #tpu.memory_space<vmem>> -> memref<112x128xf32, #tpu.memory_space<vmem>>
      %dma_start3A_804 = arith.constant 0 : i32
      %dma_start3A_805 = tpu.memref_slice %arg5[%dma_start3A_797, %dma_start3A_798, %dma_start3A_799, %dma_start3A_804] : memref<2x3x2x112xi32, #tpu.memory_space<vmem>> -> memref<1x1x1x112xi32, #tpu.memory_space<vmem>>
      %dma_start3A_806 = tpu.memref_squeeze %dma_start3A_805 : memref<1x1x1x112xi32, #tpu.memory_space<vmem>> -> memref<112xi32, #tpu.memory_space<vmem>>
      %dma_start3A_807 = arith.constant 0 : i32
      %dma_start3A_808 = arith.constant 0 : i32
      %dma_start3A_809 = tpu.memref_slice %arg7[%dma_start3A_807, %dma_start3A_808] : memref<10240x128xf32, #tpu.memory_space<vmem_shared>> -> memref<10240x128xf32, #tpu.memory_space<vmem_shared>>
      tpu.enqueue_indirect_dma source(%dma_start3A_803 : memref<112x128xf32, #tpu.memory_space<vmem>>) target(%dma_start3A_809 : memref<10240x128xf32, #tpu.memory_space<vmem_shared>>) offsets(%dma_start3A_806 : memref<112xi32, #tpu.memory_space<vmem>>) semaphore(%arg15 : memref<!tpu.dma_semaphore, #tpu.memory_space<semaphore_mem>>) {add = true}
      %dma_wait3A_810 = arith.constant 0 : i32
      %dma_wait3A_811 = arith.constant 0 : i32
      %dma_wait3A_812 = arith.constant 0 : i32
      %dma_wait3A_813 = tpu.memref_slice %arg6[%dma_wait3A_810, %dma_wait3A_811, %dma_wait3A_812] : memref<3x112x128xf32, #tpu.memory_space<vmem>> -> memref<1x112x128xf32, #tpu.memory_space<vmem>>
      %dma_wait3A_814 = tpu.memref_squeeze %dma_wait3A_813 : memref<1x112x128xf32, #tpu.memory_space<vmem>> -> memref<112x128xf32, #tpu.memory_space<vmem>>
      %dma_wait3A_815 = arith.constant 0 : i32
      %dma_wait3A_816 = arith.constant 0 : i32
      %dma_wait3A_817 = tpu.memref_slice %arg7[%dma_wait3A_815, %dma_wait3A_816] : memref<10240x128xf32, #tpu.memory_space<vmem_shared>> -> memref<112x128xf32, #tpu.memory_space<vmem_shared>>
      %dma_wait3A_818 = arith.constant 0 : i32
      %dma_wait3A_819 = arith.constant 0 : i32
      %dma_wait3A_820 = tpu.memref_slice %arg7[%dma_wait3A_818, %dma_wait3A_819] : memref<10240x128xf32, #tpu.memory_space<vmem_shared>> -> memref<112x128xf32, #tpu.memory_space<vmem_shared>>
      %dma_wait3A_821 = arith.constant 0 : i32
      %dma_wait3A_822 = arith.constant 0 : i32
      %dma_wait3A_823 = tpu.memref_slice %arg6[%dma_wait3A_810, %dma_wait3A_821, %dma_wait3A_822] : memref<3x112x128xf32, #tpu.memory_space<vmem>> -> memref<1x112x128xf32, #tpu.memory_space<vmem>>
      %dma_wait3A_824 = tpu.memref_squeeze %dma_wait3A_823 : memref<1x112x128xf32, #tpu.memory_space<vmem>> -> memref<112x128xf32, #tpu.memory_space<vmem>>
      tpu.wait_dma2 semaphore(%arg13 : memref<!tpu.dma_semaphore, #tpu.memory_space<semaphore_mem>>) src(%dma_wait3A_824 : memref<112x128xf32, #tpu.memory_space<vmem>>) dst(%dma_wait3A_820 : memref<112x128xf32, #tpu.memory_space<vmem_shared>>)
      %dma_wait3A_825 = arith.constant 1 : i32
      %dma_wait3A_826 = arith.constant 0 : i32
      %dma_wait3A_827 = arith.constant 0 : i32
      %dma_wait3A_828 = tpu.memref_slice %arg6[%dma_wait3A_825, %dma_wait3A_826, %dma_wait3A_827] : memref<3x112x128xf32, #tpu.memory_space<vmem>> -> memref<1x112x128xf32, #tpu.memory_space<vmem>>
      %dma_wait3A_829 = tpu.memref_squeeze %dma_wait3A_828 : memref<1x112x128xf32, #tpu.memory_space<vmem>> -> memref<112x128xf32, #tpu.memory_space<vmem>>
      %dma_wait3A_830 = arith.constant 0 : i32
      %dma_wait3A_831 = arith.constant 0 : i32
      %dma_wait3A_832 = tpu.memref_slice %arg7[%dma_wait3A_830, %dma_wait3A_831] : memref<10240x128xf32, #tpu.memory_space<vmem_shared>> -> memref<112x128xf32, #tpu.memory_space<vmem_shared>>
      %dma_wait3A_833 = arith.constant 0 : i32
      %dma_wait3A_834 = arith.constant 0 : i32
      %dma_wait3A_835 = tpu.memref_slice %arg7[%dma_wait3A_833, %dma_wait3A_834] : memref<10240x128xf32, #tpu.memory_space<vmem_shared>> -> memref<112x128xf32, #tpu.memory_space<vmem_shared>>
      %dma_wait3A_836 = arith.constant 0 : i32
      %dma_wait3A_837 = arith.constant 0 : i32
      %dma_wait3A_838 = tpu.memref_slice %arg6[%dma_wait3A_825, %dma_wait3A_836, %dma_wait3A_837] : memref<3x112x128xf32, #tpu.memory_space<vmem>> -> memref<1x112x128xf32, #tpu.memory_space<vmem>>
      %dma_wait3A_839 = tpu.memref_squeeze %dma_wait3A_838 : memref<1x112x128xf32, #tpu.memory_space<vmem>> -> memref<112x128xf32, #tpu.memory_space<vmem>>
      tpu.wait_dma2 semaphore(%arg14 : memref<!tpu.dma_semaphore, #tpu.memory_space<semaphore_mem>>) src(%dma_wait3A_839 : memref<112x128xf32, #tpu.memory_space<vmem>>) dst(%dma_wait3A_835 : memref<112x128xf32, #tpu.memory_space<vmem_shared>>)
      %dma_wait3A_840 = arith.constant 2 : i32
      %dma_wait3A_841 = arith.constant 0 : i32
      %dma_wait3A_842 = arith.constant 0 : i32
      %dma_wait3A_843 = tpu.memref_slice %arg6[%dma_wait3A_840, %dma_wait3A_841, %dma_wait3A_842] : memref<3x112x128xf32, #tpu.memory_space<vmem>> -> memref<1x112x128xf32, #tpu.memory_space<vmem>>
      %dma_wait3A_844 = tpu.memref_squeeze %dma_wait3A_843 : memref<1x112x128xf32, #tpu.memory_space<vmem>> -> memref<112x128xf32, #tpu.memory_space<vmem>>
      %dma_wait3A_845 = arith.constant 0 : i32
      %dma_wait3A_846 = arith.constant 0 : i32
      %dma_wait3A_847 = tpu.memref_slice %arg7[%dma_wait3A_845, %dma_wait3A_846] : memref<10240x128xf32, #tpu.memory_space<vmem_shared>> -> memref<112x128xf32, #tpu.memory_space<vmem_shared>>
      %dma_wait3A_848 = arith.constant 0 : i32
      %dma_wait3A_849 = arith.constant 0 : i32
      %dma_wait3A_850 = tpu.memref_slice %arg7[%dma_wait3A_848, %dma_wait3A_849] : memref<10240x128xf32, #tpu.memory_space<vmem_shared>> -> memref<112x128xf32, #tpu.memory_space<vmem_shared>>
      %dma_wait3A_851 = arith.constant 0 : i32
      %dma_wait3A_852 = arith.constant 0 : i32
      %dma_wait3A_853 = tpu.memref_slice %arg6[%dma_wait3A_840, %dma_wait3A_851, %dma_wait3A_852] : memref<3x112x128xf32, #tpu.memory_space<vmem>> -> memref<1x112x128xf32, #tpu.memory_space<vmem>>
      %dma_wait3A_854 = tpu.memref_squeeze %dma_wait3A_853 : memref<1x112x128xf32, #tpu.memory_space<vmem>> -> memref<112x128xf32, #tpu.memory_space<vmem>>
      tpu.wait_dma2 semaphore(%arg15 : memref<!tpu.dma_semaphore, #tpu.memory_space<semaphore_mem>>) src(%dma_wait3A_854 : memref<112x128xf32, #tpu.memory_space<vmem>>) dst(%dma_wait3A_850 : memref<112x128xf32, #tpu.memory_space<vmem_shared>>)
      %add3A_855 = arith.constant 2 : i32
      %add3A_856 = arith.addi %add3A_722, %add3A_855 : i32
      %mul3A_857 = arith.constant 3 : i32
      %mul3A_858 = arith.muli %add3A_856, %mul3A_857 : i32
      %dma_start3A_859 = arith.constant 1 : i32
      %dma_start3A_860 = arith.constant 0 : i32
      %dma_start3A_861 = arith.constant 0 : i32
      %dma_start3A_862 = arith.constant 0 : i32
      %dma_start3A_863 = tpu.memref_slice %arg5[%dma_start3A_859, %dma_start3A_860, %dma_start3A_861, %dma_start3A_862] : memref<2x3x2x112xi32, #tpu.memory_space<vmem>> -> memref<1x3x2x112xi32, #tpu.memory_space<vmem>>
      %dma_start3A_864 = tpu.memref_squeeze %dma_start3A_863 : memref<1x3x2x112xi32, #tpu.memory_space<vmem>> -> memref<3x2x112xi32, #tpu.memory_space<vmem>>
      %dma_start3A_865 = arith.constant 0 : i32
      %dma_start3A_866 = arith.constant 0 : i32
      %dma_start3A_867 = arith.constant 0 : i32
      %dma_start3A_868 = tpu.memref_slice %arg3[%add3A, %dma_start3A_865, %dma_start3A_866, %dma_start3A_867] : memref<32x90x2x112xi32, #tpu.memory_space<hbm>> -> memref<1x90x2x112xi32, #tpu.memory_space<hbm>>
      %dma_start3A_869 = tpu.memref_squeeze %dma_start3A_868 : memref<1x90x2x112xi32, #tpu.memory_space<hbm>> -> memref<90x2x112xi32, #tpu.memory_space<hbm>>
      %dma_start3A_870 = arith.constant 0 : i32
      %dma_start3A_871 = arith.constant 0 : i32
      %dma_start3A_872 = tpu.memref_slice %dma_start3A_869[%mul3A_858, %dma_start3A_870, %dma_start3A_871] : memref<90x2x112xi32, #tpu.memory_space<hbm>> -> memref<3x2x112xi32, #tpu.memory_space<hbm>>
      %dma_start3A_873 = arith.constant 0 : i32
      %dma_start3A_874 = arith.constant 0 : i32
      %dma_start3A_875 = arith.constant 0 : i32
      %dma_start3A_876 = tpu.memref_slice %arg5[%dma_start3A_859, %dma_start3A_873, %dma_start3A_874, %dma_start3A_875] : memref<2x3x2x112xi32, #tpu.memory_space<vmem>> -> memref<1x3x2x112xi32, #tpu.memory_space<vmem>>
      %dma_start3A_877 = tpu.memref_squeeze %dma_start3A_876 : memref<1x3x2x112xi32, #tpu.memory_space<vmem>> -> memref<3x2x112xi32, #tpu.memory_space<vmem>>
      %dma_start3A_878 = arith.constant 0 : i32
      %dma_start3A_879 = arith.constant 0 : i32
      %dma_start3A_880 = arith.constant 0 : i32
      %dma_start3A_881 = tpu.memref_slice %arg3[%add3A, %dma_start3A_878, %dma_start3A_879, %dma_start3A_880] : memref<32x90x2x112xi32, #tpu.memory_space<hbm>> -> memref<1x90x2x112xi32, #tpu.memory_space<hbm>>
      %dma_start3A_882 = tpu.memref_squeeze %dma_start3A_881 : memref<1x90x2x112xi32, #tpu.memory_space<hbm>> -> memref<90x2x112xi32, #tpu.memory_space<hbm>>
      %dma_start3A_883 = arith.constant 0 : i32
      %dma_start3A_884 = arith.constant 0 : i32
      %dma_start3A_885 = tpu.memref_slice %dma_start3A_882[%mul3A_858, %dma_start3A_883, %dma_start3A_884] : memref<90x2x112xi32, #tpu.memory_space<hbm>> -> memref<3x2x112xi32, #tpu.memory_space<hbm>>
      tpu.enqueue_dma source(%dma_start3A_885 : memref<3x2x112xi32, #tpu.memory_space<hbm>>) target(%dma_start3A_877 : memref<3x2x112xi32, #tpu.memory_space<vmem>>) target_semaphore(%arg9 : memref<!tpu.dma_semaphore, #tpu.memory_space<semaphore_mem>>)
      %dma_wait3A_886 = arith.constant 0 : i32
      %dma_wait3A_887 = arith.constant 0 : i32
      %dma_wait3A_888 = arith.constant 0 : i32
      %dma_wait3A_889 = arith.constant 0 : i32
      %dma_wait3A_890 = arith.constant 0 : i32
      %dma_wait3A_891 = tpu.memref_slice %arg5[%dma_wait3A_887, %dma_wait3A_888, %dma_wait3A_889, %dma_wait3A_890] : memref<2x3x2x112xi32, #tpu.memory_space<vmem>> -> memref<1x3x2x112xi32, #tpu.memory_space<vmem>>
      %dma_wait3A_892 = tpu.memref_squeeze %dma_wait3A_891 : memref<1x3x2x112xi32, #tpu.memory_space<vmem>> -> memref<3x2x112xi32, #tpu.memory_space<vmem>>
      %dma_wait3A_893 = arith.constant 0 : i32
      %dma_wait3A_894 = arith.constant 0 : i32
      %dma_wait3A_895 = arith.constant 0 : i32
      %dma_wait3A_896 = tpu.memref_slice %arg3[%dma_wait3A_886, %dma_wait3A_893, %dma_wait3A_894, %dma_wait3A_895] : memref<32x90x2x112xi32, #tpu.memory_space<hbm>> -> memref<1x90x2x112xi32, #tpu.memory_space<hbm>>
      %dma_wait3A_897 = tpu.memref_squeeze %dma_wait3A_896 : memref<1x90x2x112xi32, #tpu.memory_space<hbm>> -> memref<90x2x112xi32, #tpu.memory_space<hbm>>
      %dma_wait3A_898 = arith.constant 0 : i32
      %dma_wait3A_899 = arith.constant 0 : i32
      %dma_wait3A_900 = arith.constant 0 : i32
      %dma_wait3A_901 = tpu.memref_slice %dma_wait3A_897[%dma_wait3A_898, %dma_wait3A_899, %dma_wait3A_900] : memref<90x2x112xi32, #tpu.memory_space<hbm>> -> memref<3x2x112xi32, #tpu.memory_space<hbm>>
      %dma_wait3A_902 = arith.constant 0 : i32
      %dma_wait3A_903 = arith.constant 0 : i32
      %dma_wait3A_904 = arith.constant 0 : i32
      %dma_wait3A_905 = tpu.memref_slice %arg5[%dma_wait3A_887, %dma_wait3A_902, %dma_wait3A_903, %dma_wait3A_904] : memref<2x3x2x112xi32, #tpu.memory_space<vmem>> -> memref<1x3x2x112xi32, #tpu.memory_space<vmem>>
      %dma_wait3A_906 = tpu.memref_squeeze %dma_wait3A_905 : memref<1x3x2x112xi32, #tpu.memory_space<vmem>> -> memref<3x2x112xi32, #tpu.memory_space<vmem>>
      %dma_wait3A_907 = arith.constant 0 : i32
      %dma_wait3A_908 = arith.constant 0 : i32
      %dma_wait3A_909 = arith.constant 0 : i32
      %dma_wait3A_910 = tpu.memref_slice %arg3[%dma_wait3A_886, %dma_wait3A_907, %dma_wait3A_908, %dma_wait3A_909] : memref<32x90x2x112xi32, #tpu.memory_space<hbm>> -> memref<1x90x2x112xi32, #tpu.memory_space<hbm>>
      %dma_wait3A_911 = tpu.memref_squeeze %dma_wait3A_910 : memref<1x90x2x112xi32, #tpu.memory_space<hbm>> -> memref<90x2x112xi32, #tpu.memory_space<hbm>>
      %dma_wait3A_912 = arith.constant 0 : i32
      %dma_wait3A_913 = arith.constant 0 : i32
      %dma_wait3A_914 = arith.constant 0 : i32
      %dma_wait3A_915 = tpu.memref_slice %dma_wait3A_911[%dma_wait3A_912, %dma_wait3A_913, %dma_wait3A_914] : memref<90x2x112xi32, #tpu.memory_space<hbm>> -> memref<3x2x112xi32, #tpu.memory_space<hbm>>
      tpu.wait_dma2 semaphore(%arg8 : memref<!tpu.dma_semaphore, #tpu.memory_space<semaphore_mem>>) src(%dma_wait3A_915 : memref<3x2x112xi32, #tpu.memory_space<hbm>>) dst(%dma_wait3A_906 : memref<3x2x112xi32, #tpu.memory_space<vmem>>)
      %dma_start3A_916 = arith.constant 0 : i32
      %dma_start3A_917 = arith.constant 0 : i32
      %dma_start3A_918 = arith.constant 0 : i32
      %dma_start3A_919 = arith.constant 0 : i32
      %dma_start3A_920 = arith.constant 0 : i32
      %dma_start3A_921 = arith.constant 0 : i32
      %dma_start3A_922 = tpu.memref_slice %arg6[%dma_start3A_919, %dma_start3A_920, %dma_start3A_921] : memref<3x112x128xf32, #tpu.memory_space<vmem>> -> memref<1x112x128xf32, #tpu.memory_space<vmem>>
      %dma_start3A_923 = tpu.memref_squeeze %dma_start3A_922 : memref<1x112x128xf32, #tpu.memory_space<vmem>> -> memref<112x128xf32, #tpu.memory_space<vmem>>
      %dma_start3A_924 = arith.constant 0 : i32
      %dma_start3A_925 = tpu.memref_slice %arg5[%dma_start3A_916, %dma_start3A_917, %dma_start3A_918, %dma_start3A_924] : memref<2x3x2x112xi32, #tpu.memory_space<vmem>> -> memref<1x1x1x112xi32, #tpu.memory_space<vmem>>
      %dma_start3A_926 = tpu.memref_squeeze %dma_start3A_925 : memref<1x1x1x112xi32, #tpu.memory_space<vmem>> -> memref<112xi32, #tpu.memory_space<vmem>>
      %dma_start3A_927 = arith.constant 0 : i32
      %dma_start3A_928 = arith.constant 0 : i32
      %dma_start3A_929 = tpu.memref_slice %arg2[%dma_start3A_927, %dma_start3A_928] : memref<10240x128xf32, #tpu.memory_space<hbm>> -> memref<10240x128xf32, #tpu.memory_space<hbm>>
      tpu.enqueue_indirect_dma source(%dma_start3A_929 : memref<10240x128xf32, #tpu.memory_space<hbm>>) target(%dma_start3A_923 : memref<112x128xf32, #tpu.memory_space<vmem>>) offsets(%dma_start3A_926 : memref<112xi32, #tpu.memory_space<vmem>>) semaphore(%arg10 : memref<!tpu.dma_semaphore, #tpu.memory_space<semaphore_mem>>)
      %dma_start3A_930 = arith.constant 0 : i32
      %dma_start3A_931 = arith.constant 1 : i32
      %dma_start3A_932 = arith.constant 0 : i32
      %dma_start3A_933 = arith.constant 1 : i32
      %dma_start3A_934 = arith.constant 0 : i32
      %dma_start3A_935 = arith.constant 0 : i32
      %dma_start3A_936 = tpu.memref_slice %arg6[%dma_start3A_933, %dma_start3A_934, %dma_start3A_935] : memref<3x112x128xf32, #tpu.memory_space<vmem>> -> memref<1x112x128xf32, #tpu.memory_space<vmem>>
      %dma_start3A_937 = tpu.memref_squeeze %dma_start3A_936 : memref<1x112x128xf32, #tpu.memory_space<vmem>> -> memref<112x128xf32, #tpu.memory_space<vmem>>
      %dma_start3A_938 = arith.constant 0 : i32
      %dma_start3A_939 = tpu.memref_slice %arg5[%dma_start3A_930, %dma_start3A_931, %dma_start3A_932, %dma_start3A_938] : memref<2x3x2x112xi32, #tpu.memory_space<vmem>> -> memref<1x1x1x112xi32, #tpu.memory_space<vmem>>
      %dma_start3A_940 = tpu.memref_squeeze %dma_start3A_939 : memref<1x1x1x112xi32, #tpu.memory_space<vmem>> -> memref<112xi32, #tpu.memory_space<vmem>>
      %dma_start3A_941 = arith.constant 0 : i32
      %dma_start3A_942 = arith.constant 0 : i32
      %dma_start3A_943 = tpu.memref_slice %arg2[%dma_start3A_941, %dma_start3A_942] : memref<10240x128xf32, #tpu.memory_space<hbm>> -> memref<10240x128xf32, #tpu.memory_space<hbm>>
      tpu.enqueue_indirect_dma source(%dma_start3A_943 : memref<10240x128xf32, #tpu.memory_space<hbm>>) target(%dma_start3A_937 : memref<112x128xf32, #tpu.memory_space<vmem>>) offsets(%dma_start3A_940 : memref<112xi32, #tpu.memory_space<vmem>>) semaphore(%arg11 : memref<!tpu.dma_semaphore, #tpu.memory_space<semaphore_mem>>)
      %dma_start3A_944 = arith.constant 0 : i32
      %dma_start3A_945 = arith.constant 2 : i32
      %dma_start3A_946 = arith.constant 0 : i32
      %dma_start3A_947 = arith.constant 2 : i32
      %dma_start3A_948 = arith.constant 0 : i32
      %dma_start3A_949 = arith.constant 0 : i32
      %dma_start3A_950 = tpu.memref_slice %arg6[%dma_start3A_947, %dma_start3A_948, %dma_start3A_949] : memref<3x112x128xf32, #tpu.memory_space<vmem>> -> memref<1x112x128xf32, #tpu.memory_space<vmem>>
      %dma_start3A_951 = tpu.memref_squeeze %dma_start3A_950 : memref<1x112x128xf32, #tpu.memory_space<vmem>> -> memref<112x128xf32, #tpu.memory_space<vmem>>
      %dma_start3A_952 = arith.constant 0 : i32
      %dma_start3A_953 = tpu.memref_slice %arg5[%dma_start3A_944, %dma_start3A_945, %dma_start3A_946, %dma_start3A_952] : memref<2x3x2x112xi32, #tpu.memory_space<vmem>> -> memref<1x1x1x112xi32, #tpu.memory_space<vmem>>
      %dma_start3A_954 = tpu.memref_squeeze %dma_start3A_953 : memref<1x1x1x112xi32, #tpu.memory_space<vmem>> -> memref<112xi32, #tpu.memory_space<vmem>>
      %dma_start3A_955 = arith.constant 0 : i32
      %dma_start3A_956 = arith.constant 0 : i32
      %dma_start3A_957 = tpu.memref_slice %arg2[%dma_start3A_955, %dma_start3A_956] : memref<10240x128xf32, #tpu.memory_space<hbm>> -> memref<10240x128xf32, #tpu.memory_space<hbm>>
      tpu.enqueue_indirect_dma source(%dma_start3A_957 : memref<10240x128xf32, #tpu.memory_space<hbm>>) target(%dma_start3A_951 : memref<112x128xf32, #tpu.memory_space<vmem>>) offsets(%dma_start3A_954 : memref<112xi32, #tpu.memory_space<vmem>>) semaphore(%arg12 : memref<!tpu.dma_semaphore, #tpu.memory_space<semaphore_mem>>)
    }
    %scan3A_143 = arith.constant 14 : i32
    %dma_wait3A_144 = arith.constant 0 : i32
    %dma_wait3A_145 = arith.constant 0 : i32
    %dma_wait3A_146 = arith.constant 0 : i32
    %dma_wait3A_147 = tpu.memref_slice %arg6[%dma_wait3A_144, %dma_wait3A_145, %dma_wait3A_146] : memref<3x112x128xf32, #tpu.memory_space<vmem>> -> memref<1x112x128xf32, #tpu.memory_space<vmem>>
    %dma_wait3A_148 = tpu.memref_squeeze %dma_wait3A_147 : memref<1x112x128xf32, #tpu.memory_space<vmem>> -> memref<112x128xf32, #tpu.memory_space<vmem>>
    %dma_wait3A_149 = arith.constant 0 : i32
    %dma_wait3A_150 = arith.constant 0 : i32
    %dma_wait3A_151 = tpu.memref_slice %arg2[%dma_wait3A_149, %dma_wait3A_150] : memref<10240x128xf32, #tpu.memory_space<hbm>> -> memref<112x128xf32, #tpu.memory_space<hbm>>
    %dma_wait3A_152 = arith.constant 0 : i32
    %dma_wait3A_153 = arith.constant 0 : i32
    %dma_wait3A_154 = tpu.memref_slice %arg6[%dma_wait3A_144, %dma_wait3A_152, %dma_wait3A_153] : memref<3x112x128xf32, #tpu.memory_space<vmem>> -> memref<1x112x128xf32, #tpu.memory_space<vmem>>
    %dma_wait3A_155 = tpu.memref_squeeze %dma_wait3A_154 : memref<1x112x128xf32, #tpu.memory_space<vmem>> -> memref<112x128xf32, #tpu.memory_space<vmem>>
    %dma_wait3A_156 = arith.constant 0 : i32
    %dma_wait3A_157 = arith.constant 0 : i32
    %dma_wait3A_158 = tpu.memref_slice %arg2[%dma_wait3A_156, %dma_wait3A_157] : memref<10240x128xf32, #tpu.memory_space<hbm>> -> memref<112x128xf32, #tpu.memory_space<hbm>>
    tpu.wait_dma2 semaphore(%arg10 : memref<!tpu.dma_semaphore, #tpu.memory_space<semaphore_mem>>) src(%dma_wait3A_158 : memref<112x128xf32, #tpu.memory_space<hbm>>) dst(%dma_wait3A_155 : memref<112x128xf32, #tpu.memory_space<vmem>>)
    %dma_start3A_159 = arith.constant 0 : i32
    %dma_start3A_160 = arith.constant 0 : i32
    %dma_start3A_161 = arith.constant 0 : i32
    %dma_start3A_162 = arith.constant 1 : i32
    %dma_start3A_163 = arith.constant 0 : i32
    %dma_start3A_164 = arith.constant 0 : i32
    %dma_start3A_165 = tpu.memref_slice %arg6[%dma_start3A_159, %dma_start3A_163, %dma_start3A_164] : memref<3x112x128xf32, #tpu.memory_space<vmem>> -> memref<1x112x128xf32, #tpu.memory_space<vmem>>
    %dma_start3A_166 = tpu.memref_squeeze %dma_start3A_165 : memref<1x112x128xf32, #tpu.memory_space<vmem>> -> memref<112x128xf32, #tpu.memory_space<vmem>>
    %dma_start3A_167 = arith.constant 0 : i32
    %dma_start3A_168 = tpu.memref_slice %arg5[%dma_start3A_160, %dma_start3A_161, %dma_start3A_162, %dma_start3A_167] : memref<2x3x2x112xi32, #tpu.memory_space<vmem>> -> memref<1x1x1x112xi32, #tpu.memory_space<vmem>>
    %dma_start3A_169 = tpu.memref_squeeze %dma_start3A_168 : memref<1x1x1x112xi32, #tpu.memory_space<vmem>> -> memref<112xi32, #tpu.memory_space<vmem>>
    %dma_start3A_170 = arith.constant 0 : i32
    %dma_start3A_171 = arith.constant 0 : i32
    %dma_start3A_172 = tpu.memref_slice %arg7[%dma_start3A_170, %dma_start3A_171] : memref<10240x128xf32, #tpu.memory_space<vmem_shared>> -> memref<10240x128xf32, #tpu.memory_space<vmem_shared>>
    tpu.enqueue_indirect_dma source(%dma_start3A_166 : memref<112x128xf32, #tpu.memory_space<vmem>>) target(%dma_start3A_172 : memref<10240x128xf32, #tpu.memory_space<vmem_shared>>) offsets(%dma_start3A_169 : memref<112xi32, #tpu.memory_space<vmem>>) semaphore(%arg13 : memref<!tpu.dma_semaphore, #tpu.memory_space<semaphore_mem>>) {add = true}
    %dma_wait3A_173 = arith.constant 1 : i32
    %dma_wait3A_174 = arith.constant 0 : i32
    %dma_wait3A_175 = arith.constant 0 : i32
    %dma_wait3A_176 = tpu.memref_slice %arg6[%dma_wait3A_173, %dma_wait3A_174, %dma_wait3A_175] : memref<3x112x128xf32, #tpu.memory_space<vmem>> -> memref<1x112x128xf32, #tpu.memory_space<vmem>>
    %dma_wait3A_177 = tpu.memref_squeeze %dma_wait3A_176 : memref<1x112x128xf32, #tpu.memory_space<vmem>> -> memref<112x128xf32, #tpu.memory_space<vmem>>
    %dma_wait3A_178 = arith.constant 0 : i32
    %dma_wait3A_179 = arith.constant 0 : i32
    %dma_wait3A_180 = tpu.memref_slice %arg2[%dma_wait3A_178, %dma_wait3A_179] : memref<10240x128xf32, #tpu.memory_space<hbm>> -> memref<112x128xf32, #tpu.memory_space<hbm>>
    %dma_wait3A_181 = arith.constant 0 : i32
    %dma_wait3A_182 = arith.constant 0 : i32
    %dma_wait3A_183 = tpu.memref_slice %arg6[%dma_wait3A_173, %dma_wait3A_181, %dma_wait3A_182] : memref<3x112x128xf32, #tpu.memory_space<vmem>> -> memref<1x112x128xf32, #tpu.memory_space<vmem>>
    %dma_wait3A_184 = tpu.memref_squeeze %dma_wait3A_183 : memref<1x112x128xf32, #tpu.memory_space<vmem>> -> memref<112x128xf32, #tpu.memory_space<vmem>>
    %dma_wait3A_185 = arith.constant 0 : i32
    %dma_wait3A_186 = arith.constant 0 : i32
    %dma_wait3A_187 = tpu.memref_slice %arg2[%dma_wait3A_185, %dma_wait3A_186] : memref<10240x128xf32, #tpu.memory_space<hbm>> -> memref<112x128xf32, #tpu.memory_space<hbm>>
    tpu.wait_dma2 semaphore(%arg11 : memref<!tpu.dma_semaphore, #tpu.memory_space<semaphore_mem>>) src(%dma_wait3A_187 : memref<112x128xf32, #tpu.memory_space<hbm>>) dst(%dma_wait3A_184 : memref<112x128xf32, #tpu.memory_space<vmem>>)
    %dma_start3A_188 = arith.constant 1 : i32
    %dma_start3A_189 = arith.constant 0 : i32
    %dma_start3A_190 = arith.constant 1 : i32
    %dma_start3A_191 = arith.constant 1 : i32
    %dma_start3A_192 = arith.constant 0 : i32
    %dma_start3A_193 = arith.constant 0 : i32
    %dma_start3A_194 = tpu.memref_slice %arg6[%dma_start3A_188, %dma_start3A_192, %dma_start3A_193] : memref<3x112x128xf32, #tpu.memory_space<vmem>> -> memref<1x112x128xf32, #tpu.memory_space<vmem>>
    %dma_start3A_195 = tpu.memref_squeeze %dma_start3A_194 : memref<1x112x128xf32, #tpu.memory_space<vmem>> -> memref<112x128xf32, #tpu.memory_space<vmem>>
    %dma_start3A_196 = arith.constant 0 : i32
    %dma_start3A_197 = tpu.memref_slice %arg5[%dma_start3A_189, %dma_start3A_190, %dma_start3A_191, %dma_start3A_196] : memref<2x3x2x112xi32, #tpu.memory_space<vmem>> -> memref<1x1x1x112xi32, #tpu.memory_space<vmem>>
    %dma_start3A_198 = tpu.memref_squeeze %dma_start3A_197 : memref<1x1x1x112xi32, #tpu.memory_space<vmem>> -> memref<112xi32, #tpu.memory_space<vmem>>
    %dma_start3A_199 = arith.constant 0 : i32
    %dma_start3A_200 = arith.constant 0 : i32
    %dma_start3A_201 = tpu.memref_slice %arg7[%dma_start3A_199, %dma_start3A_200] : memref<10240x128xf32, #tpu.memory_space<vmem_shared>> -> memref<10240x128xf32, #tpu.memory_space<vmem_shared>>
    tpu.enqueue_indirect_dma source(%dma_start3A_195 : memref<112x128xf32, #tpu.memory_space<vmem>>) target(%dma_start3A_201 : memref<10240x128xf32, #tpu.memory_space<vmem_shared>>) offsets(%dma_start3A_198 : memref<112xi32, #tpu.memory_space<vmem>>) semaphore(%arg14 : memref<!tpu.dma_semaphore, #tpu.memory_space<semaphore_mem>>) {add = true}
    %dma_wait3A_202 = arith.constant 2 : i32
    %dma_wait3A_203 = arith.constant 0 : i32
    %dma_wait3A_204 = arith.constant 0 : i32
    %dma_wait3A_205 = tpu.memref_slice %arg6[%dma_wait3A_202, %dma_wait3A_203, %dma_wait3A_204] : memref<3x112x128xf32, #tpu.memory_space<vmem>> -> memref<1x112x128xf32, #tpu.memory_space<vmem>>
    %dma_wait3A_206 = tpu.memref_squeeze %dma_wait3A_205 : memref<1x112x128xf32, #tpu.memory_space<vmem>> -> memref<112x128xf32, #tpu.memory_space<vmem>>
    %dma_wait3A_207 = arith.constant 0 : i32
    %dma_wait3A_208 = arith.constant 0 : i32
    %dma_wait3A_209 = tpu.memref_slice %arg2[%dma_wait3A_207, %dma_wait3A_208] : memref<10240x128xf32, #tpu.memory_space<hbm>> -> memref<112x128xf32, #tpu.memory_space<hbm>>
    %dma_wait3A_210 = arith.constant 0 : i32
    %dma_wait3A_211 = arith.constant 0 : i32
    %dma_wait3A_212 = tpu.memref_slice %arg6[%dma_wait3A_202, %dma_wait3A_210, %dma_wait3A_211] : memref<3x112x128xf32, #tpu.memory_space<vmem>> -> memref<1x112x128xf32, #tpu.memory_space<vmem>>
    %dma_wait3A_213 = tpu.memref_squeeze %dma_wait3A_212 : memref<1x112x128xf32, #tpu.memory_space<vmem>> -> memref<112x128xf32, #tpu.memory_space<vmem>>
    %dma_wait3A_214 = arith.constant 0 : i32
    %dma_wait3A_215 = arith.constant 0 : i32
    %dma_wait3A_216 = tpu.memref_slice %arg2[%dma_wait3A_214, %dma_wait3A_215] : memref<10240x128xf32, #tpu.memory_space<hbm>> -> memref<112x128xf32, #tpu.memory_space<hbm>>
    tpu.wait_dma2 semaphore(%arg12 : memref<!tpu.dma_semaphore, #tpu.memory_space<semaphore_mem>>) src(%dma_wait3A_216 : memref<112x128xf32, #tpu.memory_space<hbm>>) dst(%dma_wait3A_213 : memref<112x128xf32, #tpu.memory_space<vmem>>)
    %dma_start3A_217 = arith.constant 2 : i32
    %dma_start3A_218 = arith.constant 0 : i32
    %dma_start3A_219 = arith.constant 2 : i32
    %dma_start3A_220 = arith.constant 1 : i32
    %dma_start3A_221 = arith.constant 0 : i32
    %dma_start3A_222 = arith.constant 0 : i32
    %dma_start3A_223 = tpu.memref_slice %arg6[%dma_start3A_217, %dma_start3A_221, %dma_start3A_222] : memref<3x112x128xf32, #tpu.memory_space<vmem>> -> memref<1x112x128xf32, #tpu.memory_space<vmem>>
    %dma_start3A_224 = tpu.memref_squeeze %dma_start3A_223 : memref<1x112x128xf32, #tpu.memory_space<vmem>> -> memref<112x128xf32, #tpu.memory_space<vmem>>
    %dma_start3A_225 = arith.constant 0 : i32
    %dma_start3A_226 = tpu.memref_slice %arg5[%dma_start3A_218, %dma_start3A_219, %dma_start3A_220, %dma_start3A_225] : memref<2x3x2x112xi32, #tpu.memory_space<vmem>> -> memref<1x1x1x112xi32, #tpu.memory_space<vmem>>
    %dma_start3A_227 = tpu.memref_squeeze %dma_start3A_226 : memref<1x1x1x112xi32, #tpu.memory_space<vmem>> -> memref<112xi32, #tpu.memory_space<vmem>>
    %dma_start3A_228 = arith.constant 0 : i32
    %dma_start3A_229 = arith.constant 0 : i32
    %dma_start3A_230 = tpu.memref_slice %arg7[%dma_start3A_228, %dma_start3A_229] : memref<10240x128xf32, #tpu.memory_space<vmem_shared>> -> memref<10240x128xf32, #tpu.memory_space<vmem_shared>>
    tpu.enqueue_indirect_dma source(%dma_start3A_224 : memref<112x128xf32, #tpu.memory_space<vmem>>) target(%dma_start3A_230 : memref<10240x128xf32, #tpu.memory_space<vmem_shared>>) offsets(%dma_start3A_227 : memref<112xi32, #tpu.memory_space<vmem>>) semaphore(%arg15 : memref<!tpu.dma_semaphore, #tpu.memory_space<semaphore_mem>>) {add = true}
    %dma_wait3A_231 = arith.constant 0 : i32
    %dma_wait3A_232 = arith.constant 0 : i32
    %dma_wait3A_233 = arith.constant 0 : i32
    %dma_wait3A_234 = tpu.memref_slice %arg6[%dma_wait3A_231, %dma_wait3A_232, %dma_wait3A_233] : memref<3x112x128xf32, #tpu.memory_space<vmem>> -> memref<1x112x128xf32, #tpu.memory_space<vmem>>
    %dma_wait3A_235 = tpu.memref_squeeze %dma_wait3A_234 : memref<1x112x128xf32, #tpu.memory_space<vmem>> -> memref<112x128xf32, #tpu.memory_space<vmem>>
    %dma_wait3A_236 = arith.constant 0 : i32
    %dma_wait3A_237 = arith.constant 0 : i32
    %dma_wait3A_238 = tpu.memref_slice %arg7[%dma_wait3A_236, %dma_wait3A_237] : memref<10240x128xf32, #tpu.memory_space<vmem_shared>> -> memref<112x128xf32, #tpu.memory_space<vmem_shared>>
    %dma_wait3A_239 = arith.constant 0 : i32
    %dma_wait3A_240 = arith.constant 0 : i32
    %dma_wait3A_241 = tpu.memref_slice %arg7[%dma_wait3A_239, %dma_wait3A_240] : memref<10240x128xf32, #tpu.memory_space<vmem_shared>> -> memref<112x128xf32, #tpu.memory_space<vmem_shared>>
    %dma_wait3A_242 = arith.constant 0 : i32
    %dma_wait3A_243 = arith.constant 0 : i32
    %dma_wait3A_244 = tpu.memref_slice %arg6[%dma_wait3A_231, %dma_wait3A_242, %dma_wait3A_243] : memref<3x112x128xf32, #tpu.memory_space<vmem>> -> memref<1x112x128xf32, #tpu.memory_space<vmem>>
    %dma_wait3A_245 = tpu.memref_squeeze %dma_wait3A_244 : memref<1x112x128xf32, #tpu.memory_space<vmem>> -> memref<112x128xf32, #tpu.memory_space<vmem>>
    tpu.wait_dma2 semaphore(%arg13 : memref<!tpu.dma_semaphore, #tpu.memory_space<semaphore_mem>>) src(%dma_wait3A_245 : memref<112x128xf32, #tpu.memory_space<vmem>>) dst(%dma_wait3A_241 : memref<112x128xf32, #tpu.memory_space<vmem_shared>>)
    %dma_wait3A_246 = arith.constant 1 : i32
    %dma_wait3A_247 = arith.constant 0 : i32
    %dma_wait3A_248 = arith.constant 0 : i32
    %dma_wait3A_249 = tpu.memref_slice %arg6[%dma_wait3A_246, %dma_wait3A_247, %dma_wait3A_248] : memref<3x112x128xf32, #tpu.memory_space<vmem>> -> memref<1x112x128xf32, #tpu.memory_space<vmem>>
    %dma_wait3A_250 = tpu.memref_squeeze %dma_wait3A_249 : memref<1x112x128xf32, #tpu.memory_space<vmem>> -> memref<112x128xf32, #tpu.memory_space<vmem>>
    %dma_wait3A_251 = arith.constant 0 : i32
    %dma_wait3A_252 = arith.constant 0 : i32
    %dma_wait3A_253 = tpu.memref_slice %arg7[%dma_wait3A_251, %dma_wait3A_252] : memref<10240x128xf32, #tpu.memory_space<vmem_shared>> -> memref<112x128xf32, #tpu.memory_space<vmem_shared>>
    %dma_wait3A_254 = arith.constant 0 : i32
    %dma_wait3A_255 = arith.constant 0 : i32
    %dma_wait3A_256 = tpu.memref_slice %arg7[%dma_wait3A_254, %dma_wait3A_255] : memref<10240x128xf32, #tpu.memory_space<vmem_shared>> -> memref<112x128xf32, #tpu.memory_space<vmem_shared>>
    %dma_wait3A_257 = arith.constant 0 : i32
    %dma_wait3A_258 = arith.constant 0 : i32
    %dma_wait3A_259 = tpu.memref_slice %arg6[%dma_wait3A_246, %dma_wait3A_257, %dma_wait3A_258] : memref<3x112x128xf32, #tpu.memory_space<vmem>> -> memref<1x112x128xf32, #tpu.memory_space<vmem>>
    %dma_wait3A_260 = tpu.memref_squeeze %dma_wait3A_259 : memref<1x112x128xf32, #tpu.memory_space<vmem>> -> memref<112x128xf32, #tpu.memory_space<vmem>>
    tpu.wait_dma2 semaphore(%arg14 : memref<!tpu.dma_semaphore, #tpu.memory_space<semaphore_mem>>) src(%dma_wait3A_260 : memref<112x128xf32, #tpu.memory_space<vmem>>) dst(%dma_wait3A_256 : memref<112x128xf32, #tpu.memory_space<vmem_shared>>)
    %dma_wait3A_261 = arith.constant 2 : i32
    %dma_wait3A_262 = arith.constant 0 : i32
    %dma_wait3A_263 = arith.constant 0 : i32
    %dma_wait3A_264 = tpu.memref_slice %arg6[%dma_wait3A_261, %dma_wait3A_262, %dma_wait3A_263] : memref<3x112x128xf32, #tpu.memory_space<vmem>> -> memref<1x112x128xf32, #tpu.memory_space<vmem>>
    %dma_wait3A_265 = tpu.memref_squeeze %dma_wait3A_264 : memref<1x112x128xf32, #tpu.memory_space<vmem>> -> memref<112x128xf32, #tpu.memory_space<vmem>>
    %dma_wait3A_266 = arith.constant 0 : i32
    %dma_wait3A_267 = arith.constant 0 : i32
    %dma_wait3A_268 = tpu.memref_slice %arg7[%dma_wait3A_266, %dma_wait3A_267] : memref<10240x128xf32, #tpu.memory_space<vmem_shared>> -> memref<112x128xf32, #tpu.memory_space<vmem_shared>>
    %dma_wait3A_269 = arith.constant 0 : i32
    %dma_wait3A_270 = arith.constant 0 : i32
    %dma_wait3A_271 = tpu.memref_slice %arg7[%dma_wait3A_269, %dma_wait3A_270] : memref<10240x128xf32, #tpu.memory_space<vmem_shared>> -> memref<112x128xf32, #tpu.memory_space<vmem_shared>>
    %dma_wait3A_272 = arith.constant 0 : i32
    %dma_wait3A_273 = arith.constant 0 : i32
    %dma_wait3A_274 = tpu.memref_slice %arg6[%dma_wait3A_261, %dma_wait3A_272, %dma_wait3A_273] : memref<3x112x128xf32, #tpu.memory_space<vmem>> -> memref<1x112x128xf32, #tpu.memory_space<vmem>>
    %dma_wait3A_275 = tpu.memref_squeeze %dma_wait3A_274 : memref<1x112x128xf32, #tpu.memory_space<vmem>> -> memref<112x128xf32, #tpu.memory_space<vmem>>
    tpu.wait_dma2 semaphore(%arg15 : memref<!tpu.dma_semaphore, #tpu.memory_space<semaphore_mem>>) src(%dma_wait3A_275 : memref<112x128xf32, #tpu.memory_space<vmem>>) dst(%dma_wait3A_271 : memref<112x128xf32, #tpu.memory_space<vmem_shared>>)
    %dma_wait3A_276 = arith.constant 0 : i32
    %dma_wait3A_277 = arith.constant 1 : i32
    %dma_wait3A_278 = arith.constant 0 : i32
    %dma_wait3A_279 = arith.constant 0 : i32
    %dma_wait3A_280 = arith.constant 0 : i32
    %dma_wait3A_281 = tpu.memref_slice %arg5[%dma_wait3A_277, %dma_wait3A_278, %dma_wait3A_279, %dma_wait3A_280] : memref<2x3x2x112xi32, #tpu.memory_space<vmem>> -> memref<1x3x2x112xi32, #tpu.memory_space<vmem>>
    %dma_wait3A_282 = tpu.memref_squeeze %dma_wait3A_281 : memref<1x3x2x112xi32, #tpu.memory_space<vmem>> -> memref<3x2x112xi32, #tpu.memory_space<vmem>>
    %dma_wait3A_283 = arith.constant 0 : i32
    %dma_wait3A_284 = arith.constant 0 : i32
    %dma_wait3A_285 = arith.constant 0 : i32
    %dma_wait3A_286 = tpu.memref_slice %arg3[%dma_wait3A_276, %dma_wait3A_283, %dma_wait3A_284, %dma_wait3A_285] : memref<32x90x2x112xi32, #tpu.memory_space<hbm>> -> memref<1x90x2x112xi32, #tpu.memory_space<hbm>>
    %dma_wait3A_287 = tpu.memref_squeeze %dma_wait3A_286 : memref<1x90x2x112xi32, #tpu.memory_space<hbm>> -> memref<90x2x112xi32, #tpu.memory_space<hbm>>
    %dma_wait3A_288 = arith.constant 0 : i32
    %dma_wait3A_289 = arith.constant 0 : i32
    %dma_wait3A_290 = arith.constant 0 : i32
    %dma_wait3A_291 = tpu.memref_slice %dma_wait3A_287[%dma_wait3A_288, %dma_wait3A_289, %dma_wait3A_290] : memref<90x2x112xi32, #tpu.memory_space<hbm>> -> memref<3x2x112xi32, #tpu.memory_space<hbm>>
    %dma_wait3A_292 = arith.constant 0 : i32
    %dma_wait3A_293 = arith.constant 0 : i32
    %dma_wait3A_294 = arith.constant 0 : i32
    %dma_wait3A_295 = tpu.memref_slice %arg5[%dma_wait3A_277, %dma_wait3A_292, %dma_wait3A_293, %dma_wait3A_294] : memref<2x3x2x112xi32, #tpu.memory_space<vmem>> -> memref<1x3x2x112xi32, #tpu.memory_space<vmem>>
    %dma_wait3A_296 = tpu.memref_squeeze %dma_wait3A_295 : memref<1x3x2x112xi32, #tpu.memory_space<vmem>> -> memref<3x2x112xi32, #tpu.memory_space<vmem>>
    %dma_wait3A_297 = arith.constant 0 : i32
    %dma_wait3A_298 = arith.constant 0 : i32
    %dma_wait3A_299 = arith.constant 0 : i32
    %dma_wait3A_300 = tpu.memref_slice %arg3[%dma_wait3A_276, %dma_wait3A_297, %dma_wait3A_298, %dma_wait3A_299] : memref<32x90x2x112xi32, #tpu.memory_space<hbm>> -> memref<1x90x2x112xi32, #tpu.memory_space<hbm>>
    %dma_wait3A_301 = tpu.memref_squeeze %dma_wait3A_300 : memref<1x90x2x112xi32, #tpu.memory_space<hbm>> -> memref<90x2x112xi32, #tpu.memory_space<hbm>>
    %dma_wait3A_302 = arith.constant 0 : i32
    %dma_wait3A_303 = arith.constant 0 : i32
    %dma_wait3A_304 = arith.constant 0 : i32
    %dma_wait3A_305 = tpu.memref_slice %dma_wait3A_301[%dma_wait3A_302, %dma_wait3A_303, %dma_wait3A_304] : memref<90x2x112xi32, #tpu.memory_space<hbm>> -> memref<3x2x112xi32, #tpu.memory_space<hbm>>
    tpu.wait_dma2 semaphore(%arg9 : memref<!tpu.dma_semaphore, #tpu.memory_space<semaphore_mem>>) src(%dma_wait3A_305 : memref<3x2x112xi32, #tpu.memory_space<hbm>>) dst(%dma_wait3A_296 : memref<3x2x112xi32, #tpu.memory_space<vmem>>)
    %dma_start3A_306 = arith.constant 1 : i32
    %dma_start3A_307 = arith.constant 0 : i32
    %dma_start3A_308 = arith.constant 0 : i32
    %dma_start3A_309 = arith.constant 0 : i32
    %dma_start3A_310 = arith.constant 0 : i32
    %dma_start3A_311 = arith.constant 0 : i32
    %dma_start3A_312 = tpu.memref_slice %arg6[%dma_start3A_309, %dma_start3A_310, %dma_start3A_311] : memref<3x112x128xf32, #tpu.memory_space<vmem>> -> memref<1x112x128xf32, #tpu.memory_space<vmem>>
    %dma_start3A_313 = tpu.memref_squeeze %dma_start3A_312 : memref<1x112x128xf32, #tpu.memory_space<vmem>> -> memref<112x128xf32, #tpu.memory_space<vmem>>
    %dma_start3A_314 = arith.constant 0 : i32
    %dma_start3A_315 = tpu.memref_slice %arg5[%dma_start3A_306, %dma_start3A_307, %dma_start3A_308, %dma_start3A_314] : memref<2x3x2x112xi32, #tpu.memory_space<vmem>> -> memref<1x1x1x112xi32, #tpu.memory_space<vmem>>
    %dma_start3A_316 = tpu.memref_squeeze %dma_start3A_315 : memref<1x1x1x112xi32, #tpu.memory_space<vmem>> -> memref<112xi32, #tpu.memory_space<vmem>>
    %dma_start3A_317 = arith.constant 0 : i32
    %dma_start3A_318 = arith.constant 0 : i32
    %dma_start3A_319 = tpu.memref_slice %arg2[%dma_start3A_317, %dma_start3A_318] : memref<10240x128xf32, #tpu.memory_space<hbm>> -> memref<10240x128xf32, #tpu.memory_space<hbm>>
    tpu.enqueue_indirect_dma source(%dma_start3A_319 : memref<10240x128xf32, #tpu.memory_space<hbm>>) target(%dma_start3A_313 : memref<112x128xf32, #tpu.memory_space<vmem>>) offsets(%dma_start3A_316 : memref<112xi32, #tpu.memory_space<vmem>>) semaphore(%arg10 : memref<!tpu.dma_semaphore, #tpu.memory_space<semaphore_mem>>)
    %dma_start3A_320 = arith.constant 1 : i32
    %dma_start3A_321 = arith.constant 1 : i32
    %dma_start3A_322 = arith.constant 0 : i32
    %dma_start3A_323 = arith.constant 1 : i32
    %dma_start3A_324 = arith.constant 0 : i32
    %dma_start3A_325 = arith.constant 0 : i32
    %dma_start3A_326 = tpu.memref_slice %arg6[%dma_start3A_323, %dma_start3A_324, %dma_start3A_325] : memref<3x112x128xf32, #tpu.memory_space<vmem>> -> memref<1x112x128xf32, #tpu.memory_space<vmem>>
    %dma_start3A_327 = tpu.memref_squeeze %dma_start3A_326 : memref<1x112x128xf32, #tpu.memory_space<vmem>> -> memref<112x128xf32, #tpu.memory_space<vmem>>
    %dma_start3A_328 = arith.constant 0 : i32
    %dma_start3A_329 = tpu.memref_slice %arg5[%dma_start3A_320, %dma_start3A_321, %dma_start3A_322, %dma_start3A_328] : memref<2x3x2x112xi32, #tpu.memory_space<vmem>> -> memref<1x1x1x112xi32, #tpu.memory_space<vmem>>
    %dma_start3A_330 = tpu.memref_squeeze %dma_start3A_329 : memref<1x1x1x112xi32, #tpu.memory_space<vmem>> -> memref<112xi32, #tpu.memory_space<vmem>>
    %dma_start3A_331 = arith.constant 0 : i32
    %dma_start3A_332 = arith.constant 0 : i32
    %dma_start3A_333 = tpu.memref_slice %arg2[%dma_start3A_331, %dma_start3A_332] : memref<10240x128xf32, #tpu.memory_space<hbm>> -> memref<10240x128xf32, #tpu.memory_space<hbm>>
    tpu.enqueue_indirect_dma source(%dma_start3A_333 : memref<10240x128xf32, #tpu.memory_space<hbm>>) target(%dma_start3A_327 : memref<112x128xf32, #tpu.memory_space<vmem>>) offsets(%dma_start3A_330 : memref<112xi32, #tpu.memory_space<vmem>>) semaphore(%arg11 : memref<!tpu.dma_semaphore, #tpu.memory_space<semaphore_mem>>)
    %dma_start3A_334 = arith.constant 1 : i32
    %dma_start3A_335 = arith.constant 2 : i32
    %dma_start3A_336 = arith.constant 0 : i32
    %dma_start3A_337 = arith.constant 2 : i32
    %dma_start3A_338 = arith.constant 0 : i32
    %dma_start3A_339 = arith.constant 0 : i32
    %dma_start3A_340 = tpu.memref_slice %arg6[%dma_start3A_337, %dma_start3A_338, %dma_start3A_339] : memref<3x112x128xf32, #tpu.memory_space<vmem>> -> memref<1x112x128xf32, #tpu.memory_space<vmem>>
    %dma_start3A_341 = tpu.memref_squeeze %dma_start3A_340 : memref<1x112x128xf32, #tpu.memory_space<vmem>> -> memref<112x128xf32, #tpu.memory_space<vmem>>
    %dma_start3A_342 = arith.constant 0 : i32
    %dma_start3A_343 = tpu.memref_slice %arg5[%dma_start3A_334, %dma_start3A_335, %dma_start3A_336, %dma_start3A_342] : memref<2x3x2x112xi32, #tpu.memory_space<vmem>> -> memref<1x1x1x112xi32, #tpu.memory_space<vmem>>
    %dma_start3A_344 = tpu.memref_squeeze %dma_start3A_343 : memref<1x1x1x112xi32, #tpu.memory_space<vmem>> -> memref<112xi32, #tpu.memory_space<vmem>>
    %dma_start3A_345 = arith.constant 0 : i32
    %dma_start3A_346 = arith.constant 0 : i32
    %dma_start3A_347 = tpu.memref_slice %arg2[%dma_start3A_345, %dma_start3A_346] : memref<10240x128xf32, #tpu.memory_space<hbm>> -> memref<10240x128xf32, #tpu.memory_space<hbm>>
    tpu.enqueue_indirect_dma source(%dma_start3A_347 : memref<10240x128xf32, #tpu.memory_space<hbm>>) target(%dma_start3A_341 : memref<112x128xf32, #tpu.memory_space<vmem>>) offsets(%dma_start3A_344 : memref<112xi32, #tpu.memory_space<vmem>>) semaphore(%arg12 : memref<!tpu.dma_semaphore, #tpu.memory_space<semaphore_mem>>)
    %dma_wait3A_348 = arith.constant 0 : i32
    %dma_wait3A_349 = arith.constant 0 : i32
    %dma_wait3A_350 = arith.constant 0 : i32
    %dma_wait3A_351 = tpu.memref_slice %arg6[%dma_wait3A_348, %dma_wait3A_349, %dma_wait3A_350] : memref<3x112x128xf32, #tpu.memory_space<vmem>> -> memref<1x112x128xf32, #tpu.memory_space<vmem>>
    %dma_wait3A_352 = tpu.memref_squeeze %dma_wait3A_351 : memref<1x112x128xf32, #tpu.memory_space<vmem>> -> memref<112x128xf32, #tpu.memory_space<vmem>>
    %dma_wait3A_353 = arith.constant 0 : i32
    %dma_wait3A_354 = arith.constant 0 : i32
    %dma_wait3A_355 = tpu.memref_slice %arg2[%dma_wait3A_353, %dma_wait3A_354] : memref<10240x128xf32, #tpu.memory_space<hbm>> -> memref<112x128xf32, #tpu.memory_space<hbm>>
    %dma_wait3A_356 = arith.constant 0 : i32
    %dma_wait3A_357 = arith.constant 0 : i32
    %dma_wait3A_358 = tpu.memref_slice %arg6[%dma_wait3A_348, %dma_wait3A_356, %dma_wait3A_357] : memref<3x112x128xf32, #tpu.memory_space<vmem>> -> memref<1x112x128xf32, #tpu.memory_space<vmem>>
    %dma_wait3A_359 = tpu.memref_squeeze %dma_wait3A_358 : memref<1x112x128xf32, #tpu.memory_space<vmem>> -> memref<112x128xf32, #tpu.memory_space<vmem>>
    %dma_wait3A_360 = arith.constant 0 : i32
    %dma_wait3A_361 = arith.constant 0 : i32
    %dma_wait3A_362 = tpu.memref_slice %arg2[%dma_wait3A_360, %dma_wait3A_361] : memref<10240x128xf32, #tpu.memory_space<hbm>> -> memref<112x128xf32, #tpu.memory_space<hbm>>
    tpu.wait_dma2 semaphore(%arg10 : memref<!tpu.dma_semaphore, #tpu.memory_space<semaphore_mem>>) src(%dma_wait3A_362 : memref<112x128xf32, #tpu.memory_space<hbm>>) dst(%dma_wait3A_359 : memref<112x128xf32, #tpu.memory_space<vmem>>)
    %dma_start3A_363 = arith.constant 0 : i32
    %dma_start3A_364 = arith.constant 1 : i32
    %dma_start3A_365 = arith.constant 0 : i32
    %dma_start3A_366 = arith.constant 1 : i32
    %dma_start3A_367 = arith.constant 0 : i32
    %dma_start3A_368 = arith.constant 0 : i32
    %dma_start3A_369 = tpu.memref_slice %arg6[%dma_start3A_363, %dma_start3A_367, %dma_start3A_368] : memref<3x112x128xf32, #tpu.memory_space<vmem>> -> memref<1x112x128xf32, #tpu.memory_space<vmem>>
    %dma_start3A_370 = tpu.memref_squeeze %dma_start3A_369 : memref<1x112x128xf32, #tpu.memory_space<vmem>> -> memref<112x128xf32, #tpu.memory_space<vmem>>
    %dma_start3A_371 = arith.constant 0 : i32
    %dma_start3A_372 = tpu.memref_slice %arg5[%dma_start3A_364, %dma_start3A_365, %dma_start3A_366, %dma_start3A_371] : memref<2x3x2x112xi32, #tpu.memory_space<vmem>> -> memref<1x1x1x112xi32, #tpu.memory_space<vmem>>
    %dma_start3A_373 = tpu.memref_squeeze %dma_start3A_372 : memref<1x1x1x112xi32, #tpu.memory_space<vmem>> -> memref<112xi32, #tpu.memory_space<vmem>>
    %dma_start3A_374 = arith.constant 0 : i32
    %dma_start3A_375 = arith.constant 0 : i32
    %dma_start3A_376 = tpu.memref_slice %arg7[%dma_start3A_374, %dma_start3A_375] : memref<10240x128xf32, #tpu.memory_space<vmem_shared>> -> memref<10240x128xf32, #tpu.memory_space<vmem_shared>>
    tpu.enqueue_indirect_dma source(%dma_start3A_370 : memref<112x128xf32, #tpu.memory_space<vmem>>) target(%dma_start3A_376 : memref<10240x128xf32, #tpu.memory_space<vmem_shared>>) offsets(%dma_start3A_373 : memref<112xi32, #tpu.memory_space<vmem>>) semaphore(%arg13 : memref<!tpu.dma_semaphore, #tpu.memory_space<semaphore_mem>>) {add = true}
    %dma_wait3A_377 = arith.constant 1 : i32
    %dma_wait3A_378 = arith.constant 0 : i32
    %dma_wait3A_379 = arith.constant 0 : i32
    %dma_wait3A_380 = tpu.memref_slice %arg6[%dma_wait3A_377, %dma_wait3A_378, %dma_wait3A_379] : memref<3x112x128xf32, #tpu.memory_space<vmem>> -> memref<1x112x128xf32, #tpu.memory_space<vmem>>
    %dma_wait3A_381 = tpu.memref_squeeze %dma_wait3A_380 : memref<1x112x128xf32, #tpu.memory_space<vmem>> -> memref<112x128xf32, #tpu.memory_space<vmem>>
    %dma_wait3A_382 = arith.constant 0 : i32
    %dma_wait3A_383 = arith.constant 0 : i32
    %dma_wait3A_384 = tpu.memref_slice %arg2[%dma_wait3A_382, %dma_wait3A_383] : memref<10240x128xf32, #tpu.memory_space<hbm>> -> memref<112x128xf32, #tpu.memory_space<hbm>>
    %dma_wait3A_385 = arith.constant 0 : i32
    %dma_wait3A_386 = arith.constant 0 : i32
    %dma_wait3A_387 = tpu.memref_slice %arg6[%dma_wait3A_377, %dma_wait3A_385, %dma_wait3A_386] : memref<3x112x128xf32, #tpu.memory_space<vmem>> -> memref<1x112x128xf32, #tpu.memory_space<vmem>>
    %dma_wait3A_388 = tpu.memref_squeeze %dma_wait3A_387 : memref<1x112x128xf32, #tpu.memory_space<vmem>> -> memref<112x128xf32, #tpu.memory_space<vmem>>
    %dma_wait3A_389 = arith.constant 0 : i32
    %dma_wait3A_390 = arith.constant 0 : i32
    %dma_wait3A_391 = tpu.memref_slice %arg2[%dma_wait3A_389, %dma_wait3A_390] : memref<10240x128xf32, #tpu.memory_space<hbm>> -> memref<112x128xf32, #tpu.memory_space<hbm>>
    tpu.wait_dma2 semaphore(%arg11 : memref<!tpu.dma_semaphore, #tpu.memory_space<semaphore_mem>>) src(%dma_wait3A_391 : memref<112x128xf32, #tpu.memory_space<hbm>>) dst(%dma_wait3A_388 : memref<112x128xf32, #tpu.memory_space<vmem>>)
    %dma_start3A_392 = arith.constant 1 : i32
    %dma_start3A_393 = arith.constant 1 : i32
    %dma_start3A_394 = arith.constant 1 : i32
    %dma_start3A_395 = arith.constant 1 : i32
    %dma_start3A_396 = arith.constant 0 : i32
    %dma_start3A_397 = arith.constant 0 : i32
    %dma_start3A_398 = tpu.memref_slice %arg6[%dma_start3A_392, %dma_start3A_396, %dma_start3A_397] : memref<3x112x128xf32, #tpu.memory_space<vmem>> -> memref<1x112x128xf32, #tpu.memory_space<vmem>>
    %dma_start3A_399 = tpu.memref_squeeze %dma_start3A_398 : memref<1x112x128xf32, #tpu.memory_space<vmem>> -> memref<112x128xf32, #tpu.memory_space<vmem>>
    %dma_start3A_400 = arith.constant 0 : i32
    %dma_start3A_401 = tpu.memref_slice %arg5[%dma_start3A_393, %dma_start3A_394, %dma_start3A_395, %dma_start3A_400] : memref<2x3x2x112xi32, #tpu.memory_space<vmem>> -> memref<1x1x1x112xi32, #tpu.memory_space<vmem>>
    %dma_start3A_402 = tpu.memref_squeeze %dma_start3A_401 : memref<1x1x1x112xi32, #tpu.memory_space<vmem>> -> memref<112xi32, #tpu.memory_space<vmem>>
    %dma_start3A_403 = arith.constant 0 : i32
    %dma_start3A_404 = arith.constant 0 : i32
    %dma_start3A_405 = tpu.memref_slice %arg7[%dma_start3A_403, %dma_start3A_404] : memref<10240x128xf32, #tpu.memory_space<vmem_shared>> -> memref<10240x128xf32, #tpu.memory_space<vmem_shared>>
    tpu.enqueue_indirect_dma source(%dma_start3A_399 : memref<112x128xf32, #tpu.memory_space<vmem>>) target(%dma_start3A_405 : memref<10240x128xf32, #tpu.memory_space<vmem_shared>>) offsets(%dma_start3A_402 : memref<112xi32, #tpu.memory_space<vmem>>) semaphore(%arg14 : memref<!tpu.dma_semaphore, #tpu.memory_space<semaphore_mem>>) {add = true}
    %dma_wait3A_406 = arith.constant 2 : i32
    %dma_wait3A_407 = arith.constant 0 : i32
    %dma_wait3A_408 = arith.constant 0 : i32
    %dma_wait3A_409 = tpu.memref_slice %arg6[%dma_wait3A_406, %dma_wait3A_407, %dma_wait3A_408] : memref<3x112x128xf32, #tpu.memory_space<vmem>> -> memref<1x112x128xf32, #tpu.memory_space<vmem>>
    %dma_wait3A_410 = tpu.memref_squeeze %dma_wait3A_409 : memref<1x112x128xf32, #tpu.memory_space<vmem>> -> memref<112x128xf32, #tpu.memory_space<vmem>>
    %dma_wait3A_411 = arith.constant 0 : i32
    %dma_wait3A_412 = arith.constant 0 : i32
    %dma_wait3A_413 = tpu.memref_slice %arg2[%dma_wait3A_411, %dma_wait3A_412] : memref<10240x128xf32, #tpu.memory_space<hbm>> -> memref<112x128xf32, #tpu.memory_space<hbm>>
    %dma_wait3A_414 = arith.constant 0 : i32
    %dma_wait3A_415 = arith.constant 0 : i32
    %dma_wait3A_416 = tpu.memref_slice %arg6[%dma_wait3A_406, %dma_wait3A_414, %dma_wait3A_415] : memref<3x112x128xf32, #tpu.memory_space<vmem>> -> memref<1x112x128xf32, #tpu.memory_space<vmem>>
    %dma_wait3A_417 = tpu.memref_squeeze %dma_wait3A_416 : memref<1x112x128xf32, #tpu.memory_space<vmem>> -> memref<112x128xf32, #tpu.memory_space<vmem>>
    %dma_wait3A_418 = arith.constant 0 : i32
    %dma_wait3A_419 = arith.constant 0 : i32
    %dma_wait3A_420 = tpu.memref_slice %arg2[%dma_wait3A_418, %dma_wait3A_419] : memref<10240x128xf32, #tpu.memory_space<hbm>> -> memref<112x128xf32, #tpu.memory_space<hbm>>
    tpu.wait_dma2 semaphore(%arg12 : memref<!tpu.dma_semaphore, #tpu.memory_space<semaphore_mem>>) src(%dma_wait3A_420 : memref<112x128xf32, #tpu.memory_space<hbm>>) dst(%dma_wait3A_417 : memref<112x128xf32, #tpu.memory_space<vmem>>)
    %dma_start3A_421 = arith.constant 2 : i32
    %dma_start3A_422 = arith.constant 1 : i32
    %dma_start3A_423 = arith.constant 2 : i32
    %dma_start3A_424 = arith.constant 1 : i32
    %dma_start3A_425 = arith.constant 0 : i32
    %dma_start3A_426 = arith.constant 0 : i32
    %dma_start3A_427 = tpu.memref_slice %arg6[%dma_start3A_421, %dma_start3A_425, %dma_start3A_426] : memref<3x112x128xf32, #tpu.memory_space<vmem>> -> memref<1x112x128xf32, #tpu.memory_space<vmem>>
    %dma_start3A_428 = tpu.memref_squeeze %dma_start3A_427 : memref<1x112x128xf32, #tpu.memory_space<vmem>> -> memref<112x128xf32, #tpu.memory_space<vmem>>
    %dma_start3A_429 = arith.constant 0 : i32
    %dma_start3A_430 = tpu.memref_slice %arg5[%dma_start3A_422, %dma_start3A_423, %dma_start3A_424, %dma_start3A_429] : memref<2x3x2x112xi32, #tpu.memory_space<vmem>> -> memref<1x1x1x112xi32, #tpu.memory_space<vmem>>
    %dma_start3A_431 = tpu.memref_squeeze %dma_start3A_430 : memref<1x1x1x112xi32, #tpu.memory_space<vmem>> -> memref<112xi32, #tpu.memory_space<vmem>>
    %dma_start3A_432 = arith.constant 0 : i32
    %dma_start3A_433 = arith.constant 0 : i32
    %dma_start3A_434 = tpu.memref_slice %arg7[%dma_start3A_432, %dma_start3A_433] : memref<10240x128xf32, #tpu.memory_space<vmem_shared>> -> memref<10240x128xf32, #tpu.memory_space<vmem_shared>>
    tpu.enqueue_indirect_dma source(%dma_start3A_428 : memref<112x128xf32, #tpu.memory_space<vmem>>) target(%dma_start3A_434 : memref<10240x128xf32, #tpu.memory_space<vmem_shared>>) offsets(%dma_start3A_431 : memref<112xi32, #tpu.memory_space<vmem>>) semaphore(%arg15 : memref<!tpu.dma_semaphore, #tpu.memory_space<semaphore_mem>>) {add = true}
    %dma_wait3A_435 = arith.constant 0 : i32
    %dma_wait3A_436 = arith.constant 0 : i32
    %dma_wait3A_437 = arith.constant 0 : i32
    %dma_wait3A_438 = tpu.memref_slice %arg6[%dma_wait3A_435, %dma_wait3A_436, %dma_wait3A_437] : memref<3x112x128xf32, #tpu.memory_space<vmem>> -> memref<1x112x128xf32, #tpu.memory_space<vmem>>
    %dma_wait3A_439 = tpu.memref_squeeze %dma_wait3A_438 : memref<1x112x128xf32, #tpu.memory_space<vmem>> -> memref<112x128xf32, #tpu.memory_space<vmem>>
    %dma_wait3A_440 = arith.constant 0 : i32
    %dma_wait3A_441 = arith.constant 0 : i32
    %dma_wait3A_442 = tpu.memref_slice %arg7[%dma_wait3A_440, %dma_wait3A_441] : memref<10240x128xf32, #tpu.memory_space<vmem_shared>> -> memref<112x128xf32, #tpu.memory_space<vmem_shared>>
    %dma_wait3A_443 = arith.constant 0 : i32
    %dma_wait3A_444 = arith.constant 0 : i32
    %dma_wait3A_445 = tpu.memref_slice %arg7[%dma_wait3A_443, %dma_wait3A_444] : memref<10240x128xf32, #tpu.memory_space<vmem_shared>> -> memref<112x128xf32, #tpu.memory_space<vmem_shared>>
    %dma_wait3A_446 = arith.constant 0 : i32
    %dma_wait3A_447 = arith.constant 0 : i32
    %dma_wait3A_448 = tpu.memref_slice %arg6[%dma_wait3A_435, %dma_wait3A_446, %dma_wait3A_447] : memref<3x112x128xf32, #tpu.memory_space<vmem>> -> memref<1x112x128xf32, #tpu.memory_space<vmem>>
    %dma_wait3A_449 = tpu.memref_squeeze %dma_wait3A_448 : memref<1x112x128xf32, #tpu.memory_space<vmem>> -> memref<112x128xf32, #tpu.memory_space<vmem>>
    tpu.wait_dma2 semaphore(%arg13 : memref<!tpu.dma_semaphore, #tpu.memory_space<semaphore_mem>>) src(%dma_wait3A_449 : memref<112x128xf32, #tpu.memory_space<vmem>>) dst(%dma_wait3A_445 : memref<112x128xf32, #tpu.memory_space<vmem_shared>>)
    %dma_wait3A_450 = arith.constant 1 : i32
    %dma_wait3A_451 = arith.constant 0 : i32
    %dma_wait3A_452 = arith.constant 0 : i32
    %dma_wait3A_453 = tpu.memref_slice %arg6[%dma_wait3A_450, %dma_wait3A_451, %dma_wait3A_452] : memref<3x112x128xf32, #tpu.memory_space<vmem>> -> memref<1x112x128xf32, #tpu.memory_space<vmem>>
    %dma_wait3A_454 = tpu.memref_squeeze %dma_wait3A_453 : memref<1x112x128xf32, #tpu.memory_space<vmem>> -> memref<112x128xf32, #tpu.memory_space<vmem>>
    %dma_wait3A_455 = arith.constant 0 : i32
    %dma_wait3A_456 = arith.constant 0 : i32
    %dma_wait3A_457 = tpu.memref_slice %arg7[%dma_wait3A_455, %dma_wait3A_456] : memref<10240x128xf32, #tpu.memory_space<vmem_shared>> -> memref<112x128xf32, #tpu.memory_space<vmem_shared>>
    %dma_wait3A_458 = arith.constant 0 : i32
    %dma_wait3A_459 = arith.constant 0 : i32
    %dma_wait3A_460 = tpu.memref_slice %arg7[%dma_wait3A_458, %dma_wait3A_459] : memref<10240x128xf32, #tpu.memory_space<vmem_shared>> -> memref<112x128xf32, #tpu.memory_space<vmem_shared>>
    %dma_wait3A_461 = arith.constant 0 : i32
    %dma_wait3A_462 = arith.constant 0 : i32
    %dma_wait3A_463 = tpu.memref_slice %arg6[%dma_wait3A_450, %dma_wait3A_461, %dma_wait3A_462] : memref<3x112x128xf32, #tpu.memory_space<vmem>> -> memref<1x112x128xf32, #tpu.memory_space<vmem>>
    %dma_wait3A_464 = tpu.memref_squeeze %dma_wait3A_463 : memref<1x112x128xf32, #tpu.memory_space<vmem>> -> memref<112x128xf32, #tpu.memory_space<vmem>>
    tpu.wait_dma2 semaphore(%arg14 : memref<!tpu.dma_semaphore, #tpu.memory_space<semaphore_mem>>) src(%dma_wait3A_464 : memref<112x128xf32, #tpu.memory_space<vmem>>) dst(%dma_wait3A_460 : memref<112x128xf32, #tpu.memory_space<vmem_shared>>)
    %dma_wait3A_465 = arith.constant 2 : i32
    %dma_wait3A_466 = arith.constant 0 : i32
    %dma_wait3A_467 = arith.constant 0 : i32
    %dma_wait3A_468 = tpu.memref_slice %arg6[%dma_wait3A_465, %dma_wait3A_466, %dma_wait3A_467] : memref<3x112x128xf32, #tpu.memory_space<vmem>> -> memref<1x112x128xf32, #tpu.memory_space<vmem>>
    %dma_wait3A_469 = tpu.memref_squeeze %dma_wait3A_468 : memref<1x112x128xf32, #tpu.memory_space<vmem>> -> memref<112x128xf32, #tpu.memory_space<vmem>>
    %dma_wait3A_470 = arith.constant 0 : i32
    %dma_wait3A_471 = arith.constant 0 : i32
    %dma_wait3A_472 = tpu.memref_slice %arg7[%dma_wait3A_470, %dma_wait3A_471] : memref<10240x128xf32, #tpu.memory_space<vmem_shared>> -> memref<112x128xf32, #tpu.memory_space<vmem_shared>>
    %dma_wait3A_473 = arith.constant 0 : i32
    %dma_wait3A_474 = arith.constant 0 : i32
    %dma_wait3A_475 = tpu.memref_slice %arg7[%dma_wait3A_473, %dma_wait3A_474] : memref<10240x128xf32, #tpu.memory_space<vmem_shared>> -> memref<112x128xf32, #tpu.memory_space<vmem_shared>>
    %dma_wait3A_476 = arith.constant 0 : i32
    %dma_wait3A_477 = arith.constant 0 : i32
    %dma_wait3A_478 = tpu.memref_slice %arg6[%dma_wait3A_465, %dma_wait3A_476, %dma_wait3A_477] : memref<3x112x128xf32, #tpu.memory_space<vmem>> -> memref<1x112x128xf32, #tpu.memory_space<vmem>>
    %dma_wait3A_479 = tpu.memref_squeeze %dma_wait3A_478 : memref<1x112x128xf32, #tpu.memory_space<vmem>> -> memref<112x128xf32, #tpu.memory_space<vmem>>
    tpu.wait_dma2 semaphore(%arg15 : memref<!tpu.dma_semaphore, #tpu.memory_space<semaphore_mem>>) src(%dma_wait3A_479 : memref<112x128xf32, #tpu.memory_space<vmem>>) dst(%dma_wait3A_475 : memref<112x128xf32, #tpu.memory_space<vmem_shared>>)
    %barrier3A_480 = arith.constant 0 : index
    tpu.barrier barrier_id(%barrier3A_480)
    "tpu.region"() ({
      %run_scoped3A = tpu.sem_alloc : memref<!tpu.dma_semaphore, #tpu.memory_space<semaphore_mem>>
      %dma_start3A_481 = arith.constant 0 : i32
      %dma_start3A_482 = arith.constant 0 : i32
      %dma_start3A_483 = tpu.memref_slice %arg4[%arg0, %dma_start3A_481, %dma_start3A_482] : memref<2x10240x128xf32, #tpu.memory_space<hbm>> -> memref<1x10240x128xf32, #tpu.memory_space<hbm>>
      %dma_start3A_484 = tpu.memref_squeeze %dma_start3A_483 : memref<1x10240x128xf32, #tpu.memory_space<hbm>> -> memref<10240x128xf32, #tpu.memory_space<hbm>>
      %dma_start3A_485 = arith.constant 0 : i32
      %dma_start3A_486 = tpu.memref_slice %dma_start3A_484[%mul3A_2, %dma_start3A_485] : memref<10240x128xf32, #tpu.memory_space<hbm>> -> memref<640x128xf32, #tpu.memory_space<hbm>>
      %dma_start3A_487 = arith.constant 0 : i32
      %dma_start3A_488 = tpu.memref_slice %arg7[%mul3A_2, %dma_start3A_487] : memref<10240x128xf32, #tpu.memory_space<vmem_shared>> -> memref<640x128xf32, #tpu.memory_space<vmem_shared>>
      tpu.enqueue_dma source(%dma_start3A_488 : memref<640x128xf32, #tpu.memory_space<vmem_shared>>) target(%dma_start3A_486 : memref<640x128xf32, #tpu.memory_space<hbm>>) target_semaphore(%run_scoped3A : memref<!tpu.dma_semaphore, #tpu.memory_space<semaphore_mem>>)
      %dma_wait3A_489 = arith.constant 0 : i32
      %dma_wait3A_490 = arith.constant 0 : i32
      %dma_wait3A_491 = tpu.memref_slice %arg4[%arg0, %dma_wait3A_489, %dma_wait3A_490] : memref<2x10240x128xf32, #tpu.memory_space<hbm>> -> memref<1x10240x128xf32, #tpu.memory_space<hbm>>
      %dma_wait3A_492 = tpu.memref_squeeze %dma_wait3A_491 : memref<1x10240x128xf32, #tpu.memory_space<hbm>> -> memref<10240x128xf32, #tpu.memory_space<hbm>>
      %dma_wait3A_493 = arith.constant 0 : i32
      %dma_wait3A_494 = tpu.memref_slice %dma_wait3A_492[%mul3A_2, %dma_wait3A_493] : memref<10240x128xf32, #tpu.memory_space<hbm>> -> memref<640x128xf32, #tpu.memory_space<hbm>>
      %dma_wait3A_495 = arith.constant 0 : i32
      %dma_wait3A_496 = tpu.memref_slice %arg7[%mul3A_2, %dma_wait3A_495] : memref<10240x128xf32, #tpu.memory_space<vmem_shared>> -> memref<640x128xf32, #tpu.memory_space<vmem_shared>>
      tpu.wait_dma2 semaphore(%run_scoped3A : memref<!tpu.dma_semaphore, #tpu.memory_space<semaphore_mem>>) src(%dma_wait3A_496 : memref<640x128xf32, #tpu.memory_space<vmem_shared>>) dst(%dma_wait3A_494 : memref<640x128xf32, #tpu.memory_space<hbm>>)
      tpu.yield
    }) : () -> ()
    return
  }
}

module attributes {stable_mosaic.version = 14 : i64} {
  func.func @_mlp_body(%arg0: i32, %arg1: memref<2x640x128xf32, #tpu.memory_space<vmem>>, %arg2: memref<640x128xf32, #tpu.memory_space<vmem>>, %arg3: memref<128x128xf32, #tpu.memory_space<vmem>>, %arg4: memref<1x128xf32, #tpu.memory_space<vmem>>, %arg5: memref<1x128xf32, #tpu.memory_space<vmem>>, %arg6: memref<1x128xf32, #tpu.memory_space<vmem>>, %arg7: memref<128x128xf32, #tpu.memory_space<vmem>>, %arg8: memref<1x128xf32, #tpu.memory_space<vmem>>, %arg9: memref<640x128xf32, #tpu.memory_space<vmem>>) attributes {dimension_semantics = [#tpu.dimension_semantics<arbitrary>], iteration_bounds = array<i64: 16>, scalar_prefetch = 0 : i64, scratch_operands = 0 : i64, tpu.core_type = #tpu.core_type<tc>, window_params = [{transform_indices = @transform_0, window_bounds = array<i64: 2, 640, 128>}, {transform_indices = @transform_1, window_bounds = array<i64: 640, 128>}, {pipeline_mode = #tpu.pipeline_mode<synchronous>, transform_indices = @transform_2, window_bounds = array<i64: 128, 128>}, {pipeline_mode = #tpu.pipeline_mode<synchronous>, transform_indices = @transform_3, window_bounds = array<i64: 1, 128>}, {pipeline_mode = #tpu.pipeline_mode<synchronous>, transform_indices = @transform_4, window_bounds = array<i64: 1, 128>}, {pipeline_mode = #tpu.pipeline_mode<synchronous>, transform_indices = @transform_5, window_bounds = array<i64: 1, 128>}, {pipeline_mode = #tpu.pipeline_mode<synchronous>, transform_indices = @transform_6, window_bounds = array<i64: 128, 128>}, {pipeline_mode = #tpu.pipeline_mode<synchronous>, transform_indices = @transform_7, window_bounds = array<i64: 1, 128>}, {transform_indices = @transform_8, window_bounds = array<i64: 640, 128>}]} {
    %get3A = arith.constant 0 : index
    %get3A_0 = arith.constant 0 : index
    %get3A_1 = arith.constant 0 : index
    %get3A_2 = vector.load %arg1[%get3A, %get3A_0, %get3A_1] : memref<2x640x128xf32, #tpu.memory_space<vmem>>, vector<1x640x128xf32>
    %get3A_3 = vector.shape_cast %get3A_2 : vector<1x640x128xf32> to vector<640x128xf32>
    %get3A_4 = arith.constant 1 : index
    %get3A_5 = arith.constant 0 : index
    %get3A_6 = arith.constant 0 : index
    %get3A_7 = vector.load %arg1[%get3A_4, %get3A_5, %get3A_6] : memref<2x640x128xf32, #tpu.memory_space<vmem>>, vector<1x640x128xf32>
    %get3A_8 = vector.shape_cast %get3A_7 : vector<1x640x128xf32> to vector<640x128xf32>
    %add3A = arith.addf %get3A_3, %get3A_8 : vector<640x128xf32>
    %get3A_9 = arith.constant 0 : index
    %get3A_10 = arith.constant 0 : index
    %get3A_11 = vector.load %arg2[%get3A_9, %get3A_10] : memref<640x128xf32, #tpu.memory_space<vmem>>, vector<640x128xf32>
    %sub3A = arith.subf %add3A, %get3A_11 : vector<640x128xf32>
    %get3A_12 = arith.constant 0 : index
    %get3A_13 = arith.constant 0 : index
    %get3A_14 = vector.load %arg3[%get3A_12, %get3A_13] : memref<128x128xf32, #tpu.memory_space<vmem>>, vector<128x128xf32>
    %dot_general3A = arith.constant dense<0.000000e+00> : vector<640x128xf32>
    %dot_general3A_15 = tpu.matmul %sub3A, %get3A_14, %dot_general3A {dimension_numbers = #tpu.dot_dimension_numbers<[1], [0], [0], [1], [0, 0, 1, 1], [], []>, transpose_lhs_hint = false} : vector<640x128xf32>, vector<128x128xf32>, vector<640x128xf32> -> vector<640x128xf32>
    %get3A_16 = arith.constant 0 : index
    %get3A_17 = arith.constant 0 : index
    %get3A_18 = vector.load %arg4[%get3A_16, %get3A_17] : memref<1x128xf32, #tpu.memory_space<vmem>>, vector<1x128xf32>
    %add3A_19 = vector.broadcast %get3A_18 : vector<1x128xf32> to vector<640x128xf32>
    %add3A_20 = arith.addf %dot_general3A_15, %add3A_19 : vector<640x128xf32>
    %ge3A = arith.constant 0.000000e+00 : f32
    %ge3A_21 = vector.broadcast %ge3A : f32 to vector<640x128xf32>
    %ge3A_22 = arith.cmpf oge, %add3A_20, %ge3A_21 : vector<640x128xf32>
    %mul3A = arith.constant 2.000000e-01 : f32
    %mul3A_23 = vector.broadcast %mul3A : f32 to vector<640x128xf32>
    %mul3A_24 = arith.mulf %mul3A_23, %add3A_20 : vector<640x128xf32>
    %select_n3A = arith.select %ge3A_22, %add3A_20, %mul3A_24 : vector<640x128xi1>, vector<640x128xf32>
    %get3A_25 = arith.constant 0 : index
    %get3A_26 = arith.constant 0 : index
    %get3A_27 = vector.load %arg5[%get3A_25, %get3A_26] : memref<1x128xf32, #tpu.memory_space<vmem>>, vector<1x128xf32>
    %mul3A_28 = arith.constant 0.999994993 : f32
    %mul3A_29 = vector.broadcast %mul3A_28 : f32 to vector<1x128xf32>
    %mul3A_30 = arith.mulf %get3A_27, %mul3A_29 : vector<1x128xf32>
    %mul3A_31 = vector.broadcast %mul3A_30 : vector<1x128xf32> to vector<640x128xf32>
    %mul3A_32 = arith.mulf %select_n3A, %mul3A_31 : vector<640x128xf32>
    %get3A_33 = arith.constant 0 : index
    %get3A_34 = arith.constant 0 : index
    %get3A_35 = vector.load %arg6[%get3A_33, %get3A_34] : memref<1x128xf32, #tpu.memory_space<vmem>>, vector<1x128xf32>
    %add3A_36 = vector.broadcast %get3A_35 : vector<1x128xf32> to vector<640x128xf32>
    %add3A_37 = arith.addf %mul3A_32, %add3A_36 : vector<640x128xf32>
    %get3A_38 = arith.constant 0 : index
    %get3A_39 = arith.constant 0 : index
    %get3A_40 = vector.load %arg7[%get3A_38, %get3A_39] : memref<128x128xf32, #tpu.memory_space<vmem>>, vector<128x128xf32>
    %dot_general3A_41 = arith.constant dense<0.000000e+00> : vector<640x128xf32>
    %dot_general3A_42 = tpu.matmul %add3A_37, %get3A_40, %dot_general3A_41 {dimension_numbers = #tpu.dot_dimension_numbers<[1], [0], [0], [1], [0, 0, 1, 1], [], []>, transpose_lhs_hint = false} : vector<640x128xf32>, vector<128x128xf32>, vector<640x128xf32> -> vector<640x128xf32>
    %get3A_43 = arith.constant 0 : index
    %get3A_44 = arith.constant 0 : index
    %get3A_45 = vector.load %arg8[%get3A_43, %get3A_44] : memref<1x128xf32, #tpu.memory_space<vmem>>, vector<1x128xf32>
    %add3A_46 = vector.broadcast %get3A_45 : vector<1x128xf32> to vector<640x128xf32>
    %add3A_47 = arith.addf %dot_general3A_42, %add3A_46 : vector<640x128xf32>
    %ge3A_48 = arith.constant 0.000000e+00 : f32
    %ge3A_49 = vector.broadcast %ge3A_48 : f32 to vector<640x128xf32>
    %ge3A_50 = arith.cmpf oge, %add3A_47, %ge3A_49 : vector<640x128xf32>
    %mul3A_51 = arith.constant 2.000000e-01 : f32
    %mul3A_52 = vector.broadcast %mul3A_51 : f32 to vector<640x128xf32>
    %mul3A_53 = arith.mulf %mul3A_52, %add3A_47 : vector<640x128xf32>
    %select_n3A_54 = arith.select %ge3A_50, %add3A_47, %mul3A_53 : vector<640x128xi1>, vector<640x128xf32>
    %swap3A = arith.constant 0 : index
    %swap3A_55 = arith.constant 0 : index
    %swap3A_56 = vector.load %arg9[%swap3A, %swap3A_55] : memref<640x128xf32, #tpu.memory_space<vmem>>, vector<640x128xf32>
    tpu.vector_store %arg9[%swap3A, %swap3A_55], %select_n3A_54 {strides = array<i32>} : memref<640x128xf32, #tpu.memory_space<vmem>>, vector<640x128xf32>,
    return
  }
  func.func @transform_0(%arg0: i32) -> (i32, i32, i32) {
    %c0_i32 = arith.constant 0 : i32
    %c0_i32_0 = arith.constant 0 : i32
    %c0_i32_1 = arith.constant 0 : i32
    return %c0_i32, %arg0, %c0_i32_0 : i32, i32, i32
  }
  func.func @transform_1(%arg0: i32) -> (i32, i32) {
    %c0_i32 = arith.constant 0 : i32
    %c0_i32_0 = arith.constant 0 : i32
    return %arg0, %c0_i32 : i32, i32
  }
  func.func @transform_2(%arg0: i32) -> (i32, i32) {
    %c0_i32 = arith.constant 0 : i32
    %c0_i32_0 = arith.constant 0 : i32
    %c0_i32_1 = arith.constant 0 : i32
    return %c0_i32, %c0_i32_0 : i32, i32
  }
  func.func @transform_3(%arg0: i32) -> (i32, i32) {
    %c0_i32 = arith.constant 0 : i32
    %c0_i32_0 = arith.constant 0 : i32
    %c0_i32_1 = arith.constant 0 : i32
    return %c0_i32, %c0_i32_0 : i32, i32
  }
  func.func @transform_4(%arg0: i32) -> (i32, i32) {
    %c0_i32 = arith.constant 0 : i32
    %c0_i32_0 = arith.constant 0 : i32
    %c0_i32_1 = arith.constant 0 : i32
    return %c0_i32, %c0_i32_0 : i32, i32
  }
  func.func @transform_5(%arg0: i32) -> (i32, i32) {
    %c0_i32 = arith.constant 0 : i32
    %c0_i32_0 = arith.constant 0 : i32
    %c0_i32_1 = arith.constant 0 : i32
    return %c0_i32, %c0_i32_0 : i32, i32
  }
  func.func @transform_6(%arg0: i32) -> (i32, i32) {
    %c0_i32 = arith.constant 0 : i32
    %c0_i32_0 = arith.constant 0 : i32
    %c0_i32_1 = arith.constant 0 : i32
    return %c0_i32, %c0_i32_0 : i32, i32
  }
  func.func @transform_7(%arg0: i32) -> (i32, i32) {
    %c0_i32 = arith.constant 0 : i32
    %c0_i32_0 = arith.constant 0 : i32
    %c0_i32_1 = arith.constant 0 : i32
    return %c0_i32, %c0_i32_0 : i32, i32
  }
  func.func @transform_8(%arg0: i32) -> (i32, i32) {
    %c0_i32 = arith.constant 0 : i32
    %c0_i32_0 = arith.constant 0 : i32
    return %arg0, %c0_i32 : i32, i32
  }
}

module attributes {stable_mosaic.version = 14 : i64} {
  func.func @_mlp_pool_body(%arg0: i32, %arg1: memref<2x640x128xf32, #tpu.memory_space<vmem>>, %arg2: memref<640x128xf32, #tpu.memory_space<vmem>>, %arg3: memref<1x1x640xi32, #tpu.memory_space<vmem>>, %arg4: memref<128x128xf32, #tpu.memory_space<vmem>>, %arg5: memref<1x128xf32, #tpu.memory_space<vmem>>, %arg6: memref<1x128xf32, #tpu.memory_space<vmem>>, %arg7: memref<1x128xf32, #tpu.memory_space<vmem>>, %arg8: memref<128x128xf32, #tpu.memory_space<vmem>>, %arg9: memref<1x128xf32, #tpu.memory_space<vmem>>, %arg10: memref<1x128xf32, #tpu.memory_space<vmem>>, %arg11: memref<1x128xf32, #tpu.memory_space<vmem>>, %arg12: memref<128x64xf32, #tpu.memory_space<vmem>>, %arg13: memref<1x64xf32, #tpu.memory_space<vmem>>, %arg14: memref<64x64xf32, #tpu.memory_space<vmem>>, %arg15: memref<64x128xf32, #tpu.memory_space<vmem>>) attributes {dimension_semantics = [#tpu.dimension_semantics<arbitrary>], iteration_bounds = array<i64: 16>, scalar_prefetch = 0 : i64, scratch_operands = 1 : i64, tpu.core_type = #tpu.core_type<tc>, window_params = [{transform_indices = @transform_0, window_bounds = array<i64: 2, 640, 128>}, {transform_indices = @transform_1, window_bounds = array<i64: 640, 128>}, {transform_indices = @transform_2, window_bounds = array<i64: 1, 1, 640>}, {pipeline_mode = #tpu.pipeline_mode<synchronous>, transform_indices = @transform_3, window_bounds = array<i64: 128, 128>}, {pipeline_mode = #tpu.pipeline_mode<synchronous>, transform_indices = @transform_4, window_bounds = array<i64: 1, 128>}, {pipeline_mode = #tpu.pipeline_mode<synchronous>, transform_indices = @transform_5, window_bounds = array<i64: 1, 128>}, {pipeline_mode = #tpu.pipeline_mode<synchronous>, transform_indices = @transform_6, window_bounds = array<i64: 1, 128>}, {pipeline_mode = #tpu.pipeline_mode<synchronous>, transform_indices = @transform_7, window_bounds = array<i64: 128, 128>}, {pipeline_mode = #tpu.pipeline_mode<synchronous>, transform_indices = @transform_8, window_bounds = array<i64: 1, 128>}, {pipeline_mode = #tpu.pipeline_mode<synchronous>, transform_indices = @transform_9, window_bounds = array<i64: 1, 128>}, {pipeline_mode = #tpu.pipeline_mode<synchronous>, transform_indices = @transform_10, window_bounds = array<i64: 1, 128>}, {pipeline_mode = #tpu.pipeline_mode<synchronous>, transform_indices = @transform_11, window_bounds = array<i64: 128, 64>}, {pipeline_mode = #tpu.pipeline_mode<synchronous>, transform_indices = @transform_12, window_bounds = array<i64: 1, 64>}, {pipeline_mode = #tpu.pipeline_mode<synchronous>, transform_indices = @transform_13, window_bounds = array<i64: 64, 64>}]} {
    %get3A = arith.constant 0 : index
    %get3A_0 = arith.constant 0 : index
    %get3A_1 = arith.constant 0 : index
    %get3A_2 = vector.load %arg1[%get3A, %get3A_0, %get3A_1] : memref<2x640x128xf32, #tpu.memory_space<vmem>>, vector<1x640x128xf32>
    %get3A_3 = vector.shape_cast %get3A_2 : vector<1x640x128xf32> to vector<640x128xf32>
    %get3A_4 = arith.constant 1 : index
    %get3A_5 = arith.constant 0 : index
    %get3A_6 = arith.constant 0 : index
    %get3A_7 = vector.load %arg1[%get3A_4, %get3A_5, %get3A_6] : memref<2x640x128xf32, #tpu.memory_space<vmem>>, vector<1x640x128xf32>
    %get3A_8 = vector.shape_cast %get3A_7 : vector<1x640x128xf32> to vector<640x128xf32>
    %add3A = arith.addf %get3A_3, %get3A_8 : vector<640x128xf32>
    %get3A_9 = arith.constant 0 : index
    %get3A_10 = arith.constant 0 : index
    %get3A_11 = vector.load %arg2[%get3A_9, %get3A_10] : memref<640x128xf32, #tpu.memory_space<vmem>>, vector<640x128xf32>
    %sub3A = arith.subf %add3A, %get3A_11 : vector<640x128xf32>
    %get3A_12 = arith.constant 0 : index
    %get3A_13 = arith.constant 0 : index
    %get3A_14 = vector.load %arg4[%get3A_12, %get3A_13] : memref<128x128xf32, #tpu.memory_space<vmem>>, vector<128x128xf32>
    %dot_general3A = arith.constant dense<0.000000e+00> : vector<640x128xf32>
    %dot_general3A_15 = tpu.matmul %sub3A, %get3A_14, %dot_general3A {dimension_numbers = #tpu.dot_dimension_numbers<[1], [0], [0], [1], [0, 0, 1, 1], [], []>, transpose_lhs_hint = false} : vector<640x128xf32>, vector<128x128xf32>, vector<640x128xf32> -> vector<640x128xf32>
    %get3A_16 = arith.constant 0 : index
    %get3A_17 = arith.constant 0 : index
    %get3A_18 = vector.load %arg5[%get3A_16, %get3A_17] : memref<1x128xf32, #tpu.memory_space<vmem>>, vector<1x128xf32>
    %add3A_19 = vector.broadcast %get3A_18 : vector<1x128xf32> to vector<640x128xf32>
    %add3A_20 = arith.addf %dot_general3A_15, %add3A_19 : vector<640x128xf32>
    %ge3A = arith.constant 0.000000e+00 : f32
    %ge3A_21 = vector.broadcast %ge3A : f32 to vector<640x128xf32>
    %ge3A_22 = arith.cmpf oge, %add3A_20, %ge3A_21 : vector<640x128xf32>
    %mul3A = arith.constant 2.000000e-01 : f32
    %mul3A_23 = vector.broadcast %mul3A : f32 to vector<640x128xf32>
    %mul3A_24 = arith.mulf %mul3A_23, %add3A_20 : vector<640x128xf32>
    %select_n3A = arith.select %ge3A_22, %add3A_20, %mul3A_24 : vector<640x128xi1>, vector<640x128xf32>
    %get3A_25 = arith.constant 0 : index
    %get3A_26 = arith.constant 0 : index
    %get3A_27 = vector.load %arg6[%get3A_25, %get3A_26] : memref<1x128xf32, #tpu.memory_space<vmem>>, vector<1x128xf32>
    %mul3A_28 = arith.constant 0.999994993 : f32
    %mul3A_29 = vector.broadcast %mul3A_28 : f32 to vector<1x128xf32>
    %mul3A_30 = arith.mulf %get3A_27, %mul3A_29 : vector<1x128xf32>
    %mul3A_31 = vector.broadcast %mul3A_30 : vector<1x128xf32> to vector<640x128xf32>
    %mul3A_32 = arith.mulf %select_n3A, %mul3A_31 : vector<640x128xf32>
    %get3A_33 = arith.constant 0 : index
    %get3A_34 = arith.constant 0 : index
    %get3A_35 = vector.load %arg7[%get3A_33, %get3A_34] : memref<1x128xf32, #tpu.memory_space<vmem>>, vector<1x128xf32>
    %add3A_36 = vector.broadcast %get3A_35 : vector<1x128xf32> to vector<640x128xf32>
    %add3A_37 = arith.addf %mul3A_32, %add3A_36 : vector<640x128xf32>
    %get3A_38 = arith.constant 0 : index
    %get3A_39 = arith.constant 0 : index
    %get3A_40 = vector.load %arg8[%get3A_38, %get3A_39] : memref<128x128xf32, #tpu.memory_space<vmem>>, vector<128x128xf32>
    %dot_general3A_41 = arith.constant dense<0.000000e+00> : vector<640x128xf32>
    %dot_general3A_42 = tpu.matmul %add3A_37, %get3A_40, %dot_general3A_41 {dimension_numbers = #tpu.dot_dimension_numbers<[1], [0], [0], [1], [0, 0, 1, 1], [], []>, transpose_lhs_hint = false} : vector<640x128xf32>, vector<128x128xf32>, vector<640x128xf32> -> vector<640x128xf32>
    %get3A_43 = arith.constant 0 : index
    %get3A_44 = arith.constant 0 : index
    %get3A_45 = vector.load %arg9[%get3A_43, %get3A_44] : memref<1x128xf32, #tpu.memory_space<vmem>>, vector<1x128xf32>
    %add3A_46 = vector.broadcast %get3A_45 : vector<1x128xf32> to vector<640x128xf32>
    %add3A_47 = arith.addf %dot_general3A_42, %add3A_46 : vector<640x128xf32>
    %ge3A_48 = arith.constant 0.000000e+00 : f32
    %ge3A_49 = vector.broadcast %ge3A_48 : f32 to vector<640x128xf32>
    %ge3A_50 = arith.cmpf oge, %add3A_47, %ge3A_49 : vector<640x128xf32>
    %mul3A_51 = arith.constant 2.000000e-01 : f32
    %mul3A_52 = vector.broadcast %mul3A_51 : f32 to vector<640x128xf32>
    %mul3A_53 = arith.mulf %mul3A_52, %add3A_47 : vector<640x128xf32>
    %select_n3A_54 = arith.select %ge3A_50, %add3A_47, %mul3A_53 : vector<640x128xi1>, vector<640x128xf32>
    %get3A_55 = arith.constant 0 : index
    %get3A_56 = arith.constant 0 : index
    %get3A_57 = arith.constant 0 : index
    %get3A_58 = vector.load %arg3[%get3A_55, %get3A_56, %get3A_57] : memref<1x1x640xi32, #tpu.memory_space<vmem>>, vector<1x1x640xi32>
    %get3A_59 = vector.shape_cast %get3A_58 : vector<1x1x640xi32> to vector<640xi32>
    %broadcast_in_dim3A = vector.shape_cast %get3A_59 : vector<640xi32> to vector<640x1xi32>
    %iota3A = tpu.iota {dimensions = array<i32: 1>} : vector<640x64xi32>
    %eq3A = vector.broadcast %broadcast_in_dim3A : vector<640x1xi32> to vector<640x64xi32>
    %eq3A_60 = arith.cmpi eq, %eq3A, %iota3A : vector<640x64xi32>
    %convert_element_type3A = arith.extui %eq3A_60 : vector<640x64xi1> to vector<640x64xi32>
    %convert_element_type3A_61 = arith.sitofp %convert_element_type3A : vector<640x64xi32> to vector<640x64xf32>
    %dot_general3A_62 = arith.constant dense<0.000000e+00> : vector<64x128xf32>
    %dot_general3A_63 = tpu.matmul %convert_element_type3A_61, %select_n3A_54, %dot_general3A_62 {dimension_numbers = #tpu.dot_dimension_numbers<[0], [0], [1], [1], [0, 1, 1, 1], [], []>, transpose_lhs_hint = false} : vector<640x64xf32>, vector<640x128xf32>, vector<64x128xf32> -> vector<64x128xf32>
    %eq3A_64 = arith.constant 0 : i32
    %eq3A_65 = arith.cmpi eq, %arg0, %eq3A_64 : i32
    %convert_element_type3A_66 = arith.extui %eq3A_65 : i1 to i32
    %cond3A = arith.constant 0 : i32
    %cond3A_67 = arith.cmpi ne, %convert_element_type3A_66, %cond3A : i32
    scf.if %cond3A_67 {
      %broadcast_in_dim3A_79 = arith.constant 0.000000e+00 : f32
      %broadcast_in_dim3A_80 = vector.broadcast %broadcast_in_dim3A_79 : f32 to vector<64x128xf32>
      %swap3A_81 = arith.constant 0 : index
      %swap3A_82 = arith.constant 0 : index
      %swap3A_83 = vector.load %arg15[%swap3A_81, %swap3A_82] : memref<64x128xf32, #tpu.memory_space<vmem>>, vector<64x128xf32>
      tpu.vector_store %arg15[%swap3A_81, %swap3A_82], %broadcast_in_dim3A_80 {strides = array<i32>} : memref<64x128xf32, #tpu.memory_space<vmem>>, vector<64x128xf32>,
    } else {
    }
    %get3A_68 = arith.constant 0 : index
    %get3A_69 = arith.constant 0 : index
    %get3A_70 = vector.load %arg15[%get3A_68, %get3A_69] : memref<64x128xf32, #tpu.memory_space<vmem>>, vector<64x128xf32>
    %add3A_71 = arith.addf %get3A_70, %dot_general3A_63 : vector<64x128xf32>
    %swap3A = arith.constant 0 : index
    %swap3A_72 = arith.constant 0 : index
    %swap3A_73 = vector.load %arg15[%swap3A, %swap3A_72] : memref<64x128xf32, #tpu.memory_space<vmem>>, vector<64x128xf32>
    tpu.vector_store %arg15[%swap3A, %swap3A_72], %add3A_71 {strides = array<i32>} : memref<64x128xf32, #tpu.memory_space<vmem>>, vector<64x128xf32>,
    %eq3A_74 = arith.constant 15 : i32
    %eq3A_75 = arith.cmpi eq, %arg0, %eq3A_74 : i32
    %convert_element_type3A_76 = arith.extui %eq3A_75 : i1 to i32
    %cond3A_77 = arith.constant 0 : i32
    %cond3A_78 = arith.cmpi ne, %convert_element_type3A_76, %cond3A_77 : i32
    scf.if %cond3A_78 {
      %get3A_79 = arith.constant 0 : index
      %get3A_80 = arith.constant 0 : index
      %get3A_81 = vector.load %arg15[%get3A_79, %get3A_80] : memref<64x128xf32, #tpu.memory_space<vmem>>, vector<64x128xf32>
      %get3A_82 = arith.constant 0 : index
      %get3A_83 = arith.constant 0 : index
      %get3A_84 = vector.load %arg10[%get3A_82, %get3A_83] : memref<1x128xf32, #tpu.memory_space<vmem>>, vector<1x128xf32>
      %mul3A_85 = arith.constant 0.999994993 : f32
      %mul3A_86 = vector.broadcast %mul3A_85 : f32 to vector<1x128xf32>
      %mul3A_87 = arith.mulf %get3A_84, %mul3A_86 : vector<1x128xf32>
      %mul3A_88 = vector.broadcast %mul3A_87 : vector<1x128xf32> to vector<64x128xf32>
      %mul3A_89 = arith.mulf %get3A_81, %mul3A_88 : vector<64x128xf32>
      %get3A_90 = arith.constant 0 : index
      %get3A_91 = arith.constant 0 : index
      %get3A_92 = vector.load %arg11[%get3A_90, %get3A_91] : memref<1x128xf32, #tpu.memory_space<vmem>>, vector<1x128xf32>
      %add3A_93 = vector.broadcast %get3A_92 : vector<1x128xf32> to vector<64x128xf32>
      %add3A_94 = arith.addf %mul3A_89, %add3A_93 : vector<64x128xf32>
      %get3A_95 = arith.constant 0 : index
      %get3A_96 = arith.constant 0 : index
      %get3A_97 = vector.load %arg12[%get3A_95, %get3A_96] : memref<128x64xf32, #tpu.memory_space<vmem>>, vector<128x64xf32>
      %dot_general3A_98 = arith.constant dense<0.000000e+00> : vector<64x64xf32>
      %dot_general3A_99 = tpu.matmul %add3A_94, %get3A_97, %dot_general3A_98 {dimension_numbers = #tpu.dot_dimension_numbers<[1], [0], [0], [1], [0, 0, 1, 1], [], []>, transpose_lhs_hint = false} : vector<64x128xf32>, vector<128x64xf32>, vector<64x64xf32> -> vector<64x64xf32>
      %get3A_100 = arith.constant 0 : index
      %get3A_101 = arith.constant 0 : index
      %get3A_102 = vector.load %arg13[%get3A_100, %get3A_101] : memref<1x64xf32, #tpu.memory_space<vmem>>, vector<1x64xf32>
      %add3A_103 = vector.broadcast %get3A_102 : vector<1x64xf32> to vector<64x64xf32>
      %add3A_104 = arith.addf %dot_general3A_99, %add3A_103 : vector<64x64xf32>
      %swap3A_105 = arith.constant 0 : index
      %swap3A_106 = arith.constant 0 : index
      %swap3A_107 = vector.load %arg14[%swap3A_105, %swap3A_106] : memref<64x64xf32, #tpu.memory_space<vmem>>, vector<64x64xf32>
      tpu.vector_store %arg14[%swap3A_105, %swap3A_106], %add3A_104 {strides = array<i32>} : memref<64x64xf32, #tpu.memory_space<vmem>>, vector<64x64xf32>,
    } else {
    }
    return
  }
  func.func @transform_0(%arg0: i32) -> (i32, i32, i32) {
    %c0_i32 = arith.constant 0 : i32
    %c0_i32_0 = arith.constant 0 : i32
    %c0_i32_1 = arith.constant 0 : i32
    return %c0_i32, %arg0, %c0_i32_0 : i32, i32, i32
  }
  func.func @transform_1(%arg0: i32) -> (i32, i32) {
    %c0_i32 = arith.constant 0 : i32
    %c0_i32_0 = arith.constant 0 : i32
    return %arg0, %c0_i32 : i32, i32
  }
  func.func @transform_2(%arg0: i32) -> (i32, i32, i32) {
    %c0_i32 = arith.constant 0 : i32
    %c0_i32_0 = arith.constant 0 : i32
    %c0_i32_1 = arith.constant 0 : i32
    return %arg0, %c0_i32, %c0_i32_0 : i32, i32, i32
  }
  func.func @transform_3(%arg0: i32) -> (i32, i32) {
    %c0_i32 = arith.constant 0 : i32
    %c0_i32_0 = arith.constant 0 : i32
    %c0_i32_1 = arith.constant 0 : i32
    return %c0_i32, %c0_i32_0 : i32, i32
  }
  func.func @transform_4(%arg0: i32) -> (i32, i32) {
    %c0_i32 = arith.constant 0 : i32
    %c0_i32_0 = arith.constant 0 : i32
    %c0_i32_1 = arith.constant 0 : i32
    return %c0_i32, %c0_i32_0 : i32, i32
  }
  func.func @transform_5(%arg0: i32) -> (i32, i32) {
    %c0_i32 = arith.constant 0 : i32
    %c0_i32_0 = arith.constant 0 : i32
    %c0_i32_1 = arith.constant 0 : i32
    return %c0_i32, %c0_i32_0 : i32, i32
  }
  func.func @transform_6(%arg0: i32) -> (i32, i32) {
    %c0_i32 = arith.constant 0 : i32
    %c0_i32_0 = arith.constant 0 : i32
    %c0_i32_1 = arith.constant 0 : i32
    return %c0_i32, %c0_i32_0 : i32, i32
  }
  func.func @transform_7(%arg0: i32) -> (i32, i32) {
    %c0_i32 = arith.constant 0 : i32
    %c0_i32_0 = arith.constant 0 : i32
    %c0_i32_1 = arith.constant 0 : i32
    return %c0_i32, %c0_i32_0 : i32, i32
  }
  func.func @transform_8(%arg0: i32) -> (i32, i32) {
    %c0_i32 = arith.constant 0 : i32
    %c0_i32_0 = arith.constant 0 : i32
    %c0_i32_1 = arith.constant 0 : i32
    return %c0_i32, %c0_i32_0 : i32, i32
  }
  func.func @transform_9(%arg0: i32) -> (i32, i32) {
    %c0_i32 = arith.constant 0 : i32
    %c0_i32_0 = arith.constant 0 : i32
    %c0_i32_1 = arith.constant 0 : i32
    return %c0_i32, %c0_i32_0 : i32, i32
  }
  func.func @transform_10(%arg0: i32) -> (i32, i32) {
    %c0_i32 = arith.constant 0 : i32
    %c0_i32_0 = arith.constant 0 : i32
    %c0_i32_1 = arith.constant 0 : i32
    return %c0_i32, %c0_i32_0 : i32, i32
  }
  func.func @transform_11(%arg0: i32) -> (i32, i32) {
    %c0_i32 = arith.constant 0 : i32
    %c0_i32_0 = arith.constant 0 : i32
    %c0_i32_1 = arith.constant 0 : i32
    return %c0_i32, %c0_i32_0 : i32, i32
  }
  func.func @transform_12(%arg0: i32) -> (i32, i32) {
    %c0_i32 = arith.constant 0 : i32
    %c0_i32_0 = arith.constant 0 : i32
    %c0_i32_1 = arith.constant 0 : i32
    return %c0_i32, %c0_i32_0 : i32, i32
  }
  func.func @transform_13(%arg0: i32) -> (i32, i32) {
    %c0_i32 = arith.constant 0 : i32
    %c0_i32_0 = arith.constant 0 : i32
    %c0_i32_1 = arith.constant 0 : i32
    return %c0_i32, %c0_i32_0 : i32, i32
  }
}

</mosaic_0001>

<sc_bundles>
// kernel: kernel.11.cloned.1.call-start
scs
__scs_entry_jumppad:
0x0: {  	(pc) =	sbr.rel $0x88, $3  }
0x1: {  	(tag) =	ssettag $0x0;
	lr =	simm.s32 $0x1  }
0x2: {  	[smem:$0x3F88] =	sst lr;
	_ =	strace $0xD0000000  }
0x3: {  	_ = 	snop  }
0x4: {  	_ = 	snop  }
0x5: {  	_ = 	snop  }
0x6: {  	_ = 	snop  }
0x7: {  	_ = 	snop  }
__scs_overlays_trampoline_lowered:
0x8: {  	[smem:$0x3F97] =	sst s0  }
0x9: {  	[smem:$0x3F98] =	sst s1  }
0xa: {  	[smem:$0x3F99] =	sst s2  }
0xb: {  	[smem:$0x3F9A] =	sst s3  }
0xc: {  	[smem:$0x3F9B] =	sst s4  }
0xd: {  	[smem:$0x3F9C] =	sst s5  }
0xe: {  	[smem:$0x3F9D] =	sst s6  }
0xf: {  	[smem:$0x3F9E] =	sst s7  }
0x10: {  	[smem:$0x3F9F] =	sst s8  }
0x11: {  	[smem:$0x3FA0] =	sst s9;
	s0 =	simm.s32 @!p0 $0x0  }
0x12: {  	s1 =	sld [smem:$0x3F86];
	s0 =	simm.s32 @p0 $0x1  }
0x13: {  	[smem:$0x3FA1] =	sst s0;
	s0 =	simm.s32 @!p1 $0x0  }
0x14: {  	s2 =	sld [smem:$0x3F85];
	s0 =	simm.s32 @p1 $0x1  }
0x15: {  	[smem:$0x3FA2] =	sst s0;
	s0 =	simm.s32 @!p2 $0x0  }
0x16: {  	s3 =	sld [smem:$0x3FDB];
	s0 =	simm.s32 @p2 $0x1  }
0x17: {  	s4 =	simm.s32 $0x1BF5;
	[smem:$0x3FA4] =	sst s0  }
0x18: {  	s0 =	sld [smem:$0x3F87];
	_ =	swait.ge [sflag:s4], $0x0  }
0x19: {  	s7 =	sld [smem:$0x3F88]  }
0x1a: {  	s8 =	sadd.s32 $0xFFFFE003, lr  }
0x1b: {  	s9 =	sadd.s32 $0xFFFFFEF7, lr;
	s5 =	simm.s32 $0xFFFFFFFF;
	p2 =	slt.u32 s8, $0xFFFFF086  }
0x1c: {  	p1 =	slt.u32 s9, $0xF7A;
	s5 =	simm.s32 @!p2 $0x0  }
0x1d: {  	s5 =	simm.s32 @p1 $0x1;
	p0 =	seq.s32 s7, s2  }
0x1e: {  	s7 =	smul.u32 @!p0 $0xF7A, s2;
	p2 =	seq.s32 @!p0 s5, $0x0  }
0x1f: {  	s9 =	smul.u32 $0xF7A, s1;
	s8 =	simm.s32 @!p0 $0x1BF5;
	p2 =	por !p2, p0  }
0x20: {  	[sflag:s8] =	ssyncset.s32 @!p0 $0xFFFFF086;
	s6 =	sadd.s32 @!p0 s3, s7;
	s7 =	simm.s32 @!p0 $0x108  }
0x21: {  	s3 =	sadd.s32 s3, s9;
	s6 =	sadd.s32 @!p0 $0x88, s6;
	s7 =	simm.s32 @p2 $0x1082  }
0x22: {  	[simem:s7], [sflag:s8] =	dma.local @!p0 [hbm:s6], $0xF7A  }
0x23: {  	s9 =	sor.u32 $0xD0000000, s2;
	s6 =	simm.s32 $0x108;
	_ =	swait.ge @!p0 [sflag:s8], $0x0  }
0x24: {  	s3 =	sadd.s32 $0x88, s3;
	s6 =	simm.s32 @!p1 $0x1082;
	[sflag:s4] =	ssyncset.s32 $0xFFFFF086  }
0x25: {  	[simem:s6], [sflag:s4] =	dma.local [hbm:s3], $0xF7A  }
0x26: {  	[smem:$0x3F88] =	sst s1;
	(tag) =	ssettag s2;
	_ =	strace s9  }
0x27: {  	s1 =	sld [smem:$0x3F98]  }
0x28: {  	s2 =	sld [smem:$0x3F99]  }
0x29: {  	s4 =	sld [smem:$0x3F9B]  }
0x2a: {  	p0 =	seq.s32 s5, $0x0;
	s5 =	sld [smem:$0x3F9C]  }
0x2b: {  	s6 =	sld [smem:$0x3F9D]  }
0x2c: {  	s7 =	sld [smem:$0x3F9E]  }
0x2d: {  	s3 =	simm.s32 $0x108;
	s8 =	sld [smem:$0x3F9F]  }
0x2e: {  	s3 =	simm.s32 @!p0 $0x1082;
	s9 =	sld [smem:$0x3FA0]  }
0x2f: {  	lr =	sadd.s32 s0, s3;
	s0 =	sld [smem:$0x3F97]  }
0x30: {  	s3 =	sld [smem:$0x3F9A]  }
0x31: {  	[smem:$0x3FA3] =	sst s10  }
0x32: {  	s10 =	sld [smem:$0x3FA1];
	_ =	sdelay $0x3  }
0x33: {  	p0 =	seq.s32 s10, $0x1;
	s10 =	sld [smem:$0x3FA3];
	_ =	sdelay $0x3  }
0x34: {  	[smem:$0x3FA3] =	sst s10  }
0x35: {  	s10 =	sld [smem:$0x3FA2];
	_ =	sdelay $0x3  }
0x36: {  	p1 =	seq.s32 s10, $0x1;
	s10 =	sld [smem:$0x3FA3];
	_ =	sdelay $0x3  }
0x37: {  	[smem:$0x3FA3] =	sst s10  }
0x38: {  	s10 =	sld [smem:$0x3FA4]  }
0x39: {  	_ = 	snop;
	(pc) =	sbr.ind lr, $3  }
0x3a: {  	_ = 	snop  }
0x3b: {  	_ = 	snop  }
0x3c: {  	p2 =	seq.s32 s10, $0x1;
	s10 =	sld [smem:$0x3FA3]  }
0x3d: {  	_ =	shalt  }
0x3e: {  	_ =	shalt  }
0x3f: {  	_ =	shalt  }
0x40: {  	_ =	shalt  }
0x41: {  	_ =	shalt  }
0x42: {  	_ =	shalt  }
0x43: {  	_ =	shalt  }
0x44: {  	_ =	shalt  }
0x45: {  	_ =	shalt  }
0x46: {  	_ =	shalt  }
0x47: {  	_ =	shalt  }
0x48: {  	_ =	shalt  }
0x49: {  	_ =	shalt  }
0x4a: {  	_ =	shalt  }
0x4b: {  	_ =	shalt  }
0x4c: {  	_ =	shalt  }
0x4d: {  	_ =	shalt  }
0x4e: {  	_ =	shalt  }
0x4f: {  	_ =	shalt  }
0x50: {  	_ =	shalt  }
0x51: {  	_ =	shalt  }
0x52: {  	_ =	shalt  }
0x53: {  	_ =	shalt  }
0x54: {  	_ =	shalt  }
0x55: {  	_ =	shalt  }
0x56: {  	_ =	shalt  }
0x57: {  	_ =	shalt  }
0x58: {  	_ =	shalt  }
0x59: {  	_ =	shalt  }
0x5a: {  	_ =	shalt  }
0x5b: {  	_ =	shalt  }
0x5c: {  	_ =	shalt  }
0x5d: {  	_ =	shalt  }
0x5e: {  	_ =	shalt  }
0x5f: {  	_ =	shalt  }
0x60: {  	_ =	shalt  }
0x61: {  	_ =	shalt  }
0x62: {  	_ =	shalt  }
0x63: {  	_ =	shalt  }
0x64: {  	_ =	shalt  }
0x65: {  	_ =	shalt  }
0x66: {  	_ =	shalt  }
0x67: {  	_ =	shalt  }
0x68: {  	_ =	shalt  }
0x69: {  	_ =	shalt  }
0x6a: {  	_ =	shalt  }
0x6b: {  	_ =	shalt  }
0x6c: {  	_ =	shalt  }
0x6d: {  	_ =	shalt  }
0x6e: {  	_ =	shalt  }
0x6f: {  	_ =	shalt  }
0x70: {  	_ =	shalt  }
0x71: {  	_ =	shalt  }
0x72: {  	_ =	shalt  }
0x73: {  	_ =	shalt  }
0x74: {  	_ =	shalt  }
0x75: {  	_ =	shalt  }
0x76: {  	_ =	shalt  }
0x77: {  	_ =	shalt  }
0x78: {  	_ =	shalt  }
0x79: {  	_ =	shalt  }
0x7a: {  	_ =	shalt  }
0x7b: {  	_ =	shalt  }
0x7c: {  	_ =	shalt  }
0x7d: {  	_ =	shalt  }
0x7e: {  	_ =	shalt  }
0x7f: {  	_ =	shalt  }
0x80: {  	_ =	shalt  }
0x81: {  	_ =	shalt  }
0x82: {  	_ =	shalt  }
0x83: {  	_ =	shalt  }
0x84: {  	_ =	shalt  }
0x85: {  	_ =	shalt  }
0x86: {  	_ =	shalt  }
0x87: {  	_ =	shalt  }
.Lfunc_end0:
.L_simem_size_0:
called_computation.1_lowered:
.L_overlay_start_0:
0x88: {  	s2 =	sld [smem:$0x3FD9]  }
0x89: {  	s3 =	sld [smem:$0x3FFE];
	_ =	sdelay $0x1  }
0x8a: {  	s1 =	srdreg.scid  }
0x8b: {  	s0 =	sand.u32 $0x1, s1  }
0x8c: {  	s16 =	sshll.u32 s0, $0xA;
	s2 =	sadd.s32 s3, s2  }
0x8d: {  	s2 =	sadd.s32 s2, s16  }
0x8e: {  	[smem:$0x3FAF] =	sst s2  }
0x8f: {  	_ = 	snop  }
0x90: {  	(tm) =	ssettm $0x1  }
0x91: {  	s17 =	sld [smem:$0x3FFB];
	_ =	sdelay $0x3  }
0x92: {  	_ =	strace s17  }
0x93: {  	s2 =	sld [smem:$0x3FFC];
	_ =	sdelay $0x3  }
0x94: {  	_ =	strace s2  }
0x95: {  	s2 =	sld [smem:$0x3FFD];
	_ =	sdelay $0x3  }
0x96: {  	_ =	strace s2  }
0x97: {  	_ =	strace $0x8FFFFFFF  }
0x98: {  	s18 =	sld [smem:$0x3FDB];
	_ =	sdelay $0x1  }
0x99: {  	s19 =	simm.s32 $_scs_section_size  }
0x9a: {  	s4 =	simm.s32 $_size__tile_overlayer_lowered;
	s5 =	simm.s32 $_tile_overlayer_lowered  }
0x9b: {  	s22 =	simm.s32 $0x1BFF;
	s21 =	sshll.u32 s5, $0x1;
	s2 =	sadd.s32 s19, s18  }
0x9c: {  	s6 =	simm.s32 $0x0;
	s20 =	sshll.u32 s4, $0x1;
	s4 =	sadd.s32 s21, s2  }
0x9d: {  	[timem:s6], [sflag:s22] =	dma.local [hbm:s4], s20  }
0x9e: {  	_ =	swait.ge [sflag:s22], s20  }
0x9f: {  	s3 =	ssub.s32 $0x0, s20;
	[sflag:s22] =	ssyncset.done $0x0  }
0xa0: {  	[sflag:s22] =	ssyncadd.s32 s3;
	_ =	sdelay $0x1  }
0xa1: {  	s23 =	simm.s32 $0x1B8B  }
0xa2: {  	_ =	swait.ge [sflag:s23], $0x1  }
0xa3: {  	[sflag:s23] =	ssyncset.done $0x0  }
0xa4: {  	s25 =	simm.s32 $0x1B8E;
	s24 =	sld [smem:$0x3FFE];
	[sflag:s23] =	ssyncadd.s32 $0xFFFFFFFF  }
0xa5: {  	s26 =	simm.s32 $execute0_lowered;
	[smem:$0x3FD2] =	sst s25  }
0xa6: {  	s4 =	sshll.u32 s26, $0x1;
	_ =	strace $0x80000049;
	[dreg:$0x1] =	wrdreg $0xFFFFFFFF  }
0xa7: {  	s28 =	simm.s32 $_size_execute0_lowered;
	s2 =	sadd.s32 s2, s4;
	[dreg:$0x0] =	wrdreg $0x0  }
0xa8: {  	s4 =	sshll.u32 s28, $0x1;
	[dreg:$0x2] =	wrdreg s2  }
0xa9: {  	[dreg:$0x3] =	wrdreg s4  }
0xaa: {  	[dreg:$0x4] =	wrdreg $0xC0  }
0xab: {  	_ =	task [dreg:s6], $0x5FFFF  }
0xac: {  	[dreg:$0x1] =	wrdreg $0xFFFFFFFF  }
0xad: {  	[dreg:$0x0] =	wrdreg $0x60  }
0xae: {  	[dreg:$0x2] =	wrdreg s24  }
0xaf: {  	[dreg:$0x3] =	wrdreg $0xAE000  }
0xb0: {  	[dreg:$0x4] =	wrdreg $0x9  }
0xb1: {  	_ =	task.clear_ibuf [dreg:s6], $0x5FFFF;
	_ =	strace $0x90000049  }
0xb2: {  	s29 =	simm.s32 $0x9;
	_ =	strace $0x8000004B  }
0xb3: {  	_ =	swait.ge [sflag:s29], $0x1  }
0xb4: {  	[sflag:s29] =	ssyncadd.s32 $0xFFFFFFFF  }
0xb5: {  	_ =	strace $0x9000004B  }
0xb6: {  	_ =	sfence  }
0xb7: {  	s30 =	sld [smem:$0x0];
	_ =	sdelay $0x2  }
0xb8: {  	s31 =	sshll.u32 s1, $0xD;
	s1 =	sshrl.u32 s1, $0x2  }
0xb9: {  	s3 =	sand.u32 $0x4000, s31;
	s1 =	sadd.s32 s1, s30  }
0xba: {  	s0 =	sor.u32 s3, s0;
	s1 =	sshll.u32 s1, $0x11  }
0xbb: {  	s0 =	sor.u32 s1, s0  }
0xbc: {  	s0 =	sadd.s32 $0x8F2B, s0  }
0xbd: {  	[sflag:s0] =	ssyncadd.remote.s32 $0x1  }
0xbe: {  	_ =	sfence.sel $0xFFFF  }
0xbf: {  	[dreg:$0x0] =	wrdreg $0xFFFFFFFF;
	(pc) =	sbr.abs _section_cstart, $3  }
0xc0: {  	[dreg:$0x1] =	wrdreg $0xFFFFFFFF  }
0xc1: {  	_ =	task.clear_ibuf [dreg:s6], $0x2FFFF;
	_ =	strace $0x9FFFFFFF  }
0xc2: {  	(tm) =	ssettm $0x7FFFFFFF  }
0xc3: {  	_ =	shalt  }
tec
execute0_lowered:
.L_overlay_start_1:
0x0: {  	(tag) =	ssettag $0x1  }
0x1: {  	s0 =	rddreg [dreg:$0x0];
	s1 =	srdreg.scid  }
0x2: {  	s10 =	stileid.u32;
	s2 =	rddreg [dreg:$0x1];
	s3 =	simm.s32 $0x0  }
0x3: {  	s11 =	simm.s32 $0x1;
	s12 =	simm.s32 $0x70;
	s13 =	simm.s32 $0x600  }
0x4: {  	s14 =	simm.s32 $0x100;
	s15 =	simm.s32 $0x3E00;
	s16 =	simm.s32 $0x200  }
0x5: {  	s17 =	simm.s32 $0x7600;
	s19 =	simm.s32 $0x300;
	s21 =	simm.s32 $0x3  }
0x6: {  	s22 =	simm.s32 $0x80;
	s28 =	simm.s32 $0x280;
	s29 =	simm.s32 $0x6  }
0x7: {  	s30 =	simm.s32 $0x7;
	s31 =	simm.s32 $0x8;
	s1 =	sand.u32 $0x1, s1  }
0x8: {  	s4 =	sshll.u32 s10, $0x1;
	[smem:$0x7FF] =	sst s3;
	s7 =	smul.u32 $0x50000, s10  }
0x9: {  	s9 =	smul.u32 $0x2800, s10;
	s25 =	sshll.u32 s10, $0x6;
	s4 =	sor.u32 s1, s4  }
0xa: {  	_ =	strace $0x8000004A;
	s6 =	smul.u32 $0x28000, s1;
	s1 =	ssub.s32 $0x2, s1  }
0xb: {  	[dreg:$0x4] =	wrdreg s25;
	s5 =	smul.u32 $0xB40, s4;
	s4 =	sadd.s32 $0x1B800, s0  }
0xc: {  	s8 =	sshrl.u32 s1, $0x1;
	s23 =	sshrl.u32 s7, $0x2;
	s7 =	sor.u32 $0x1C09, s25  }
0xd: {  	s25 =	simm.s32 $0x180;
	s1 =	ssub.s32 s1, s8;
	s24 =	sadd.s32 s4, s9  }
0xe: {  	[dreg:$0x5] =	wrdreg s7;
	s7 =	simm.s32 $0x380;
	s5 =	sadd.s32 s5, s0  }
0xf: {  	s0 =	sadd.s32 s6, s0;
	s6 =	sadd.s32 s23, s2;
	[dreg:$0x3] =	wrdreg s24  }
0x10: {  	s1 =	smax.u32 s1, $0x1;
	s23 =	simm.s32 $0x4;
	s24 =	simm.s32 $0x0  }
0x11: {  	s8 =	sadd.s32 $0x5000, s5;
	s0 =	sadd.s32 $0x43800, s0;
	[dreg:$0x6] =	wrdreg s1  }
0x12: {  	s20 =	sshrl.u32 s6, $0x3;
	s1 =	simm.s32 $0x2;
	s5 =	simm.s32 $0x500  }
0x13: {  	s6 =	simm.s32 $0x580;
	s26 =	sadd.s32 $0x60, s8;
	[dreg:$0x7] =	wrdreg s20  }
0x14: {  	s0 =	sadd.s32 s9, s0;
	s9 =	simm.s32 $0x480;
	[dreg:$0x8] =	wrdreg s26  }
0x15: {  	[dreg:$0x9] =	wrdreg s0;
	s26 =	simm.s32 $0x5;
	s0 =	simm.s32 $0x400  }
.LBB2_1:
0x16: {  	s10 =	rddreg [dreg:$0x3]  }
0x17: {  	s18 =	rddreg [dreg:$0x5]  }
0x18: {  	[spmem:s20], [sflag:s18] =	dma.local [hbm:s10], $0x2800  }
0x19: {  	[tilespmem:s3], [sflag:$0x1] =	stream.linear.gather [hbm4b:s8+s3], $0x300, $0x38;
	[tilespmem:$0x1EE00] =	vst v63  }
0x1a: {  	_ =	swait.ge [sflag:s11], $0x300  }
0x1b: {  	[sflag:s11] =	ssyncset.done $0x0  }
0x1c: {  	[sflag:s11] =	ssyncadd.s32 $0xFFFFFD00  }
0x1d: {  	[tilespmem:s13], [sflag:$0x3] =	stream.indirect.gather [hbm4b:s4+s12], $0x80, s3, s12, $0xb8;
	[tilespmem:$0x1EE00] =	vst v63  }
0x1e: {  	_ = 	snop  }
0x1f: {  	[tilespmem:s15], [sflag:$0x4] =	stream.indirect.gather [hbm4b:s4+s12], $0x80, s14, s12, $0xb8;
	[tilespmem:$0x1EE00] =	vst v63  }
0x20: {  	_ = 	snop  }
0x21: {  	[tilespmem:s17], [sflag:$0x5] =	stream.indirect.gather [hbm4b:s4+s12], $0x80, s16, s12, $0xb8;
	[tilespmem:$0x1EE00] =	vst v63  }
0x22: {  	s20 =	simm.s32 $0x9;
	s18 =	rddreg [dreg:$0x8]  }
0x23: {  	[tilespmem:s19], [sflag:$0x2] =	stream.linear.gather [hbm4b:s18+s3], $0x300, $0x38;
	[tilespmem:$0x1EE00] =	vst v63  }
0x24: {  	_ =	swait.ge [sflag:s20], $0x2800  }
0x25: {  	[sflag:s20] =	ssyncset.done $0x0  }
0x26: {  	[sflag:s20] =	ssyncadd.s32 $0xFFFFD800  }
0x27: {  	[bflag:$0x0] =	sbarrier.arrive $0xFFFF  }
0x28: {  	_ =	swait.ge [sflag:s21], $0x3800  }
0x29: {  	[sflag:s21] =	ssyncset.done $0x0  }
0x2a: {  	[sflag:s21] =	ssyncadd.s32 $0xFFFFC800  }
0x2b: {  	[spmem:s2] =	stream.indirect.scatter.add.f32 [tilespmem:s13], [sflag:$0x6], $0x80, s22, s12, $0xb8;
	[tilespmem:$0x1EE00] =	vst v63  }
0x2c: {  	_ =	swait.ge [sflag:s23], $0x3800  }
0x2d: {  	[sflag:s23] =	ssyncset.done $0x0  }
0x2e: {  	[sflag:s23] =	ssyncadd.s32 $0xFFFFC800  }
0x2f: {  	[spmem:s2] =	stream.indirect.scatter.add.f32 [tilespmem:s15], [sflag:$0x7], $0x80, s25, s12, $0xb8;
	[tilespmem:$0x1EE00] =	vst v63  }
0x30: {  	_ =	swait.ge [sflag:s26], $0x3800  }
0x31: {  	[sflag:s26] =	ssyncset.done $0x0  }
0x32: {  	[sflag:s26] =	ssyncadd.s32 $0xFFFFC800  }
0x33: {  	[spmem:s2] =	stream.indirect.scatter.add.f32 [tilespmem:s17], [sflag:$0x8], $0x80, s28, s12, $0xb8;
	[tilespmem:$0x1EE00] =	vst v63  }
0x34: {  	_ =	swait.ge [sflag:s29], $0x3800  }
0x35: {  	[sflag:s29] =	ssyncset.done $0x0  }
0x36: {  	[sflag:s29] =	ssyncadd.s32 $0xFFFFC800  }
0x37: {  	_ =	swait.ge [sflag:s30], $0x3800  }
0x38: {  	[sflag:s30] =	ssyncset.done $0x0  }
0x39: {  	[sflag:s30] =	ssyncadd.s32 $0xFFFFC800  }
0x3a: {  	_ =	swait.ge [sflag:s31], $0x3800  }
0x3b: {  	s20 =	sadd.s32 $0xFFFFF580, s8;
	[sflag:s31] =	ssyncset.done $0x0  }
0x3c: {  	s10 =	sadd.s32 $0xB40, s20;
	[sflag:s31] =	ssyncadd.s32 $0xFFFFC800  }
0x3d: {  	[tilespmem:s3], [sflag:$0x1] =	stream.linear.gather [hbm4b:s10+s3], $0x300, $0x38;
	[tilespmem:$0x1EE00] =	vst v63  }
0x3e: {  	_ =	swait.ge [sflag:s1], $0x300  }
0x3f: {  	[sflag:s1] =	ssyncset.done $0x0  }
0x40: {  	[sflag:s1] =	ssyncadd.s32 $0xFFFFFD00  }
0x41: {  	[tilespmem:s13], [sflag:$0x3] =	stream.indirect.gather [hbm4b:s4+s12], $0x80, s19, s12, $0xb8;
	[tilespmem:$0x1EE00] =	vst v63  }
0x42: {  	_ = 	snop  }
0x43: {  	[tilespmem:s15], [sflag:$0x4] =	stream.indirect.gather [hbm4b:s4+s12], $0x80, s0, s12, $0xb8;
	[tilespmem:$0x1EE00] =	vst v63  }
0x44: {  	_ = 	snop  }
0x45: {  	[tilespmem:s17], [sflag:$0x5] =	stream.indirect.gather [hbm4b:s4+s12], $0x80, s5, s12, $0xb8;
	[tilespmem:$0x1EE00] =	vst v63  }
0x46: {  	_ =	swait.ge [sflag:s21], $0x3800  }
0x47: {  	[sflag:s21] =	ssyncset.done $0x0  }
0x48: {  	[sflag:s21] =	ssyncadd.s32 $0xFFFFC800  }
0x49: {  	[spmem:s2] =	stream.indirect.scatter.add.f32 [tilespmem:s13], [sflag:$0x6], $0x80, s7, s12, $0xb8;
	[tilespmem:$0x1EE00] =	vst v63  }
0x4a: {  	_ =	swait.ge [sflag:s23], $0x3800  }
0x4b: {  	[sflag:s23] =	ssyncset.done $0x0  }
0x4c: {  	[sflag:s23] =	ssyncadd.s32 $0xFFFFC800  }
0x4d: {  	[spmem:s2] =	stream.indirect.scatter.add.f32 [tilespmem:s15], [sflag:$0x7], $0x80, s9, s12, $0xb8;
	[tilespmem:$0x1EE00] =	vst v63  }
0x4e: {  	_ =	swait.ge [sflag:s26], $0x3800  }
0x4f: {  	[sflag:s26] =	ssyncset.done $0x0  }
0x50: {  	[sflag:s26] =	ssyncadd.s32 $0xFFFFC800  }
0x51: {  	[spmem:s2] =	stream.indirect.scatter.add.f32 [tilespmem:s17], [sflag:$0x8], $0x80, s6, s12, $0xb8;
	[tilespmem:$0x1EE00] =	vst v63  }
0x52: {  	_ =	swait.ge [sflag:s29], $0x3800  }
0x53: {  	[sflag:s29] =	ssyncset.done $0x0  }
0x54: {  	[sflag:s29] =	ssyncadd.s32 $0xFFFFC800  }
0x55: {  	_ =	swait.ge [sflag:s30], $0x3800  }
0x56: {  	[sflag:s30] =	ssyncset.done $0x0  }
0x57: {  	[sflag:s30] =	ssyncadd.s32 $0xFFFFC800  }
0x58: {  	_ =	swait.ge [sflag:s31], $0x3800  }
0x59: {  	[sflag:s31] =	ssyncset.done $0x0  }
0x5a: {  	s20 =	sadd.s32 $0xBA0, s20;
	[sflag:s31] =	ssyncadd.s32 $0xFFFFC800  }
0x5b: {  	[tilespmem:s19], [sflag:$0x2] =	stream.linear.gather [hbm4b:s20+s3], $0x300, $0x38;
	[tilespmem:$0x1EE00] =	vst v63  }
0x5c: {  	_ =	swait.ge [sflag:s11], $0x300  }
0x5d: {  	[sflag:s11] =	ssyncset.done $0x0  }
0x5e: {  	[sflag:s11] =	ssyncadd.s32 $0xFFFFFD00  }
0x5f: {  	[tilespmem:s13], [sflag:$0x3] =	stream.indirect.gather [hbm4b:s4+s12], $0x80, s3, s12, $0xb8;
	[tilespmem:$0x1EE00] =	vst v63  }
0x60: {  	s20 =	simm.s32 $0xFFFFF640  }
0x61: {  	[tilespmem:s15], [sflag:$0x4] =	stream.indirect.gather [hbm4b:s4+s12], $0x80, s14, s12, $0xb8;
	[tilespmem:$0x1EE00] =	vst v63  }
.LBB2_2:
0x62: {  	[tilespmem:s17], [sflag:$0x5] =	stream.indirect.gather [hbm4b:s4+s12], $0x80, s16, s12, $0xb8;
	[tilespmem:$0x1EE00] =	vst v63  }
0x63: {  	s18 =	smov.u32 s20  }
0x64: {  	p0 =	sne.s32 s20, $0xFFFFFF40;
	s20 =	sadd.s32 $0xC0, s20;
	_ =	swait.ge [sflag:s21], $0x3800  }
0x65: {  	[sflag:s21] =	ssyncset.done $0x0  }
0x66: {  	[sflag:s21] =	ssyncadd.s32 $0xFFFFC800  }
0x67: {  	[spmem:s2] =	stream.indirect.scatter.add.f32 [tilespmem:s13], [sflag:$0x6], $0x80, s22, s12, $0xb8;
	[tilespmem:$0x1EE00] =	vst v63  }
0x68: {  	_ =	swait.ge [sflag:s23], $0x3800  }
0x69: {  	[sflag:s23] =	ssyncset.done $0x0  }
0x6a: {  	[sflag:s23] =	ssyncadd.s32 $0xFFFFC800  }
0x6b: {  	[spmem:s2] =	stream.indirect.scatter.add.f32 [tilespmem:s15], [sflag:$0x7], $0x80, s25, s12, $0xb8;
	[tilespmem:$0x1EE00] =	vst v63  }
0x6c: {  	_ =	swait.ge [sflag:s26], $0x3800  }
0x6d: {  	[sflag:s26] =	ssyncset.done $0x0  }
0x6e: {  	[sflag:s26] =	ssyncadd.s32 $0xFFFFC800  }
0x6f: {  	[spmem:s2] =	stream.indirect.scatter.add.f32 [tilespmem:s17], [sflag:$0x8], $0x80, s28, s12, $0xb8;
	[tilespmem:$0x1EE00] =	vst v63  }
0x70: {  	_ =	swait.ge [sflag:s29], $0x3800  }
0x71: {  	[sflag:s29] =	ssyncset.done $0x0  }
0x72: {  	[sflag:s29] =	ssyncadd.s32 $0xFFFFC800  }
0x73: {  	_ =	swait.ge [sflag:s30], $0x3800  }
0x74: {  	[sflag:s30] =	ssyncset.done $0x0  }
0x75: {  	[sflag:s30] =	ssyncadd.s32 $0xFFFFC800  }
0x76: {  	_ =	swait.ge [sflag:s31], $0x3800  }
0x77: {  	s18 =	sadd.s32 s18, s8;
	[sflag:s31] =	ssyncset.done $0x0  }
0x78: {  	s10 =	sadd.s32 $0xB40, s18;
	[sflag:s31] =	ssyncadd.s32 $0xFFFFC800  }
0x79: {  	[tilespmem:s3], [sflag:$0x1] =	stream.linear.gather [hbm4b:s10+s3], $0x300, $0x38;
	[tilespmem:$0x1EE00] =	vst v63  }
0x7a: {  	_ =	swait.ge [sflag:s1], $0x300  }
0x7b: {  	[sflag:s1] =	ssyncset.done $0x0  }
0x7c: {  	[sflag:s1] =	ssyncadd.s32 $0xFFFFFD00  }
0x7d: {  	[tilespmem:s13], [sflag:$0x3] =	stream.indirect.gather [hbm4b:s4+s12], $0x80, s19, s12, $0xb8;
	[tilespmem:$0x1EE00] =	vst v63  }
0x7e: {  	_ = 	snop  }
0x7f: {  	[tilespmem:s15], [sflag:$0x4] =	stream.indirect.gather [hbm4b:s4+s12], $0x80, s0, s12, $0xb8;
	[tilespmem:$0x1EE00] =	vst v63  }
0x80: {  	_ = 	snop  }
0x81: {  	[tilespmem:s17], [sflag:$0x5] =	stream.indirect.gather [hbm4b:s4+s12], $0x80, s5, s12, $0xb8;
	[tilespmem:$0x1EE00] =	vst v63  }
0x82: {  	_ =	swait.ge [sflag:s21], $0x3800  }
0x83: {  	[sflag:s21] =	ssyncset.done $0x0  }
0x84: {  	[sflag:s21] =	ssyncadd.s32 $0xFFFFC800  }
0x85: {  	[spmem:s2] =	stream.indirect.scatter.add.f32 [tilespmem:s13], [sflag:$0x6], $0x80, s7, s12, $0xb8;
	[tilespmem:$0x1EE00] =	vst v63  }
0x86: {  	_ =	swait.ge [sflag:s23], $0x3800  }
0x87: {  	[sflag:s23] =	ssyncset.done $0x0  }
0x88: {  	[sflag:s23] =	ssyncadd.s32 $0xFFFFC800  }
0x89: {  	[spmem:s2] =	stream.indirect.scatter.add.f32 [tilespmem:s15], [sflag:$0x7], $0x80, s9, s12, $0xb8;
	[tilespmem:$0x1EE00] =	vst v63  }
0x8a: {  	_ =	swait.ge [sflag:s26], $0x3800  }
0x8b: {  	[sflag:s26] =	ssyncset.done $0x0  }
0x8c: {  	[sflag:s26] =	ssyncadd.s32 $0xFFFFC800  }
0x8d: {  	[spmem:s2] =	stream.indirect.scatter.add.f32 [tilespmem:s17], [sflag:$0x8], $0x80, s6, s12, $0xb8;
	[tilespmem:$0x1EE00] =	vst v63  }
0x8e: {  	_ =	swait.ge [sflag:s29], $0x3800  }
0x8f: {  	[sflag:s29] =	ssyncset.done $0x0  }
0x90: {  	[sflag:s29] =	ssyncadd.s32 $0xFFFFC800  }
0x91: {  	_ =	swait.ge [sflag:s30], $0x3800  }
0x92: {  	[sflag:s30] =	ssyncset.done $0x0  }
0x93: {  	[sflag:s30] =	ssyncadd.s32 $0xFFFFC800  }
0x94: {  	_ =	swait.ge [sflag:s31], $0x3800  }
0x95: {  	[sflag:s31] =	ssyncset.done $0x0  }
0x96: {  	s10 =	sadd.s32 $0xBA0, s18;
	[sflag:s31] =	ssyncadd.s32 $0xFFFFC800  }
0x97: {  	[tilespmem:s19], [sflag:$0x2] =	stream.linear.gather [hbm4b:s10+s3], $0x300, $0x38;
	[tilespmem:$0x1EE00] =	vst v63  }
0x98: {  	_ =	swait.ge [sflag:s11], $0x300  }
.Ltmp0:
0x99: {  	[sflag:s11] =	ssyncset.done $0x0;
	(pc) =	sbr.rel @p0 .LBB2_2-.Ltmp0, $4  }
0x9a: {  	[sflag:s11] =	ssyncadd.s32 $0xFFFFFD00  }
0x9b: {  	[tilespmem:s13], [sflag:$0x3] =	stream.indirect.gather [hbm4b:s4+s12], $0x80, s3, s12, $0xb8;
	[tilespmem:$0x1EE00] =	vst v63  }
0x9c: {  	_ = 	snop  }
0x9d: {  	[tilespmem:s15], [sflag:$0x4] =	stream.indirect.gather [hbm4b:s4+s12], $0x80, s14, s12, $0xb8;
	[tilespmem:$0x1EE00] =	vst v63  }
0x9e: {  	[tilespmem:s17], [sflag:$0x5] =	stream.indirect.gather [hbm4b:s4+s12], $0x80, s16, s12, $0xb8;
	[tilespmem:$0x1EE00] =	vst v63  }
0x9f: {  	_ =	swait.ge [sflag:s21], $0x3800  }
0xa0: {  	[sflag:s21] =	ssyncset.done $0x0  }
0xa1: {  	[sflag:s21] =	ssyncadd.s32 $0xFFFFC800  }
0xa2: {  	[spmem:s2] =	stream.indirect.scatter.add.f32 [tilespmem:s13], [sflag:$0x6], $0x80, s22, s12, $0xb8;
	[tilespmem:$0x1EE00] =	vst v63  }
0xa3: {  	_ =	swait.ge [sflag:s23], $0x3800  }
0xa4: {  	[sflag:s23] =	ssyncset.done $0x0  }
0xa5: {  	[sflag:s23] =	ssyncadd.s32 $0xFFFFC800  }
0xa6: {  	[spmem:s2] =	stream.indirect.scatter.add.f32 [tilespmem:s15], [sflag:$0x7], $0x80, s25, s12, $0xb8;
	[tilespmem:$0x1EE00] =	vst v63  }
0xa7: {  	_ =	swait.ge [sflag:s26], $0x3800  }
0xa8: {  	[sflag:s26] =	ssyncset.done $0x0  }
0xa9: {  	[sflag:s26] =	ssyncadd.s32 $0xFFFFC800  }
0xaa: {  	[spmem:s2] =	stream.indirect.scatter.add.f32 [tilespmem:s17], [sflag:$0x8], $0x80, s28, s12, $0xb8;
	[tilespmem:$0x1EE00] =	vst v63  }
0xab: {  	_ =	swait.ge [sflag:s29], $0x3800  }
0xac: {  	[sflag:s29] =	ssyncset.done $0x0  }
0xad: {  	[sflag:s29] =	ssyncadd.s32 $0xFFFFC800  }
0xae: {  	_ =	swait.ge [sflag:s30], $0x3800  }
0xaf: {  	[sflag:s30] =	ssyncset.done $0x0  }
0xb0: {  	[sflag:s30] =	ssyncadd.s32 $0xFFFFC800  }
0xb1: {  	_ =	swait.ge [sflag:s31], $0x3800  }
0xb2: {  	[sflag:s31] =	ssyncset.done $0x0  }
0xb3: {  	[sflag:s31] =	ssyncadd.s32 $0xFFFFC800  }
0xb4: {  	_ =	swait.ge [sflag:s1], $0x300  }
0xb5: {  	[sflag:s1] =	ssyncset.done $0x0  }
0xb6: {  	[sflag:s1] =	ssyncadd.s32 $0xFFFFFD00  }
0xb7: {  	[tilespmem:s13], [sflag:$0x3] =	stream.indirect.gather [hbm4b:s4+s12], $0x80, s19, s12, $0xb8;
	[tilespmem:$0x1EE00] =	vst v63  }
0xb8: {  	_ = 	snop  }
0xb9: {  	[tilespmem:s15], [sflag:$0x4] =	stream.indirect.gather [hbm4b:s4+s12], $0x80, s0, s12, $0xb8;
	[tilespmem:$0x1EE00] =	vst v63  }
0xba: {  	_ = 	snop  }
0xbb: {  	[tilespmem:s17], [sflag:$0x5] =	stream.indirect.gather [hbm4b:s4+s12], $0x80, s5, s12, $0xb8;
	[tilespmem:$0x1EE00] =	vst v63  }
0xbc: {  	_ =	swait.ge [sflag:s21], $0x3800  }
0xbd: {  	[sflag:s21] =	ssyncset.done $0x0  }
0xbe: {  	[sflag:s21] =	ssyncadd.s32 $0xFFFFC800  }
0xbf: {  	[spmem:s2] =	stream.indirect.scatter.add.f32 [tilespmem:s13], [sflag:$0x6], $0x80, s7, s12, $0xb8;
	[tilespmem:$0x1EE00] =	vst v63  }
0xc0: {  	_ =	swait.ge [sflag:s23], $0x3800  }
0xc1: {  	[sflag:s23] =	ssyncset.done $0x0  }
0xc2: {  	[sflag:s23] =	ssyncadd.s32 $0xFFFFC800  }
0xc3: {  	[spmem:s2] =	stream.indirect.scatter.add.f32 [tilespmem:s15], [sflag:$0x7], $0x80, s9, s12, $0xb8;
	[tilespmem:$0x1EE00] =	vst v63  }
0xc4: {  	_ =	swait.ge [sflag:s26], $0x3800  }
0xc5: {  	[sflag:s26] =	ssyncset.done $0x0  }
0xc6: {  	[sflag:s26] =	ssyncadd.s32 $0xFFFFC800  }
0xc7: {  	[spmem:s2] =	stream.indirect.scatter.add.f32 [tilespmem:s17], [sflag:$0x8], $0x80, s6, s12, $0xb8;
	[tilespmem:$0x1EE00] =	vst v63  }
0xc8: {  	_ =	swait.ge [sflag:s29], $0x3800  }
0xc9: {  	[sflag:s29] =	ssyncset.done $0x0  }
0xca: {  	[sflag:s29] =	ssyncadd.s32 $0xFFFFC800  }
0xcb: {  	_ =	swait.ge [sflag:s30], $0x3800  }
0xcc: {  	[sflag:s30] =	ssyncset.done $0x0  }
0xcd: {  	[sflag:s30] =	ssyncadd.s32 $0xFFFFC800  }
0xce: {  	_ =	swait.ge [sflag:s31], $0x3800  }
0xcf: {  	[sflag:s31] =	ssyncset.done $0x0  }
0xd0: {  	[sflag:s31] =	ssyncadd.s32 $0xFFFFC800  }
0xd1: {  	[bflag:$0x0] =	sbarrier.arrive $0xFFFF  }
0xd2: {  	s10 =	rddreg [dreg:$0x4]  }
0xd3: {  	s20 =	rddreg [dreg:$0x7]  }
0xd4: {  	s18 =	rddreg [dreg:$0x9];
	s10 =	sor.u32 $0x1C0A, s10  }
0xd5: {  	[hbm:s18], [sflag:s10] =	dma.local [spmem:s20], $0x2800  }
0xd6: {  	s18 =	simm.s32 $0xA  }
0xd7: {  	_ =	swait.ge [sflag:s18], $0x2800  }
0xd8: {  	s24 =	sadd.s32 $0x1, s24;
	s10 =	rddreg [dreg:$0x6]  }
0xd9: {  	p0 =	sne.s32 s24, s10  }
.Ltmp1:
0xda: {  	_ = 	snop;
	(pc) =	sbr.rel @p0 .LBB2_1-.Ltmp1, $3  }
0xdb: {  	_ =	sdelay $0x1  }
0xdc: {  	[sflag:s18] =	ssyncset.done $0x0  }
0xdd: {  	[sflag:s18] =	ssyncadd.s32 $0xFFFFD800  }
0xde: {  	_ =	sfence.sel $0x180000  }
0xdf: {  	[bflag:$0x0] =	sbarrier.arrive $0xFFFF  }
0xe0: {  	_ =	strace $0x9000004A  }
0xe1: {  	s0 =	stileid.u32;
	[bflag:$0x2] =	sbarrier.arrive $0xFFFF  }
0xe2: {  	p0 =	sne.s32 s0, $0x0;
	s0 =	rddreg [dreg:$0x2]  }
0xe3: {  	s0 =	sadd.s32 @!p0 $0x100000, s0  }
0xe4: {  	[sflag:s0] =	ssyncadd.tile.s32 @!p0 $0x1;
	_ =	shalt  }
.Lfunc_end2:
_tile_overlayer_lowered:
.L_overlay_start_2:
0xe5: {  	(tag) =	ssettag $0x2  }
0xe6: {  	s0 =	rddreg [dreg:$0x0];
	s2 =	stileid.u32  }
0xe7: {  	s1 =	rddreg [dreg:$0x1];
	p0 =	sne.s32 s2, $0x0  }
0xe8: {  	s3 =	rddreg [dreg:$0x2];
	[bflag:$0x3] =	sbarrier.arrive $0xFFFF;
	s2 =	simm.s32 @!p0 $0x1C0A  }
0xe9: {  	[timem:s3], [sflag:s2] =	dma.local @!p0 [hbm:s0], s1  }
0xea: {  	s0 =	simm.s32 @!p0 $0xA  }
0xeb: {  	_ =	swait.ge @!p0 [sflag:s0], s1  }
0xec: {  	s1 =	ssub.s32 @!p0 $0x0, s1;
	[sflag:s0] =	ssyncset.done @!p0 $0x0  }
0xed: {  	[sflag:s0] =	ssyncadd.s32 @!p0 s1  }
0xee: {  	[bflag:$0x3] =	sbarrier.arrive $0xFFFF  }
0xef: {  	_ =	shalt  }

// kernel: kernel.14.cloned.1.call-start
scs
__scs_entry_jumppad:
0x0: {  	(pc) =	sbr.rel $0x88, $3  }
0x1: {  	(tag) =	ssettag $0x0;
	lr =	simm.s32 $0x1  }
0x2: {  	[smem:$0x3F88] =	sst lr;
	_ =	strace $0xD0000000  }
0x3: {  	_ = 	snop  }
0x4: {  	_ = 	snop  }
0x5: {  	_ = 	snop  }
0x6: {  	_ = 	snop  }
0x7: {  	_ = 	snop  }
__scs_overlays_trampoline_lowered:
0x8: {  	[smem:$0x3F97] =	sst s0  }
0x9: {  	[smem:$0x3F98] =	sst s1  }
0xa: {  	[smem:$0x3F99] =	sst s2  }
0xb: {  	[smem:$0x3F9A] =	sst s3  }
0xc: {  	[smem:$0x3F9B] =	sst s4  }
0xd: {  	[smem:$0x3F9C] =	sst s5  }
0xe: {  	[smem:$0x3F9D] =	sst s6  }
0xf: {  	[smem:$0x3F9E] =	sst s7  }
0x10: {  	[smem:$0x3F9F] =	sst s8  }
0x11: {  	[smem:$0x3FA0] =	sst s9;
	s0 =	simm.s32 @!p0 $0x0  }
0x12: {  	s1 =	sld [smem:$0x3F86];
	s0 =	simm.s32 @p0 $0x1  }
0x13: {  	[smem:$0x3FA1] =	sst s0;
	s0 =	simm.s32 @!p1 $0x0  }
0x14: {  	s2 =	sld [smem:$0x3F85];
	s0 =	simm.s32 @p1 $0x1  }
0x15: {  	[smem:$0x3FA2] =	sst s0;
	s0 =	simm.s32 @!p2 $0x0  }
0x16: {  	s3 =	sld [smem:$0x3FDB];
	s0 =	simm.s32 @p2 $0x1  }
0x17: {  	s4 =	simm.s32 $0x1BF5;
	[smem:$0x3FA4] =	sst s0  }
0x18: {  	s0 =	sld [smem:$0x3F87];
	_ =	swait.ge [sflag:s4], $0x0  }
0x19: {  	s7 =	sld [smem:$0x3F88]  }
0x1a: {  	s8 =	sadd.s32 $0xFFFFE003, lr  }
0x1b: {  	s9 =	sadd.s32 $0xFFFFFEF7, lr;
	s5 =	simm.s32 $0xFFFFFFFF;
	p2 =	slt.u32 s8, $0xFFFFF086  }
0x1c: {  	p1 =	slt.u32 s9, $0xF7A;
	s5 =	simm.s32 @!p2 $0x0  }
0x1d: {  	s5 =	simm.s32 @p1 $0x1;
	p0 =	seq.s32 s7, s2  }
0x1e: {  	s7 =	smul.u32 @!p0 $0xF7A, s2;
	p2 =	seq.s32 @!p0 s5, $0x0  }
0x1f: {  	s9 =	smul.u32 $0xF7A, s1;
	s8 =	simm.s32 @!p0 $0x1BF5;
	p2 =	por !p2, p0  }
0x20: {  	[sflag:s8] =	ssyncset.s32 @!p0 $0xFFFFF086;
	s6 =	sadd.s32 @!p0 s3, s7;
	s7 =	simm.s32 @!p0 $0x108  }
0x21: {  	s3 =	sadd.s32 s3, s9;
	s6 =	sadd.s32 @!p0 $0x88, s6;
	s7 =	simm.s32 @p2 $0x1082  }
0x22: {  	[simem:s7], [sflag:s8] =	dma.local @!p0 [hbm:s6], $0xF7A  }
0x23: {  	s9 =	sor.u32 $0xD0000000, s2;
	s6 =	simm.s32 $0x108;
	_ =	swait.ge @!p0 [sflag:s8], $0x0  }
0x24: {  	s3 =	sadd.s32 $0x88, s3;
	s6 =	simm.s32 @!p1 $0x1082;
	[sflag:s4] =	ssyncset.s32 $0xFFFFF086  }
0x25: {  	[simem:s6], [sflag:s4] =	dma.local [hbm:s3], $0xF7A  }
0x26: {  	[smem:$0x3F88] =	sst s1;
	(tag) =	ssettag s2;
	_ =	strace s9  }
0x27: {  	s1 =	sld [smem:$0x3F98]  }
0x28: {  	s2 =	sld [smem:$0x3F99]  }
0x29: {  	s4 =	sld [smem:$0x3F9B]  }
0x2a: {  	p0 =	seq.s32 s5, $0x0;
	s5 =	sld [smem:$0x3F9C]  }
0x2b: {  	s6 =	sld [smem:$0x3F9D]  }
0x2c: {  	s7 =	sld [smem:$0x3F9E]  }
0x2d: {  	s3 =	simm.s32 $0x108;
	s8 =	sld [smem:$0x3F9F]  }
0x2e: {  	s3 =	simm.s32 @!p0 $0x1082;
	s9 =	sld [smem:$0x3FA0]  }
0x2f: {  	lr =	sadd.s32 s0, s3;
	s0 =	sld [smem:$0x3F97]  }
0x30: {  	s3 =	sld [smem:$0x3F9A]  }
0x31: {  	[smem:$0x3FA3] =	sst s10  }
0x32: {  	s10 =	sld [smem:$0x3FA1];
	_ =	sdelay $0x3  }
0x33: {  	p0 =	seq.s32 s10, $0x1;
	s10 =	sld [smem:$0x3FA3];
	_ =	sdelay $0x3  }
0x34: {  	[smem:$0x3FA3] =	sst s10  }
0x35: {  	s10 =	sld [smem:$0x3FA2];
	_ =	sdelay $0x3  }
0x36: {  	p1 =	seq.s32 s10, $0x1;
	s10 =	sld [smem:$0x3FA3];
	_ =	sdelay $0x3  }
0x37: {  	[smem:$0x3FA3] =	sst s10  }
0x38: {  	s10 =	sld [smem:$0x3FA4]  }
0x39: {  	_ = 	snop;
	(pc) =	sbr.ind lr, $3  }
0x3a: {  	_ = 	snop  }
0x3b: {  	_ = 	snop  }
0x3c: {  	p2 =	seq.s32 s10, $0x1;
	s10 =	sld [smem:$0x3FA3]  }
0x3d: {  	_ =	shalt  }
0x3e: {  	_ =	shalt  }
0x3f: {  	_ =	shalt  }
0x40: {  	_ =	shalt  }
0x41: {  	_ =	shalt  }
0x42: {  	_ =	shalt  }
0x43: {  	_ =	shalt  }
0x44: {  	_ =	shalt  }
0x45: {  	_ =	shalt  }
0x46: {  	_ =	shalt  }
0x47: {  	_ =	shalt  }
0x48: {  	_ =	shalt  }
0x49: {  	_ =	shalt  }
0x4a: {  	_ =	shalt  }
0x4b: {  	_ =	shalt  }
0x4c: {  	_ =	shalt  }
0x4d: {  	_ =	shalt  }
0x4e: {  	_ =	shalt  }
0x4f: {  	_ =	shalt  }
0x50: {  	_ =	shalt  }
0x51: {  	_ =	shalt  }
0x52: {  	_ =	shalt  }
0x53: {  	_ =	shalt  }
0x54: {  	_ =	shalt  }
0x55: {  	_ =	shalt  }
0x56: {  	_ =	shalt  }
0x57: {  	_ =	shalt  }
0x58: {  	_ =	shalt  }
0x59: {  	_ =	shalt  }
0x5a: {  	_ =	shalt  }
0x5b: {  	_ =	shalt  }
0x5c: {  	_ =	shalt  }
0x5d: {  	_ =	shalt  }
0x5e: {  	_ =	shalt  }
0x5f: {  	_ =	shalt  }
0x60: {  	_ =	shalt  }
0x61: {  	_ =	shalt  }
0x62: {  	_ =	shalt  }
0x63: {  	_ =	shalt  }
0x64: {  	_ =	shalt  }
0x65: {  	_ =	shalt  }
0x66: {  	_ =	shalt  }
0x67: {  	_ =	shalt  }
0x68: {  	_ =	shalt  }
0x69: {  	_ =	shalt  }
0x6a: {  	_ =	shalt  }
0x6b: {  	_ =	shalt  }
0x6c: {  	_ =	shalt  }
0x6d: {  	_ =	shalt  }
0x6e: {  	_ =	shalt  }
0x6f: {  	_ =	shalt  }
0x70: {  	_ =	shalt  }
0x71: {  	_ =	shalt  }
0x72: {  	_ =	shalt  }
0x73: {  	_ =	shalt  }
0x74: {  	_ =	shalt  }
0x75: {  	_ =	shalt  }
0x76: {  	_ =	shalt  }
0x77: {  	_ =	shalt  }
0x78: {  	_ =	shalt  }
0x79: {  	_ =	shalt  }
0x7a: {  	_ =	shalt  }
0x7b: {  	_ =	shalt  }
0x7c: {  	_ =	shalt  }
0x7d: {  	_ =	shalt  }
0x7e: {  	_ =	shalt  }
0x7f: {  	_ =	shalt  }
0x80: {  	_ =	shalt  }
0x81: {  	_ =	shalt  }
0x82: {  	_ =	shalt  }
0x83: {  	_ =	shalt  }
0x84: {  	_ =	shalt  }
0x85: {  	_ =	shalt  }
0x86: {  	_ =	shalt  }
0x87: {  	_ =	shalt  }
.Lfunc_end0:
.L_simem_size_0:
called_computation.2_lowered:
.L_overlay_start_0:
0x88: {  	s2 =	sld [smem:$0x3FD9]  }
0x89: {  	s3 =	sld [smem:$0x3FFE];
	_ =	sdelay $0x1  }
0x8a: {  	s1 =	srdreg.scid  }
0x8b: {  	s0 =	sand.u32 $0x1, s1  }
0x8c: {  	s16 =	sshll.u32 s0, $0xA;
	s2 =	sadd.s32 s3, s2  }
0x8d: {  	s2 =	sadd.s32 s2, s16  }
0x8e: {  	[smem:$0x3FAF] =	sst s2  }
0x8f: {  	_ = 	snop  }
0x90: {  	(tm) =	ssettm $0x1  }
0x91: {  	s17 =	sld [smem:$0x3FFB];
	_ =	sdelay $0x3  }
0x92: {  	_ =	strace s17  }
0x93: {  	s2 =	sld [smem:$0x3FFC];
	_ =	sdelay $0x3  }
0x94: {  	_ =	strace s2  }
0x95: {  	s2 =	sld [smem:$0x3FFD];
	_ =	sdelay $0x3  }
0x96: {  	_ =	strace s2  }
0x97: {  	_ =	strace $0x8FFFFFFF  }
0x98: {  	s18 =	sld [smem:$0x3FDB];
	_ =	sdelay $0x1  }
0x99: {  	s19 =	simm.s32 $_scs_section_size  }
0x9a: {  	s4 =	simm.s32 $_size__tile_overlayer_lowered;
	s5 =	simm.s32 $_tile_overlayer_lowered  }
0x9b: {  	s22 =	simm.s32 $0x1BFF;
	s21 =	sshll.u32 s5, $0x1;
	s2 =	sadd.s32 s19, s18  }
0x9c: {  	s6 =	simm.s32 $0x0;
	s20 =	sshll.u32 s4, $0x1;
	s4 =	sadd.s32 s21, s2  }
0x9d: {  	[timem:s6], [sflag:s22] =	dma.local [hbm:s4], s20  }
0x9e: {  	_ =	swait.ge [sflag:s22], s20  }
0x9f: {  	s3 =	ssub.s32 $0x0, s20;
	[sflag:s22] =	ssyncset.done $0x0  }
0xa0: {  	[sflag:s22] =	ssyncadd.s32 s3;
	_ =	sdelay $0x1  }
0xa1: {  	s23 =	simm.s32 $0x1B8B  }
0xa2: {  	_ =	swait.ge [sflag:s23], $0x1  }
0xa3: {  	[sflag:s23] =	ssyncset.done $0x0  }
0xa4: {  	s25 =	simm.s32 $0x1B8E;
	s24 =	sld [smem:$0x3FFE];
	[sflag:s23] =	ssyncadd.s32 $0xFFFFFFFF  }
0xa5: {  	s26 =	simm.s32 $execute0_lowered;
	[smem:$0x3FD2] =	sst s25  }
0xa6: {  	s4 =	sshll.u32 s26, $0x1;
	_ =	strace $0x8000004C;
	[dreg:$0x1] =	wrdreg $0xFFFFFFFF  }
0xa7: {  	s28 =	simm.s32 $_size_execute0_lowered;
	s2 =	sadd.s32 s2, s4;
	[dreg:$0x0] =	wrdreg $0x0  }
0xa8: {  	s4 =	sshll.u32 s28, $0x1;
	[dreg:$0x2] =	wrdreg s2  }
0xa9: {  	[dreg:$0x3] =	wrdreg s4  }
0xaa: {  	[dreg:$0x4] =	wrdreg $0xC0  }
0xab: {  	_ =	task [dreg:s6], $0x5FFFF  }
0xac: {  	[dreg:$0x1] =	wrdreg $0xFFFFFFFF  }
0xad: {  	[dreg:$0x0] =	wrdreg $0x60  }
0xae: {  	[dreg:$0x2] =	wrdreg s24  }
0xaf: {  	[dreg:$0x3] =	wrdreg $0xAE000  }
0xb0: {  	[dreg:$0x4] =	wrdreg $0x9  }
0xb1: {  	_ =	task.clear_ibuf [dreg:s6], $0x5FFFF;
	_ =	strace $0x9000004C  }
0xb2: {  	s29 =	simm.s32 $0x9;
	_ =	strace $0x8000004E  }
0xb3: {  	_ =	swait.ge [sflag:s29], $0x1  }
0xb4: {  	[sflag:s29] =	ssyncadd.s32 $0xFFFFFFFF  }
0xb5: {  	_ =	strace $0x9000004E  }
0xb6: {  	_ =	sfence  }
0xb7: {  	s30 =	sld [smem:$0x0];
	_ =	sdelay $0x2  }
0xb8: {  	s31 =	sshll.u32 s1, $0xD;
	s1 =	sshrl.u32 s1, $0x2  }
0xb9: {  	s3 =	sand.u32 $0x4000, s31;
	s1 =	sadd.s32 s1, s30  }
0xba: {  	s0 =	sor.u32 s3, s0;
	s1 =	sshll.u32 s1, $0x11  }
0xbb: {  	s0 =	sor.u32 s1, s0  }
0xbc: {  	s0 =	sadd.s32 $0x8F2B, s0  }
0xbd: {  	[sflag:s0] =	ssyncadd.remote.s32 $0x1  }
0xbe: {  	_ =	sfence.sel $0xFFFF  }
0xbf: {  	[dreg:$0x0] =	wrdreg $0xFFFFFFFF;
	(pc) =	sbr.abs _section_cstart, $3  }
0xc0: {  	[dreg:$0x1] =	wrdreg $0xFFFFFFFF  }
0xc1: {  	_ =	task.clear_ibuf [dreg:s6], $0x2FFFF;
	_ =	strace $0x9FFFFFFF  }
0xc2: {  	(tm) =	ssettm $0x7FFFFFFF  }
0xc3: {  	_ =	shalt  }
tec
execute0_lowered:
.L_overlay_start_1:
0x0: {  	(tag) =	ssettag $0x1  }
0x1: {  	s0 =	rddreg [dreg:$0x0];
	s1 =	srdreg.scid  }
0x2: {  	s10 =	stileid.u32;
	s2 =	rddreg [dreg:$0x1];
	s3 =	simm.s32 $0x0  }
0x3: {  	s11 =	simm.s32 $0x1;
	s12 =	simm.s32 $0x70;
	s13 =	simm.s32 $0x600  }
0x4: {  	s14 =	simm.s32 $0x100;
	s15 =	simm.s32 $0x3E00;
	s16 =	simm.s32 $0x200  }
0x5: {  	s17 =	simm.s32 $0x7600;
	s19 =	simm.s32 $0x300;
	s21 =	simm.s32 $0x3  }
0x6: {  	s22 =	simm.s32 $0x80;
	s28 =	simm.s32 $0x280;
	s29 =	simm.s32 $0x6  }
0x7: {  	s30 =	simm.s32 $0x7;
	s31 =	simm.s32 $0x8;
	s1 =	sand.u32 $0x1, s1  }
0x8: {  	s4 =	sshll.u32 s10, $0x1;
	[smem:$0x7FF] =	sst s3;
	s7 =	smul.u32 $0x50000, s10  }
0x9: {  	s9 =	smul.u32 $0x2800, s10;
	s25 =	sshll.u32 s10, $0x6;
	s4 =	sor.u32 s1, s4  }
0xa: {  	_ =	strace $0x8000004D;
	s6 =	smul.u32 $0x28000, s1;
	s1 =	ssub.s32 $0x2, s1  }
0xb: {  	[dreg:$0x4] =	wrdreg s25;
	s5 =	smul.u32 $0xB40, s4;
	s4 =	sadd.s32 $0x1B800, s0  }
0xc: {  	s8 =	sshrl.u32 s1, $0x1;
	s23 =	sshrl.u32 s7, $0x2;
	s7 =	sor.u32 $0x1C09, s25  }
0xd: {  	s25 =	simm.s32 $0x180;
	s1 =	ssub.s32 s1, s8;
	s24 =	sadd.s32 s4, s9  }
0xe: {  	[dreg:$0x5] =	wrdreg s7;
	s7 =	simm.s32 $0x380;
	s5 =	sadd.s32 s5, s0  }
0xf: {  	s0 =	sadd.s32 s6, s0;
	s6 =	sadd.s32 s23, s2;
	[dreg:$0x3] =	wrdreg s24  }
0x10: {  	s1 =	smax.u32 s1, $0x1;
	s23 =	simm.s32 $0x4;
	s24 =	simm.s32 $0x0  }
0x11: {  	s8 =	sadd.s32 $0x5000, s5;
	s0 =	sadd.s32 $0x43800, s0;
	[dreg:$0x6] =	wrdreg s1  }
0x12: {  	s20 =	sshrl.u32 s6, $0x3;
	s1 =	simm.s32 $0x2;
	s5 =	simm.s32 $0x500  }
0x13: {  	s6 =	simm.s32 $0x580;
	s26 =	sadd.s32 $0x60, s8;
	[dreg:$0x7] =	wrdreg s20  }
0x14: {  	s0 =	sadd.s32 s9, s0;
	s9 =	simm.s32 $0x480;
	[dreg:$0x8] =	wrdreg s26  }
0x15: {  	[dreg:$0x9] =	wrdreg s0;
	s26 =	simm.s32 $0x5;
	s0 =	simm.s32 $0x400  }
.LBB2_1:
0x16: {  	s10 =	rddreg [dreg:$0x3]  }
0x17: {  	s18 =	rddreg [dreg:$0x5]  }
0x18: {  	[spmem:s20], [sflag:s18] =	dma.local [hbm:s10], $0x2800  }
0x19: {  	[tilespmem:s3], [sflag:$0x1] =	stream.linear.gather [hbm4b:s8+s3], $0x300, $0x38;
	[tilespmem:$0x1EE00] =	vst v63  }
0x1a: {  	_ =	swait.ge [sflag:s11], $0x300  }
0x1b: {  	[sflag:s11] =	ssyncset.done $0x0  }
0x1c: {  	[sflag:s11] =	ssyncadd.s32 $0xFFFFFD00  }
0x1d: {  	[tilespmem:s13], [sflag:$0x3] =	stream.indirect.gather [hbm4b:s4+s12], $0x80, s3, s12, $0xb8;
	[tilespmem:$0x1EE00] =	vst v63  }
0x1e: {  	_ = 	snop  }
0x1f: {  	[tilespmem:s15], [sflag:$0x4] =	stream.indirect.gather [hbm4b:s4+s12], $0x80, s14, s12, $0xb8;
	[tilespmem:$0x1EE00] =	vst v63  }
0x20: {  	_ = 	snop  }
0x21: {  	[tilespmem:s17], [sflag:$0x5] =	stream.indirect.gather [hbm4b:s4+s12], $0x80, s16, s12, $0xb8;
	[tilespmem:$0x1EE00] =	vst v63  }
0x22: {  	s20 =	simm.s32 $0x9;
	s18 =	rddreg [dreg:$0x8]  }
0x23: {  	[tilespmem:s19], [sflag:$0x2] =	stream.linear.gather [hbm4b:s18+s3], $0x300, $0x38;
	[tilespmem:$0x1EE00] =	vst v63  }
0x24: {  	_ =	swait.ge [sflag:s20], $0x2800  }
0x25: {  	[sflag:s20] =	ssyncset.done $0x0  }
0x26: {  	[sflag:s20] =	ssyncadd.s32 $0xFFFFD800  }
0x27: {  	[bflag:$0x0] =	sbarrier.arrive $0xFFFF  }
0x28: {  	_ =	swait.ge [sflag:s21], $0x3800  }
0x29: {  	[sflag:s21] =	ssyncset.done $0x0  }
0x2a: {  	[sflag:s21] =	ssyncadd.s32 $0xFFFFC800  }
0x2b: {  	[spmem:s2] =	stream.indirect.scatter.add.f32 [tilespmem:s13], [sflag:$0x6], $0x80, s22, s12, $0xb8;
	[tilespmem:$0x1EE00] =	vst v63  }
0x2c: {  	_ =	swait.ge [sflag:s23], $0x3800  }
0x2d: {  	[sflag:s23] =	ssyncset.done $0x0  }
0x2e: {  	[sflag:s23] =	ssyncadd.s32 $0xFFFFC800  }
0x2f: {  	[spmem:s2] =	stream.indirect.scatter.add.f32 [tilespmem:s15], [sflag:$0x7], $0x80, s25, s12, $0xb8;
	[tilespmem:$0x1EE00] =	vst v63  }
0x30: {  	_ =	swait.ge [sflag:s26], $0x3800  }
0x31: {  	[sflag:s26] =	ssyncset.done $0x0  }
0x32: {  	[sflag:s26] =	ssyncadd.s32 $0xFFFFC800  }
0x33: {  	[spmem:s2] =	stream.indirect.scatter.add.f32 [tilespmem:s17], [sflag:$0x8], $0x80, s28, s12, $0xb8;
	[tilespmem:$0x1EE00] =	vst v63  }
0x34: {  	_ =	swait.ge [sflag:s29], $0x3800  }
0x35: {  	[sflag:s29] =	ssyncset.done $0x0  }
0x36: {  	[sflag:s29] =	ssyncadd.s32 $0xFFFFC800  }
0x37: {  	_ =	swait.ge [sflag:s30], $0x3800  }
0x38: {  	[sflag:s30] =	ssyncset.done $0x0  }
0x39: {  	[sflag:s30] =	ssyncadd.s32 $0xFFFFC800  }
0x3a: {  	_ =	swait.ge [sflag:s31], $0x3800  }
0x3b: {  	s20 =	sadd.s32 $0xFFFFF580, s8;
	[sflag:s31] =	ssyncset.done $0x0  }
0x3c: {  	s10 =	sadd.s32 $0xB40, s20;
	[sflag:s31] =	ssyncadd.s32 $0xFFFFC800  }
0x3d: {  	[tilespmem:s3], [sflag:$0x1] =	stream.linear.gather [hbm4b:s10+s3], $0x300, $0x38;
	[tilespmem:$0x1EE00] =	vst v63  }
0x3e: {  	_ =	swait.ge [sflag:s1], $0x300  }
0x3f: {  	[sflag:s1] =	ssyncset.done $0x0  }
0x40: {  	[sflag:s1] =	ssyncadd.s32 $0xFFFFFD00  }
0x41: {  	[tilespmem:s13], [sflag:$0x3] =	stream.indirect.gather [hbm4b:s4+s12], $0x80, s19, s12, $0xb8;
	[tilespmem:$0x1EE00] =	vst v63  }
0x42: {  	_ = 	snop  }
0x43: {  	[tilespmem:s15], [sflag:$0x4] =	stream.indirect.gather [hbm4b:s4+s12], $0x80, s0, s12, $0xb8;
	[tilespmem:$0x1EE00] =	vst v63  }
0x44: {  	_ = 	snop  }
0x45: {  	[tilespmem:s17], [sflag:$0x5] =	stream.indirect.gather [hbm4b:s4+s12], $0x80, s5, s12, $0xb8;
	[tilespmem:$0x1EE00] =	vst v63  }
0x46: {  	_ =	swait.ge [sflag:s21], $0x3800  }
0x47: {  	[sflag:s21] =	ssyncset.done $0x0  }
0x48: {  	[sflag:s21] =	ssyncadd.s32 $0xFFFFC800  }
0x49: {  	[spmem:s2] =	stream.indirect.scatter.add.f32 [tilespmem:s13], [sflag:$0x6], $0x80, s7, s12, $0xb8;
	[tilespmem:$0x1EE00] =	vst v63  }
0x4a: {  	_ =	swait.ge [sflag:s23], $0x3800  }
0x4b: {  	[sflag:s23] =	ssyncset.done $0x0  }
0x4c: {  	[sflag:s23] =	ssyncadd.s32 $0xFFFFC800  }
0x4d: {  	[spmem:s2] =	stream.indirect.scatter.add.f32 [tilespmem:s15], [sflag:$0x7], $0x80, s9, s12, $0xb8;
	[tilespmem:$0x1EE00] =	vst v63  }
0x4e: {  	_ =	swait.ge [sflag:s26], $0x3800  }
0x4f: {  	[sflag:s26] =	ssyncset.done $0x0  }
0x50: {  	[sflag:s26] =	ssyncadd.s32 $0xFFFFC800  }
0x51: {  	[spmem:s2] =	stream.indirect.scatter.add.f32 [tilespmem:s17], [sflag:$0x8], $0x80, s6, s12, $0xb8;
	[tilespmem:$0x1EE00] =	vst v63  }
0x52: {  	_ =	swait.ge [sflag:s29], $0x3800  }
0x53: {  	[sflag:s29] =	ssyncset.done $0x0  }
0x54: {  	[sflag:s29] =	ssyncadd.s32 $0xFFFFC800  }
0x55: {  	_ =	swait.ge [sflag:s30], $0x3800  }
0x56: {  	[sflag:s30] =	ssyncset.done $0x0  }
0x57: {  	[sflag:s30] =	ssyncadd.s32 $0xFFFFC800  }
0x58: {  	_ =	swait.ge [sflag:s31], $0x3800  }
0x59: {  	[sflag:s31] =	ssyncset.done $0x0  }
0x5a: {  	s20 =	sadd.s32 $0xBA0, s20;
	[sflag:s31] =	ssyncadd.s32 $0xFFFFC800  }
0x5b: {  	[tilespmem:s19], [sflag:$0x2] =	stream.linear.gather [hbm4b:s20+s3], $0x300, $0x38;
	[tilespmem:$0x1EE00] =	vst v63  }
0x5c: {  	_ =	swait.ge [sflag:s11], $0x300  }
0x5d: {  	[sflag:s11] =	ssyncset.done $0x0  }
0x5e: {  	[sflag:s11] =	ssyncadd.s32 $0xFFFFFD00  }
0x5f: {  	[tilespmem:s13], [sflag:$0x3] =	stream.indirect.gather [hbm4b:s4+s12], $0x80, s3, s12, $0xb8;
	[tilespmem:$0x1EE00] =	vst v63  }
0x60: {  	s20 =	simm.s32 $0xFFFFF640  }
0x61: {  	[tilespmem:s15], [sflag:$0x4] =	stream.indirect.gather [hbm4b:s4+s12], $0x80, s14, s12, $0xb8;
	[tilespmem:$0x1EE00] =	vst v63  }
.LBB2_2:
0x62: {  	[tilespmem:s17], [sflag:$0x5] =	stream.indirect.gather [hbm4b:s4+s12], $0x80, s16, s12, $0xb8;
	[tilespmem:$0x1EE00] =	vst v63  }
0x63: {  	s18 =	smov.u32 s20  }
0x64: {  	p0 =	sne.s32 s20, $0xFFFFFF40;
	s20 =	sadd.s32 $0xC0, s20;
	_ =	swait.ge [sflag:s21], $0x3800  }
0x65: {  	[sflag:s21] =	ssyncset.done $0x0  }
0x66: {  	[sflag:s21] =	ssyncadd.s32 $0xFFFFC800  }
0x67: {  	[spmem:s2] =	stream.indirect.scatter.add.f32 [tilespmem:s13], [sflag:$0x6], $0x80, s22, s12, $0xb8;
	[tilespmem:$0x1EE00] =	vst v63  }
0x68: {  	_ =	swait.ge [sflag:s23], $0x3800  }
0x69: {  	[sflag:s23] =	ssyncset.done $0x0  }
0x6a: {  	[sflag:s23] =	ssyncadd.s32 $0xFFFFC800  }
0x6b: {  	[spmem:s2] =	stream.indirect.scatter.add.f32 [tilespmem:s15], [sflag:$0x7], $0x80, s25, s12, $0xb8;
	[tilespmem:$0x1EE00] =	vst v63  }
0x6c: {  	_ =	swait.ge [sflag:s26], $0x3800  }
0x6d: {  	[sflag:s26] =	ssyncset.done $0x0  }
0x6e: {  	[sflag:s26] =	ssyncadd.s32 $0xFFFFC800  }
0x6f: {  	[spmem:s2] =	stream.indirect.scatter.add.f32 [tilespmem:s17], [sflag:$0x8], $0x80, s28, s12, $0xb8;
	[tilespmem:$0x1EE00] =	vst v63  }
0x70: {  	_ =	swait.ge [sflag:s29], $0x3800  }
0x71: {  	[sflag:s29] =	ssyncset.done $0x0  }
0x72: {  	[sflag:s29] =	ssyncadd.s32 $0xFFFFC800  }
0x73: {  	_ =	swait.ge [sflag:s30], $0x3800  }
0x74: {  	[sflag:s30] =	ssyncset.done $0x0  }
0x75: {  	[sflag:s30] =	ssyncadd.s32 $0xFFFFC800  }
0x76: {  	_ =	swait.ge [sflag:s31], $0x3800  }
0x77: {  	s18 =	sadd.s32 s18, s8;
	[sflag:s31] =	ssyncset.done $0x0  }
0x78: {  	s10 =	sadd.s32 $0xB40, s18;
	[sflag:s31] =	ssyncadd.s32 $0xFFFFC800  }
0x79: {  	[tilespmem:s3], [sflag:$0x1] =	stream.linear.gather [hbm4b:s10+s3], $0x300, $0x38;
	[tilespmem:$0x1EE00] =	vst v63  }
0x7a: {  	_ =	swait.ge [sflag:s1], $0x300  }
0x7b: {  	[sflag:s1] =	ssyncset.done $0x0  }
0x7c: {  	[sflag:s1] =	ssyncadd.s32 $0xFFFFFD00  }
0x7d: {  	[tilespmem:s13], [sflag:$0x3] =	stream.indirect.gather [hbm4b:s4+s12], $0x80, s19, s12, $0xb8;
	[tilespmem:$0x1EE00] =	vst v63  }
0x7e: {  	_ = 	snop  }
0x7f: {  	[tilespmem:s15], [sflag:$0x4] =	stream.indirect.gather [hbm4b:s4+s12], $0x80, s0, s12, $0xb8;
	[tilespmem:$0x1EE00] =	vst v63  }
0x80: {  	_ = 	snop  }
0x81: {  	[tilespmem:s17], [sflag:$0x5] =	stream.indirect.gather [hbm4b:s4+s12], $0x80, s5, s12, $0xb8;
	[tilespmem:$0x1EE00] =	vst v63  }
0x82: {  	_ =	swait.ge [sflag:s21], $0x3800  }
0x83: {  	[sflag:s21] =	ssyncset.done $0x0  }
0x84: {  	[sflag:s21] =	ssyncadd.s32 $0xFFFFC800  }
0x85: {  	[spmem:s2] =	stream.indirect.scatter.add.f32 [tilespmem:s13], [sflag:$0x6], $0x80, s7, s12, $0xb8;
	[tilespmem:$0x1EE00] =	vst v63  }
0x86: {  	_ =	swait.ge [sflag:s23], $0x3800  }
0x87: {  	[sflag:s23] =	ssyncset.done $0x0  }
0x88: {  	[sflag:s23] =	ssyncadd.s32 $0xFFFFC800  }
0x89: {  	[spmem:s2] =	stream.indirect.scatter.add.f32 [tilespmem:s15], [sflag:$0x7], $0x80, s9, s12, $0xb8;
	[tilespmem:$0x1EE00] =	vst v63  }
0x8a: {  	_ =	swait.ge [sflag:s26], $0x3800  }
0x8b: {  	[sflag:s26] =	ssyncset.done $0x0  }
0x8c: {  	[sflag:s26] =	ssyncadd.s32 $0xFFFFC800  }
0x8d: {  	[spmem:s2] =	stream.indirect.scatter.add.f32 [tilespmem:s17], [sflag:$0x8], $0x80, s6, s12, $0xb8;
	[tilespmem:$0x1EE00] =	vst v63  }
0x8e: {  	_ =	swait.ge [sflag:s29], $0x3800  }
0x8f: {  	[sflag:s29] =	ssyncset.done $0x0  }
0x90: {  	[sflag:s29] =	ssyncadd.s32 $0xFFFFC800  }
0x91: {  	_ =	swait.ge [sflag:s30], $0x3800  }
0x92: {  	[sflag:s30] =	ssyncset.done $0x0  }
0x93: {  	[sflag:s30] =	ssyncadd.s32 $0xFFFFC800  }
0x94: {  	_ =	swait.ge [sflag:s31], $0x3800  }
0x95: {  	[sflag:s31] =	ssyncset.done $0x0  }
0x96: {  	s10 =	sadd.s32 $0xBA0, s18;
	[sflag:s31] =	ssyncadd.s32 $0xFFFFC800  }
0x97: {  	[tilespmem:s19], [sflag:$0x2] =	stream.linear.gather [hbm4b:s10+s3], $0x300, $0x38;
	[tilespmem:$0x1EE00] =	vst v63  }
0x98: {  	_ =	swait.ge [sflag:s11], $0x300  }
.Ltmp0:
0x99: {  	[sflag:s11] =	ssyncset.done $0x0;
	(pc) =	sbr.rel @p0 .LBB2_2-.Ltmp0, $4  }
0x9a: {  	[sflag:s11] =	ssyncadd.s32 $0xFFFFFD00  }
0x9b: {  	[tilespmem:s13], [sflag:$0x3] =	stream.indirect.gather [hbm4b:s4+s12], $0x80, s3, s12, $0xb8;
	[tilespmem:$0x1EE00] =	vst v63  }
0x9c: {  	_ = 	snop  }
0x9d: {  	[tilespmem:s15], [sflag:$0x4] =	stream.indirect.gather [hbm4b:s4+s12], $0x80, s14, s12, $0xb8;
	[tilespmem:$0x1EE00] =	vst v63  }
0x9e: {  	[tilespmem:s17], [sflag:$0x5] =	stream.indirect.gather [hbm4b:s4+s12], $0x80, s16, s12, $0xb8;
	[tilespmem:$0x1EE00] =	vst v63  }
0x9f: {  	_ =	swait.ge [sflag:s21], $0x3800  }
0xa0: {  	[sflag:s21] =	ssyncset.done $0x0  }
0xa1: {  	[sflag:s21] =	ssyncadd.s32 $0xFFFFC800  }
0xa2: {  	[spmem:s2] =	stream.indirect.scatter.add.f32 [tilespmem:s13], [sflag:$0x6], $0x80, s22, s12, $0xb8;
	[tilespmem:$0x1EE00] =	vst v63  }
0xa3: {  	_ =	swait.ge [sflag:s23], $0x3800  }
0xa4: {  	[sflag:s23] =	ssyncset.done $0x0  }
0xa5: {  	[sflag:s23] =	ssyncadd.s32 $0xFFFFC800  }
0xa6: {  	[spmem:s2] =	stream.indirect.scatter.add.f32 [tilespmem:s15], [sflag:$0x7], $0x80, s25, s12, $0xb8;
	[tilespmem:$0x1EE00] =	vst v63  }
0xa7: {  	_ =	swait.ge [sflag:s26], $0x3800  }
0xa8: {  	[sflag:s26] =	ssyncset.done $0x0  }
0xa9: {  	[sflag:s26] =	ssyncadd.s32 $0xFFFFC800  }
0xaa: {  	[spmem:s2] =	stream.indirect.scatter.add.f32 [tilespmem:s17], [sflag:$0x8], $0x80, s28, s12, $0xb8;
	[tilespmem:$0x1EE00] =	vst v63  }
0xab: {  	_ =	swait.ge [sflag:s29], $0x3800  }
0xac: {  	[sflag:s29] =	ssyncset.done $0x0  }
0xad: {  	[sflag:s29] =	ssyncadd.s32 $0xFFFFC800  }
0xae: {  	_ =	swait.ge [sflag:s30], $0x3800  }
0xaf: {  	[sflag:s30] =	ssyncset.done $0x0  }
0xb0: {  	[sflag:s30] =	ssyncadd.s32 $0xFFFFC800  }
0xb1: {  	_ =	swait.ge [sflag:s31], $0x3800  }
0xb2: {  	[sflag:s31] =	ssyncset.done $0x0  }
0xb3: {  	[sflag:s31] =	ssyncadd.s32 $0xFFFFC800  }
0xb4: {  	_ =	swait.ge [sflag:s1], $0x300  }
0xb5: {  	[sflag:s1] =	ssyncset.done $0x0  }
0xb6: {  	[sflag:s1] =	ssyncadd.s32 $0xFFFFFD00  }
0xb7: {  	[tilespmem:s13], [sflag:$0x3] =	stream.indirect.gather [hbm4b:s4+s12], $0x80, s19, s12, $0xb8;
	[tilespmem:$0x1EE00] =	vst v63  }
0xb8: {  	_ = 	snop  }
0xb9: {  	[tilespmem:s15], [sflag:$0x4] =	stream.indirect.gather [hbm4b:s4+s12], $0x80, s0, s12, $0xb8;
	[tilespmem:$0x1EE00] =	vst v63  }
0xba: {  	_ = 	snop  }
0xbb: {  	[tilespmem:s17], [sflag:$0x5] =	stream.indirect.gather [hbm4b:s4+s12], $0x80, s5, s12, $0xb8;
	[tilespmem:$0x1EE00] =	vst v63  }
0xbc: {  	_ =	swait.ge [sflag:s21], $0x3800  }
0xbd: {  	[sflag:s21] =	ssyncset.done $0x0  }
0xbe: {  	[sflag:s21] =	ssyncadd.s32 $0xFFFFC800  }
0xbf: {  	[spmem:s2] =	stream.indirect.scatter.add.f32 [tilespmem:s13], [sflag:$0x6], $0x80, s7, s12, $0xb8;
	[tilespmem:$0x1EE00] =	vst v63  }
0xc0: {  	_ =	swait.ge [sflag:s23], $0x3800  }
0xc1: {  	[sflag:s23] =	ssyncset.done $0x0  }
0xc2: {  	[sflag:s23] =	ssyncadd.s32 $0xFFFFC800  }
0xc3: {  	[spmem:s2] =	stream.indirect.scatter.add.f32 [tilespmem:s15], [sflag:$0x7], $0x80, s9, s12, $0xb8;
	[tilespmem:$0x1EE00] =	vst v63  }
0xc4: {  	_ =	swait.ge [sflag:s26], $0x3800  }
0xc5: {  	[sflag:s26] =	ssyncset.done $0x0  }
0xc6: {  	[sflag:s26] =	ssyncadd.s32 $0xFFFFC800  }
0xc7: {  	[spmem:s2] =	stream.indirect.scatter.add.f32 [tilespmem:s17], [sflag:$0x8], $0x80, s6, s12, $0xb8;
	[tilespmem:$0x1EE00] =	vst v63  }
0xc8: {  	_ =	swait.ge [sflag:s29], $0x3800  }
0xc9: {  	[sflag:s29] =	ssyncset.done $0x0  }
0xca: {  	[sflag:s29] =	ssyncadd.s32 $0xFFFFC800  }
0xcb: {  	_ =	swait.ge [sflag:s30], $0x3800  }
0xcc: {  	[sflag:s30] =	ssyncset.done $0x0  }
0xcd: {  	[sflag:s30] =	ssyncadd.s32 $0xFFFFC800  }
0xce: {  	_ =	swait.ge [sflag:s31], $0x3800  }
0xcf: {  	[sflag:s31] =	ssyncset.done $0x0  }
0xd0: {  	[sflag:s31] =	ssyncadd.s32 $0xFFFFC800  }
0xd1: {  	[bflag:$0x0] =	sbarrier.arrive $0xFFFF  }
0xd2: {  	s10 =	rddreg [dreg:$0x4]  }
0xd3: {  	s20 =	rddreg [dreg:$0x7]  }
0xd4: {  	s18 =	rddreg [dreg:$0x9];
	s10 =	sor.u32 $0x1C0A, s10  }
0xd5: {  	[hbm:s18], [sflag:s10] =	dma.local [spmem:s20], $0x2800  }
0xd6: {  	s18 =	simm.s32 $0xA  }
0xd7: {  	_ =	swait.ge [sflag:s18], $0x2800  }
0xd8: {  	s24 =	sadd.s32 $0x1, s24;
	s10 =	rddreg [dreg:$0x6]  }
0xd9: {  	p0 =	sne.s32 s24, s10  }
.Ltmp1:
0xda: {  	_ = 	snop;
	(pc) =	sbr.rel @p0 .LBB2_1-.Ltmp1, $3  }
0xdb: {  	_ =	sdelay $0x1  }
0xdc: {  	[sflag:s18] =	ssyncset.done $0x0  }
0xdd: {  	[sflag:s18] =	ssyncadd.s32 $0xFFFFD800  }
0xde: {  	_ =	sfence.sel $0x180000  }
0xdf: {  	[bflag:$0x0] =	sbarrier.arrive $0xFFFF  }
0xe0: {  	_ =	strace $0x9000004D  }
0xe1: {  	s0 =	stileid.u32;
	[bflag:$0x2] =	sbarrier.arrive $0xFFFF  }
0xe2: {  	p0 =	sne.s32 s0, $0x0;
	s0 =	rddreg [dreg:$0x2]  }
0xe3: {  	s0 =	sadd.s32 @!p0 $0x100000, s0  }
0xe4: {  	[sflag:s0] =	ssyncadd.tile.s32 @!p0 $0x1;
	_ =	shalt  }
.Lfunc_end2:
_tile_overlayer_lowered:
.L_overlay_start_2:
0xe5: {  	(tag) =	ssettag $0x2  }
0xe6: {  	s0 =	rddreg [dreg:$0x0];
	s2 =	stileid.u32  }
0xe7: {  	s1 =	rddreg [dreg:$0x1];
	p0 =	sne.s32 s2, $0x0  }
0xe8: {  	s3 =	rddreg [dreg:$0x2];
	[bflag:$0x3] =	sbarrier.arrive $0xFFFF;
	s2 =	simm.s32 @!p0 $0x1C0A  }
0xe9: {  	[timem:s3], [sflag:s2] =	dma.local @!p0 [hbm:s0], s1  }
0xea: {  	s0 =	simm.s32 @!p0 $0xA  }
0xeb: {  	_ =	swait.ge @!p0 [sflag:s0], s1  }
0xec: {  	s1 =	ssub.s32 @!p0 $0x0, s1;
	[sflag:s0] =	ssyncset.done @!p0 $0x0  }
0xed: {  	[sflag:s0] =	ssyncadd.s32 @!p0 s1  }
0xee: {  	[bflag:$0x3] =	sbarrier.arrive $0xFFFF  }
0xef: {  	_ =	shalt  }

// kernel: kernel.8.cloned.1.call-start
scs
__scs_entry_jumppad:
0x0: {  	(pc) =	sbr.rel $0x88, $3  }
0x1: {  	(tag) =	ssettag $0x0;
	lr =	simm.s32 $0x1  }
0x2: {  	[smem:$0x3F88] =	sst lr;
	_ =	strace $0xD0000000  }
0x3: {  	_ = 	snop  }
0x4: {  	_ = 	snop  }
0x5: {  	_ = 	snop  }
0x6: {  	_ = 	snop  }
0x7: {  	_ = 	snop  }
__scs_overlays_trampoline_lowered:
0x8: {  	[smem:$0x3F97] =	sst s0  }
0x9: {  	[smem:$0x3F98] =	sst s1  }
0xa: {  	[smem:$0x3F99] =	sst s2  }
0xb: {  	[smem:$0x3F9A] =	sst s3  }
0xc: {  	[smem:$0x3F9B] =	sst s4  }
0xd: {  	[smem:$0x3F9C] =	sst s5  }
0xe: {  	[smem:$0x3F9D] =	sst s6  }
0xf: {  	[smem:$0x3F9E] =	sst s7  }
0x10: {  	[smem:$0x3F9F] =	sst s8  }
0x11: {  	[smem:$0x3FA0] =	sst s9;
	s0 =	simm.s32 @!p0 $0x0  }
0x12: {  	s1 =	sld [smem:$0x3F86];
	s0 =	simm.s32 @p0 $0x1  }
0x13: {  	[smem:$0x3FA1] =	sst s0;
	s0 =	simm.s32 @!p1 $0x0  }
0x14: {  	s2 =	sld [smem:$0x3F85];
	s0 =	simm.s32 @p1 $0x1  }
0x15: {  	[smem:$0x3FA2] =	sst s0;
	s0 =	simm.s32 @!p2 $0x0  }
0x16: {  	s3 =	sld [smem:$0x3FDB];
	s0 =	simm.s32 @p2 $0x1  }
0x17: {  	s4 =	simm.s32 $0x1BF5;
	[smem:$0x3FA4] =	sst s0  }
0x18: {  	s0 =	sld [smem:$0x3F87];
	_ =	swait.ge [sflag:s4], $0x0  }
0x19: {  	s7 =	sld [smem:$0x3F88]  }
0x1a: {  	s8 =	sadd.s32 $0xFFFFE003, lr  }
0x1b: {  	s9 =	sadd.s32 $0xFFFFFEF7, lr;
	s5 =	simm.s32 $0xFFFFFFFF;
	p2 =	slt.u32 s8, $0xFFFFF086  }
0x1c: {  	p1 =	slt.u32 s9, $0xF7A;
	s5 =	simm.s32 @!p2 $0x0  }
0x1d: {  	s5 =	simm.s32 @p1 $0x1;
	p0 =	seq.s32 s7, s2  }
0x1e: {  	s7 =	smul.u32 @!p0 $0xF7A, s2;
	p2 =	seq.s32 @!p0 s5, $0x0  }
0x1f: {  	s9 =	smul.u32 $0xF7A, s1;
	s8 =	simm.s32 @!p0 $0x1BF5;
	p2 =	por !p2, p0  }
0x20: {  	[sflag:s8] =	ssyncset.s32 @!p0 $0xFFFFF086;
	s6 =	sadd.s32 @!p0 s3, s7;
	s7 =	simm.s32 @!p0 $0x108  }
0x21: {  	s3 =	sadd.s32 s3, s9;
	s6 =	sadd.s32 @!p0 $0x88, s6;
	s7 =	simm.s32 @p2 $0x1082  }
0x22: {  	[simem:s7], [sflag:s8] =	dma.local @!p0 [hbm:s6], $0xF7A  }
0x23: {  	s9 =	sor.u32 $0xD0000000, s2;
	s6 =	simm.s32 $0x108;
	_ =	swait.ge @!p0 [sflag:s8], $0x0  }
0x24: {  	s3 =	sadd.s32 $0x88, s3;
	s6 =	simm.s32 @!p1 $0x1082;
	[sflag:s4] =	ssyncset.s32 $0xFFFFF086  }
0x25: {  	[simem:s6], [sflag:s4] =	dma.local [hbm:s3], $0xF7A  }
0x26: {  	[smem:$0x3F88] =	sst s1;
	(tag) =	ssettag s2;
	_ =	strace s9  }
0x27: {  	s1 =	sld [smem:$0x3F98]  }
0x28: {  	s2 =	sld [smem:$0x3F99]  }
0x29: {  	s4 =	sld [smem:$0x3F9B]  }
0x2a: {  	p0 =	seq.s32 s5, $0x0;
	s5 =	sld [smem:$0x3F9C]  }
0x2b: {  	s6 =	sld [smem:$0x3F9D]  }
0x2c: {  	s7 =	sld [smem:$0x3F9E]  }
0x2d: {  	s3 =	simm.s32 $0x108;
	s8 =	sld [smem:$0x3F9F]  }
0x2e: {  	s3 =	simm.s32 @!p0 $0x1082;
	s9 =	sld [smem:$0x3FA0]  }
0x2f: {  	lr =	sadd.s32 s0, s3;
	s0 =	sld [smem:$0x3F97]  }
0x30: {  	s3 =	sld [smem:$0x3F9A]  }
0x31: {  	[smem:$0x3FA3] =	sst s10  }
0x32: {  	s10 =	sld [smem:$0x3FA1];
	_ =	sdelay $0x3  }
0x33: {  	p0 =	seq.s32 s10, $0x1;
	s10 =	sld [smem:$0x3FA3];
	_ =	sdelay $0x3  }
0x34: {  	[smem:$0x3FA3] =	sst s10  }
0x35: {  	s10 =	sld [smem:$0x3FA2];
	_ =	sdelay $0x3  }
0x36: {  	p1 =	seq.s32 s10, $0x1;
	s10 =	sld [smem:$0x3FA3];
	_ =	sdelay $0x3  }
0x37: {  	[smem:$0x3FA3] =	sst s10  }
0x38: {  	s10 =	sld [smem:$0x3FA4]  }
0x39: {  	_ = 	snop;
	(pc) =	sbr.ind lr, $3  }
0x3a: {  	_ = 	snop  }
0x3b: {  	_ = 	snop  }
0x3c: {  	p2 =	seq.s32 s10, $0x1;
	s10 =	sld [smem:$0x3FA3]  }
0x3d: {  	_ =	shalt  }
0x3e: {  	_ =	shalt  }
0x3f: {  	_ =	shalt  }
0x40: {  	_ =	shalt  }
0x41: {  	_ =	shalt  }
0x42: {  	_ =	shalt  }
0x43: {  	_ =	shalt  }
0x44: {  	_ =	shalt  }
0x45: {  	_ =	shalt  }
0x46: {  	_ =	shalt  }
0x47: {  	_ =	shalt  }
0x48: {  	_ =	shalt  }
0x49: {  	_ =	shalt  }
0x4a: {  	_ =	shalt  }
0x4b: {  	_ =	shalt  }
0x4c: {  	_ =	shalt  }
0x4d: {  	_ =	shalt  }
0x4e: {  	_ =	shalt  }
0x4f: {  	_ =	shalt  }
0x50: {  	_ =	shalt  }
0x51: {  	_ =	shalt  }
0x52: {  	_ =	shalt  }
0x53: {  	_ =	shalt  }
0x54: {  	_ =	shalt  }
0x55: {  	_ =	shalt  }
0x56: {  	_ =	shalt  }
0x57: {  	_ =	shalt  }
0x58: {  	_ =	shalt  }
0x59: {  	_ =	shalt  }
0x5a: {  	_ =	shalt  }
0x5b: {  	_ =	shalt  }
0x5c: {  	_ =	shalt  }
0x5d: {  	_ =	shalt  }
0x5e: {  	_ =	shalt  }
0x5f: {  	_ =	shalt  }
0x60: {  	_ =	shalt  }
0x61: {  	_ =	shalt  }
0x62: {  	_ =	shalt  }
0x63: {  	_ =	shalt  }
0x64: {  	_ =	shalt  }
0x65: {  	_ =	shalt  }
0x66: {  	_ =	shalt  }
0x67: {  	_ =	shalt  }
0x68: {  	_ =	shalt  }
0x69: {  	_ =	shalt  }
0x6a: {  	_ =	shalt  }
0x6b: {  	_ =	shalt  }
0x6c: {  	_ =	shalt  }
0x6d: {  	_ =	shalt  }
0x6e: {  	_ =	shalt  }
0x6f: {  	_ =	shalt  }
0x70: {  	_ =	shalt  }
0x71: {  	_ =	shalt  }
0x72: {  	_ =	shalt  }
0x73: {  	_ =	shalt  }
0x74: {  	_ =	shalt  }
0x75: {  	_ =	shalt  }
0x76: {  	_ =	shalt  }
0x77: {  	_ =	shalt  }
0x78: {  	_ =	shalt  }
0x79: {  	_ =	shalt  }
0x7a: {  	_ =	shalt  }
0x7b: {  	_ =	shalt  }
0x7c: {  	_ =	shalt  }
0x7d: {  	_ =	shalt  }
0x7e: {  	_ =	shalt  }
0x7f: {  	_ =	shalt  }
0x80: {  	_ =	shalt  }
0x81: {  	_ =	shalt  }
0x82: {  	_ =	shalt  }
0x83: {  	_ =	shalt  }
0x84: {  	_ =	shalt  }
0x85: {  	_ =	shalt  }
0x86: {  	_ =	shalt  }
0x87: {  	_ =	shalt  }
.Lfunc_end0:
.L_simem_size_0:
called_computation_lowered:
.L_overlay_start_0:
0x88: {  	s2 =	sld [smem:$0x3FD9]  }
0x89: {  	s3 =	sld [smem:$0x3FFE];
	_ =	sdelay $0x1  }
0x8a: {  	s1 =	srdreg.scid  }
0x8b: {  	s0 =	sand.u32 $0x1, s1  }
0x8c: {  	s16 =	sshll.u32 s0, $0xA;
	s2 =	sadd.s32 s3, s2  }
0x8d: {  	s2 =	sadd.s32 s2, s16  }
0x8e: {  	[smem:$0x3FAF] =	sst s2  }
0x8f: {  	_ = 	snop  }
0x90: {  	(tm) =	ssettm $0x1  }
0x91: {  	s17 =	sld [smem:$0x3FFB];
	_ =	sdelay $0x3  }
0x92: {  	_ =	strace s17  }
0x93: {  	s2 =	sld [smem:$0x3FFC];
	_ =	sdelay $0x3  }
0x94: {  	_ =	strace s2  }
0x95: {  	s2 =	sld [smem:$0x3FFD];
	_ =	sdelay $0x3  }
0x96: {  	_ =	strace s2  }
0x97: {  	_ =	strace $0x8FFFFFFF  }
0x98: {  	s18 =	sld [smem:$0x3FDB];
	_ =	sdelay $0x1  }
0x99: {  	s19 =	simm.s32 $_scs_section_size  }
0x9a: {  	s4 =	simm.s32 $_size__tile_overlayer_lowered;
	s5 =	simm.s32 $_tile_overlayer_lowered  }
0x9b: {  	s22 =	simm.s32 $0x1BFF;
	s21 =	sshll.u32 s5, $0x1;
	s2 =	sadd.s32 s19, s18  }
0x9c: {  	s6 =	simm.s32 $0x0;
	s20 =	sshll.u32 s4, $0x1;
	s4 =	sadd.s32 s21, s2  }
0x9d: {  	[timem:s6], [sflag:s22] =	dma.local [hbm:s4], s20  }
0x9e: {  	_ =	swait.ge [sflag:s22], s20  }
0x9f: {  	s3 =	ssub.s32 $0x0, s20;
	[sflag:s22] =	ssyncset.done $0x0  }
0xa0: {  	[sflag:s22] =	ssyncadd.s32 s3;
	_ =	sdelay $0x1  }
0xa1: {  	s23 =	simm.s32 $0x1B8B  }
0xa2: {  	_ =	swait.ge [sflag:s23], $0x1  }
0xa3: {  	[sflag:s23] =	ssyncset.done $0x0  }
0xa4: {  	s25 =	simm.s32 $0x1B8E;
	s24 =	sld [smem:$0x3FFE];
	[sflag:s23] =	ssyncadd.s32 $0xFFFFFFFF  }
0xa5: {  	s26 =	simm.s32 $execute0_lowered;
	[smem:$0x3FD2] =	sst s25  }
0xa6: {  	s4 =	sshll.u32 s26, $0x1;
	_ =	strace $0x80000046;
	[dreg:$0x1] =	wrdreg $0xFFFFFFFF  }
0xa7: {  	s28 =	simm.s32 $_size_execute0_lowered;
	s2 =	sadd.s32 s2, s4;
	[dreg:$0x0] =	wrdreg $0x0  }
0xa8: {  	s4 =	sshll.u32 s28, $0x1;
	[dreg:$0x2] =	wrdreg s2  }
0xa9: {  	[dreg:$0x3] =	wrdreg s4  }
0xaa: {  	[dreg:$0x4] =	wrdreg $0xC0  }
0xab: {  	_ =	task [dreg:s6], $0x5FFFF  }
0xac: {  	[dreg:$0x1] =	wrdreg $0xFFFFFFFF  }
0xad: {  	[dreg:$0x0] =	wrdreg $0x60  }
0xae: {  	[dreg:$0x2] =	wrdreg s24  }
0xaf: {  	[dreg:$0x3] =	wrdreg $0xAE000  }
0xb0: {  	[dreg:$0x4] =	wrdreg $0x9  }
0xb1: {  	_ =	task.clear_ibuf [dreg:s6], $0x5FFFF;
	_ =	strace $0x90000046  }
0xb2: {  	s29 =	simm.s32 $0x9;
	_ =	strace $0x80000048  }
0xb3: {  	_ =	swait.ge [sflag:s29], $0x1  }
0xb4: {  	[sflag:s29] =	ssyncadd.s32 $0xFFFFFFFF  }
0xb5: {  	_ =	strace $0x90000048  }
0xb6: {  	_ =	sfence  }
0xb7: {  	s30 =	sld [smem:$0x0];
	_ =	sdelay $0x2  }
0xb8: {  	s31 =	sshll.u32 s1, $0xD;
	s1 =	sshrl.u32 s1, $0x2  }
0xb9: {  	s3 =	sand.u32 $0x4000, s31;
	s1 =	sadd.s32 s1, s30  }
0xba: {  	s0 =	sor.u32 s3, s0;
	s1 =	sshll.u32 s1, $0x11  }
0xbb: {  	s0 =	sor.u32 s1, s0  }
0xbc: {  	s0 =	sadd.s32 $0x8F2B, s0  }
0xbd: {  	[sflag:s0] =	ssyncadd.remote.s32 $0x1  }
0xbe: {  	_ =	sfence.sel $0xFFFF  }
0xbf: {  	[dreg:$0x0] =	wrdreg $0xFFFFFFFF;
	(pc) =	sbr.abs _section_cstart, $3  }
0xc0: {  	[dreg:$0x1] =	wrdreg $0xFFFFFFFF  }
0xc1: {  	_ =	task.clear_ibuf [dreg:s6], $0x2FFFF;
	_ =	strace $0x9FFFFFFF  }
0xc2: {  	(tm) =	ssettm $0x7FFFFFFF  }
0xc3: {  	_ =	shalt  }
tec
execute0_lowered:
.L_overlay_start_1:
0x0: {  	(tag) =	ssettag $0x1  }
0x1: {  	s0 =	rddreg [dreg:$0x0];
	s1 =	srdreg.scid  }
0x2: {  	s10 =	stileid.u32;
	s2 =	rddreg [dreg:$0x1];
	s3 =	simm.s32 $0x0  }
0x3: {  	s11 =	simm.s32 $0x1;
	s12 =	simm.s32 $0x70;
	s13 =	simm.s32 $0x600  }
0x4: {  	s14 =	simm.s32 $0x100;
	s15 =	simm.s32 $0x3E00;
	s16 =	simm.s32 $0x200  }
0x5: {  	s17 =	simm.s32 $0x7600;
	s19 =	simm.s32 $0x300;
	s21 =	simm.s32 $0x3  }
0x6: {  	s22 =	simm.s32 $0x80;
	s28 =	simm.s32 $0x280;
	s29 =	simm.s32 $0x6  }
0x7: {  	s30 =	simm.s32 $0x7;
	s31 =	simm.s32 $0x8;
	s1 =	sand.u32 $0x1, s1  }
0x8: {  	s4 =	sshll.u32 s10, $0x1;
	[smem:$0x7FF] =	sst s3;
	s7 =	smul.u32 $0x50000, s10  }
0x9: {  	s9 =	smul.u32 $0x2800, s10;
	s25 =	sshll.u32 s10, $0x6;
	s4 =	sor.u32 s1, s4  }
0xa: {  	_ =	strace $0x80000047;
	s6 =	smul.u32 $0x28000, s1;
	s1 =	ssub.s32 $0x2, s1  }
0xb: {  	[dreg:$0x4] =	wrdreg s25;
	s5 =	smul.u32 $0xB40, s4;
	s4 =	sadd.s32 $0x1B800, s0  }
0xc: {  	s8 =	sshrl.u32 s1, $0x1;
	s23 =	sshrl.u32 s7, $0x2;
	s7 =	sor.u32 $0x1C09, s25  }
0xd: {  	s25 =	simm.s32 $0x180;
	s1 =	ssub.s32 s1, s8;
	s24 =	sadd.s32 s4, s9  }
0xe: {  	[dreg:$0x5] =	wrdreg s7;
	s7 =	simm.s32 $0x380;
	s5 =	sadd.s32 s5, s0  }
0xf: {  	s0 =	sadd.s32 s6, s0;
	s6 =	sadd.s32 s23, s2;
	[dreg:$0x3] =	wrdreg s24  }
0x10: {  	s1 =	smax.u32 s1, $0x1;
	s23 =	simm.s32 $0x4;
	s24 =	simm.s32 $0x0  }
0x11: {  	s8 =	sadd.s32 $0x5000, s5;
	s0 =	sadd.s32 $0x43800, s0;
	[dreg:$0x6] =	wrdreg s1  }
0x12: {  	s20 =	sshrl.u32 s6, $0x3;
	s1 =	simm.s32 $0x2;
	s5 =	simm.s32 $0x500  }
0x13: {  	s6 =	simm.s32 $0x580;
	s26 =	sadd.s32 $0x60, s8;
	[dreg:$0x7] =	wrdreg s20  }
0x14: {  	s0 =	sadd.s32 s9, s0;
	s9 =	simm.s32 $0x480;
	[dreg:$0x8] =	wrdreg s26  }
0x15: {  	[dreg:$0x9] =	wrdreg s0;
	s26 =	simm.s32 $0x5;
	s0 =	simm.s32 $0x400  }
.LBB2_1:
0x16: {  	s10 =	rddreg [dreg:$0x3]  }
0x17: {  	s18 =	rddreg [dreg:$0x5]  }
0x18: {  	[spmem:s20], [sflag:s18] =	dma.local [hbm:s10], $0x2800  }
0x19: {  	[tilespmem:s3], [sflag:$0x1] =	stream.linear.gather [hbm4b:s8+s3], $0x300, $0x38;
	[tilespmem:$0x1EE00] =	vst v63  }
0x1a: {  	_ =	swait.ge [sflag:s11], $0x300  }
0x1b: {  	[sflag:s11] =	ssyncset.done $0x0  }
0x1c: {  	[sflag:s11] =	ssyncadd.s32 $0xFFFFFD00  }
0x1d: {  	[tilespmem:s13], [sflag:$0x3] =	stream.indirect.gather [hbm4b:s4+s12], $0x80, s3, s12, $0xb8;
	[tilespmem:$0x1EE00] =	vst v63  }
0x1e: {  	_ = 	snop  }
0x1f: {  	[tilespmem:s15], [sflag:$0x4] =	stream.indirect.gather [hbm4b:s4+s12], $0x80, s14, s12, $0xb8;
	[tilespmem:$0x1EE00] =	vst v63  }
0x20: {  	_ = 	snop  }
0x21: {  	[tilespmem:s17], [sflag:$0x5] =	stream.indirect.gather [hbm4b:s4+s12], $0x80, s16, s12, $0xb8;
	[tilespmem:$0x1EE00] =	vst v63  }
0x22: {  	s20 =	simm.s32 $0x9;
	s18 =	rddreg [dreg:$0x8]  }
0x23: {  	[tilespmem:s19], [sflag:$0x2] =	stream.linear.gather [hbm4b:s18+s3], $0x300, $0x38;
	[tilespmem:$0x1EE00] =	vst v63  }
0x24: {  	_ =	swait.ge [sflag:s20], $0x2800  }
0x25: {  	[sflag:s20] =	ssyncset.done $0x0  }
0x26: {  	[sflag:s20] =	ssyncadd.s32 $0xFFFFD800  }
0x27: {  	[bflag:$0x0] =	sbarrier.arrive $0xFFFF  }
0x28: {  	_ =	swait.ge [sflag:s21], $0x3800  }
0x29: {  	[sflag:s21] =	ssyncset.done $0x0  }
0x2a: {  	[sflag:s21] =	ssyncadd.s32 $0xFFFFC800  }
0x2b: {  	[spmem:s2] =	stream.indirect.scatter.add.f32 [tilespmem:s13], [sflag:$0x6], $0x80, s22, s12, $0xb8;
	[tilespmem:$0x1EE00] =	vst v63  }
0x2c: {  	_ =	swait.ge [sflag:s23], $0x3800  }
0x2d: {  	[sflag:s23] =	ssyncset.done $0x0  }
0x2e: {  	[sflag:s23] =	ssyncadd.s32 $0xFFFFC800  }
0x2f: {  	[spmem:s2] =	stream.indirect.scatter.add.f32 [tilespmem:s15], [sflag:$0x7], $0x80, s25, s12, $0xb8;
	[tilespmem:$0x1EE00] =	vst v63  }
0x30: {  	_ =	swait.ge [sflag:s26], $0x3800  }
0x31: {  	[sflag:s26] =	ssyncset.done $0x0  }
0x32: {  	[sflag:s26] =	ssyncadd.s32 $0xFFFFC800  }
0x33: {  	[spmem:s2] =	stream.indirect.scatter.add.f32 [tilespmem:s17], [sflag:$0x8], $0x80, s28, s12, $0xb8;
	[tilespmem:$0x1EE00] =	vst v63  }
0x34: {  	_ =	swait.ge [sflag:s29], $0x3800  }
0x35: {  	[sflag:s29] =	ssyncset.done $0x0  }
0x36: {  	[sflag:s29] =	ssyncadd.s32 $0xFFFFC800  }
0x37: {  	_ =	swait.ge [sflag:s30], $0x3800  }
0x38: {  	[sflag:s30] =	ssyncset.done $0x0  }
0x39: {  	[sflag:s30] =	ssyncadd.s32 $0xFFFFC800  }
0x3a: {  	_ =	swait.ge [sflag:s31], $0x3800  }
0x3b: {  	s20 =	sadd.s32 $0xFFFFF580, s8;
	[sflag:s31] =	ssyncset.done $0x0  }
0x3c: {  	s10 =	sadd.s32 $0xB40, s20;
	[sflag:s31] =	ssyncadd.s32 $0xFFFFC800  }
0x3d: {  	[tilespmem:s3], [sflag:$0x1] =	stream.linear.gather [hbm4b:s10+s3], $0x300, $0x38;
	[tilespmem:$0x1EE00] =	vst v63  }
0x3e: {  	_ =	swait.ge [sflag:s1], $0x300  }
0x3f: {  	[sflag:s1] =	ssyncset.done $0x0  }
0x40: {  	[sflag:s1] =	ssyncadd.s32 $0xFFFFFD00  }
0x41: {  	[tilespmem:s13], [sflag:$0x3] =	stream.indirect.gather [hbm4b:s4+s12], $0x80, s19, s12, $0xb8;
	[tilespmem:$0x1EE00] =	vst v63  }
0x42: {  	_ = 	snop  }
0x43: {  	[tilespmem:s15], [sflag:$0x4] =	stream.indirect.gather [hbm4b:s4+s12], $0x80, s0, s12, $0xb8;
	[tilespmem:$0x1EE00] =	vst v63  }
0x44: {  	_ = 	snop  }
0x45: {  	[tilespmem:s17], [sflag:$0x5] =	stream.indirect.gather [hbm4b:s4+s12], $0x80, s5, s12, $0xb8;
	[tilespmem:$0x1EE00] =	vst v63  }
0x46: {  	_ =	swait.ge [sflag:s21], $0x3800  }
0x47: {  	[sflag:s21] =	ssyncset.done $0x0  }
0x48: {  	[sflag:s21] =	ssyncadd.s32 $0xFFFFC800  }
0x49: {  	[spmem:s2] =	stream.indirect.scatter.add.f32 [tilespmem:s13], [sflag:$0x6], $0x80, s7, s12, $0xb8;
	[tilespmem:$0x1EE00] =	vst v63  }
0x4a: {  	_ =	swait.ge [sflag:s23], $0x3800  }
0x4b: {  	[sflag:s23] =	ssyncset.done $0x0  }
0x4c: {  	[sflag:s23] =	ssyncadd.s32 $0xFFFFC800  }
0x4d: {  	[spmem:s2] =	stream.indirect.scatter.add.f32 [tilespmem:s15], [sflag:$0x7], $0x80, s9, s12, $0xb8;
	[tilespmem:$0x1EE00] =	vst v63  }
0x4e: {  	_ =	swait.ge [sflag:s26], $0x3800  }
0x4f: {  	[sflag:s26] =	ssyncset.done $0x0  }
0x50: {  	[sflag:s26] =	ssyncadd.s32 $0xFFFFC800  }
0x51: {  	[spmem:s2] =	stream.indirect.scatter.add.f32 [tilespmem:s17], [sflag:$0x8], $0x80, s6, s12, $0xb8;
	[tilespmem:$0x1EE00] =	vst v63  }
0x52: {  	_ =	swait.ge [sflag:s29], $0x3800  }
0x53: {  	[sflag:s29] =	ssyncset.done $0x0  }
0x54: {  	[sflag:s29] =	ssyncadd.s32 $0xFFFFC800  }
0x55: {  	_ =	swait.ge [sflag:s30], $0x3800  }
0x56: {  	[sflag:s30] =	ssyncset.done $0x0  }
0x57: {  	[sflag:s30] =	ssyncadd.s32 $0xFFFFC800  }
0x58: {  	_ =	swait.ge [sflag:s31], $0x3800  }
0x59: {  	[sflag:s31] =	ssyncset.done $0x0  }
0x5a: {  	s20 =	sadd.s32 $0xBA0, s20;
	[sflag:s31] =	ssyncadd.s32 $0xFFFFC800  }
0x5b: {  	[tilespmem:s19], [sflag:$0x2] =	stream.linear.gather [hbm4b:s20+s3], $0x300, $0x38;
	[tilespmem:$0x1EE00] =	vst v63  }
0x5c: {  	_ =	swait.ge [sflag:s11], $0x300  }
0x5d: {  	[sflag:s11] =	ssyncset.done $0x0  }
0x5e: {  	[sflag:s11] =	ssyncadd.s32 $0xFFFFFD00  }
0x5f: {  	[tilespmem:s13], [sflag:$0x3] =	stream.indirect.gather [hbm4b:s4+s12], $0x80, s3, s12, $0xb8;
	[tilespmem:$0x1EE00] =	vst v63  }
0x60: {  	s20 =	simm.s32 $0xFFFFF640  }
0x61: {  	[tilespmem:s15], [sflag:$0x4] =	stream.indirect.gather [hbm4b:s4+s12], $0x80, s14, s12, $0xb8;
	[tilespmem:$0x1EE00] =	vst v63  }
.LBB2_2:
0x62: {  	[tilespmem:s17], [sflag:$0x5] =	stream.indirect.gather [hbm4b:s4+s12], $0x80, s16, s12, $0xb8;
	[tilespmem:$0x1EE00] =	vst v63  }
0x63: {  	s18 =	smov.u32 s20  }
0x64: {  	p0 =	sne.s32 s20, $0xFFFFFF40;
	s20 =	sadd.s32 $0xC0, s20;
	_ =	swait.ge [sflag:s21], $0x3800  }
0x65: {  	[sflag:s21] =	ssyncset.done $0x0  }
0x66: {  	[sflag:s21] =	ssyncadd.s32 $0xFFFFC800  }
0x67: {  	[spmem:s2] =	stream.indirect.scatter.add.f32 [tilespmem:s13], [sflag:$0x6], $0x80, s22, s12, $0xb8;
	[tilespmem:$0x1EE00] =	vst v63  }
0x68: {  	_ =	swait.ge [sflag:s23], $0x3800  }
0x69: {  	[sflag:s23] =	ssyncset.done $0x0  }
0x6a: {  	[sflag:s23] =	ssyncadd.s32 $0xFFFFC800  }
0x6b: {  	[spmem:s2] =	stream.indirect.scatter.add.f32 [tilespmem:s15], [sflag:$0x7], $0x80, s25, s12, $0xb8;
	[tilespmem:$0x1EE00] =	vst v63  }
0x6c: {  	_ =	swait.ge [sflag:s26], $0x3800  }
0x6d: {  	[sflag:s26] =	ssyncset.done $0x0  }
0x6e: {  	[sflag:s26] =	ssyncadd.s32 $0xFFFFC800  }
0x6f: {  	[spmem:s2] =	stream.indirect.scatter.add.f32 [tilespmem:s17], [sflag:$0x8], $0x80, s28, s12, $0xb8;
	[tilespmem:$0x1EE00] =	vst v63  }
0x70: {  	_ =	swait.ge [sflag:s29], $0x3800  }
0x71: {  	[sflag:s29] =	ssyncset.done $0x0  }
0x72: {  	[sflag:s29] =	ssyncadd.s32 $0xFFFFC800  }
0x73: {  	_ =	swait.ge [sflag:s30], $0x3800  }
0x74: {  	[sflag:s30] =	ssyncset.done $0x0  }
0x75: {  	[sflag:s30] =	ssyncadd.s32 $0xFFFFC800  }
0x76: {  	_ =	swait.ge [sflag:s31], $0x3800  }
0x77: {  	s18 =	sadd.s32 s18, s8;
	[sflag:s31] =	ssyncset.done $0x0  }
0x78: {  	s10 =	sadd.s32 $0xB40, s18;
	[sflag:s31] =	ssyncadd.s32 $0xFFFFC800  }
0x79: {  	[tilespmem:s3], [sflag:$0x1] =	stream.linear.gather [hbm4b:s10+s3], $0x300, $0x38;
	[tilespmem:$0x1EE00] =	vst v63  }
0x7a: {  	_ =	swait.ge [sflag:s1], $0x300  }
0x7b: {  	[sflag:s1] =	ssyncset.done $0x0  }
0x7c: {  	[sflag:s1] =	ssyncadd.s32 $0xFFFFFD00  }
0x7d: {  	[tilespmem:s13], [sflag:$0x3] =	stream.indirect.gather [hbm4b:s4+s12], $0x80, s19, s12, $0xb8;
	[tilespmem:$0x1EE00] =	vst v63  }
0x7e: {  	_ = 	snop  }
0x7f: {  	[tilespmem:s15], [sflag:$0x4] =	stream.indirect.gather [hbm4b:s4+s12], $0x80, s0, s12, $0xb8;
	[tilespmem:$0x1EE00] =	vst v63  }
0x80: {  	_ = 	snop  }
0x81: {  	[tilespmem:s17], [sflag:$0x5] =	stream.indirect.gather [hbm4b:s4+s12], $0x80, s5, s12, $0xb8;
	[tilespmem:$0x1EE00] =	vst v63  }
0x82: {  	_ =	swait.ge [sflag:s21], $0x3800  }
0x83: {  	[sflag:s21] =	ssyncset.done $0x0  }
0x84: {  	[sflag:s21] =	ssyncadd.s32 $0xFFFFC800  }
0x85: {  	[spmem:s2] =	stream.indirect.scatter.add.f32 [tilespmem:s13], [sflag:$0x6], $0x80, s7, s12, $0xb8;
	[tilespmem:$0x1EE00] =	vst v63  }
0x86: {  	_ =	swait.ge [sflag:s23], $0x3800  }
0x87: {  	[sflag:s23] =	ssyncset.done $0x0  }
0x88: {  	[sflag:s23] =	ssyncadd.s32 $0xFFFFC800  }
0x89: {  	[spmem:s2] =	stream.indirect.scatter.add.f32 [tilespmem:s15], [sflag:$0x7], $0x80, s9, s12, $0xb8;
	[tilespmem:$0x1EE00] =	vst v63  }
0x8a: {  	_ =	swait.ge [sflag:s26], $0x3800  }
0x8b: {  	[sflag:s26] =	ssyncset.done $0x0  }
0x8c: {  	[sflag:s26] =	ssyncadd.s32 $0xFFFFC800  }
0x8d: {  	[spmem:s2] =	stream.indirect.scatter.add.f32 [tilespmem:s17], [sflag:$0x8], $0x80, s6, s12, $0xb8;
	[tilespmem:$0x1EE00] =	vst v63  }
0x8e: {  	_ =	swait.ge [sflag:s29], $0x3800  }
0x8f: {  	[sflag:s29] =	ssyncset.done $0x0  }
0x90: {  	[sflag:s29] =	ssyncadd.s32 $0xFFFFC800  }
0x91: {  	_ =	swait.ge [sflag:s30], $0x3800  }
0x92: {  	[sflag:s30] =	ssyncset.done $0x0  }
0x93: {  	[sflag:s30] =	ssyncadd.s32 $0xFFFFC800  }
0x94: {  	_ =	swait.ge [sflag:s31], $0x3800  }
0x95: {  	[sflag:s31] =	ssyncset.done $0x0  }
0x96: {  	s10 =	sadd.s32 $0xBA0, s18;
	[sflag:s31] =	ssyncadd.s32 $0xFFFFC800  }
0x97: {  	[tilespmem:s19], [sflag:$0x2] =	stream.linear.gather [hbm4b:s10+s3], $0x300, $0x38;
	[tilespmem:$0x1EE00] =	vst v63  }
0x98: {  	_ =	swait.ge [sflag:s11], $0x300  }
.Ltmp0:
0x99: {  	[sflag:s11] =	ssyncset.done $0x0;
	(pc) =	sbr.rel @p0 .LBB2_2-.Ltmp0, $4  }
0x9a: {  	[sflag:s11] =	ssyncadd.s32 $0xFFFFFD00  }
0x9b: {  	[tilespmem:s13], [sflag:$0x3] =	stream.indirect.gather [hbm4b:s4+s12], $0x80, s3, s12, $0xb8;
	[tilespmem:$0x1EE00] =	vst v63  }
0x9c: {  	_ = 	snop  }
0x9d: {  	[tilespmem:s15], [sflag:$0x4] =	stream.indirect.gather [hbm4b:s4+s12], $0x80, s14, s12, $0xb8;
	[tilespmem:$0x1EE00] =	vst v63  }
0x9e: {  	[tilespmem:s17], [sflag:$0x5] =	stream.indirect.gather [hbm4b:s4+s12], $0x80, s16, s12, $0xb8;
	[tilespmem:$0x1EE00] =	vst v63  }
0x9f: {  	_ =	swait.ge [sflag:s21], $0x3800  }
0xa0: {  	[sflag:s21] =	ssyncset.done $0x0  }
0xa1: {  	[sflag:s21] =	ssyncadd.s32 $0xFFFFC800  }
0xa2: {  	[spmem:s2] =	stream.indirect.scatter.add.f32 [tilespmem:s13], [sflag:$0x6], $0x80, s22, s12, $0xb8;
	[tilespmem:$0x1EE00] =	vst v63  }
0xa3: {  	_ =	swait.ge [sflag:s23], $0x3800  }
0xa4: {  	[sflag:s23] =	ssyncset.done $0x0  }
0xa5: {  	[sflag:s23] =	ssyncadd.s32 $0xFFFFC800  }
0xa6: {  	[spmem:s2] =	stream.indirect.scatter.add.f32 [tilespmem:s15], [sflag:$0x7], $0x80, s25, s12, $0xb8;
	[tilespmem:$0x1EE00] =	vst v63  }
0xa7: {  	_ =	swait.ge [sflag:s26], $0x3800  }
0xa8: {  	[sflag:s26] =	ssyncset.done $0x0  }
0xa9: {  	[sflag:s26] =	ssyncadd.s32 $0xFFFFC800  }
0xaa: {  	[spmem:s2] =	stream.indirect.scatter.add.f32 [tilespmem:s17], [sflag:$0x8], $0x80, s28, s12, $0xb8;
	[tilespmem:$0x1EE00] =	vst v63  }
0xab: {  	_ =	swait.ge [sflag:s29], $0x3800  }
0xac: {  	[sflag:s29] =	ssyncset.done $0x0  }
0xad: {  	[sflag:s29] =	ssyncadd.s32 $0xFFFFC800  }
0xae: {  	_ =	swait.ge [sflag:s30], $0x3800  }
0xaf: {  	[sflag:s30] =	ssyncset.done $0x0  }
0xb0: {  	[sflag:s30] =	ssyncadd.s32 $0xFFFFC800  }
0xb1: {  	_ =	swait.ge [sflag:s31], $0x3800  }
0xb2: {  	[sflag:s31] =	ssyncset.done $0x0  }
0xb3: {  	[sflag:s31] =	ssyncadd.s32 $0xFFFFC800  }
0xb4: {  	_ =	swait.ge [sflag:s1], $0x300  }
0xb5: {  	[sflag:s1] =	ssyncset.done $0x0  }
0xb6: {  	[sflag:s1] =	ssyncadd.s32 $0xFFFFFD00  }
0xb7: {  	[tilespmem:s13], [sflag:$0x3] =	stream.indirect.gather [hbm4b:s4+s12], $0x80, s19, s12, $0xb8;
	[tilespmem:$0x1EE00] =	vst v63  }
0xb8: {  	_ = 	snop  }
0xb9: {  	[tilespmem:s15], [sflag:$0x4] =	stream.indirect.gather [hbm4b:s4+s12], $0x80, s0, s12, $0xb8;
	[tilespmem:$0x1EE00] =	vst v63  }
0xba: {  	_ = 	snop  }
0xbb: {  	[tilespmem:s17], [sflag:$0x5] =	stream.indirect.gather [hbm4b:s4+s12], $0x80, s5, s12, $0xb8;
	[tilespmem:$0x1EE00] =	vst v63  }
0xbc: {  	_ =	swait.ge [sflag:s21], $0x3800  }
0xbd: {  	[sflag:s21] =	ssyncset.done $0x0  }
0xbe: {  	[sflag:s21] =	ssyncadd.s32 $0xFFFFC800  }
0xbf: {  	[spmem:s2] =	stream.indirect.scatter.add.f32 [tilespmem:s13], [sflag:$0x6], $0x80, s7, s12, $0xb8;
	[tilespmem:$0x1EE00] =	vst v63  }
0xc0: {  	_ =	swait.ge [sflag:s23], $0x3800  }
0xc1: {  	[sflag:s23] =	ssyncset.done $0x0  }
0xc2: {  	[sflag:s23] =	ssyncadd.s32 $0xFFFFC800  }
0xc3: {  	[spmem:s2] =	stream.indirect.scatter.add.f32 [tilespmem:s15], [sflag:$0x7], $0x80, s9, s12, $0xb8;
	[tilespmem:$0x1EE00] =	vst v63  }
0xc4: {  	_ =	swait.ge [sflag:s26], $0x3800  }
0xc5: {  	[sflag:s26] =	ssyncset.done $0x0  }
0xc6: {  	[sflag:s26] =	ssyncadd.s32 $0xFFFFC800  }
0xc7: {  	[spmem:s2] =	stream.indirect.scatter.add.f32 [tilespmem:s17], [sflag:$0x8], $0x80, s6, s12, $0xb8;
	[tilespmem:$0x1EE00] =	vst v63  }
0xc8: {  	_ =	swait.ge [sflag:s29], $0x3800  }
0xc9: {  	[sflag:s29] =	ssyncset.done $0x0  }
0xca: {  	[sflag:s29] =	ssyncadd.s32 $0xFFFFC800  }
0xcb: {  	_ =	swait.ge [sflag:s30], $0x3800  }
0xcc: {  	[sflag:s30] =	ssyncset.done $0x0  }
0xcd: {  	[sflag:s30] =	ssyncadd.s32 $0xFFFFC800  }
0xce: {  	_ =	swait.ge [sflag:s31], $0x3800  }
0xcf: {  	[sflag:s31] =	ssyncset.done $0x0  }
0xd0: {  	[sflag:s31] =	ssyncadd.s32 $0xFFFFC800  }
0xd1: {  	[bflag:$0x0] =	sbarrier.arrive $0xFFFF  }
0xd2: {  	s10 =	rddreg [dreg:$0x4]  }
0xd3: {  	s20 =	rddreg [dreg:$0x7]  }
0xd4: {  	s18 =	rddreg [dreg:$0x9];
	s10 =	sor.u32 $0x1C0A, s10  }
0xd5: {  	[hbm:s18], [sflag:s10] =	dma.local [spmem:s20], $0x2800  }
0xd6: {  	s18 =	simm.s32 $0xA  }
0xd7: {  	_ =	swait.ge [sflag:s18], $0x2800  }
0xd8: {  	s24 =	sadd.s32 $0x1, s24;
	s10 =	rddreg [dreg:$0x6]  }
0xd9: {  	p0 =	sne.s32 s24, s10  }
.Ltmp1:
0xda: {  	_ = 	snop;
	(pc) =	sbr.rel @p0 .LBB2_1-.Ltmp1, $3  }
0xdb: {  	_ =	sdelay $0x1  }
0xdc: {  	[sflag:s18] =	ssyncset.done $0x0  }
0xdd: {  	[sflag:s18] =	ssyncadd.s32 $0xFFFFD800  }
0xde: {  	_ =	sfence.sel $0x180000  }
0xdf: {  	[bflag:$0x0] =	sbarrier.arrive $0xFFFF  }
0xe0: {  	_ =	strace $0x90000047  }
0xe1: {  	s0 =	stileid.u32;
	[bflag:$0x2] =	sbarrier.arrive $0xFFFF  }
0xe2: {  	p0 =	sne.s32 s0, $0x0;
	s0 =	rddreg [dreg:$0x2]  }
0xe3: {  	s0 =	sadd.s32 @!p0 $0x100000, s0  }
0xe4: {  	[sflag:s0] =	ssyncadd.tile.s32 @!p0 $0x1;
	_ =	shalt  }
.Lfunc_end2:
_tile_overlayer_lowered:
.L_overlay_start_2:
0xe5: {  	(tag) =	ssettag $0x2  }
0xe6: {  	s0 =	rddreg [dreg:$0x0];
	s2 =	stileid.u32  }
0xe7: {  	s1 =	rddreg [dreg:$0x1];
	p0 =	sne.s32 s2, $0x0  }
0xe8: {  	s3 =	rddreg [dreg:$0x2];
	[bflag:$0x3] =	sbarrier.arrive $0xFFFF;
	s2 =	simm.s32 @!p0 $0x1C0A  }
0xe9: {  	[timem:s3], [sflag:s2] =	dma.local @!p0 [hbm:s0], s1  }
0xea: {  	s0 =	simm.s32 @!p0 $0xA  }
0xeb: {  	_ =	swait.ge @!p0 [sflag:s0], s1  }
0xec: {  	s1 =	ssub.s32 @!p0 $0x0, s1;
	[sflag:s0] =	ssyncset.done @!p0 $0x0  }
0xed: {  	[sflag:s0] =	ssyncadd.s32 @!p0 s1  }
0xee: {  	[bflag:$0x3] =	sbarrier.arrive $0xFFFF  }
0xef: {  	_ =	shalt  }

</sc_bundles>
